<compile_context>
chip_gen: v7x
topology: tpu7x:2x2x1
jax: 0.10.2.dev20260603
libtpu: 0.0.44.dev20260713+nightly
codegen_flags: <defaults>
</compile_context>

<pallas_src>
import functools

import jax
import jax.numpy as jnp
from jax import lax
from jax.experimental import pallas as pl
from jax.experimental.pallas import tpu as pltpu
from jax.experimental.pallas import tpu_sc as plsc

DIM_ = 32



def _binidx_body(xa_ref, idx_ref):
    xa = xa_ref[0]
    xb = jnp.transpose(xa, (1, 0))
    s = None
    for c in range(3):
        d = xa[:, c : c + 1] - xb[c : c + 1, :]
        t = d * d
        s = t if s is None else s + t
    dist = jnp.sqrt(s)
    idx = jnp.clip(jnp.ceil(dist * 1.5), 0.0, 31.0).astype(jnp.int32)
    idx_ref[0] = idx


def _bin_indices(x_t):
    b, n, _ = x_t.shape
    pad = jnp.zeros((b, n, 5), x_t.dtype)
    xa = jnp.concatenate([x_t, pad], axis=-1)
    return pl.pallas_call(
        _binidx_body,
        grid=(b,),
        in_specs=[
            pl.BlockSpec((1, n, 8), lambda i: (i, 0, 0)),
        ],
        out_specs=pl.BlockSpec((1, n, n), lambda i: (i, 0, 0)),
        out_shape=jax.ShapeDtypeStruct((b, n, n), jnp.int32),
    )(xa)



NC = 2
NS = 16
NW = NC * NS
CH = 1024
LANES = 16


def _make_expand(btot, n):
    nface = btot // n
    fpc = CH // n
    b_per_w = btot // NW
    nchunk = b_per_w // CH
    f_per_w = nface // NW
    mesh = plsc.VectorSubcoreMesh(
        core_axis_name="c", subcore_axis_name="s", num_cores=NC, num_subcores=NS
    )

    @functools.partial(
        pl.kernel,
        out_type=jax.ShapeDtypeStruct((nface, DIM_, n), jnp.float32),
        mesh=mesh,
        compiler_params=pltpu.CompilerParams(
            use_tc_tiling_on_sc=True, needs_layout_passes=False
        ),
        scratch_types=[
            pltpu.VMEM((f_per_w, n), jnp.int32),
            pltpu.VMEM((fpc, DIM_, n), jnp.float32),
            pltpu.VMEM((fpc, DIM_, n), jnp.float32),
            pltpu.SemaphoreType.DMA,
            pltpu.SemaphoreType.DMA,
        ],
    )
    def expand(idx_hbm, out_hbm, idx_v, rows_a, rows_b, wsem, isem):
        wid = lax.axis_index("s") * NC + lax.axis_index("c")
        idx_cp = pltpu.async_copy(idx_hbm.at[wid], idx_v, isem)

        zeros16 = jnp.zeros((LANES,), jnp.float32)
        ones16 = jnp.ones((LANES,), jnp.float32)
        lane = lax.iota(jnp.int32, LANES)
        gpf = n // LANES

        bufs = (rows_a, rows_b)

        def zero_window(buf):
            def zbody(i, c, buf=buf):
                f = i // (DIM_ * gpf)
                r = (i // gpf) % DIM_
                col = (i % gpf) * LANES
                buf[f, r, pl.ds(col, LANES)] = zeros16
                return c

            lax.fori_loop(0, fpc * DIM_ * gpf, zbody, 0)

        zero_window(rows_a)
        idx_cp.wait()

        fbase = pl.multiple_of(wid * f_per_w, f_per_w)
        for k in range(nchunk):
            buf = bufs[k % 2]
            if k >= 2:
                pltpu.make_async_copy(
                    buf, out_hbm.at[pl.ds(fbase, fpc)], wsem
                ).wait()
            km2 = max(k - 2, 0)

            def cbody(g, c, buf=buf, k=k, km2=km2):
                frel = g // gpf
                col = (g % gpf) * LANES
                old = idx_v[km2 * fpc + frel, pl.ds(col, LANES)]
                new = idx_v[k * fpc + frel, pl.ds(col, LANES)]
                fvec = jnp.full((LANES,), frel, jnp.int32)
                jvec = lane + col
                plsc.store_scatter(buf, [fvec, old, jvec], zeros16)
                plsc.store_scatter(buf, [fvec, new, jvec], ones16)
                return c

            lax.fori_loop(0, CH // LANES, cbody, 0)
            pltpu.async_copy(
                buf,
                out_hbm.at[pl.ds(pl.multiple_of(fbase + k * fpc, fpc), fpc)],
                wsem,
            )
            if k == 0:
                zero_window(rows_b)
        for buf in bufs:
            pltpu.make_async_copy(
                buf, out_hbm.at[pl.ds(fbase, fpc)], wsem
            ).wait()

    return expand


def kernel(x_t):
    b, n, _ = x_t.shape
    idx = _bin_indices(x_t)
    btot = b * n * n
    idx3 = idx.reshape(NW, btot // (NW * n), n)
    out = _make_expand(btot, n)(idx3)
    return jnp.transpose(out.reshape(b, n, DIM_, n), (0, 1, 3, 2))

# --- scband reference (transcript-rebuilt; emitter-appended) ---
"""Pipeline reference for scband-xt-pairwise-distances-pair-feat-44513041055870 (READ-ONLY COPY).

The authoritative reference and input builder live on the scoring server;
editing this copy changes nothing except your own understanding.
"""

import jax, jax.numpy as jnp
import numpy as np

DIM = 32
MIN_DIST = 0.0
MAX_DIST = 20.0

def setup_inputs(seed: int = 0) -> dict:
    key = jax.random.key(seed)
    x_t = jax.random.normal(key, (4, 512, 3), dtype=jnp.float32)
    return {"x_t": x_t}

def reference(x_t):
    # pairwise distances [b, n, n]
    diff = x_t[:, :, None, :] - x_t[:, None, :, :]
    pair_dists = jnp.sqrt(jnp.sum(diff * diff, axis=-1))
    # bin limits: dim-1 limits -> dim bins
    bin_limits = jnp.linspace(MIN_DIST, MAX_DIST, DIM - 1)
    # torch.bucketize(right=False) == searchsorted side='left'
    bin_indices = jnp.searchsorted(bin_limits, pair_dists, side='left')
    return jax.nn.one_hot(bin_indices, DIM, dtype=jnp.float32)

if __name__ == "__main__":
    import jax
    _d = setup_inputs()
    print(jax.jit(kernel)(*tuple(_d.values())))

</pallas_src>

<mosaic_0001>
#map = affine_map<(d0, d1) -> (0, 0, 0)>
module attributes {stable_mosaic.version = 14 : i64} {
  func.func @expand(%arg0: i32, %arg1: i32, %arg2: memref<32x64x512xi32, #tpu.memory_space<hbm>>, %arg3: memref<2048x32x512xf32, #tpu.memory_space<hbm>>, %arg4: memref<64x512xi32, #tpu.memory_space<vmem>>, %arg5: memref<2x32x512xf32, #tpu.memory_space<vmem>>, %arg6: memref<2x32x512xf32, #tpu.memory_space<vmem>>, %arg7: memref<!tpu.dma_semaphore, #tpu.memory_space<semaphore_mem>>, %arg8: memref<!tpu.dma_semaphore, #tpu.memory_space<semaphore_mem>>) attributes {dimension_semantics = [#tpu.dimension_semantics<core_parallel>, #tpu.dimension_semantics<subcore_parallel>], iteration_bounds = array<i64: 2, 16>, scalar_prefetch = 0 : i64, scratch_operands = 5 : i64, tpu.core_type = #tpu.core_type<sc_vector_subcore>, window_params = [{transform_indices = #map}, {transform_indices = #map}]} {
    %mul3A = arith.constant 2 : i32
    %mul3A_0 = arith.muli %arg1, %mul3A : i32
    %add3A = arith.addi %mul3A_0, %arg0 : i32
    %dma_start3A = arith.constant 0 : i32
    %dma_start3A_1 = arith.constant 0 : i32
    %dma_start3A_2 = tpu.memref_slice %arg2[%add3A, %dma_start3A, %dma_start3A_1] : memref<32x64x512xi32, #tpu.memory_space<hbm>> -> memref<1x64x512xi32, #tpu.memory_space<hbm>>
    %dma_start3A_3 = tpu.memref_squeeze %dma_start3A_2 : memref<1x64x512xi32, #tpu.memory_space<hbm>> -> memref<64x512xi32, #tpu.memory_space<hbm>>
    %dma_start3A_4 = arith.constant 0 : i32
    %dma_start3A_5 = arith.constant 0 : i32
    %dma_start3A_6 = tpu.memref_slice %arg2[%add3A, %dma_start3A_4, %dma_start3A_5] : memref<32x64x512xi32, #tpu.memory_space<hbm>> -> memref<1x64x512xi32, #tpu.memory_space<hbm>>
    %dma_start3A_7 = tpu.memref_squeeze %dma_start3A_6 : memref<1x64x512xi32, #tpu.memory_space<hbm>> -> memref<64x512xi32, #tpu.memory_space<hbm>>
    tpu.enqueue_dma source(%dma_start3A_7 : memref<64x512xi32, #tpu.memory_space<hbm>>) target(%arg4 : memref<64x512xi32, #tpu.memory_space<vmem>>) target_semaphore(%arg8 : memref<!tpu.dma_semaphore, #tpu.memory_space<semaphore_mem>>)
    %broadcast_in_dim3A = arith.constant 0.000000e+00 : f32
    %broadcast_in_dim3A_8 = vector.broadcast %broadcast_in_dim3A : f32 to vector<16xf32>
    %broadcast_in_dim3A_9 = arith.constant 1.000000e+00 : f32
    %broadcast_in_dim3A_10 = vector.broadcast %broadcast_in_dim3A_9 : f32 to vector<16xf32>
    %iota3A = tpu.iota {dimensions = array<i32: 0>} : vector<16xi32>
    %scan3A = arith.constant 0 : i32
    %scan3A_11 = arith.constant 0 : i32
    %scan3A_12 = arith.constant 2048 : i32
    %scan3A_13 = arith.addi %scan3A_11, %scan3A_12 : i32
    %scan3A_14 = arith.constant 1 : i32
    scf.for %scan3A_703 = %scan3A_11 to %scan3A_13 step %scan3A_14  : i32 {
      %jit3A = arith.constant 1024 : i32
      %div3A = arith.divsi %scan3A_703, %jit3A : i32
      %sign3A = arith.constant 0 : i32
      %sign3A_704 = arith.cmpi sgt, %scan3A_703, %sign3A : i32
      %sign3A_705 = arith.extui %sign3A_704 : i1 to i32
      %sign3A_706 = arith.constant 0 : i32
      %sign3A_707 = arith.cmpi slt, %scan3A_703, %sign3A_706 : i32
      %sign3A_708 = arith.extui %sign3A_707 : i1 to i32
      %sign3A_709 = arith.subi %sign3A_705, %sign3A_708 : i32
      %sign3A_710 = arith.constant 0 : i32
      %sign3A_711 = arith.cmpi sgt, %jit3A, %sign3A_710 : i32
      %sign3A_712 = arith.extui %sign3A_711 : i1 to i32
      %sign3A_713 = arith.constant 0 : i32
      %sign3A_714 = arith.cmpi slt, %jit3A, %sign3A_713 : i32
      %sign3A_715 = arith.extui %sign3A_714 : i1 to i32
      %sign3A_716 = arith.subi %sign3A_712, %sign3A_715 : i32
      %ne3A = arith.cmpi ne, %sign3A_709, %sign3A_716 : i32
      %rem3A = arith.remsi %scan3A_703, %jit3A : i32
      %ne3A_717 = arith.constant 0 : i32
      %ne3A_718 = arith.cmpi ne, %rem3A, %ne3A_717 : i32
      %and3A = arith.andi %ne3A, %ne3A_718 : i1
      %sub3A = arith.constant 1 : i32
      %sub3A_719 = arith.subi %div3A, %sub3A : i32
      %select_n3A = arith.select %and3A, %sub3A_719, %div3A : i32
      %jit3A_720 = arith.constant 32 : i32
      %div3A_721 = arith.divsi %scan3A_703, %jit3A_720 : i32
      %sign3A_722 = arith.constant 0 : i32
      %sign3A_723 = arith.cmpi sgt, %scan3A_703, %sign3A_722 : i32
      %sign3A_724 = arith.extui %sign3A_723 : i1 to i32
      %sign3A_725 = arith.constant 0 : i32
      %sign3A_726 = arith.cmpi slt, %scan3A_703, %sign3A_725 : i32
      %sign3A_727 = arith.extui %sign3A_726 : i1 to i32
      %sign3A_728 = arith.subi %sign3A_724, %sign3A_727 : i32
      %sign3A_729 = arith.constant 0 : i32
      %sign3A_730 = arith.cmpi sgt, %jit3A_720, %sign3A_729 : i32
      %sign3A_731 = arith.extui %sign3A_730 : i1 to i32
      %sign3A_732 = arith.constant 0 : i32
      %sign3A_733 = arith.cmpi slt, %jit3A_720, %sign3A_732 : i32
      %sign3A_734 = arith.extui %sign3A_733 : i1 to i32
      %sign3A_735 = arith.subi %sign3A_731, %sign3A_734 : i32
      %ne3A_736 = arith.cmpi ne, %sign3A_728, %sign3A_735 : i32
      %rem3A_737 = arith.remsi %scan3A_703, %jit3A_720 : i32
      %ne3A_738 = arith.constant 0 : i32
      %ne3A_739 = arith.cmpi ne, %rem3A_737, %ne3A_738 : i32
      %and3A_740 = arith.andi %ne3A_736, %ne3A_739 : i1
      %sub3A_741 = arith.constant 1 : i32
      %sub3A_742 = arith.subi %div3A_721, %sub3A_741 : i32
      %select_n3A_743 = arith.select %and3A_740, %sub3A_742, %div3A_721 : i32
      %jit3A_744 = arith.constant 32 : i32
      %eq3A = arith.constant 0 : i32
      %eq3A_745 = arith.cmpi eq, %jit3A_744, %eq3A : i32
      %jit3A_746 = arith.constant 1 : i32
      %select_n3A_747 = arith.select %eq3A_745, %jit3A_746, %jit3A_744 : i32
      %rem3A_748 = arith.remsi %select_n3A_743, %select_n3A_747 : i32
      %ne3A_749 = arith.constant 0 : i32
      %ne3A_750 = arith.cmpi ne, %rem3A_748, %ne3A_749 : i32
      %lt3A = arith.constant 0 : i32
      %lt3A_751 = arith.cmpi slt, %rem3A_748, %lt3A : i32
      %lt3A_752 = arith.constant 0 : i32
      %lt3A_753 = arith.cmpi slt, %select_n3A_747, %lt3A_752 : i32
      %ne3A_754 = arith.xori %lt3A_751, %lt3A_753 : i1
      %and3A_755 = arith.andi %ne3A_754, %ne3A_750 : i1
      %add3A_756 = arith.addi %rem3A_748, %select_n3A_747 : i32
      %select_n3A_757 = arith.select %and3A_755, %add3A_756, %rem3A_748 : i32
      %jit3A_758 = arith.constant 32 : i32
      %eq3A_759 = arith.constant 0 : i32
      %eq3A_760 = arith.cmpi eq, %jit3A_758, %eq3A_759 : i32
      %jit3A_761 = arith.constant 1 : i32
      %select_n3A_762 = arith.select %eq3A_760, %jit3A_761, %jit3A_758 : i32
      %rem3A_763 = arith.remsi %scan3A_703, %select_n3A_762 : i32
      %ne3A_764 = arith.constant 0 : i32
      %ne3A_765 = arith.cmpi ne, %rem3A_763, %ne3A_764 : i32
      %lt3A_766 = arith.constant 0 : i32
      %lt3A_767 = arith.cmpi slt, %rem3A_763, %lt3A_766 : i32
      %lt3A_768 = arith.constant 0 : i32
      %lt3A_769 = arith.cmpi slt, %select_n3A_762, %lt3A_768 : i32
      %ne3A_770 = arith.xori %lt3A_767, %lt3A_769 : i1
      %and3A_771 = arith.andi %ne3A_770, %ne3A_765 : i1
      %add3A_772 = arith.addi %rem3A_763, %select_n3A_762 : i32
      %select_n3A_773 = arith.select %and3A_771, %add3A_772, %rem3A_763 : i32
      %mul3A_774 = arith.constant 16 : i32
      %mul3A_775 = arith.muli %select_n3A_773, %mul3A_774 : i32
      %swap3A = arith.index_cast %select_n3A : i32 to index
      %swap3A_776 = arith.index_cast %select_n3A_757 : i32 to index
      %swap3A_777 = arith.index_cast %mul3A_775 : i32 to index
      %swap3A_778 = tpu.vector_load %arg5[%swap3A, %swap3A_776, %swap3A_777] {strides = array<i32>} : memref<2x32x512xf32, #tpu.memory_space<vmem>>, vector<16xf32>,
      tpu.vector_store %arg5[%swap3A, %swap3A_776, %swap3A_777], %broadcast_in_dim3A_8 {strides = array<i32>} : memref<2x32x512xf32, #tpu.memory_space<vmem>>, vector<16xf32>,
    }
    %scan3A_15 = arith.constant 2048 : i32
    %dma_wait3A = arith.constant 0 : i32
    %dma_wait3A_16 = arith.constant 0 : i32
    %dma_wait3A_17 = tpu.memref_slice %arg2[%add3A, %dma_wait3A, %dma_wait3A_16] : memref<32x64x512xi32, #tpu.memory_space<hbm>> -> memref<1x64x512xi32, #tpu.memory_space<hbm>>
    %dma_wait3A_18 = tpu.memref_squeeze %dma_wait3A_17 : memref<1x64x512xi32, #tpu.memory_space<hbm>> -> memref<64x512xi32, #tpu.memory_space<hbm>>
    %dma_wait3A_19 = arith.constant 0 : i32
    %dma_wait3A_20 = arith.constant 0 : i32
    %dma_wait3A_21 = tpu.memref_slice %arg2[%add3A, %dma_wait3A_19, %dma_wait3A_20] : memref<32x64x512xi32, #tpu.memory_space<hbm>> -> memref<1x64x512xi32, #tpu.memory_space<hbm>>
    %dma_wait3A_22 = tpu.memref_squeeze %dma_wait3A_21 : memref<1x64x512xi32, #tpu.memory_space<hbm>> -> memref<64x512xi32, #tpu.memory_space<hbm>>
    tpu.wait_dma2 semaphore(%arg8 : memref<!tpu.dma_semaphore, #tpu.memory_space<semaphore_mem>>) src(%dma_wait3A_22 : memref<64x512xi32, #tpu.memory_space<hbm>>) dst(%arg4 : memref<64x512xi32, #tpu.memory_space<vmem>>)
    %mul3A_23 = arith.constant 64 : i32
    %mul3A_24 = arith.muli %add3A, %mul3A_23 : i32
    %multiple_of3A = tpu.assume_multiple %mul3A_24, 64 : i32
    %scan3A_25 = arith.constant 0 : i32
    %scan3A_26 = arith.constant 0 : i32
    %scan3A_27 = arith.constant 64 : i32
    %scan3A_28 = arith.addi %scan3A_26, %scan3A_27 : i32
    %scan3A_29 = arith.constant 1 : i32
    scf.for %scan3A_703 = %scan3A_26 to %scan3A_28 step %scan3A_29  : i32 {
      %jit3A = arith.constant 32 : i32
      %div3A = arith.divsi %scan3A_703, %jit3A : i32
      %sign3A = arith.constant 0 : i32
      %sign3A_704 = arith.cmpi sgt, %scan3A_703, %sign3A : i32
      %sign3A_705 = arith.extui %sign3A_704 : i1 to i32
      %sign3A_706 = arith.constant 0 : i32
      %sign3A_707 = arith.cmpi slt, %scan3A_703, %sign3A_706 : i32
      %sign3A_708 = arith.extui %sign3A_707 : i1 to i32
      %sign3A_709 = arith.subi %sign3A_705, %sign3A_708 : i32
      %sign3A_710 = arith.constant 0 : i32
      %sign3A_711 = arith.cmpi sgt, %jit3A, %sign3A_710 : i32
      %sign3A_712 = arith.extui %sign3A_711 : i1 to i32
      %sign3A_713 = arith.constant 0 : i32
      %sign3A_714 = arith.cmpi slt, %jit3A, %sign3A_713 : i32
      %sign3A_715 = arith.extui %sign3A_714 : i1 to i32
      %sign3A_716 = arith.subi %sign3A_712, %sign3A_715 : i32
      %ne3A = arith.cmpi ne, %sign3A_709, %sign3A_716 : i32
      %rem3A = arith.remsi %scan3A_703, %jit3A : i32
      %ne3A_717 = arith.constant 0 : i32
      %ne3A_718 = arith.cmpi ne, %rem3A, %ne3A_717 : i32
      %and3A = arith.andi %ne3A, %ne3A_718 : i1
      %sub3A = arith.constant 1 : i32
      %sub3A_719 = arith.subi %div3A, %sub3A : i32
      %select_n3A = arith.select %and3A, %sub3A_719, %div3A : i32
      %jit3A_720 = arith.constant 32 : i32
      %eq3A = arith.constant 0 : i32
      %eq3A_721 = arith.cmpi eq, %jit3A_720, %eq3A : i32
      %jit3A_722 = arith.constant 1 : i32
      %select_n3A_723 = arith.select %eq3A_721, %jit3A_722, %jit3A_720 : i32
      %rem3A_724 = arith.remsi %scan3A_703, %select_n3A_723 : i32
      %ne3A_725 = arith.constant 0 : i32
      %ne3A_726 = arith.cmpi ne, %rem3A_724, %ne3A_725 : i32
      %lt3A = arith.constant 0 : i32
      %lt3A_727 = arith.cmpi slt, %rem3A_724, %lt3A : i32
      %lt3A_728 = arith.constant 0 : i32
      %lt3A_729 = arith.cmpi slt, %select_n3A_723, %lt3A_728 : i32
      %ne3A_730 = arith.xori %lt3A_727, %lt3A_729 : i1
      %and3A_731 = arith.andi %ne3A_730, %ne3A_726 : i1
      %add3A_732 = arith.addi %rem3A_724, %select_n3A_723 : i32
      %select_n3A_733 = arith.select %and3A_731, %add3A_732, %rem3A_724 : i32
      %mul3A_734 = arith.constant 16 : i32
      %mul3A_735 = arith.muli %select_n3A_733, %mul3A_734 : i32
      %add3A_736 = arith.constant 0 : i32
      %add3A_737 = arith.addi %add3A_736, %select_n3A : i32
      %get3A = arith.index_cast %add3A_737 : i32 to index
      %get3A_738 = arith.index_cast %mul3A_735 : i32 to index
      %get3A_739 = tpu.vector_load %arg4[%get3A, %get3A_738] {strides = array<i32>} : memref<64x512xi32, #tpu.memory_space<vmem>>, vector<16xi32>,
      %add3A_740 = arith.constant 0 : i32
      %add3A_741 = arith.addi %add3A_740, %select_n3A : i32
      %get3A_742 = arith.index_cast %add3A_741 : i32 to index
      %get3A_743 = arith.index_cast %mul3A_735 : i32 to index
      %get3A_744 = tpu.vector_load %arg4[%get3A_742, %get3A_743] {strides = array<i32>} : memref<64x512xi32, #tpu.memory_space<vmem>>, vector<16xi32>,
      %broadcast_in_dim3A_745 = vector.broadcast %select_n3A : i32 to vector<16xi32>
      %add3A_746 = vector.broadcast %mul3A_735 : i32 to vector<16xi32>
      %add3A_747 = arith.addi %iota3A, %add3A_746 : vector<16xi32>
      tpu.vector_store_idx %arg5[%broadcast_in_dim3A_745, %get3A_739, %add3A_747], %broadcast_in_dim3A_8 : memref<2x32x512xf32, #tpu.memory_space<vmem>>[vector<16xi32>, vector<16xi32>, vector<16xi32>], vector<16xf32>,
      tpu.vector_store_idx %arg5[%broadcast_in_dim3A_745, %get3A_744, %add3A_747], %broadcast_in_dim3A_10 : memref<2x32x512xf32, #tpu.memory_space<vmem>>[vector<16xi32>, vector<16xi32>, vector<16xi32>], vector<16xf32>,
    }
    %scan3A_30 = arith.constant 64 : i32
    %add3A_31 = arith.constant 0 : i32
    %add3A_32 = arith.addi %multiple_of3A, %add3A_31 : i32
    %multiple_of3A_33 = tpu.assume_multiple %add3A_32, 2 : i32
    %dma_start3A_34 = arith.constant 0 : i32
    %dma_start3A_35 = arith.constant 0 : i32
    %dma_start3A_36 = tpu.memref_slice %arg3[%multiple_of3A_33, %dma_start3A_34, %dma_start3A_35] : memref<2048x32x512xf32, #tpu.memory_space<hbm>> -> memref<2x32x512xf32, #tpu.memory_space<hbm>>
    %dma_start3A_37 = arith.constant 0 : i32
    %dma_start3A_38 = arith.constant 0 : i32
    %dma_start3A_39 = tpu.memref_slice %arg3[%multiple_of3A_33, %dma_start3A_37, %dma_start3A_38] : memref<2048x32x512xf32, #tpu.memory_space<hbm>> -> memref<2x32x512xf32, #tpu.memory_space<hbm>>
    tpu.enqueue_dma source(%arg5 : memref<2x32x512xf32, #tpu.memory_space<vmem>>) target(%dma_start3A_39 : memref<2x32x512xf32, #tpu.memory_space<hbm>>) target_semaphore(%arg7 : memref<!tpu.dma_semaphore, #tpu.memory_space<semaphore_mem>>)
    %scan3A_40 = arith.constant 0 : i32
    %scan3A_41 = arith.constant 0 : i32
    %scan3A_42 = arith.constant 2048 : i32
    %scan3A_43 = arith.addi %scan3A_41, %scan3A_42 : i32
    %scan3A_44 = arith.constant 1 : i32
    scf.for %scan3A_703 = %scan3A_41 to %scan3A_43 step %scan3A_44  : i32 {
      %jit3A = arith.constant 1024 : i32
      %div3A = arith.divsi %scan3A_703, %jit3A : i32
      %sign3A = arith.constant 0 : i32
      %sign3A_704 = arith.cmpi sgt, %scan3A_703, %sign3A : i32
      %sign3A_705 = arith.extui %sign3A_704 : i1 to i32
      %sign3A_706 = arith.constant 0 : i32
      %sign3A_707 = arith.cmpi slt, %scan3A_703, %sign3A_706 : i32
      %sign3A_708 = arith.extui %sign3A_707 : i1 to i32
      %sign3A_709 = arith.subi %sign3A_705, %sign3A_708 : i32
      %sign3A_710 = arith.constant 0 : i32
      %sign3A_711 = arith.cmpi sgt, %jit3A, %sign3A_710 : i32
      %sign3A_712 = arith.extui %sign3A_711 : i1 to i32
      %sign3A_713 = arith.constant 0 : i32
      %sign3A_714 = arith.cmpi slt, %jit3A, %sign3A_713 : i32
      %sign3A_715 = arith.extui %sign3A_714 : i1 to i32
      %sign3A_716 = arith.subi %sign3A_712, %sign3A_715 : i32
      %ne3A = arith.cmpi ne, %sign3A_709, %sign3A_716 : i32
      %rem3A = arith.remsi %scan3A_703, %jit3A : i32
      %ne3A_717 = arith.constant 0 : i32
      %ne3A_718 = arith.cmpi ne, %rem3A, %ne3A_717 : i32
      %and3A = arith.andi %ne3A, %ne3A_718 : i1
      %sub3A = arith.constant 1 : i32
      %sub3A_719 = arith.subi %div3A, %sub3A : i32
      %select_n3A = arith.select %and3A, %sub3A_719, %div3A : i32
      %jit3A_720 = arith.constant 32 : i32
      %div3A_721 = arith.divsi %scan3A_703, %jit3A_720 : i32
      %sign3A_722 = arith.constant 0 : i32
      %sign3A_723 = arith.cmpi sgt, %scan3A_703, %sign3A_722 : i32
      %sign3A_724 = arith.extui %sign3A_723 : i1 to i32
      %sign3A_725 = arith.constant 0 : i32
      %sign3A_726 = arith.cmpi slt, %scan3A_703, %sign3A_725 : i32
      %sign3A_727 = arith.extui %sign3A_726 : i1 to i32
      %sign3A_728 = arith.subi %sign3A_724, %sign3A_727 : i32
      %sign3A_729 = arith.constant 0 : i32
      %sign3A_730 = arith.cmpi sgt, %jit3A_720, %sign3A_729 : i32
      %sign3A_731 = arith.extui %sign3A_730 : i1 to i32
      %sign3A_732 = arith.constant 0 : i32
      %sign3A_733 = arith.cmpi slt, %jit3A_720, %sign3A_732 : i32
      %sign3A_734 = arith.extui %sign3A_733 : i1 to i32
      %sign3A_735 = arith.subi %sign3A_731, %sign3A_734 : i32
      %ne3A_736 = arith.cmpi ne, %sign3A_728, %sign3A_735 : i32
      %rem3A_737 = arith.remsi %scan3A_703, %jit3A_720 : i32
      %ne3A_738 = arith.constant 0 : i32
      %ne3A_739 = arith.cmpi ne, %rem3A_737, %ne3A_738 : i32
      %and3A_740 = arith.andi %ne3A_736, %ne3A_739 : i1
      %sub3A_741 = arith.constant 1 : i32
      %sub3A_742 = arith.subi %div3A_721, %sub3A_741 : i32
      %select_n3A_743 = arith.select %and3A_740, %sub3A_742, %div3A_721 : i32
      %jit3A_744 = arith.constant 32 : i32
      %eq3A = arith.constant 0 : i32
      %eq3A_745 = arith.cmpi eq, %jit3A_744, %eq3A : i32
      %jit3A_746 = arith.constant 1 : i32
      %select_n3A_747 = arith.select %eq3A_745, %jit3A_746, %jit3A_744 : i32
      %rem3A_748 = arith.remsi %select_n3A_743, %select_n3A_747 : i32
      %ne3A_749 = arith.constant 0 : i32
      %ne3A_750 = arith.cmpi ne, %rem3A_748, %ne3A_749 : i32
      %lt3A = arith.constant 0 : i32
      %lt3A_751 = arith.cmpi slt, %rem3A_748, %lt3A : i32
      %lt3A_752 = arith.constant 0 : i32
      %lt3A_753 = arith.cmpi slt, %select_n3A_747, %lt3A_752 : i32
      %ne3A_754 = arith.xori %lt3A_751, %lt3A_753 : i1
      %and3A_755 = arith.andi %ne3A_754, %ne3A_750 : i1
      %add3A_756 = arith.addi %rem3A_748, %select_n3A_747 : i32
      %select_n3A_757 = arith.select %and3A_755, %add3A_756, %rem3A_748 : i32
      %jit3A_758 = arith.constant 32 : i32
      %eq3A_759 = arith.constant 0 : i32
      %eq3A_760 = arith.cmpi eq, %jit3A_758, %eq3A_759 : i32
      %jit3A_761 = arith.constant 1 : i32
      %select_n3A_762 = arith.select %eq3A_760, %jit3A_761, %jit3A_758 : i32
      %rem3A_763 = arith.remsi %scan3A_703, %select_n3A_762 : i32
      %ne3A_764 = arith.constant 0 : i32
      %ne3A_765 = arith.cmpi ne, %rem3A_763, %ne3A_764 : i32
      %lt3A_766 = arith.constant 0 : i32
      %lt3A_767 = arith.cmpi slt, %rem3A_763, %lt3A_766 : i32
      %lt3A_768 = arith.constant 0 : i32
      %lt3A_769 = arith.cmpi slt, %select_n3A_762, %lt3A_768 : i32
      %ne3A_770 = arith.xori %lt3A_767, %lt3A_769 : i1
      %and3A_771 = arith.andi %ne3A_770, %ne3A_765 : i1
      %add3A_772 = arith.addi %rem3A_763, %select_n3A_762 : i32
      %select_n3A_773 = arith.select %and3A_771, %add3A_772, %rem3A_763 : i32
      %mul3A_774 = arith.constant 16 : i32
      %mul3A_775 = arith.muli %select_n3A_773, %mul3A_774 : i32
      %swap3A = arith.index_cast %select_n3A : i32 to index
      %swap3A_776 = arith.index_cast %select_n3A_757 : i32 to index
      %swap3A_777 = arith.index_cast %mul3A_775 : i32 to index
      %swap3A_778 = tpu.vector_load %arg6[%swap3A, %swap3A_776, %swap3A_777] {strides = array<i32>} : memref<2x32x512xf32, #tpu.memory_space<vmem>>, vector<16xf32>,
      tpu.vector_store %arg6[%swap3A, %swap3A_776, %swap3A_777], %broadcast_in_dim3A_8 {strides = array<i32>} : memref<2x32x512xf32, #tpu.memory_space<vmem>>, vector<16xf32>,
    }
    %scan3A_45 = arith.constant 2048 : i32
    %scan3A_46 = arith.constant 0 : i32
    %scan3A_47 = arith.constant 0 : i32
    %scan3A_48 = arith.constant 64 : i32
    %scan3A_49 = arith.addi %scan3A_47, %scan3A_48 : i32
    %scan3A_50 = arith.constant 1 : i32
    scf.for %scan3A_703 = %scan3A_47 to %scan3A_49 step %scan3A_50  : i32 {
      %jit3A = arith.constant 32 : i32
      %div3A = arith.divsi %scan3A_703, %jit3A : i32
      %sign3A = arith.constant 0 : i32
      %sign3A_704 = arith.cmpi sgt, %scan3A_703, %sign3A : i32
      %sign3A_705 = arith.extui %sign3A_704 : i1 to i32
      %sign3A_706 = arith.constant 0 : i32
      %sign3A_707 = arith.cmpi slt, %scan3A_703, %sign3A_706 : i32
      %sign3A_708 = arith.extui %sign3A_707 : i1 to i32
      %sign3A_709 = arith.subi %sign3A_705, %sign3A_708 : i32
      %sign3A_710 = arith.constant 0 : i32
      %sign3A_711 = arith.cmpi sgt, %jit3A, %sign3A_710 : i32
      %sign3A_712 = arith.extui %sign3A_711 : i1 to i32
      %sign3A_713 = arith.constant 0 : i32
      %sign3A_714 = arith.cmpi slt, %jit3A, %sign3A_713 : i32
      %sign3A_715 = arith.extui %sign3A_714 : i1 to i32
      %sign3A_716 = arith.subi %sign3A_712, %sign3A_715 : i32
      %ne3A = arith.cmpi ne, %sign3A_709, %sign3A_716 : i32
      %rem3A = arith.remsi %scan3A_703, %jit3A : i32
      %ne3A_717 = arith.constant 0 : i32
      %ne3A_718 = arith.cmpi ne, %rem3A, %ne3A_717 : i32
      %and3A = arith.andi %ne3A, %ne3A_718 : i1
      %sub3A = arith.constant 1 : i32
      %sub3A_719 = arith.subi %div3A, %sub3A : i32
      %select_n3A = arith.select %and3A, %sub3A_719, %div3A : i32
      %jit3A_720 = arith.constant 32 : i32
      %eq3A = arith.constant 0 : i32
      %eq3A_721 = arith.cmpi eq, %jit3A_720, %eq3A : i32
      %jit3A_722 = arith.constant 1 : i32
      %select_n3A_723 = arith.select %eq3A_721, %jit3A_722, %jit3A_720 : i32
      %rem3A_724 = arith.remsi %scan3A_703, %select_n3A_723 : i32
      %ne3A_725 = arith.constant 0 : i32
      %ne3A_726 = arith.cmpi ne, %rem3A_724, %ne3A_725 : i32
      %lt3A = arith.constant 0 : i32
      %lt3A_727 = arith.cmpi slt, %rem3A_724, %lt3A : i32
      %lt3A_728 = arith.constant 0 : i32
      %lt3A_729 = arith.cmpi slt, %select_n3A_723, %lt3A_728 : i32
      %ne3A_730 = arith.xori %lt3A_727, %lt3A_729 : i1
      %and3A_731 = arith.andi %ne3A_730, %ne3A_726 : i1
      %add3A_732 = arith.addi %rem3A_724, %select_n3A_723 : i32
      %select_n3A_733 = arith.select %and3A_731, %add3A_732, %rem3A_724 : i32
      %mul3A_734 = arith.constant 16 : i32
      %mul3A_735 = arith.muli %select_n3A_733, %mul3A_734 : i32
      %add3A_736 = arith.constant 0 : i32
      %add3A_737 = arith.addi %add3A_736, %select_n3A : i32
      %get3A = arith.index_cast %add3A_737 : i32 to index
      %get3A_738 = arith.index_cast %mul3A_735 : i32 to index
      %get3A_739 = tpu.vector_load %arg4[%get3A, %get3A_738] {strides = array<i32>} : memref<64x512xi32, #tpu.memory_space<vmem>>, vector<16xi32>,
      %add3A_740 = arith.constant 2 : i32
      %add3A_741 = arith.addi %add3A_740, %select_n3A : i32
      %get3A_742 = arith.index_cast %add3A_741 : i32 to index
      %get3A_743 = arith.index_cast %mul3A_735 : i32 to index
      %get3A_744 = tpu.vector_load %arg4[%get3A_742, %get3A_743] {strides = array<i32>} : memref<64x512xi32, #tpu.memory_space<vmem>>, vector<16xi32>,
      %broadcast_in_dim3A_745 = vector.broadcast %select_n3A : i32 to vector<16xi32>
      %add3A_746 = vector.broadcast %mul3A_735 : i32 to vector<16xi32>
      %add3A_747 = arith.addi %iota3A, %add3A_746 : vector<16xi32>
      tpu.vector_store_idx %arg6[%broadcast_in_dim3A_745, %get3A_739, %add3A_747], %broadcast_in_dim3A_8 : memref<2x32x512xf32, #tpu.memory_space<vmem>>[vector<16xi32>, vector<16xi32>, vector<16xi32>], vector<16xf32>,
      tpu.vector_store_idx %arg6[%broadcast_in_dim3A_745, %get3A_744, %add3A_747], %broadcast_in_dim3A_10 : memref<2x32x512xf32, #tpu.memory_space<vmem>>[vector<16xi32>, vector<16xi32>, vector<16xi32>], vector<16xf32>,
    }
    %scan3A_51 = arith.constant 64 : i32
    %add3A_52 = arith.constant 2 : i32
    %add3A_53 = arith.addi %multiple_of3A, %add3A_52 : i32
    %multiple_of3A_54 = tpu.assume_multiple %add3A_53, 2 : i32
    %dma_start3A_55 = arith.constant 0 : i32
    %dma_start3A_56 = arith.constant 0 : i32
    %dma_start3A_57 = tpu.memref_slice %arg3[%multiple_of3A_54, %dma_start3A_55, %dma_start3A_56] : memref<2048x32x512xf32, #tpu.memory_space<hbm>> -> memref<2x32x512xf32, #tpu.memory_space<hbm>>
    %dma_start3A_58 = arith.constant 0 : i32
    %dma_start3A_59 = arith.constant 0 : i32
    %dma_start3A_60 = tpu.memref_slice %arg3[%multiple_of3A_54, %dma_start3A_58, %dma_start3A_59] : memref<2048x32x512xf32, #tpu.memory_space<hbm>> -> memref<2x32x512xf32, #tpu.memory_space<hbm>>
    tpu.enqueue_dma source(%arg6 : memref<2x32x512xf32, #tpu.memory_space<vmem>>) target(%dma_start3A_60 : memref<2x32x512xf32, #tpu.memory_space<hbm>>) target_semaphore(%arg7 : memref<!tpu.dma_semaphore, #tpu.memory_space<semaphore_mem>>)
    %dma_wait3A_61 = arith.constant 0 : i32
    %dma_wait3A_62 = arith.constant 0 : i32
    %dma_wait3A_63 = tpu.memref_slice %arg3[%multiple_of3A, %dma_wait3A_61, %dma_wait3A_62] : memref<2048x32x512xf32, #tpu.memory_space<hbm>> -> memref<2x32x512xf32, #tpu.memory_space<hbm>>
    %dma_wait3A_64 = arith.constant 0 : i32
    %dma_wait3A_65 = arith.constant 0 : i32
    %dma_wait3A_66 = tpu.memref_slice %arg3[%multiple_of3A, %dma_wait3A_64, %dma_wait3A_65] : memref<2048x32x512xf32, #tpu.memory_space<hbm>> -> memref<2x32x512xf32, #tpu.memory_space<hbm>>
    tpu.wait_dma2 semaphore(%arg7 : memref<!tpu.dma_semaphore, #tpu.memory_space<semaphore_mem>>) src(%arg5 : memref<2x32x512xf32, #tpu.memory_space<vmem>>) dst(%dma_wait3A_66 : memref<2x32x512xf32, #tpu.memory_space<hbm>>)
    %scan3A_67 = arith.constant 0 : i32
    %scan3A_68 = arith.constant 0 : i32
    %scan3A_69 = arith.constant 64 : i32
    %scan3A_70 = arith.addi %scan3A_68, %scan3A_69 : i32
    %scan3A_71 = arith.constant 1 : i32
    scf.for %scan3A_703 = %scan3A_68 to %scan3A_70 step %scan3A_71  : i32 {
      %jit3A = arith.constant 32 : i32
      %div3A = arith.divsi %scan3A_703, %jit3A : i32
      %sign3A = arith.constant 0 : i32
      %sign3A_704 = arith.cmpi sgt, %scan3A_703, %sign3A : i32
      %sign3A_705 = arith.extui %sign3A_704 : i1 to i32
      %sign3A_706 = arith.constant 0 : i32
      %sign3A_707 = arith.cmpi slt, %scan3A_703, %sign3A_706 : i32
      %sign3A_708 = arith.extui %sign3A_707 : i1 to i32
      %sign3A_709 = arith.subi %sign3A_705, %sign3A_708 : i32
      %sign3A_710 = arith.constant 0 : i32
      %sign3A_711 = arith.cmpi sgt, %jit3A, %sign3A_710 : i32
      %sign3A_712 = arith.extui %sign3A_711 : i1 to i32
      %sign3A_713 = arith.constant 0 : i32
      %sign3A_714 = arith.cmpi slt, %jit3A, %sign3A_713 : i32
      %sign3A_715 = arith.extui %sign3A_714 : i1 to i32
      %sign3A_716 = arith.subi %sign3A_712, %sign3A_715 : i32
      %ne3A = arith.cmpi ne, %sign3A_709, %sign3A_716 : i32
      %rem3A = arith.remsi %scan3A_703, %jit3A : i32
      %ne3A_717 = arith.constant 0 : i32
      %ne3A_718 = arith.cmpi ne, %rem3A, %ne3A_717 : i32
      %and3A = arith.andi %ne3A, %ne3A_718 : i1
      %sub3A = arith.constant 1 : i32
      %sub3A_719 = arith.subi %div3A, %sub3A : i32
      %select_n3A = arith.select %and3A, %sub3A_719, %div3A : i32
      %jit3A_720 = arith.constant 32 : i32
      %eq3A = arith.constant 0 : i32
      %eq3A_721 = arith.cmpi eq, %jit3A_720, %eq3A : i32
      %jit3A_722 = arith.constant 1 : i32
      %select_n3A_723 = arith.select %eq3A_721, %jit3A_722, %jit3A_720 : i32
      %rem3A_724 = arith.remsi %scan3A_703, %select_n3A_723 : i32
      %ne3A_725 = arith.constant 0 : i32
      %ne3A_726 = arith.cmpi ne, %rem3A_724, %ne3A_725 : i32
      %lt3A = arith.constant 0 : i32
      %lt3A_727 = arith.cmpi slt, %rem3A_724, %lt3A : i32
      %lt3A_728 = arith.constant 0 : i32
      %lt3A_729 = arith.cmpi slt, %select_n3A_723, %lt3A_728 : i32
      %ne3A_730 = arith.xori %lt3A_727, %lt3A_729 : i1
      %and3A_731 = arith.andi %ne3A_730, %ne3A_726 : i1
      %add3A_732 = arith.addi %rem3A_724, %select_n3A_723 : i32
      %select_n3A_733 = arith.select %and3A_731, %add3A_732, %rem3A_724 : i32
      %mul3A_734 = arith.constant 16 : i32
      %mul3A_735 = arith.muli %select_n3A_733, %mul3A_734 : i32
      %add3A_736 = arith.constant 0 : i32
      %add3A_737 = arith.addi %add3A_736, %select_n3A : i32
      %get3A = arith.index_cast %add3A_737 : i32 to index
      %get3A_738 = arith.index_cast %mul3A_735 : i32 to index
      %get3A_739 = tpu.vector_load %arg4[%get3A, %get3A_738] {strides = array<i32>} : memref<64x512xi32, #tpu.memory_space<vmem>>, vector<16xi32>,
      %add3A_740 = arith.constant 4 : i32
      %add3A_741 = arith.addi %add3A_740, %select_n3A : i32
      %get3A_742 = arith.index_cast %add3A_741 : i32 to index
      %get3A_743 = arith.index_cast %mul3A_735 : i32 to index
      %get3A_744 = tpu.vector_load %arg4[%get3A_742, %get3A_743] {strides = array<i32>} : memref<64x512xi32, #tpu.memory_space<vmem>>, vector<16xi32>,
      %broadcast_in_dim3A_745 = vector.broadcast %select_n3A : i32 to vector<16xi32>
      %add3A_746 = vector.broadcast %mul3A_735 : i32 to vector<16xi32>
      %add3A_747 = arith.addi %iota3A, %add3A_746 : vector<16xi32>
      tpu.vector_store_idx %arg5[%broadcast_in_dim3A_745, %get3A_739, %add3A_747], %broadcast_in_dim3A_8 : memref<2x32x512xf32, #tpu.memory_space<vmem>>[vector<16xi32>, vector<16xi32>, vector<16xi32>], vector<16xf32>,
      tpu.vector_store_idx %arg5[%broadcast_in_dim3A_745, %get3A_744, %add3A_747], %broadcast_in_dim3A_10 : memref<2x32x512xf32, #tpu.memory_space<vmem>>[vector<16xi32>, vector<16xi32>, vector<16xi32>], vector<16xf32>,
    }
    %scan3A_72 = arith.constant 64 : i32
    %add3A_73 = arith.constant 4 : i32
    %add3A_74 = arith.addi %multiple_of3A, %add3A_73 : i32
    %multiple_of3A_75 = tpu.assume_multiple %add3A_74, 2 : i32
    %dma_start3A_76 = arith.constant 0 : i32
    %dma_start3A_77 = arith.constant 0 : i32
    %dma_start3A_78 = tpu.memref_slice %arg3[%multiple_of3A_75, %dma_start3A_76, %dma_start3A_77] : memref<2048x32x512xf32, #tpu.memory_space<hbm>> -> memref<2x32x512xf32, #tpu.memory_space<hbm>>
    %dma_start3A_79 = arith.constant 0 : i32
    %dma_start3A_80 = arith.constant 0 : i32
    %dma_start3A_81 = tpu.memref_slice %arg3[%multiple_of3A_75, %dma_start3A_79, %dma_start3A_80] : memref<2048x32x512xf32, #tpu.memory_space<hbm>> -> memref<2x32x512xf32, #tpu.memory_space<hbm>>
    tpu.enqueue_dma source(%arg5 : memref<2x32x512xf32, #tpu.memory_space<vmem>>) target(%dma_start3A_81 : memref<2x32x512xf32, #tpu.memory_space<hbm>>) target_semaphore(%arg7 : memref<!tpu.dma_semaphore, #tpu.memory_space<semaphore_mem>>)
    %dma_wait3A_82 = arith.constant 0 : i32
    %dma_wait3A_83 = arith.constant 0 : i32
    %dma_wait3A_84 = tpu.memref_slice %arg3[%multiple_of3A, %dma_wait3A_82, %dma_wait3A_83] : memref<2048x32x512xf32, #tpu.memory_space<hbm>> -> memref<2x32x512xf32, #tpu.memory_space<hbm>>
    %dma_wait3A_85 = arith.constant 0 : i32
    %dma_wait3A_86 = arith.constant 0 : i32
    %dma_wait3A_87 = tpu.memref_slice %arg3[%multiple_of3A, %dma_wait3A_85, %dma_wait3A_86] : memref<2048x32x512xf32, #tpu.memory_space<hbm>> -> memref<2x32x512xf32, #tpu.memory_space<hbm>>
    tpu.wait_dma2 semaphore(%arg7 : memref<!tpu.dma_semaphore, #tpu.memory_space<semaphore_mem>>) src(%arg6 : memref<2x32x512xf32, #tpu.memory_space<vmem>>) dst(%dma_wait3A_87 : memref<2x32x512xf32, #tpu.memory_space<hbm>>)
    %scan3A_88 = arith.constant 0 : i32
    %scan3A_89 = arith.constant 0 : i32
    %scan3A_90 = arith.constant 64 : i32
    %scan3A_91 = arith.addi %scan3A_89, %scan3A_90 : i32
    %scan3A_92 = arith.constant 1 : i32
    scf.for %scan3A_703 = %scan3A_89 to %scan3A_91 step %scan3A_92  : i32 {
      %jit3A = arith.constant 32 : i32
      %div3A = arith.divsi %scan3A_703, %jit3A : i32
      %sign3A = arith.constant 0 : i32
      %sign3A_704 = arith.cmpi sgt, %scan3A_703, %sign3A : i32
      %sign3A_705 = arith.extui %sign3A_704 : i1 to i32
      %sign3A_706 = arith.constant 0 : i32
      %sign3A_707 = arith.cmpi slt, %scan3A_703, %sign3A_706 : i32
      %sign3A_708 = arith.extui %sign3A_707 : i1 to i32
      %sign3A_709 = arith.subi %sign3A_705, %sign3A_708 : i32
      %sign3A_710 = arith.constant 0 : i32
      %sign3A_711 = arith.cmpi sgt, %jit3A, %sign3A_710 : i32
      %sign3A_712 = arith.extui %sign3A_711 : i1 to i32
      %sign3A_713 = arith.constant 0 : i32
      %sign3A_714 = arith.cmpi slt, %jit3A, %sign3A_713 : i32
      %sign3A_715 = arith.extui %sign3A_714 : i1 to i32
      %sign3A_716 = arith.subi %sign3A_712, %sign3A_715 : i32
      %ne3A = arith.cmpi ne, %sign3A_709, %sign3A_716 : i32
      %rem3A = arith.remsi %scan3A_703, %jit3A : i32
      %ne3A_717 = arith.constant 0 : i32
      %ne3A_718 = arith.cmpi ne, %rem3A, %ne3A_717 : i32
      %and3A = arith.andi %ne3A, %ne3A_718 : i1
      %sub3A = arith.constant 1 : i32
      %sub3A_719 = arith.subi %div3A, %sub3A : i32
      %select_n3A = arith.select %and3A, %sub3A_719, %div3A : i32
      %jit3A_720 = arith.constant 32 : i32
      %eq3A = arith.constant 0 : i32
      %eq3A_721 = arith.cmpi eq, %jit3A_720, %eq3A : i32
      %jit3A_722 = arith.constant 1 : i32
      %select_n3A_723 = arith.select %eq3A_721, %jit3A_722, %jit3A_720 : i32
      %rem3A_724 = arith.remsi %scan3A_703, %select_n3A_723 : i32
      %ne3A_725 = arith.constant 0 : i32
      %ne3A_726 = arith.cmpi ne, %rem3A_724, %ne3A_725 : i32
      %lt3A = arith.constant 0 : i32
      %lt3A_727 = arith.cmpi slt, %rem3A_724, %lt3A : i32
      %lt3A_728 = arith.constant 0 : i32
      %lt3A_729 = arith.cmpi slt, %select_n3A_723, %lt3A_728 : i32
      %ne3A_730 = arith.xori %lt3A_727, %lt3A_729 : i1
      %and3A_731 = arith.andi %ne3A_730, %ne3A_726 : i1
      %add3A_732 = arith.addi %rem3A_724, %select_n3A_723 : i32
      %select_n3A_733 = arith.select %and3A_731, %add3A_732, %rem3A_724 : i32
      %mul3A_734 = arith.constant 16 : i32
      %mul3A_735 = arith.muli %select_n3A_733, %mul3A_734 : i32
      %add3A_736 = arith.constant 2 : i32
      %add3A_737 = arith.addi %add3A_736, %select_n3A : i32
      %get3A = arith.index_cast %add3A_737 : i32 to index
      %get3A_738 = arith.index_cast %mul3A_735 : i32 to index
      %get3A_739 = tpu.vector_load %arg4[%get3A, %get3A_738] {strides = array<i32>} : memref<64x512xi32, #tpu.memory_space<vmem>>, vector<16xi32>,
      %add3A_740 = arith.constant 6 : i32
      %add3A_741 = arith.addi %add3A_740, %select_n3A : i32
      %get3A_742 = arith.index_cast %add3A_741 : i32 to index
      %get3A_743 = arith.index_cast %mul3A_735 : i32 to index
      %get3A_744 = tpu.vector_load %arg4[%get3A_742, %get3A_743] {strides = array<i32>} : memref<64x512xi32, #tpu.memory_space<vmem>>, vector<16xi32>,
      %broadcast_in_dim3A_745 = vector.broadcast %select_n3A : i32 to vector<16xi32>
      %add3A_746 = vector.broadcast %mul3A_735 : i32 to vector<16xi32>
      %add3A_747 = arith.addi %iota3A, %add3A_746 : vector<16xi32>
      tpu.vector_store_idx %arg6[%broadcast_in_dim3A_745, %get3A_739, %add3A_747], %broadcast_in_dim3A_8 : memref<2x32x512xf32, #tpu.memory_space<vmem>>[vector<16xi32>, vector<16xi32>, vector<16xi32>], vector<16xf32>,
      tpu.vector_store_idx %arg6[%broadcast_in_dim3A_745, %get3A_744, %add3A_747], %broadcast_in_dim3A_10 : memref<2x32x512xf32, #tpu.memory_space<vmem>>[vector<16xi32>, vector<16xi32>, vector<16xi32>], vector<16xf32>,
    }
    %scan3A_93 = arith.constant 64 : i32
    %add3A_94 = arith.constant 6 : i32
    %add3A_95 = arith.addi %multiple_of3A, %add3A_94 : i32
    %multiple_of3A_96 = tpu.assume_multiple %add3A_95, 2 : i32
    %dma_start3A_97 = arith.constant 0 : i32
    %dma_start3A_98 = arith.constant 0 : i32
    %dma_start3A_99 = tpu.memref_slice %arg3[%multiple_of3A_96, %dma_start3A_97, %dma_start3A_98] : memref<2048x32x512xf32, #tpu.memory_space<hbm>> -> memref<2x32x512xf32, #tpu.memory_space<hbm>>
    %dma_start3A_100 = arith.constant 0 : i32
    %dma_start3A_101 = arith.constant 0 : i32
    %dma_start3A_102 = tpu.memref_slice %arg3[%multiple_of3A_96, %dma_start3A_100, %dma_start3A_101] : memref<2048x32x512xf32, #tpu.memory_space<hbm>> -> memref<2x32x512xf32, #tpu.memory_space<hbm>>
    tpu.enqueue_dma source(%arg6 : memref<2x32x512xf32, #tpu.memory_space<vmem>>) target(%dma_start3A_102 : memref<2x32x512xf32, #tpu.memory_space<hbm>>) target_semaphore(%arg7 : memref<!tpu.dma_semaphore, #tpu.memory_space<semaphore_mem>>)
    %dma_wait3A_103 = arith.constant 0 : i32
    %dma_wait3A_104 = arith.constant 0 : i32
    %dma_wait3A_105 = tpu.memref_slice %arg3[%multiple_of3A, %dma_wait3A_103, %dma_wait3A_104] : memref<2048x32x512xf32, #tpu.memory_space<hbm>> -> memref<2x32x512xf32, #tpu.memory_space<hbm>>
    %dma_wait3A_106 = arith.constant 0 : i32
    %dma_wait3A_107 = arith.constant 0 : i32
    %dma_wait3A_108 = tpu.memref_slice %arg3[%multiple_of3A, %dma_wait3A_106, %dma_wait3A_107] : memref<2048x32x512xf32, #tpu.memory_space<hbm>> -> memref<2x32x512xf32, #tpu.memory_space<hbm>>
    tpu.wait_dma2 semaphore(%arg7 : memref<!tpu.dma_semaphore, #tpu.memory_space<semaphore_mem>>) src(%arg5 : memref<2x32x512xf32, #tpu.memory_space<vmem>>) dst(%dma_wait3A_108 : memref<2x32x512xf32, #tpu.memory_space<hbm>>)
    %scan3A_109 = arith.constant 0 : i32
    %scan3A_110 = arith.constant 0 : i32
    %scan3A_111 = arith.constant 64 : i32
    %scan3A_112 = arith.addi %scan3A_110, %scan3A_111 : i32
    %scan3A_113 = arith.constant 1 : i32
    scf.for %scan3A_703 = %scan3A_110 to %scan3A_112 step %scan3A_113  : i32 {
      %jit3A = arith.constant 32 : i32
      %div3A = arith.divsi %scan3A_703, %jit3A : i32
      %sign3A = arith.constant 0 : i32
      %sign3A_704 = arith.cmpi sgt, %scan3A_703, %sign3A : i32
      %sign3A_705 = arith.extui %sign3A_704 : i1 to i32
      %sign3A_706 = arith.constant 0 : i32
      %sign3A_707 = arith.cmpi slt, %scan3A_703, %sign3A_706 : i32
      %sign3A_708 = arith.extui %sign3A_707 : i1 to i32
      %sign3A_709 = arith.subi %sign3A_705, %sign3A_708 : i32
      %sign3A_710 = arith.constant 0 : i32
      %sign3A_711 = arith.cmpi sgt, %jit3A, %sign3A_710 : i32
      %sign3A_712 = arith.extui %sign3A_711 : i1 to i32
      %sign3A_713 = arith.constant 0 : i32
      %sign3A_714 = arith.cmpi slt, %jit3A, %sign3A_713 : i32
      %sign3A_715 = arith.extui %sign3A_714 : i1 to i32
      %sign3A_716 = arith.subi %sign3A_712, %sign3A_715 : i32
      %ne3A = arith.cmpi ne, %sign3A_709, %sign3A_716 : i32
      %rem3A = arith.remsi %scan3A_703, %jit3A : i32
      %ne3A_717 = arith.constant 0 : i32
      %ne3A_718 = arith.cmpi ne, %rem3A, %ne3A_717 : i32
      %and3A = arith.andi %ne3A, %ne3A_718 : i1
      %sub3A = arith.constant 1 : i32
      %sub3A_719 = arith.subi %div3A, %sub3A : i32
      %select_n3A = arith.select %and3A, %sub3A_719, %div3A : i32
      %jit3A_720 = arith.constant 32 : i32
      %eq3A = arith.constant 0 : i32
      %eq3A_721 = arith.cmpi eq, %jit3A_720, %eq3A : i32
      %jit3A_722 = arith.constant 1 : i32
      %select_n3A_723 = arith.select %eq3A_721, %jit3A_722, %jit3A_720 : i32
      %rem3A_724 = arith.remsi %scan3A_703, %select_n3A_723 : i32
      %ne3A_725 = arith.constant 0 : i32
      %ne3A_726 = arith.cmpi ne, %rem3A_724, %ne3A_725 : i32
      %lt3A = arith.constant 0 : i32
      %lt3A_727 = arith.cmpi slt, %rem3A_724, %lt3A : i32
      %lt3A_728 = arith.constant 0 : i32
      %lt3A_729 = arith.cmpi slt, %select_n3A_723, %lt3A_728 : i32
      %ne3A_730 = arith.xori %lt3A_727, %lt3A_729 : i1
      %and3A_731 = arith.andi %ne3A_730, %ne3A_726 : i1
      %add3A_732 = arith.addi %rem3A_724, %select_n3A_723 : i32
      %select_n3A_733 = arith.select %and3A_731, %add3A_732, %rem3A_724 : i32
      %mul3A_734 = arith.constant 16 : i32
      %mul3A_735 = arith.muli %select_n3A_733, %mul3A_734 : i32
      %add3A_736 = arith.constant 4 : i32
      %add3A_737 = arith.addi %add3A_736, %select_n3A : i32
      %get3A = arith.index_cast %add3A_737 : i32 to index
      %get3A_738 = arith.index_cast %mul3A_735 : i32 to index
      %get3A_739 = tpu.vector_load %arg4[%get3A, %get3A_738] {strides = array<i32>} : memref<64x512xi32, #tpu.memory_space<vmem>>, vector<16xi32>,
      %add3A_740 = arith.constant 8 : i32
      %add3A_741 = arith.addi %add3A_740, %select_n3A : i32
      %get3A_742 = arith.index_cast %add3A_741 : i32 to index
      %get3A_743 = arith.index_cast %mul3A_735 : i32 to index
      %get3A_744 = tpu.vector_load %arg4[%get3A_742, %get3A_743] {strides = array<i32>} : memref<64x512xi32, #tpu.memory_space<vmem>>, vector<16xi32>,
      %broadcast_in_dim3A_745 = vector.broadcast %select_n3A : i32 to vector<16xi32>
      %add3A_746 = vector.broadcast %mul3A_735 : i32 to vector<16xi32>
      %add3A_747 = arith.addi %iota3A, %add3A_746 : vector<16xi32>
      tpu.vector_store_idx %arg5[%broadcast_in_dim3A_745, %get3A_739, %add3A_747], %broadcast_in_dim3A_8 : memref<2x32x512xf32, #tpu.memory_space<vmem>>[vector<16xi32>, vector<16xi32>, vector<16xi32>], vector<16xf32>,
      tpu.vector_store_idx %arg5[%broadcast_in_dim3A_745, %get3A_744, %add3A_747], %broadcast_in_dim3A_10 : memref<2x32x512xf32, #tpu.memory_space<vmem>>[vector<16xi32>, vector<16xi32>, vector<16xi32>], vector<16xf32>,
    }
    %scan3A_114 = arith.constant 64 : i32
    %add3A_115 = arith.constant 8 : i32
    %add3A_116 = arith.addi %multiple_of3A, %add3A_115 : i32
    %multiple_of3A_117 = tpu.assume_multiple %add3A_116, 2 : i32
    %dma_start3A_118 = arith.constant 0 : i32
    %dma_start3A_119 = arith.constant 0 : i32
    %dma_start3A_120 = tpu.memref_slice %arg3[%multiple_of3A_117, %dma_start3A_118, %dma_start3A_119] : memref<2048x32x512xf32, #tpu.memory_space<hbm>> -> memref<2x32x512xf32, #tpu.memory_space<hbm>>
    %dma_start3A_121 = arith.constant 0 : i32
    %dma_start3A_122 = arith.constant 0 : i32
    %dma_start3A_123 = tpu.memref_slice %arg3[%multiple_of3A_117, %dma_start3A_121, %dma_start3A_122] : memref<2048x32x512xf32, #tpu.memory_space<hbm>> -> memref<2x32x512xf32, #tpu.memory_space<hbm>>
    tpu.enqueue_dma source(%arg5 : memref<2x32x512xf32, #tpu.memory_space<vmem>>) target(%dma_start3A_123 : memref<2x32x512xf32, #tpu.memory_space<hbm>>) target_semaphore(%arg7 : memref<!tpu.dma_semaphore, #tpu.memory_space<semaphore_mem>>)
    %dma_wait3A_124 = arith.constant 0 : i32
    %dma_wait3A_125 = arith.constant 0 : i32
    %dma_wait3A_126 = tpu.memref_slice %arg3[%multiple_of3A, %dma_wait3A_124, %dma_wait3A_125] : memref<2048x32x512xf32, #tpu.memory_space<hbm>> -> memref<2x32x512xf32, #tpu.memory_space<hbm>>
    %dma_wait3A_127 = arith.constant 0 : i32
    %dma_wait3A_128 = arith.constant 0 : i32
    %dma_wait3A_129 = tpu.memref_slice %arg3[%multiple_of3A, %dma_wait3A_127, %dma_wait3A_128] : memref<2048x32x512xf32, #tpu.memory_space<hbm>> -> memref<2x32x512xf32, #tpu.memory_space<hbm>>
    tpu.wait_dma2 semaphore(%arg7 : memref<!tpu.dma_semaphore, #tpu.memory_space<semaphore_mem>>) src(%arg6 : memref<2x32x512xf32, #tpu.memory_space<vmem>>) dst(%dma_wait3A_129 : memref<2x32x512xf32, #tpu.memory_space<hbm>>)
    %scan3A_130 = arith.constant 0 : i32
    %scan3A_131 = arith.constant 0 : i32
    %scan3A_132 = arith.constant 64 : i32
    %scan3A_133 = arith.addi %scan3A_131, %scan3A_132 : i32
    %scan3A_134 = arith.constant 1 : i32
    scf.for %scan3A_703 = %scan3A_131 to %scan3A_133 step %scan3A_134  : i32 {
      %jit3A = arith.constant 32 : i32
      %div3A = arith.divsi %scan3A_703, %jit3A : i32
      %sign3A = arith.constant 0 : i32
      %sign3A_704 = arith.cmpi sgt, %scan3A_703, %sign3A : i32
      %sign3A_705 = arith.extui %sign3A_704 : i1 to i32
      %sign3A_706 = arith.constant 0 : i32
      %sign3A_707 = arith.cmpi slt, %scan3A_703, %sign3A_706 : i32
      %sign3A_708 = arith.extui %sign3A_707 : i1 to i32
      %sign3A_709 = arith.subi %sign3A_705, %sign3A_708 : i32
      %sign3A_710 = arith.constant 0 : i32
      %sign3A_711 = arith.cmpi sgt, %jit3A, %sign3A_710 : i32
      %sign3A_712 = arith.extui %sign3A_711 : i1 to i32
      %sign3A_713 = arith.constant 0 : i32
      %sign3A_714 = arith.cmpi slt, %jit3A, %sign3A_713 : i32
      %sign3A_715 = arith.extui %sign3A_714 : i1 to i32
      %sign3A_716 = arith.subi %sign3A_712, %sign3A_715 : i32
      %ne3A = arith.cmpi ne, %sign3A_709, %sign3A_716 : i32
      %rem3A = arith.remsi %scan3A_703, %jit3A : i32
      %ne3A_717 = arith.constant 0 : i32
      %ne3A_718 = arith.cmpi ne, %rem3A, %ne3A_717 : i32
      %and3A = arith.andi %ne3A, %ne3A_718 : i1
      %sub3A = arith.constant 1 : i32
      %sub3A_719 = arith.subi %div3A, %sub3A : i32
      %select_n3A = arith.select %and3A, %sub3A_719, %div3A : i32
      %jit3A_720 = arith.constant 32 : i32
      %eq3A = arith.constant 0 : i32
      %eq3A_721 = arith.cmpi eq, %jit3A_720, %eq3A : i32
      %jit3A_722 = arith.constant 1 : i32
      %select_n3A_723 = arith.select %eq3A_721, %jit3A_722, %jit3A_720 : i32
      %rem3A_724 = arith.remsi %scan3A_703, %select_n3A_723 : i32
      %ne3A_725 = arith.constant 0 : i32
      %ne3A_726 = arith.cmpi ne, %rem3A_724, %ne3A_725 : i32
      %lt3A = arith.constant 0 : i32
      %lt3A_727 = arith.cmpi slt, %rem3A_724, %lt3A : i32
      %lt3A_728 = arith.constant 0 : i32
      %lt3A_729 = arith.cmpi slt, %select_n3A_723, %lt3A_728 : i32
      %ne3A_730 = arith.xori %lt3A_727, %lt3A_729 : i1
      %and3A_731 = arith.andi %ne3A_730, %ne3A_726 : i1
      %add3A_732 = arith.addi %rem3A_724, %select_n3A_723 : i32
      %select_n3A_733 = arith.select %and3A_731, %add3A_732, %rem3A_724 : i32
      %mul3A_734 = arith.constant 16 : i32
      %mul3A_735 = arith.muli %select_n3A_733, %mul3A_734 : i32
      %add3A_736 = arith.constant 6 : i32
      %add3A_737 = arith.addi %add3A_736, %select_n3A : i32
      %get3A = arith.index_cast %add3A_737 : i32 to index
      %get3A_738 = arith.index_cast %mul3A_735 : i32 to index
      %get3A_739 = tpu.vector_load %arg4[%get3A, %get3A_738] {strides = array<i32>} : memref<64x512xi32, #tpu.memory_space<vmem>>, vector<16xi32>,
      %add3A_740 = arith.constant 10 : i32
      %add3A_741 = arith.addi %add3A_740, %select_n3A : i32
      %get3A_742 = arith.index_cast %add3A_741 : i32 to index
      %get3A_743 = arith.index_cast %mul3A_735 : i32 to index
      %get3A_744 = tpu.vector_load %arg4[%get3A_742, %get3A_743] {strides = array<i32>} : memref<64x512xi32, #tpu.memory_space<vmem>>, vector<16xi32>,
      %broadcast_in_dim3A_745 = vector.broadcast %select_n3A : i32 to vector<16xi32>
      %add3A_746 = vector.broadcast %mul3A_735 : i32 to vector<16xi32>
      %add3A_747 = arith.addi %iota3A, %add3A_746 : vector<16xi32>
      tpu.vector_store_idx %arg6[%broadcast_in_dim3A_745, %get3A_739, %add3A_747], %broadcast_in_dim3A_8 : memref<2x32x512xf32, #tpu.memory_space<vmem>>[vector<16xi32>, vector<16xi32>, vector<16xi32>], vector<16xf32>,
      tpu.vector_store_idx %arg6[%broadcast_in_dim3A_745, %get3A_744, %add3A_747], %broadcast_in_dim3A_10 : memref<2x32x512xf32, #tpu.memory_space<vmem>>[vector<16xi32>, vector<16xi32>, vector<16xi32>], vector<16xf32>,
    }
    %scan3A_135 = arith.constant 64 : i32
    %add3A_136 = arith.constant 10 : i32
    %add3A_137 = arith.addi %multiple_of3A, %add3A_136 : i32
    %multiple_of3A_138 = tpu.assume_multiple %add3A_137, 2 : i32
    %dma_start3A_139 = arith.constant 0 : i32
    %dma_start3A_140 = arith.constant 0 : i32
    %dma_start3A_141 = tpu.memref_slice %arg3[%multiple_of3A_138, %dma_start3A_139, %dma_start3A_140] : memref<2048x32x512xf32, #tpu.memory_space<hbm>> -> memref<2x32x512xf32, #tpu.memory_space<hbm>>
    %dma_start3A_142 = arith.constant 0 : i32
    %dma_start3A_143 = arith.constant 0 : i32
    %dma_start3A_144 = tpu.memref_slice %arg3[%multiple_of3A_138, %dma_start3A_142, %dma_start3A_143] : memref<2048x32x512xf32, #tpu.memory_space<hbm>> -> memref<2x32x512xf32, #tpu.memory_space<hbm>>
    tpu.enqueue_dma source(%arg6 : memref<2x32x512xf32, #tpu.memory_space<vmem>>) target(%dma_start3A_144 : memref<2x32x512xf32, #tpu.memory_space<hbm>>) target_semaphore(%arg7 : memref<!tpu.dma_semaphore, #tpu.memory_space<semaphore_mem>>)
    %dma_wait3A_145 = arith.constant 0 : i32
    %dma_wait3A_146 = arith.constant 0 : i32
    %dma_wait3A_147 = tpu.memref_slice %arg3[%multiple_of3A, %dma_wait3A_145, %dma_wait3A_146] : memref<2048x32x512xf32, #tpu.memory_space<hbm>> -> memref<2x32x512xf32, #tpu.memory_space<hbm>>
    %dma_wait3A_148 = arith.constant 0 : i32
    %dma_wait3A_149 = arith.constant 0 : i32
    %dma_wait3A_150 = tpu.memref_slice %arg3[%multiple_of3A, %dma_wait3A_148, %dma_wait3A_149] : memref<2048x32x512xf32, #tpu.memory_space<hbm>> -> memref<2x32x512xf32, #tpu.memory_space<hbm>>
    tpu.wait_dma2 semaphore(%arg7 : memref<!tpu.dma_semaphore, #tpu.memory_space<semaphore_mem>>) src(%arg5 : memref<2x32x512xf32, #tpu.memory_space<vmem>>) dst(%dma_wait3A_150 : memref<2x32x512xf32, #tpu.memory_space<hbm>>)
    %scan3A_151 = arith.constant 0 : i32
    %scan3A_152 = arith.constant 0 : i32
    %scan3A_153 = arith.constant 64 : i32
    %scan3A_154 = arith.addi %scan3A_152, %scan3A_153 : i32
    %scan3A_155 = arith.constant 1 : i32
    scf.for %scan3A_703 = %scan3A_152 to %scan3A_154 step %scan3A_155  : i32 {
      %jit3A = arith.constant 32 : i32
      %div3A = arith.divsi %scan3A_703, %jit3A : i32
      %sign3A = arith.constant 0 : i32
      %sign3A_704 = arith.cmpi sgt, %scan3A_703, %sign3A : i32
      %sign3A_705 = arith.extui %sign3A_704 : i1 to i32
      %sign3A_706 = arith.constant 0 : i32
      %sign3A_707 = arith.cmpi slt, %scan3A_703, %sign3A_706 : i32
      %sign3A_708 = arith.extui %sign3A_707 : i1 to i32
      %sign3A_709 = arith.subi %sign3A_705, %sign3A_708 : i32
      %sign3A_710 = arith.constant 0 : i32
      %sign3A_711 = arith.cmpi sgt, %jit3A, %sign3A_710 : i32
      %sign3A_712 = arith.extui %sign3A_711 : i1 to i32
      %sign3A_713 = arith.constant 0 : i32
      %sign3A_714 = arith.cmpi slt, %jit3A, %sign3A_713 : i32
      %sign3A_715 = arith.extui %sign3A_714 : i1 to i32
      %sign3A_716 = arith.subi %sign3A_712, %sign3A_715 : i32
      %ne3A = arith.cmpi ne, %sign3A_709, %sign3A_716 : i32
      %rem3A = arith.remsi %scan3A_703, %jit3A : i32
      %ne3A_717 = arith.constant 0 : i32
      %ne3A_718 = arith.cmpi ne, %rem3A, %ne3A_717 : i32
      %and3A = arith.andi %ne3A, %ne3A_718 : i1
      %sub3A = arith.constant 1 : i32
      %sub3A_719 = arith.subi %div3A, %sub3A : i32
      %select_n3A = arith.select %and3A, %sub3A_719, %div3A : i32
      %jit3A_720 = arith.constant 32 : i32
      %eq3A = arith.constant 0 : i32
      %eq3A_721 = arith.cmpi eq, %jit3A_720, %eq3A : i32
      %jit3A_722 = arith.constant 1 : i32
      %select_n3A_723 = arith.select %eq3A_721, %jit3A_722, %jit3A_720 : i32
      %rem3A_724 = arith.remsi %scan3A_703, %select_n3A_723 : i32
      %ne3A_725 = arith.constant 0 : i32
      %ne3A_726 = arith.cmpi ne, %rem3A_724, %ne3A_725 : i32
      %lt3A = arith.constant 0 : i32
      %lt3A_727 = arith.cmpi slt, %rem3A_724, %lt3A : i32
      %lt3A_728 = arith.constant 0 : i32
      %lt3A_729 = arith.cmpi slt, %select_n3A_723, %lt3A_728 : i32
      %ne3A_730 = arith.xori %lt3A_727, %lt3A_729 : i1
      %and3A_731 = arith.andi %ne3A_730, %ne3A_726 : i1
      %add3A_732 = arith.addi %rem3A_724, %select_n3A_723 : i32
      %select_n3A_733 = arith.select %and3A_731, %add3A_732, %rem3A_724 : i32
      %mul3A_734 = arith.constant 16 : i32
      %mul3A_735 = arith.muli %select_n3A_733, %mul3A_734 : i32
      %add3A_736 = arith.constant 8 : i32
      %add3A_737 = arith.addi %add3A_736, %select_n3A : i32
      %get3A = arith.index_cast %add3A_737 : i32 to index
      %get3A_738 = arith.index_cast %mul3A_735 : i32 to index
      %get3A_739 = tpu.vector_load %arg4[%get3A, %get3A_738] {strides = array<i32>} : memref<64x512xi32, #tpu.memory_space<vmem>>, vector<16xi32>,
      %add3A_740 = arith.constant 12 : i32
      %add3A_741 = arith.addi %add3A_740, %select_n3A : i32
      %get3A_742 = arith.index_cast %add3A_741 : i32 to index
      %get3A_743 = arith.index_cast %mul3A_735 : i32 to index
      %get3A_744 = tpu.vector_load %arg4[%get3A_742, %get3A_743] {strides = array<i32>} : memref<64x512xi32, #tpu.memory_space<vmem>>, vector<16xi32>,
      %broadcast_in_dim3A_745 = vector.broadcast %select_n3A : i32 to vector<16xi32>
      %add3A_746 = vector.broadcast %mul3A_735 : i32 to vector<16xi32>
      %add3A_747 = arith.addi %iota3A, %add3A_746 : vector<16xi32>
      tpu.vector_store_idx %arg5[%broadcast_in_dim3A_745, %get3A_739, %add3A_747], %broadcast_in_dim3A_8 : memref<2x32x512xf32, #tpu.memory_space<vmem>>[vector<16xi32>, vector<16xi32>, vector<16xi32>], vector<16xf32>,
      tpu.vector_store_idx %arg5[%broadcast_in_dim3A_745, %get3A_744, %add3A_747], %broadcast_in_dim3A_10 : memref<2x32x512xf32, #tpu.memory_space<vmem>>[vector<16xi32>, vector<16xi32>, vector<16xi32>], vector<16xf32>,
    }
    %scan3A_156 = arith.constant 64 : i32
    %add3A_157 = arith.constant 12 : i32
    %add3A_158 = arith.addi %multiple_of3A, %add3A_157 : i32
    %multiple_of3A_159 = tpu.assume_multiple %add3A_158, 2 : i32
    %dma_start3A_160 = arith.constant 0 : i32
    %dma_start3A_161 = arith.constant 0 : i32
    %dma_start3A_162 = tpu.memref_slice %arg3[%multiple_of3A_159, %dma_start3A_160, %dma_start3A_161] : memref<2048x32x512xf32, #tpu.memory_space<hbm>> -> memref<2x32x512xf32, #tpu.memory_space<hbm>>
    %dma_start3A_163 = arith.constant 0 : i32
    %dma_start3A_164 = arith.constant 0 : i32
    %dma_start3A_165 = tpu.memref_slice %arg3[%multiple_of3A_159, %dma_start3A_163, %dma_start3A_164] : memref<2048x32x512xf32, #tpu.memory_space<hbm>> -> memref<2x32x512xf32, #tpu.memory_space<hbm>>
    tpu.enqueue_dma source(%arg5 : memref<2x32x512xf32, #tpu.memory_space<vmem>>) target(%dma_start3A_165 : memref<2x32x512xf32, #tpu.memory_space<hbm>>) target_semaphore(%arg7 : memref<!tpu.dma_semaphore, #tpu.memory_space<semaphore_mem>>)
    %dma_wait3A_166 = arith.constant 0 : i32
    %dma_wait3A_167 = arith.constant 0 : i32
    %dma_wait3A_168 = tpu.memref_slice %arg3[%multiple_of3A, %dma_wait3A_166, %dma_wait3A_167] : memref<2048x32x512xf32, #tpu.memory_space<hbm>> -> memref<2x32x512xf32, #tpu.memory_space<hbm>>
    %dma_wait3A_169 = arith.constant 0 : i32
    %dma_wait3A_170 = arith.constant 0 : i32
    %dma_wait3A_171 = tpu.memref_slice %arg3[%multiple_of3A, %dma_wait3A_169, %dma_wait3A_170] : memref<2048x32x512xf32, #tpu.memory_space<hbm>> -> memref<2x32x512xf32, #tpu.memory_space<hbm>>
    tpu.wait_dma2 semaphore(%arg7 : memref<!tpu.dma_semaphore, #tpu.memory_space<semaphore_mem>>) src(%arg6 : memref<2x32x512xf32, #tpu.memory_space<vmem>>) dst(%dma_wait3A_171 : memref<2x32x512xf32, #tpu.memory_space<hbm>>)
    %scan3A_172 = arith.constant 0 : i32
    %scan3A_173 = arith.constant 0 : i32
    %scan3A_174 = arith.constant 64 : i32
    %scan3A_175 = arith.addi %scan3A_173, %scan3A_174 : i32
    %scan3A_176 = arith.constant 1 : i32
    scf.for %scan3A_703 = %scan3A_173 to %scan3A_175 step %scan3A_176  : i32 {
      %jit3A = arith.constant 32 : i32
      %div3A = arith.divsi %scan3A_703, %jit3A : i32
      %sign3A = arith.constant 0 : i32
      %sign3A_704 = arith.cmpi sgt, %scan3A_703, %sign3A : i32
      %sign3A_705 = arith.extui %sign3A_704 : i1 to i32
      %sign3A_706 = arith.constant 0 : i32
      %sign3A_707 = arith.cmpi slt, %scan3A_703, %sign3A_706 : i32
      %sign3A_708 = arith.extui %sign3A_707 : i1 to i32
      %sign3A_709 = arith.subi %sign3A_705, %sign3A_708 : i32
      %sign3A_710 = arith.constant 0 : i32
      %sign3A_711 = arith.cmpi sgt, %jit3A, %sign3A_710 : i32
      %sign3A_712 = arith.extui %sign3A_711 : i1 to i32
      %sign3A_713 = arith.constant 0 : i32
      %sign3A_714 = arith.cmpi slt, %jit3A, %sign3A_713 : i32
      %sign3A_715 = arith.extui %sign3A_714 : i1 to i32
      %sign3A_716 = arith.subi %sign3A_712, %sign3A_715 : i32
      %ne3A = arith.cmpi ne, %sign3A_709, %sign3A_716 : i32
      %rem3A = arith.remsi %scan3A_703, %jit3A : i32
      %ne3A_717 = arith.constant 0 : i32
      %ne3A_718 = arith.cmpi ne, %rem3A, %ne3A_717 : i32
      %and3A = arith.andi %ne3A, %ne3A_718 : i1
      %sub3A = arith.constant 1 : i32
      %sub3A_719 = arith.subi %div3A, %sub3A : i32
      %select_n3A = arith.select %and3A, %sub3A_719, %div3A : i32
      %jit3A_720 = arith.constant 32 : i32
      %eq3A = arith.constant 0 : i32
      %eq3A_721 = arith.cmpi eq, %jit3A_720, %eq3A : i32
      %jit3A_722 = arith.constant 1 : i32
      %select_n3A_723 = arith.select %eq3A_721, %jit3A_722, %jit3A_720 : i32
      %rem3A_724 = arith.remsi %scan3A_703, %select_n3A_723 : i32
      %ne3A_725 = arith.constant 0 : i32
      %ne3A_726 = arith.cmpi ne, %rem3A_724, %ne3A_725 : i32
      %lt3A = arith.constant 0 : i32
      %lt3A_727 = arith.cmpi slt, %rem3A_724, %lt3A : i32
      %lt3A_728 = arith.constant 0 : i32
      %lt3A_729 = arith.cmpi slt, %select_n3A_723, %lt3A_728 : i32
      %ne3A_730 = arith.xori %lt3A_727, %lt3A_729 : i1
      %and3A_731 = arith.andi %ne3A_730, %ne3A_726 : i1
      %add3A_732 = arith.addi %rem3A_724, %select_n3A_723 : i32
      %select_n3A_733 = arith.select %and3A_731, %add3A_732, %rem3A_724 : i32
      %mul3A_734 = arith.constant 16 : i32
      %mul3A_735 = arith.muli %select_n3A_733, %mul3A_734 : i32
      %add3A_736 = arith.constant 10 : i32
      %add3A_737 = arith.addi %add3A_736, %select_n3A : i32
      %get3A = arith.index_cast %add3A_737 : i32 to index
      %get3A_738 = arith.index_cast %mul3A_735 : i32 to index
      %get3A_739 = tpu.vector_load %arg4[%get3A, %get3A_738] {strides = array<i32>} : memref<64x512xi32, #tpu.memory_space<vmem>>, vector<16xi32>,
      %add3A_740 = arith.constant 14 : i32
      %add3A_741 = arith.addi %add3A_740, %select_n3A : i32
      %get3A_742 = arith.index_cast %add3A_741 : i32 to index
      %get3A_743 = arith.index_cast %mul3A_735 : i32 to index
      %get3A_744 = tpu.vector_load %arg4[%get3A_742, %get3A_743] {strides = array<i32>} : memref<64x512xi32, #tpu.memory_space<vmem>>, vector<16xi32>,
      %broadcast_in_dim3A_745 = vector.broadcast %select_n3A : i32 to vector<16xi32>
      %add3A_746 = vector.broadcast %mul3A_735 : i32 to vector<16xi32>
      %add3A_747 = arith.addi %iota3A, %add3A_746 : vector<16xi32>
      tpu.vector_store_idx %arg6[%broadcast_in_dim3A_745, %get3A_739, %add3A_747], %broadcast_in_dim3A_8 : memref<2x32x512xf32, #tpu.memory_space<vmem>>[vector<16xi32>, vector<16xi32>, vector<16xi32>], vector<16xf32>,
      tpu.vector_store_idx %arg6[%broadcast_in_dim3A_745, %get3A_744, %add3A_747], %broadcast_in_dim3A_10 : memref<2x32x512xf32, #tpu.memory_space<vmem>>[vector<16xi32>, vector<16xi32>, vector<16xi32>], vector<16xf32>,
    }
    %scan3A_177 = arith.constant 64 : i32
    %add3A_178 = arith.constant 14 : i32
    %add3A_179 = arith.addi %multiple_of3A, %add3A_178 : i32
    %multiple_of3A_180 = tpu.assume_multiple %add3A_179, 2 : i32
    %dma_start3A_181 = arith.constant 0 : i32
    %dma_start3A_182 = arith.constant 0 : i32
    %dma_start3A_183 = tpu.memref_slice %arg3[%multiple_of3A_180, %dma_start3A_181, %dma_start3A_182] : memref<2048x32x512xf32, #tpu.memory_space<hbm>> -> memref<2x32x512xf32, #tpu.memory_space<hbm>>
    %dma_start3A_184 = arith.constant 0 : i32
    %dma_start3A_185 = arith.constant 0 : i32
    %dma_start3A_186 = tpu.memref_slice %arg3[%multiple_of3A_180, %dma_start3A_184, %dma_start3A_185] : memref<2048x32x512xf32, #tpu.memory_space<hbm>> -> memref<2x32x512xf32, #tpu.memory_space<hbm>>
    tpu.enqueue_dma source(%arg6 : memref<2x32x512xf32, #tpu.memory_space<vmem>>) target(%dma_start3A_186 : memref<2x32x512xf32, #tpu.memory_space<hbm>>) target_semaphore(%arg7 : memref<!tpu.dma_semaphore, #tpu.memory_space<semaphore_mem>>)
    %dma_wait3A_187 = arith.constant 0 : i32
    %dma_wait3A_188 = arith.constant 0 : i32
    %dma_wait3A_189 = tpu.memref_slice %arg3[%multiple_of3A, %dma_wait3A_187, %dma_wait3A_188] : memref<2048x32x512xf32, #tpu.memory_space<hbm>> -> memref<2x32x512xf32, #tpu.memory_space<hbm>>
    %dma_wait3A_190 = arith.constant 0 : i32
    %dma_wait3A_191 = arith.constant 0 : i32
    %dma_wait3A_192 = tpu.memref_slice %arg3[%multiple_of3A, %dma_wait3A_190, %dma_wait3A_191] : memref<2048x32x512xf32, #tpu.memory_space<hbm>> -> memref<2x32x512xf32, #tpu.memory_space<hbm>>
    tpu.wait_dma2 semaphore(%arg7 : memref<!tpu.dma_semaphore, #tpu.memory_space<semaphore_mem>>) src(%arg5 : memref<2x32x512xf32, #tpu.memory_space<vmem>>) dst(%dma_wait3A_192 : memref<2x32x512xf32, #tpu.memory_space<hbm>>)
    %scan3A_193 = arith.constant 0 : i32
    %scan3A_194 = arith.constant 0 : i32
    %scan3A_195 = arith.constant 64 : i32
    %scan3A_196 = arith.addi %scan3A_194, %scan3A_195 : i32
    %scan3A_197 = arith.constant 1 : i32
    scf.for %scan3A_703 = %scan3A_194 to %scan3A_196 step %scan3A_197  : i32 {
      %jit3A = arith.constant 32 : i32
      %div3A = arith.divsi %scan3A_703, %jit3A : i32
      %sign3A = arith.constant 0 : i32
      %sign3A_704 = arith.cmpi sgt, %scan3A_703, %sign3A : i32
      %sign3A_705 = arith.extui %sign3A_704 : i1 to i32
      %sign3A_706 = arith.constant 0 : i32
      %sign3A_707 = arith.cmpi slt, %scan3A_703, %sign3A_706 : i32
      %sign3A_708 = arith.extui %sign3A_707 : i1 to i32
      %sign3A_709 = arith.subi %sign3A_705, %sign3A_708 : i32
      %sign3A_710 = arith.constant 0 : i32
      %sign3A_711 = arith.cmpi sgt, %jit3A, %sign3A_710 : i32
      %sign3A_712 = arith.extui %sign3A_711 : i1 to i32
      %sign3A_713 = arith.constant 0 : i32
      %sign3A_714 = arith.cmpi slt, %jit3A, %sign3A_713 : i32
      %sign3A_715 = arith.extui %sign3A_714 : i1 to i32
      %sign3A_716 = arith.subi %sign3A_712, %sign3A_715 : i32
      %ne3A = arith.cmpi ne, %sign3A_709, %sign3A_716 : i32
      %rem3A = arith.remsi %scan3A_703, %jit3A : i32
      %ne3A_717 = arith.constant 0 : i32
      %ne3A_718 = arith.cmpi ne, %rem3A, %ne3A_717 : i32
      %and3A = arith.andi %ne3A, %ne3A_718 : i1
      %sub3A = arith.constant 1 : i32
      %sub3A_719 = arith.subi %div3A, %sub3A : i32
      %select_n3A = arith.select %and3A, %sub3A_719, %div3A : i32
      %jit3A_720 = arith.constant 32 : i32
      %eq3A = arith.constant 0 : i32
      %eq3A_721 = arith.cmpi eq, %jit3A_720, %eq3A : i32
      %jit3A_722 = arith.constant 1 : i32
      %select_n3A_723 = arith.select %eq3A_721, %jit3A_722, %jit3A_720 : i32
      %rem3A_724 = arith.remsi %scan3A_703, %select_n3A_723 : i32
      %ne3A_725 = arith.constant 0 : i32
      %ne3A_726 = arith.cmpi ne, %rem3A_724, %ne3A_725 : i32
      %lt3A = arith.constant 0 : i32
      %lt3A_727 = arith.cmpi slt, %rem3A_724, %lt3A : i32
      %lt3A_728 = arith.constant 0 : i32
      %lt3A_729 = arith.cmpi slt, %select_n3A_723, %lt3A_728 : i32
      %ne3A_730 = arith.xori %lt3A_727, %lt3A_729 : i1
      %and3A_731 = arith.andi %ne3A_730, %ne3A_726 : i1
      %add3A_732 = arith.addi %rem3A_724, %select_n3A_723 : i32
      %select_n3A_733 = arith.select %and3A_731, %add3A_732, %rem3A_724 : i32
      %mul3A_734 = arith.constant 16 : i32
      %mul3A_735 = arith.muli %select_n3A_733, %mul3A_734 : i32
      %add3A_736 = arith.constant 12 : i32
      %add3A_737 = arith.addi %add3A_736, %select_n3A : i32
      %get3A = arith.index_cast %add3A_737 : i32 to index
      %get3A_738 = arith.index_cast %mul3A_735 : i32 to index
      %get3A_739 = tpu.vector_load %arg4[%get3A, %get3A_738] {strides = array<i32>} : memref<64x512xi32, #tpu.memory_space<vmem>>, vector<16xi32>,
      %add3A_740 = arith.constant 16 : i32
      %add3A_741 = arith.addi %add3A_740, %select_n3A : i32
      %get3A_742 = arith.index_cast %add3A_741 : i32 to index
      %get3A_743 = arith.index_cast %mul3A_735 : i32 to index
      %get3A_744 = tpu.vector_load %arg4[%get3A_742, %get3A_743] {strides = array<i32>} : memref<64x512xi32, #tpu.memory_space<vmem>>, vector<16xi32>,
      %broadcast_in_dim3A_745 = vector.broadcast %select_n3A : i32 to vector<16xi32>
      %add3A_746 = vector.broadcast %mul3A_735 : i32 to vector<16xi32>
      %add3A_747 = arith.addi %iota3A, %add3A_746 : vector<16xi32>
      tpu.vector_store_idx %arg5[%broadcast_in_dim3A_745, %get3A_739, %add3A_747], %broadcast_in_dim3A_8 : memref<2x32x512xf32, #tpu.memory_space<vmem>>[vector<16xi32>, vector<16xi32>, vector<16xi32>], vector<16xf32>,
      tpu.vector_store_idx %arg5[%broadcast_in_dim3A_745, %get3A_744, %add3A_747], %broadcast_in_dim3A_10 : memref<2x32x512xf32, #tpu.memory_space<vmem>>[vector<16xi32>, vector<16xi32>, vector<16xi32>], vector<16xf32>,
    }
    %scan3A_198 = arith.constant 64 : i32
    %add3A_199 = arith.constant 16 : i32
    %add3A_200 = arith.addi %multiple_of3A, %add3A_199 : i32
    %multiple_of3A_201 = tpu.assume_multiple %add3A_200, 2 : i32
    %dma_start3A_202 = arith.constant 0 : i32
    %dma_start3A_203 = arith.constant 0 : i32
    %dma_start3A_204 = tpu.memref_slice %arg3[%multiple_of3A_201, %dma_start3A_202, %dma_start3A_203] : memref<2048x32x512xf32, #tpu.memory_space<hbm>> -> memref<2x32x512xf32, #tpu.memory_space<hbm>>
    %dma_start3A_205 = arith.constant 0 : i32
    %dma_start3A_206 = arith.constant 0 : i32
    %dma_start3A_207 = tpu.memref_slice %arg3[%multiple_of3A_201, %dma_start3A_205, %dma_start3A_206] : memref<2048x32x512xf32, #tpu.memory_space<hbm>> -> memref<2x32x512xf32, #tpu.memory_space<hbm>>
    tpu.enqueue_dma source(%arg5 : memref<2x32x512xf32, #tpu.memory_space<vmem>>) target(%dma_start3A_207 : memref<2x32x512xf32, #tpu.memory_space<hbm>>) target_semaphore(%arg7 : memref<!tpu.dma_semaphore, #tpu.memory_space<semaphore_mem>>)
    %dma_wait3A_208 = arith.constant 0 : i32
    %dma_wait3A_209 = arith.constant 0 : i32
    %dma_wait3A_210 = tpu.memref_slice %arg3[%multiple_of3A, %dma_wait3A_208, %dma_wait3A_209] : memref<2048x32x512xf32, #tpu.memory_space<hbm>> -> memref<2x32x512xf32, #tpu.memory_space<hbm>>
    %dma_wait3A_211 = arith.constant 0 : i32
    %dma_wait3A_212 = arith.constant 0 : i32
    %dma_wait3A_213 = tpu.memref_slice %arg3[%multiple_of3A, %dma_wait3A_211, %dma_wait3A_212] : memref<2048x32x512xf32, #tpu.memory_space<hbm>> -> memref<2x32x512xf32, #tpu.memory_space<hbm>>
    tpu.wait_dma2 semaphore(%arg7 : memref<!tpu.dma_semaphore, #tpu.memory_space<semaphore_mem>>) src(%arg6 : memref<2x32x512xf32, #tpu.memory_space<vmem>>) dst(%dma_wait3A_213 : memref<2x32x512xf32, #tpu.memory_space<hbm>>)
    %scan3A_214 = arith.constant 0 : i32
    %scan3A_215 = arith.constant 0 : i32
    %scan3A_216 = arith.constant 64 : i32
    %scan3A_217 = arith.addi %scan3A_215, %scan3A_216 : i32
    %scan3A_218 = arith.constant 1 : i32
    scf.for %scan3A_703 = %scan3A_215 to %scan3A_217 step %scan3A_218  : i32 {
      %jit3A = arith.constant 32 : i32
      %div3A = arith.divsi %scan3A_703, %jit3A : i32
      %sign3A = arith.constant 0 : i32
      %sign3A_704 = arith.cmpi sgt, %scan3A_703, %sign3A : i32
      %sign3A_705 = arith.extui %sign3A_704 : i1 to i32
      %sign3A_706 = arith.constant 0 : i32
      %sign3A_707 = arith.cmpi slt, %scan3A_703, %sign3A_706 : i32
      %sign3A_708 = arith.extui %sign3A_707 : i1 to i32
      %sign3A_709 = arith.subi %sign3A_705, %sign3A_708 : i32
      %sign3A_710 = arith.constant 0 : i32
      %sign3A_711 = arith.cmpi sgt, %jit3A, %sign3A_710 : i32
      %sign3A_712 = arith.extui %sign3A_711 : i1 to i32
      %sign3A_713 = arith.constant 0 : i32
      %sign3A_714 = arith.cmpi slt, %jit3A, %sign3A_713 : i32
      %sign3A_715 = arith.extui %sign3A_714 : i1 to i32
      %sign3A_716 = arith.subi %sign3A_712, %sign3A_715 : i32
      %ne3A = arith.cmpi ne, %sign3A_709, %sign3A_716 : i32
      %rem3A = arith.remsi %scan3A_703, %jit3A : i32
      %ne3A_717 = arith.constant 0 : i32
      %ne3A_718 = arith.cmpi ne, %rem3A, %ne3A_717 : i32
      %and3A = arith.andi %ne3A, %ne3A_718 : i1
      %sub3A = arith.constant 1 : i32
      %sub3A_719 = arith.subi %div3A, %sub3A : i32
      %select_n3A = arith.select %and3A, %sub3A_719, %div3A : i32
      %jit3A_720 = arith.constant 32 : i32
      %eq3A = arith.constant 0 : i32
      %eq3A_721 = arith.cmpi eq, %jit3A_720, %eq3A : i32
      %jit3A_722 = arith.constant 1 : i32
      %select_n3A_723 = arith.select %eq3A_721, %jit3A_722, %jit3A_720 : i32
      %rem3A_724 = arith.remsi %scan3A_703, %select_n3A_723 : i32
      %ne3A_725 = arith.constant 0 : i32
      %ne3A_726 = arith.cmpi ne, %rem3A_724, %ne3A_725 : i32
      %lt3A = arith.constant 0 : i32
      %lt3A_727 = arith.cmpi slt, %rem3A_724, %lt3A : i32
      %lt3A_728 = arith.constant 0 : i32
      %lt3A_729 = arith.cmpi slt, %select_n3A_723, %lt3A_728 : i32
      %ne3A_730 = arith.xori %lt3A_727, %lt3A_729 : i1
      %and3A_731 = arith.andi %ne3A_730, %ne3A_726 : i1
      %add3A_732 = arith.addi %rem3A_724, %select_n3A_723 : i32
      %select_n3A_733 = arith.select %and3A_731, %add3A_732, %rem3A_724 : i32
      %mul3A_734 = arith.constant 16 : i32
      %mul3A_735 = arith.muli %select_n3A_733, %mul3A_734 : i32
      %add3A_736 = arith.constant 14 : i32
      %add3A_737 = arith.addi %add3A_736, %select_n3A : i32
      %get3A = arith.index_cast %add3A_737 : i32 to index
      %get3A_738 = arith.index_cast %mul3A_735 : i32 to index
      %get3A_739 = tpu.vector_load %arg4[%get3A, %get3A_738] {strides = array<i32>} : memref<64x512xi32, #tpu.memory_space<vmem>>, vector<16xi32>,
      %add3A_740 = arith.constant 18 : i32
      %add3A_741 = arith.addi %add3A_740, %select_n3A : i32
      %get3A_742 = arith.index_cast %add3A_741 : i32 to index
      %get3A_743 = arith.index_cast %mul3A_735 : i32 to index
      %get3A_744 = tpu.vector_load %arg4[%get3A_742, %get3A_743] {strides = array<i32>} : memref<64x512xi32, #tpu.memory_space<vmem>>, vector<16xi32>,
      %broadcast_in_dim3A_745 = vector.broadcast %select_n3A : i32 to vector<16xi32>
      %add3A_746 = vector.broadcast %mul3A_735 : i32 to vector<16xi32>
      %add3A_747 = arith.addi %iota3A, %add3A_746 : vector<16xi32>
      tpu.vector_store_idx %arg6[%broadcast_in_dim3A_745, %get3A_739, %add3A_747], %broadcast_in_dim3A_8 : memref<2x32x512xf32, #tpu.memory_space<vmem>>[vector<16xi32>, vector<16xi32>, vector<16xi32>], vector<16xf32>,
      tpu.vector_store_idx %arg6[%broadcast_in_dim3A_745, %get3A_744, %add3A_747], %broadcast_in_dim3A_10 : memref<2x32x512xf32, #tpu.memory_space<vmem>>[vector<16xi32>, vector<16xi32>, vector<16xi32>], vector<16xf32>,
    }
    %scan3A_219 = arith.constant 64 : i32
    %add3A_220 = arith.constant 18 : i32
    %add3A_221 = arith.addi %multiple_of3A, %add3A_220 : i32
    %multiple_of3A_222 = tpu.assume_multiple %add3A_221, 2 : i32
    %dma_start3A_223 = arith.constant 0 : i32
    %dma_start3A_224 = arith.constant 0 : i32
    %dma_start3A_225 = tpu.memref_slice %arg3[%multiple_of3A_222, %dma_start3A_223, %dma_start3A_224] : memref<2048x32x512xf32, #tpu.memory_space<hbm>> -> memref<2x32x512xf32, #tpu.memory_space<hbm>>
    %dma_start3A_226 = arith.constant 0 : i32
    %dma_start3A_227 = arith.constant 0 : i32
    %dma_start3A_228 = tpu.memref_slice %arg3[%multiple_of3A_222, %dma_start3A_226, %dma_start3A_227] : memref<2048x32x512xf32, #tpu.memory_space<hbm>> -> memref<2x32x512xf32, #tpu.memory_space<hbm>>
    tpu.enqueue_dma source(%arg6 : memref<2x32x512xf32, #tpu.memory_space<vmem>>) target(%dma_start3A_228 : memref<2x32x512xf32, #tpu.memory_space<hbm>>) target_semaphore(%arg7 : memref<!tpu.dma_semaphore, #tpu.memory_space<semaphore_mem>>)
    %dma_wait3A_229 = arith.constant 0 : i32
    %dma_wait3A_230 = arith.constant 0 : i32
    %dma_wait3A_231 = tpu.memref_slice %arg3[%multiple_of3A, %dma_wait3A_229, %dma_wait3A_230] : memref<2048x32x512xf32, #tpu.memory_space<hbm>> -> memref<2x32x512xf32, #tpu.memory_space<hbm>>
    %dma_wait3A_232 = arith.constant 0 : i32
    %dma_wait3A_233 = arith.constant 0 : i32
    %dma_wait3A_234 = tpu.memref_slice %arg3[%multiple_of3A, %dma_wait3A_232, %dma_wait3A_233] : memref<2048x32x512xf32, #tpu.memory_space<hbm>> -> memref<2x32x512xf32, #tpu.memory_space<hbm>>
    tpu.wait_dma2 semaphore(%arg7 : memref<!tpu.dma_semaphore, #tpu.memory_space<semaphore_mem>>) src(%arg5 : memref<2x32x512xf32, #tpu.memory_space<vmem>>) dst(%dma_wait3A_234 : memref<2x32x512xf32, #tpu.memory_space<hbm>>)
    %scan3A_235 = arith.constant 0 : i32
    %scan3A_236 = arith.constant 0 : i32
    %scan3A_237 = arith.constant 64 : i32
    %scan3A_238 = arith.addi %scan3A_236, %scan3A_237 : i32
    %scan3A_239 = arith.constant 1 : i32
    scf.for %scan3A_703 = %scan3A_236 to %scan3A_238 step %scan3A_239  : i32 {
      %jit3A = arith.constant 32 : i32
      %div3A = arith.divsi %scan3A_703, %jit3A : i32
      %sign3A = arith.constant 0 : i32
      %sign3A_704 = arith.cmpi sgt, %scan3A_703, %sign3A : i32
      %sign3A_705 = arith.extui %sign3A_704 : i1 to i32
      %sign3A_706 = arith.constant 0 : i32
      %sign3A_707 = arith.cmpi slt, %scan3A_703, %sign3A_706 : i32
      %sign3A_708 = arith.extui %sign3A_707 : i1 to i32
      %sign3A_709 = arith.subi %sign3A_705, %sign3A_708 : i32
      %sign3A_710 = arith.constant 0 : i32
      %sign3A_711 = arith.cmpi sgt, %jit3A, %sign3A_710 : i32
      %sign3A_712 = arith.extui %sign3A_711 : i1 to i32
      %sign3A_713 = arith.constant 0 : i32
      %sign3A_714 = arith.cmpi slt, %jit3A, %sign3A_713 : i32
      %sign3A_715 = arith.extui %sign3A_714 : i1 to i32
      %sign3A_716 = arith.subi %sign3A_712, %sign3A_715 : i32
      %ne3A = arith.cmpi ne, %sign3A_709, %sign3A_716 : i32
      %rem3A = arith.remsi %scan3A_703, %jit3A : i32
      %ne3A_717 = arith.constant 0 : i32
      %ne3A_718 = arith.cmpi ne, %rem3A, %ne3A_717 : i32
      %and3A = arith.andi %ne3A, %ne3A_718 : i1
      %sub3A = arith.constant 1 : i32
      %sub3A_719 = arith.subi %div3A, %sub3A : i32
      %select_n3A = arith.select %and3A, %sub3A_719, %div3A : i32
      %jit3A_720 = arith.constant 32 : i32
      %eq3A = arith.constant 0 : i32
      %eq3A_721 = arith.cmpi eq, %jit3A_720, %eq3A : i32
      %jit3A_722 = arith.constant 1 : i32
      %select_n3A_723 = arith.select %eq3A_721, %jit3A_722, %jit3A_720 : i32
      %rem3A_724 = arith.remsi %scan3A_703, %select_n3A_723 : i32
      %ne3A_725 = arith.constant 0 : i32
      %ne3A_726 = arith.cmpi ne, %rem3A_724, %ne3A_725 : i32
      %lt3A = arith.constant 0 : i32
      %lt3A_727 = arith.cmpi slt, %rem3A_724, %lt3A : i32
      %lt3A_728 = arith.constant 0 : i32
      %lt3A_729 = arith.cmpi slt, %select_n3A_723, %lt3A_728 : i32
      %ne3A_730 = arith.xori %lt3A_727, %lt3A_729 : i1
      %and3A_731 = arith.andi %ne3A_730, %ne3A_726 : i1
      %add3A_732 = arith.addi %rem3A_724, %select_n3A_723 : i32
      %select_n3A_733 = arith.select %and3A_731, %add3A_732, %rem3A_724 : i32
      %mul3A_734 = arith.constant 16 : i32
      %mul3A_735 = arith.muli %select_n3A_733, %mul3A_734 : i32
      %add3A_736 = arith.constant 16 : i32
      %add3A_737 = arith.addi %add3A_736, %select_n3A : i32
      %get3A = arith.index_cast %add3A_737 : i32 to index
      %get3A_738 = arith.index_cast %mul3A_735 : i32 to index
      %get3A_739 = tpu.vector_load %arg4[%get3A, %get3A_738] {strides = array<i32>} : memref<64x512xi32, #tpu.memory_space<vmem>>, vector<16xi32>,
      %add3A_740 = arith.constant 20 : i32
      %add3A_741 = arith.addi %add3A_740, %select_n3A : i32
      %get3A_742 = arith.index_cast %add3A_741 : i32 to index
      %get3A_743 = arith.index_cast %mul3A_735 : i32 to index
      %get3A_744 = tpu.vector_load %arg4[%get3A_742, %get3A_743] {strides = array<i32>} : memref<64x512xi32, #tpu.memory_space<vmem>>, vector<16xi32>,
      %broadcast_in_dim3A_745 = vector.broadcast %select_n3A : i32 to vector<16xi32>
      %add3A_746 = vector.broadcast %mul3A_735 : i32 to vector<16xi32>
      %add3A_747 = arith.addi %iota3A, %add3A_746 : vector<16xi32>
      tpu.vector_store_idx %arg5[%broadcast_in_dim3A_745, %get3A_739, %add3A_747], %broadcast_in_dim3A_8 : memref<2x32x512xf32, #tpu.memory_space<vmem>>[vector<16xi32>, vector<16xi32>, vector<16xi32>], vector<16xf32>,
      tpu.vector_store_idx %arg5[%broadcast_in_dim3A_745, %get3A_744, %add3A_747], %broadcast_in_dim3A_10 : memref<2x32x512xf32, #tpu.memory_space<vmem>>[vector<16xi32>, vector<16xi32>, vector<16xi32>], vector<16xf32>,
    }
    %scan3A_240 = arith.constant 64 : i32
    %add3A_241 = arith.constant 20 : i32
    %add3A_242 = arith.addi %multiple_of3A, %add3A_241 : i32
    %multiple_of3A_243 = tpu.assume_multiple %add3A_242, 2 : i32
    %dma_start3A_244 = arith.constant 0 : i32
    %dma_start3A_245 = arith.constant 0 : i32
    %dma_start3A_246 = tpu.memref_slice %arg3[%multiple_of3A_243, %dma_start3A_244, %dma_start3A_245] : memref<2048x32x512xf32, #tpu.memory_space<hbm>> -> memref<2x32x512xf32, #tpu.memory_space<hbm>>
    %dma_start3A_247 = arith.constant 0 : i32
    %dma_start3A_248 = arith.constant 0 : i32
    %dma_start3A_249 = tpu.memref_slice %arg3[%multiple_of3A_243, %dma_start3A_247, %dma_start3A_248] : memref<2048x32x512xf32, #tpu.memory_space<hbm>> -> memref<2x32x512xf32, #tpu.memory_space<hbm>>
    tpu.enqueue_dma source(%arg5 : memref<2x32x512xf32, #tpu.memory_space<vmem>>) target(%dma_start3A_249 : memref<2x32x512xf32, #tpu.memory_space<hbm>>) target_semaphore(%arg7 : memref<!tpu.dma_semaphore, #tpu.memory_space<semaphore_mem>>)
    %dma_wait3A_250 = arith.constant 0 : i32
    %dma_wait3A_251 = arith.constant 0 : i32
    %dma_wait3A_252 = tpu.memref_slice %arg3[%multiple_of3A, %dma_wait3A_250, %dma_wait3A_251] : memref<2048x32x512xf32, #tpu.memory_space<hbm>> -> memref<2x32x512xf32, #tpu.memory_space<hbm>>
    %dma_wait3A_253 = arith.constant 0 : i32
    %dma_wait3A_254 = arith.constant 0 : i32
    %dma_wait3A_255 = tpu.memref_slice %arg3[%multiple_of3A, %dma_wait3A_253, %dma_wait3A_254] : memref<2048x32x512xf32, #tpu.memory_space<hbm>> -> memref<2x32x512xf32, #tpu.memory_space<hbm>>
    tpu.wait_dma2 semaphore(%arg7 : memref<!tpu.dma_semaphore, #tpu.memory_space<semaphore_mem>>) src(%arg6 : memref<2x32x512xf32, #tpu.memory_space<vmem>>) dst(%dma_wait3A_255 : memref<2x32x512xf32, #tpu.memory_space<hbm>>)
    %scan3A_256 = arith.constant 0 : i32
    %scan3A_257 = arith.constant 0 : i32
    %scan3A_258 = arith.constant 64 : i32
    %scan3A_259 = arith.addi %scan3A_257, %scan3A_258 : i32
    %scan3A_260 = arith.constant 1 : i32
    scf.for %scan3A_703 = %scan3A_257 to %scan3A_259 step %scan3A_260  : i32 {
      %jit3A = arith.constant 32 : i32
      %div3A = arith.divsi %scan3A_703, %jit3A : i32
      %sign3A = arith.constant 0 : i32
      %sign3A_704 = arith.cmpi sgt, %scan3A_703, %sign3A : i32
      %sign3A_705 = arith.extui %sign3A_704 : i1 to i32
      %sign3A_706 = arith.constant 0 : i32
      %sign3A_707 = arith.cmpi slt, %scan3A_703, %sign3A_706 : i32
      %sign3A_708 = arith.extui %sign3A_707 : i1 to i32
      %sign3A_709 = arith.subi %sign3A_705, %sign3A_708 : i32
      %sign3A_710 = arith.constant 0 : i32
      %sign3A_711 = arith.cmpi sgt, %jit3A, %sign3A_710 : i32
      %sign3A_712 = arith.extui %sign3A_711 : i1 to i32
      %sign3A_713 = arith.constant 0 : i32
      %sign3A_714 = arith.cmpi slt, %jit3A, %sign3A_713 : i32
      %sign3A_715 = arith.extui %sign3A_714 : i1 to i32
      %sign3A_716 = arith.subi %sign3A_712, %sign3A_715 : i32
      %ne3A = arith.cmpi ne, %sign3A_709, %sign3A_716 : i32
      %rem3A = arith.remsi %scan3A_703, %jit3A : i32
      %ne3A_717 = arith.constant 0 : i32
      %ne3A_718 = arith.cmpi ne, %rem3A, %ne3A_717 : i32
      %and3A = arith.andi %ne3A, %ne3A_718 : i1
      %sub3A = arith.constant 1 : i32
      %sub3A_719 = arith.subi %div3A, %sub3A : i32
      %select_n3A = arith.select %and3A, %sub3A_719, %div3A : i32
      %jit3A_720 = arith.constant 32 : i32
      %eq3A = arith.constant 0 : i32
      %eq3A_721 = arith.cmpi eq, %jit3A_720, %eq3A : i32
      %jit3A_722 = arith.constant 1 : i32
      %select_n3A_723 = arith.select %eq3A_721, %jit3A_722, %jit3A_720 : i32
      %rem3A_724 = arith.remsi %scan3A_703, %select_n3A_723 : i32
      %ne3A_725 = arith.constant 0 : i32
      %ne3A_726 = arith.cmpi ne, %rem3A_724, %ne3A_725 : i32
      %lt3A = arith.constant 0 : i32
      %lt3A_727 = arith.cmpi slt, %rem3A_724, %lt3A : i32
      %lt3A_728 = arith.constant 0 : i32
      %lt3A_729 = arith.cmpi slt, %select_n3A_723, %lt3A_728 : i32
      %ne3A_730 = arith.xori %lt3A_727, %lt3A_729 : i1
      %and3A_731 = arith.andi %ne3A_730, %ne3A_726 : i1
      %add3A_732 = arith.addi %rem3A_724, %select_n3A_723 : i32
      %select_n3A_733 = arith.select %and3A_731, %add3A_732, %rem3A_724 : i32
      %mul3A_734 = arith.constant 16 : i32
      %mul3A_735 = arith.muli %select_n3A_733, %mul3A_734 : i32
      %add3A_736 = arith.constant 18 : i32
      %add3A_737 = arith.addi %add3A_736, %select_n3A : i32
      %get3A = arith.index_cast %add3A_737 : i32 to index
      %get3A_738 = arith.index_cast %mul3A_735 : i32 to index
      %get3A_739 = tpu.vector_load %arg4[%get3A, %get3A_738] {strides = array<i32>} : memref<64x512xi32, #tpu.memory_space<vmem>>, vector<16xi32>,
      %add3A_740 = arith.constant 22 : i32
      %add3A_741 = arith.addi %add3A_740, %select_n3A : i32
      %get3A_742 = arith.index_cast %add3A_741 : i32 to index
      %get3A_743 = arith.index_cast %mul3A_735 : i32 to index
      %get3A_744 = tpu.vector_load %arg4[%get3A_742, %get3A_743] {strides = array<i32>} : memref<64x512xi32, #tpu.memory_space<vmem>>, vector<16xi32>,
      %broadcast_in_dim3A_745 = vector.broadcast %select_n3A : i32 to vector<16xi32>
      %add3A_746 = vector.broadcast %mul3A_735 : i32 to vector<16xi32>
      %add3A_747 = arith.addi %iota3A, %add3A_746 : vector<16xi32>
      tpu.vector_store_idx %arg6[%broadcast_in_dim3A_745, %get3A_739, %add3A_747], %broadcast_in_dim3A_8 : memref<2x32x512xf32, #tpu.memory_space<vmem>>[vector<16xi32>, vector<16xi32>, vector<16xi32>], vector<16xf32>,
      tpu.vector_store_idx %arg6[%broadcast_in_dim3A_745, %get3A_744, %add3A_747], %broadcast_in_dim3A_10 : memref<2x32x512xf32, #tpu.memory_space<vmem>>[vector<16xi32>, vector<16xi32>, vector<16xi32>], vector<16xf32>,
    }
    %scan3A_261 = arith.constant 64 : i32
    %add3A_262 = arith.constant 22 : i32
    %add3A_263 = arith.addi %multiple_of3A, %add3A_262 : i32
    %multiple_of3A_264 = tpu.assume_multiple %add3A_263, 2 : i32
    %dma_start3A_265 = arith.constant 0 : i32
    %dma_start3A_266 = arith.constant 0 : i32
    %dma_start3A_267 = tpu.memref_slice %arg3[%multiple_of3A_264, %dma_start3A_265, %dma_start3A_266] : memref<2048x32x512xf32, #tpu.memory_space<hbm>> -> memref<2x32x512xf32, #tpu.memory_space<hbm>>
    %dma_start3A_268 = arith.constant 0 : i32
    %dma_start3A_269 = arith.constant 0 : i32
    %dma_start3A_270 = tpu.memref_slice %arg3[%multiple_of3A_264, %dma_start3A_268, %dma_start3A_269] : memref<2048x32x512xf32, #tpu.memory_space<hbm>> -> memref<2x32x512xf32, #tpu.memory_space<hbm>>
    tpu.enqueue_dma source(%arg6 : memref<2x32x512xf32, #tpu.memory_space<vmem>>) target(%dma_start3A_270 : memref<2x32x512xf32, #tpu.memory_space<hbm>>) target_semaphore(%arg7 : memref<!tpu.dma_semaphore, #tpu.memory_space<semaphore_mem>>)
    %dma_wait3A_271 = arith.constant 0 : i32
    %dma_wait3A_272 = arith.constant 0 : i32
    %dma_wait3A_273 = tpu.memref_slice %arg3[%multiple_of3A, %dma_wait3A_271, %dma_wait3A_272] : memref<2048x32x512xf32, #tpu.memory_space<hbm>> -> memref<2x32x512xf32, #tpu.memory_space<hbm>>
    %dma_wait3A_274 = arith.constant 0 : i32
    %dma_wait3A_275 = arith.constant 0 : i32
    %dma_wait3A_276 = tpu.memref_slice %arg3[%multiple_of3A, %dma_wait3A_274, %dma_wait3A_275] : memref<2048x32x512xf32, #tpu.memory_space<hbm>> -> memref<2x32x512xf32, #tpu.memory_space<hbm>>
    tpu.wait_dma2 semaphore(%arg7 : memref<!tpu.dma_semaphore, #tpu.memory_space<semaphore_mem>>) src(%arg5 : memref<2x32x512xf32, #tpu.memory_space<vmem>>) dst(%dma_wait3A_276 : memref<2x32x512xf32, #tpu.memory_space<hbm>>)
    %scan3A_277 = arith.constant 0 : i32
    %scan3A_278 = arith.constant 0 : i32
    %scan3A_279 = arith.constant 64 : i32
    %scan3A_280 = arith.addi %scan3A_278, %scan3A_279 : i32
    %scan3A_281 = arith.constant 1 : i32
    scf.for %scan3A_703 = %scan3A_278 to %scan3A_280 step %scan3A_281  : i32 {
      %jit3A = arith.constant 32 : i32
      %div3A = arith.divsi %scan3A_703, %jit3A : i32
      %sign3A = arith.constant 0 : i32
      %sign3A_704 = arith.cmpi sgt, %scan3A_703, %sign3A : i32
      %sign3A_705 = arith.extui %sign3A_704 : i1 to i32
      %sign3A_706 = arith.constant 0 : i32
      %sign3A_707 = arith.cmpi slt, %scan3A_703, %sign3A_706 : i32
      %sign3A_708 = arith.extui %sign3A_707 : i1 to i32
      %sign3A_709 = arith.subi %sign3A_705, %sign3A_708 : i32
      %sign3A_710 = arith.constant 0 : i32
      %sign3A_711 = arith.cmpi sgt, %jit3A, %sign3A_710 : i32
      %sign3A_712 = arith.extui %sign3A_711 : i1 to i32
      %sign3A_713 = arith.constant 0 : i32
      %sign3A_714 = arith.cmpi slt, %jit3A, %sign3A_713 : i32
      %sign3A_715 = arith.extui %sign3A_714 : i1 to i32
      %sign3A_716 = arith.subi %sign3A_712, %sign3A_715 : i32
      %ne3A = arith.cmpi ne, %sign3A_709, %sign3A_716 : i32
      %rem3A = arith.remsi %scan3A_703, %jit3A : i32
      %ne3A_717 = arith.constant 0 : i32
      %ne3A_718 = arith.cmpi ne, %rem3A, %ne3A_717 : i32
      %and3A = arith.andi %ne3A, %ne3A_718 : i1
      %sub3A = arith.constant 1 : i32
      %sub3A_719 = arith.subi %div3A, %sub3A : i32
      %select_n3A = arith.select %and3A, %sub3A_719, %div3A : i32
      %jit3A_720 = arith.constant 32 : i32
      %eq3A = arith.constant 0 : i32
      %eq3A_721 = arith.cmpi eq, %jit3A_720, %eq3A : i32
      %jit3A_722 = arith.constant 1 : i32
      %select_n3A_723 = arith.select %eq3A_721, %jit3A_722, %jit3A_720 : i32
      %rem3A_724 = arith.remsi %scan3A_703, %select_n3A_723 : i32
      %ne3A_725 = arith.constant 0 : i32
      %ne3A_726 = arith.cmpi ne, %rem3A_724, %ne3A_725 : i32
      %lt3A = arith.constant 0 : i32
      %lt3A_727 = arith.cmpi slt, %rem3A_724, %lt3A : i32
      %lt3A_728 = arith.constant 0 : i32
      %lt3A_729 = arith.cmpi slt, %select_n3A_723, %lt3A_728 : i32
      %ne3A_730 = arith.xori %lt3A_727, %lt3A_729 : i1
      %and3A_731 = arith.andi %ne3A_730, %ne3A_726 : i1
      %add3A_732 = arith.addi %rem3A_724, %select_n3A_723 : i32
      %select_n3A_733 = arith.select %and3A_731, %add3A_732, %rem3A_724 : i32
      %mul3A_734 = arith.constant 16 : i32
      %mul3A_735 = arith.muli %select_n3A_733, %mul3A_734 : i32
      %add3A_736 = arith.constant 20 : i32
      %add3A_737 = arith.addi %add3A_736, %select_n3A : i32
      %get3A = arith.index_cast %add3A_737 : i32 to index
      %get3A_738 = arith.index_cast %mul3A_735 : i32 to index
      %get3A_739 = tpu.vector_load %arg4[%get3A, %get3A_738] {strides = array<i32>} : memref<64x512xi32, #tpu.memory_space<vmem>>, vector<16xi32>,
      %add3A_740 = arith.constant 24 : i32
      %add3A_741 = arith.addi %add3A_740, %select_n3A : i32
      %get3A_742 = arith.index_cast %add3A_741 : i32 to index
      %get3A_743 = arith.index_cast %mul3A_735 : i32 to index
      %get3A_744 = tpu.vector_load %arg4[%get3A_742, %get3A_743] {strides = array<i32>} : memref<64x512xi32, #tpu.memory_space<vmem>>, vector<16xi32>,
      %broadcast_in_dim3A_745 = vector.broadcast %select_n3A : i32 to vector<16xi32>
      %add3A_746 = vector.broadcast %mul3A_735 : i32 to vector<16xi32>
      %add3A_747 = arith.addi %iota3A, %add3A_746 : vector<16xi32>
      tpu.vector_store_idx %arg5[%broadcast_in_dim3A_745, %get3A_739, %add3A_747], %broadcast_in_dim3A_8 : memref<2x32x512xf32, #tpu.memory_space<vmem>>[vector<16xi32>, vector<16xi32>, vector<16xi32>], vector<16xf32>,
      tpu.vector_store_idx %arg5[%broadcast_in_dim3A_745, %get3A_744, %add3A_747], %broadcast_in_dim3A_10 : memref<2x32x512xf32, #tpu.memory_space<vmem>>[vector<16xi32>, vector<16xi32>, vector<16xi32>], vector<16xf32>,
    }
    %scan3A_282 = arith.constant 64 : i32
    %add3A_283 = arith.constant 24 : i32
    %add3A_284 = arith.addi %multiple_of3A, %add3A_283 : i32
    %multiple_of3A_285 = tpu.assume_multiple %add3A_284, 2 : i32
    %dma_start3A_286 = arith.constant 0 : i32
    %dma_start3A_287 = arith.constant 0 : i32
    %dma_start3A_288 = tpu.memref_slice %arg3[%multiple_of3A_285, %dma_start3A_286, %dma_start3A_287] : memref<2048x32x512xf32, #tpu.memory_space<hbm>> -> memref<2x32x512xf32, #tpu.memory_space<hbm>>
    %dma_start3A_289 = arith.constant 0 : i32
    %dma_start3A_290 = arith.constant 0 : i32
    %dma_start3A_291 = tpu.memref_slice %arg3[%multiple_of3A_285, %dma_start3A_289, %dma_start3A_290] : memref<2048x32x512xf32, #tpu.memory_space<hbm>> -> memref<2x32x512xf32, #tpu.memory_space<hbm>>
    tpu.enqueue_dma source(%arg5 : memref<2x32x512xf32, #tpu.memory_space<vmem>>) target(%dma_start3A_291 : memref<2x32x512xf32, #tpu.memory_space<hbm>>) target_semaphore(%arg7 : memref<!tpu.dma_semaphore, #tpu.memory_space<semaphore_mem>>)
    %dma_wait3A_292 = arith.constant 0 : i32
    %dma_wait3A_293 = arith.constant 0 : i32
    %dma_wait3A_294 = tpu.memref_slice %arg3[%multiple_of3A, %dma_wait3A_292, %dma_wait3A_293] : memref<2048x32x512xf32, #tpu.memory_space<hbm>> -> memref<2x32x512xf32, #tpu.memory_space<hbm>>
    %dma_wait3A_295 = arith.constant 0 : i32
    %dma_wait3A_296 = arith.constant 0 : i32
    %dma_wait3A_297 = tpu.memref_slice %arg3[%multiple_of3A, %dma_wait3A_295, %dma_wait3A_296] : memref<2048x32x512xf32, #tpu.memory_space<hbm>> -> memref<2x32x512xf32, #tpu.memory_space<hbm>>
    tpu.wait_dma2 semaphore(%arg7 : memref<!tpu.dma_semaphore, #tpu.memory_space<semaphore_mem>>) src(%arg6 : memref<2x32x512xf32, #tpu.memory_space<vmem>>) dst(%dma_wait3A_297 : memref<2x32x512xf32, #tpu.memory_space<hbm>>)
    %scan3A_298 = arith.constant 0 : i32
    %scan3A_299 = arith.constant 0 : i32
    %scan3A_300 = arith.constant 64 : i32
    %scan3A_301 = arith.addi %scan3A_299, %scan3A_300 : i32
    %scan3A_302 = arith.constant 1 : i32
    scf.for %scan3A_703 = %scan3A_299 to %scan3A_301 step %scan3A_302  : i32 {
      %jit3A = arith.constant 32 : i32
      %div3A = arith.divsi %scan3A_703, %jit3A : i32
      %sign3A = arith.constant 0 : i32
      %sign3A_704 = arith.cmpi sgt, %scan3A_703, %sign3A : i32
      %sign3A_705 = arith.extui %sign3A_704 : i1 to i32
      %sign3A_706 = arith.constant 0 : i32
      %sign3A_707 = arith.cmpi slt, %scan3A_703, %sign3A_706 : i32
      %sign3A_708 = arith.extui %sign3A_707 : i1 to i32
      %sign3A_709 = arith.subi %sign3A_705, %sign3A_708 : i32
      %sign3A_710 = arith.constant 0 : i32
      %sign3A_711 = arith.cmpi sgt, %jit3A, %sign3A_710 : i32
      %sign3A_712 = arith.extui %sign3A_711 : i1 to i32
      %sign3A_713 = arith.constant 0 : i32
      %sign3A_714 = arith.cmpi slt, %jit3A, %sign3A_713 : i32
      %sign3A_715 = arith.extui %sign3A_714 : i1 to i32
      %sign3A_716 = arith.subi %sign3A_712, %sign3A_715 : i32
      %ne3A = arith.cmpi ne, %sign3A_709, %sign3A_716 : i32
      %rem3A = arith.remsi %scan3A_703, %jit3A : i32
      %ne3A_717 = arith.constant 0 : i32
      %ne3A_718 = arith.cmpi ne, %rem3A, %ne3A_717 : i32
      %and3A = arith.andi %ne3A, %ne3A_718 : i1
      %sub3A = arith.constant 1 : i32
      %sub3A_719 = arith.subi %div3A, %sub3A : i32
      %select_n3A = arith.select %and3A, %sub3A_719, %div3A : i32
      %jit3A_720 = arith.constant 32 : i32
      %eq3A = arith.constant 0 : i32
      %eq3A_721 = arith.cmpi eq, %jit3A_720, %eq3A : i32
      %jit3A_722 = arith.constant 1 : i32
      %select_n3A_723 = arith.select %eq3A_721, %jit3A_722, %jit3A_720 : i32
      %rem3A_724 = arith.remsi %scan3A_703, %select_n3A_723 : i32
      %ne3A_725 = arith.constant 0 : i32
      %ne3A_726 = arith.cmpi ne, %rem3A_724, %ne3A_725 : i32
      %lt3A = arith.constant 0 : i32
      %lt3A_727 = arith.cmpi slt, %rem3A_724, %lt3A : i32
      %lt3A_728 = arith.constant 0 : i32
      %lt3A_729 = arith.cmpi slt, %select_n3A_723, %lt3A_728 : i32
      %ne3A_730 = arith.xori %lt3A_727, %lt3A_729 : i1
      %and3A_731 = arith.andi %ne3A_730, %ne3A_726 : i1
      %add3A_732 = arith.addi %rem3A_724, %select_n3A_723 : i32
      %select_n3A_733 = arith.select %and3A_731, %add3A_732, %rem3A_724 : i32
      %mul3A_734 = arith.constant 16 : i32
      %mul3A_735 = arith.muli %select_n3A_733, %mul3A_734 : i32
      %add3A_736 = arith.constant 22 : i32
      %add3A_737 = arith.addi %add3A_736, %select_n3A : i32
      %get3A = arith.index_cast %add3A_737 : i32 to index
      %get3A_738 = arith.index_cast %mul3A_735 : i32 to index
      %get3A_739 = tpu.vector_load %arg4[%get3A, %get3A_738] {strides = array<i32>} : memref<64x512xi32, #tpu.memory_space<vmem>>, vector<16xi32>,
      %add3A_740 = arith.constant 26 : i32
      %add3A_741 = arith.addi %add3A_740, %select_n3A : i32
      %get3A_742 = arith.index_cast %add3A_741 : i32 to index
      %get3A_743 = arith.index_cast %mul3A_735 : i32 to index
      %get3A_744 = tpu.vector_load %arg4[%get3A_742, %get3A_743] {strides = array<i32>} : memref<64x512xi32, #tpu.memory_space<vmem>>, vector<16xi32>,
      %broadcast_in_dim3A_745 = vector.broadcast %select_n3A : i32 to vector<16xi32>
      %add3A_746 = vector.broadcast %mul3A_735 : i32 to vector<16xi32>
      %add3A_747 = arith.addi %iota3A, %add3A_746 : vector<16xi32>
      tpu.vector_store_idx %arg6[%broadcast_in_dim3A_745, %get3A_739, %add3A_747], %broadcast_in_dim3A_8 : memref<2x32x512xf32, #tpu.memory_space<vmem>>[vector<16xi32>, vector<16xi32>, vector<16xi32>], vector<16xf32>,
      tpu.vector_store_idx %arg6[%broadcast_in_dim3A_745, %get3A_744, %add3A_747], %broadcast_in_dim3A_10 : memref<2x32x512xf32, #tpu.memory_space<vmem>>[vector<16xi32>, vector<16xi32>, vector<16xi32>], vector<16xf32>,
    }
    %scan3A_303 = arith.constant 64 : i32
    %add3A_304 = arith.constant 26 : i32
    %add3A_305 = arith.addi %multiple_of3A, %add3A_304 : i32
    %multiple_of3A_306 = tpu.assume_multiple %add3A_305, 2 : i32
    %dma_start3A_307 = arith.constant 0 : i32
    %dma_start3A_308 = arith.constant 0 : i32
    %dma_start3A_309 = tpu.memref_slice %arg3[%multiple_of3A_306, %dma_start3A_307, %dma_start3A_308] : memref<2048x32x512xf32, #tpu.memory_space<hbm>> -> memref<2x32x512xf32, #tpu.memory_space<hbm>>
    %dma_start3A_310 = arith.constant 0 : i32
    %dma_start3A_311 = arith.constant 0 : i32
    %dma_start3A_312 = tpu.memref_slice %arg3[%multiple_of3A_306, %dma_start3A_310, %dma_start3A_311] : memref<2048x32x512xf32, #tpu.memory_space<hbm>> -> memref<2x32x512xf32, #tpu.memory_space<hbm>>
    tpu.enqueue_dma source(%arg6 : memref<2x32x512xf32, #tpu.memory_space<vmem>>) target(%dma_start3A_312 : memref<2x32x512xf32, #tpu.memory_space<hbm>>) target_semaphore(%arg7 : memref<!tpu.dma_semaphore, #tpu.memory_space<semaphore_mem>>)
    %dma_wait3A_313 = arith.constant 0 : i32
    %dma_wait3A_314 = arith.constant 0 : i32
    %dma_wait3A_315 = tpu.memref_slice %arg3[%multiple_of3A, %dma_wait3A_313, %dma_wait3A_314] : memref<2048x32x512xf32, #tpu.memory_space<hbm>> -> memref<2x32x512xf32, #tpu.memory_space<hbm>>
    %dma_wait3A_316 = arith.constant 0 : i32
    %dma_wait3A_317 = arith.constant 0 : i32
    %dma_wait3A_318 = tpu.memref_slice %arg3[%multiple_of3A, %dma_wait3A_316, %dma_wait3A_317] : memref<2048x32x512xf32, #tpu.memory_space<hbm>> -> memref<2x32x512xf32, #tpu.memory_space<hbm>>
    tpu.wait_dma2 semaphore(%arg7 : memref<!tpu.dma_semaphore, #tpu.memory_space<semaphore_mem>>) src(%arg5 : memref<2x32x512xf32, #tpu.memory_space<vmem>>) dst(%dma_wait3A_318 : memref<2x32x512xf32, #tpu.memory_space<hbm>>)
    %scan3A_319 = arith.constant 0 : i32
    %scan3A_320 = arith.constant 0 : i32
    %scan3A_321 = arith.constant 64 : i32
    %scan3A_322 = arith.addi %scan3A_320, %scan3A_321 : i32
    %scan3A_323 = arith.constant 1 : i32
    scf.for %scan3A_703 = %scan3A_320 to %scan3A_322 step %scan3A_323  : i32 {
      %jit3A = arith.constant 32 : i32
      %div3A = arith.divsi %scan3A_703, %jit3A : i32
      %sign3A = arith.constant 0 : i32
      %sign3A_704 = arith.cmpi sgt, %scan3A_703, %sign3A : i32
      %sign3A_705 = arith.extui %sign3A_704 : i1 to i32
      %sign3A_706 = arith.constant 0 : i32
      %sign3A_707 = arith.cmpi slt, %scan3A_703, %sign3A_706 : i32
      %sign3A_708 = arith.extui %sign3A_707 : i1 to i32
      %sign3A_709 = arith.subi %sign3A_705, %sign3A_708 : i32
      %sign3A_710 = arith.constant 0 : i32
      %sign3A_711 = arith.cmpi sgt, %jit3A, %sign3A_710 : i32
      %sign3A_712 = arith.extui %sign3A_711 : i1 to i32
      %sign3A_713 = arith.constant 0 : i32
      %sign3A_714 = arith.cmpi slt, %jit3A, %sign3A_713 : i32
      %sign3A_715 = arith.extui %sign3A_714 : i1 to i32
      %sign3A_716 = arith.subi %sign3A_712, %sign3A_715 : i32
      %ne3A = arith.cmpi ne, %sign3A_709, %sign3A_716 : i32
      %rem3A = arith.remsi %scan3A_703, %jit3A : i32
      %ne3A_717 = arith.constant 0 : i32
      %ne3A_718 = arith.cmpi ne, %rem3A, %ne3A_717 : i32
      %and3A = arith.andi %ne3A, %ne3A_718 : i1
      %sub3A = arith.constant 1 : i32
      %sub3A_719 = arith.subi %div3A, %sub3A : i32
      %select_n3A = arith.select %and3A, %sub3A_719, %div3A : i32
      %jit3A_720 = arith.constant 32 : i32
      %eq3A = arith.constant 0 : i32
      %eq3A_721 = arith.cmpi eq, %jit3A_720, %eq3A : i32
      %jit3A_722 = arith.constant 1 : i32
      %select_n3A_723 = arith.select %eq3A_721, %jit3A_722, %jit3A_720 : i32
      %rem3A_724 = arith.remsi %scan3A_703, %select_n3A_723 : i32
      %ne3A_725 = arith.constant 0 : i32
      %ne3A_726 = arith.cmpi ne, %rem3A_724, %ne3A_725 : i32
      %lt3A = arith.constant 0 : i32
      %lt3A_727 = arith.cmpi slt, %rem3A_724, %lt3A : i32
      %lt3A_728 = arith.constant 0 : i32
      %lt3A_729 = arith.cmpi slt, %select_n3A_723, %lt3A_728 : i32
      %ne3A_730 = arith.xori %lt3A_727, %lt3A_729 : i1
      %and3A_731 = arith.andi %ne3A_730, %ne3A_726 : i1
      %add3A_732 = arith.addi %rem3A_724, %select_n3A_723 : i32
      %select_n3A_733 = arith.select %and3A_731, %add3A_732, %rem3A_724 : i32
      %mul3A_734 = arith.constant 16 : i32
      %mul3A_735 = arith.muli %select_n3A_733, %mul3A_734 : i32
      %add3A_736 = arith.constant 24 : i32
      %add3A_737 = arith.addi %add3A_736, %select_n3A : i32
      %get3A = arith.index_cast %add3A_737 : i32 to index
      %get3A_738 = arith.index_cast %mul3A_735 : i32 to index
      %get3A_739 = tpu.vector_load %arg4[%get3A, %get3A_738] {strides = array<i32>} : memref<64x512xi32, #tpu.memory_space<vmem>>, vector<16xi32>,
      %add3A_740 = arith.constant 28 : i32
      %add3A_741 = arith.addi %add3A_740, %select_n3A : i32
      %get3A_742 = arith.index_cast %add3A_741 : i32 to index
      %get3A_743 = arith.index_cast %mul3A_735 : i32 to index
      %get3A_744 = tpu.vector_load %arg4[%get3A_742, %get3A_743] {strides = array<i32>} : memref<64x512xi32, #tpu.memory_space<vmem>>, vector<16xi32>,
      %broadcast_in_dim3A_745 = vector.broadcast %select_n3A : i32 to vector<16xi32>
      %add3A_746 = vector.broadcast %mul3A_735 : i32 to vector<16xi32>
      %add3A_747 = arith.addi %iota3A, %add3A_746 : vector<16xi32>
      tpu.vector_store_idx %arg5[%broadcast_in_dim3A_745, %get3A_739, %add3A_747], %broadcast_in_dim3A_8 : memref<2x32x512xf32, #tpu.memory_space<vmem>>[vector<16xi32>, vector<16xi32>, vector<16xi32>], vector<16xf32>,
      tpu.vector_store_idx %arg5[%broadcast_in_dim3A_745, %get3A_744, %add3A_747], %broadcast_in_dim3A_10 : memref<2x32x512xf32, #tpu.memory_space<vmem>>[vector<16xi32>, vector<16xi32>, vector<16xi32>], vector<16xf32>,
    }
    %scan3A_324 = arith.constant 64 : i32
    %add3A_325 = arith.constant 28 : i32
    %add3A_326 = arith.addi %multiple_of3A, %add3A_325 : i32
    %multiple_of3A_327 = tpu.assume_multiple %add3A_326, 2 : i32
    %dma_start3A_328 = arith.constant 0 : i32
    %dma_start3A_329 = arith.constant 0 : i32
    %dma_start3A_330 = tpu.memref_slice %arg3[%multiple_of3A_327, %dma_start3A_328, %dma_start3A_329] : memref<2048x32x512xf32, #tpu.memory_space<hbm>> -> memref<2x32x512xf32, #tpu.memory_space<hbm>>
    %dma_start3A_331 = arith.constant 0 : i32
    %dma_start3A_332 = arith.constant 0 : i32
    %dma_start3A_333 = tpu.memref_slice %arg3[%multiple_of3A_327, %dma_start3A_331, %dma_start3A_332] : memref<2048x32x512xf32, #tpu.memory_space<hbm>> -> memref<2x32x512xf32, #tpu.memory_space<hbm>>
    tpu.enqueue_dma source(%arg5 : memref<2x32x512xf32, #tpu.memory_space<vmem>>) target(%dma_start3A_333 : memref<2x32x512xf32, #tpu.memory_space<hbm>>) target_semaphore(%arg7 : memref<!tpu.dma_semaphore, #tpu.memory_space<semaphore_mem>>)
    %dma_wait3A_334 = arith.constant 0 : i32
    %dma_wait3A_335 = arith.constant 0 : i32
    %dma_wait3A_336 = tpu.memref_slice %arg3[%multiple_of3A, %dma_wait3A_334, %dma_wait3A_335] : memref<2048x32x512xf32, #tpu.memory_space<hbm>> -> memref<2x32x512xf32, #tpu.memory_space<hbm>>
    %dma_wait3A_337 = arith.constant 0 : i32
    %dma_wait3A_338 = arith.constant 0 : i32
    %dma_wait3A_339 = tpu.memref_slice %arg3[%multiple_of3A, %dma_wait3A_337, %dma_wait3A_338] : memref<2048x32x512xf32, #tpu.memory_space<hbm>> -> memref<2x32x512xf32, #tpu.memory_space<hbm>>
    tpu.wait_dma2 semaphore(%arg7 : memref<!tpu.dma_semaphore, #tpu.memory_space<semaphore_mem>>) src(%arg6 : memref<2x32x512xf32, #tpu.memory_space<vmem>>) dst(%dma_wait3A_339 : memref<2x32x512xf32, #tpu.memory_space<hbm>>)
    %scan3A_340 = arith.constant 0 : i32
    %scan3A_341 = arith.constant 0 : i32
    %scan3A_342 = arith.constant 64 : i32
    %scan3A_343 = arith.addi %scan3A_341, %scan3A_342 : i32
    %scan3A_344 = arith.constant 1 : i32
    scf.for %scan3A_703 = %scan3A_341 to %scan3A_343 step %scan3A_344  : i32 {
      %jit3A = arith.constant 32 : i32
      %div3A = arith.divsi %scan3A_703, %jit3A : i32
      %sign3A = arith.constant 0 : i32
      %sign3A_704 = arith.cmpi sgt, %scan3A_703, %sign3A : i32
      %sign3A_705 = arith.extui %sign3A_704 : i1 to i32
      %sign3A_706 = arith.constant 0 : i32
      %sign3A_707 = arith.cmpi slt, %scan3A_703, %sign3A_706 : i32
      %sign3A_708 = arith.extui %sign3A_707 : i1 to i32
      %sign3A_709 = arith.subi %sign3A_705, %sign3A_708 : i32
      %sign3A_710 = arith.constant 0 : i32
      %sign3A_711 = arith.cmpi sgt, %jit3A, %sign3A_710 : i32
      %sign3A_712 = arith.extui %sign3A_711 : i1 to i32
      %sign3A_713 = arith.constant 0 : i32
      %sign3A_714 = arith.cmpi slt, %jit3A, %sign3A_713 : i32
      %sign3A_715 = arith.extui %sign3A_714 : i1 to i32
      %sign3A_716 = arith.subi %sign3A_712, %sign3A_715 : i32
      %ne3A = arith.cmpi ne, %sign3A_709, %sign3A_716 : i32
      %rem3A = arith.remsi %scan3A_703, %jit3A : i32
      %ne3A_717 = arith.constant 0 : i32
      %ne3A_718 = arith.cmpi ne, %rem3A, %ne3A_717 : i32
      %and3A = arith.andi %ne3A, %ne3A_718 : i1
      %sub3A = arith.constant 1 : i32
      %sub3A_719 = arith.subi %div3A, %sub3A : i32
      %select_n3A = arith.select %and3A, %sub3A_719, %div3A : i32
      %jit3A_720 = arith.constant 32 : i32
      %eq3A = arith.constant 0 : i32
      %eq3A_721 = arith.cmpi eq, %jit3A_720, %eq3A : i32
      %jit3A_722 = arith.constant 1 : i32
      %select_n3A_723 = arith.select %eq3A_721, %jit3A_722, %jit3A_720 : i32
      %rem3A_724 = arith.remsi %scan3A_703, %select_n3A_723 : i32
      %ne3A_725 = arith.constant 0 : i32
      %ne3A_726 = arith.cmpi ne, %rem3A_724, %ne3A_725 : i32
      %lt3A = arith.constant 0 : i32
      %lt3A_727 = arith.cmpi slt, %rem3A_724, %lt3A : i32
      %lt3A_728 = arith.constant 0 : i32
      %lt3A_729 = arith.cmpi slt, %select_n3A_723, %lt3A_728 : i32
      %ne3A_730 = arith.xori %lt3A_727, %lt3A_729 : i1
      %and3A_731 = arith.andi %ne3A_730, %ne3A_726 : i1
      %add3A_732 = arith.addi %rem3A_724, %select_n3A_723 : i32
      %select_n3A_733 = arith.select %and3A_731, %add3A_732, %rem3A_724 : i32
      %mul3A_734 = arith.constant 16 : i32
      %mul3A_735 = arith.muli %select_n3A_733, %mul3A_734 : i32
      %add3A_736 = arith.constant 26 : i32
      %add3A_737 = arith.addi %add3A_736, %select_n3A : i32
      %get3A = arith.index_cast %add3A_737 : i32 to index
      %get3A_738 = arith.index_cast %mul3A_735 : i32 to index
      %get3A_739 = tpu.vector_load %arg4[%get3A, %get3A_738] {strides = array<i32>} : memref<64x512xi32, #tpu.memory_space<vmem>>, vector<16xi32>,
      %add3A_740 = arith.constant 30 : i32
      %add3A_741 = arith.addi %add3A_740, %select_n3A : i32
      %get3A_742 = arith.index_cast %add3A_741 : i32 to index
      %get3A_743 = arith.index_cast %mul3A_735 : i32 to index
      %get3A_744 = tpu.vector_load %arg4[%get3A_742, %get3A_743] {strides = array<i32>} : memref<64x512xi32, #tpu.memory_space<vmem>>, vector<16xi32>,
      %broadcast_in_dim3A_745 = vector.broadcast %select_n3A : i32 to vector<16xi32>
      %add3A_746 = vector.broadcast %mul3A_735 : i32 to vector<16xi32>
      %add3A_747 = arith.addi %iota3A, %add3A_746 : vector<16xi32>
      tpu.vector_store_idx %arg6[%broadcast_in_dim3A_745, %get3A_739, %add3A_747], %broadcast_in_dim3A_8 : memref<2x32x512xf32, #tpu.memory_space<vmem>>[vector<16xi32>, vector<16xi32>, vector<16xi32>], vector<16xf32>,
      tpu.vector_store_idx %arg6[%broadcast_in_dim3A_745, %get3A_744, %add3A_747], %broadcast_in_dim3A_10 : memref<2x32x512xf32, #tpu.memory_space<vmem>>[vector<16xi32>, vector<16xi32>, vector<16xi32>], vector<16xf32>,
    }
    %scan3A_345 = arith.constant 64 : i32
    %add3A_346 = arith.constant 30 : i32
    %add3A_347 = arith.addi %multiple_of3A, %add3A_346 : i32
    %multiple_of3A_348 = tpu.assume_multiple %add3A_347, 2 : i32
    %dma_start3A_349 = arith.constant 0 : i32
    %dma_start3A_350 = arith.constant 0 : i32
    %dma_start3A_351 = tpu.memref_slice %arg3[%multiple_of3A_348, %dma_start3A_349, %dma_start3A_350] : memref<2048x32x512xf32, #tpu.memory_space<hbm>> -> memref<2x32x512xf32, #tpu.memory_space<hbm>>
    %dma_start3A_352 = arith.constant 0 : i32
    %dma_start3A_353 = arith.constant 0 : i32
    %dma_start3A_354 = tpu.memref_slice %arg3[%multiple_of3A_348, %dma_start3A_352, %dma_start3A_353] : memref<2048x32x512xf32, #tpu.memory_space<hbm>> -> memref<2x32x512xf32, #tpu.memory_space<hbm>>
    tpu.enqueue_dma source(%arg6 : memref<2x32x512xf32, #tpu.memory_space<vmem>>) target(%dma_start3A_354 : memref<2x32x512xf32, #tpu.memory_space<hbm>>) target_semaphore(%arg7 : memref<!tpu.dma_semaphore, #tpu.memory_space<semaphore_mem>>)
    %dma_wait3A_355 = arith.constant 0 : i32
    %dma_wait3A_356 = arith.constant 0 : i32
    %dma_wait3A_357 = tpu.memref_slice %arg3[%multiple_of3A, %dma_wait3A_355, %dma_wait3A_356] : memref<2048x32x512xf32, #tpu.memory_space<hbm>> -> memref<2x32x512xf32, #tpu.memory_space<hbm>>
    %dma_wait3A_358 = arith.constant 0 : i32
    %dma_wait3A_359 = arith.constant 0 : i32
    %dma_wait3A_360 = tpu.memref_slice %arg3[%multiple_of3A, %dma_wait3A_358, %dma_wait3A_359] : memref<2048x32x512xf32, #tpu.memory_space<hbm>> -> memref<2x32x512xf32, #tpu.memory_space<hbm>>
    tpu.wait_dma2 semaphore(%arg7 : memref<!tpu.dma_semaphore, #tpu.memory_space<semaphore_mem>>) src(%arg5 : memref<2x32x512xf32, #tpu.memory_space<vmem>>) dst(%dma_wait3A_360 : memref<2x32x512xf32, #tpu.memory_space<hbm>>)
    %scan3A_361 = arith.constant 0 : i32
    %scan3A_362 = arith.constant 0 : i32
    %scan3A_363 = arith.constant 64 : i32
    %scan3A_364 = arith.addi %scan3A_362, %scan3A_363 : i32
    %scan3A_365 = arith.constant 1 : i32
    scf.for %scan3A_703 = %scan3A_362 to %scan3A_364 step %scan3A_365  : i32 {
      %jit3A = arith.constant 32 : i32
      %div3A = arith.divsi %scan3A_703, %jit3A : i32
      %sign3A = arith.constant 0 : i32
      %sign3A_704 = arith.cmpi sgt, %scan3A_703, %sign3A : i32
      %sign3A_705 = arith.extui %sign3A_704 : i1 to i32
      %sign3A_706 = arith.constant 0 : i32
      %sign3A_707 = arith.cmpi slt, %scan3A_703, %sign3A_706 : i32
      %sign3A_708 = arith.extui %sign3A_707 : i1 to i32
      %sign3A_709 = arith.subi %sign3A_705, %sign3A_708 : i32
      %sign3A_710 = arith.constant 0 : i32
      %sign3A_711 = arith.cmpi sgt, %jit3A, %sign3A_710 : i32
      %sign3A_712 = arith.extui %sign3A_711 : i1 to i32
      %sign3A_713 = arith.constant 0 : i32
      %sign3A_714 = arith.cmpi slt, %jit3A, %sign3A_713 : i32
      %sign3A_715 = arith.extui %sign3A_714 : i1 to i32
      %sign3A_716 = arith.subi %sign3A_712, %sign3A_715 : i32
      %ne3A = arith.cmpi ne, %sign3A_709, %sign3A_716 : i32
      %rem3A = arith.remsi %scan3A_703, %jit3A : i32
      %ne3A_717 = arith.constant 0 : i32
      %ne3A_718 = arith.cmpi ne, %rem3A, %ne3A_717 : i32
      %and3A = arith.andi %ne3A, %ne3A_718 : i1
      %sub3A = arith.constant 1 : i32
      %sub3A_719 = arith.subi %div3A, %sub3A : i32
      %select_n3A = arith.select %and3A, %sub3A_719, %div3A : i32
      %jit3A_720 = arith.constant 32 : i32
      %eq3A = arith.constant 0 : i32
      %eq3A_721 = arith.cmpi eq, %jit3A_720, %eq3A : i32
      %jit3A_722 = arith.constant 1 : i32
      %select_n3A_723 = arith.select %eq3A_721, %jit3A_722, %jit3A_720 : i32
      %rem3A_724 = arith.remsi %scan3A_703, %select_n3A_723 : i32
      %ne3A_725 = arith.constant 0 : i32
      %ne3A_726 = arith.cmpi ne, %rem3A_724, %ne3A_725 : i32
      %lt3A = arith.constant 0 : i32
      %lt3A_727 = arith.cmpi slt, %rem3A_724, %lt3A : i32
      %lt3A_728 = arith.constant 0 : i32
      %lt3A_729 = arith.cmpi slt, %select_n3A_723, %lt3A_728 : i32
      %ne3A_730 = arith.xori %lt3A_727, %lt3A_729 : i1
      %and3A_731 = arith.andi %ne3A_730, %ne3A_726 : i1
      %add3A_732 = arith.addi %rem3A_724, %select_n3A_723 : i32
      %select_n3A_733 = arith.select %and3A_731, %add3A_732, %rem3A_724 : i32
      %mul3A_734 = arith.constant 16 : i32
      %mul3A_735 = arith.muli %select_n3A_733, %mul3A_734 : i32
      %add3A_736 = arith.constant 28 : i32
      %add3A_737 = arith.addi %add3A_736, %select_n3A : i32
      %get3A = arith.index_cast %add3A_737 : i32 to index
      %get3A_738 = arith.index_cast %mul3A_735 : i32 to index
      %get3A_739 = tpu.vector_load %arg4[%get3A, %get3A_738] {strides = array<i32>} : memref<64x512xi32, #tpu.memory_space<vmem>>, vector<16xi32>,
      %add3A_740 = arith.constant 32 : i32
      %add3A_741 = arith.addi %add3A_740, %select_n3A : i32
      %get3A_742 = arith.index_cast %add3A_741 : i32 to index
      %get3A_743 = arith.index_cast %mul3A_735 : i32 to index
      %get3A_744 = tpu.vector_load %arg4[%get3A_742, %get3A_743] {strides = array<i32>} : memref<64x512xi32, #tpu.memory_space<vmem>>, vector<16xi32>,
      %broadcast_in_dim3A_745 = vector.broadcast %select_n3A : i32 to vector<16xi32>
      %add3A_746 = vector.broadcast %mul3A_735 : i32 to vector<16xi32>
      %add3A_747 = arith.addi %iota3A, %add3A_746 : vector<16xi32>
      tpu.vector_store_idx %arg5[%broadcast_in_dim3A_745, %get3A_739, %add3A_747], %broadcast_in_dim3A_8 : memref<2x32x512xf32, #tpu.memory_space<vmem>>[vector<16xi32>, vector<16xi32>, vector<16xi32>], vector<16xf32>,
      tpu.vector_store_idx %arg5[%broadcast_in_dim3A_745, %get3A_744, %add3A_747], %broadcast_in_dim3A_10 : memref<2x32x512xf32, #tpu.memory_space<vmem>>[vector<16xi32>, vector<16xi32>, vector<16xi32>], vector<16xf32>,
    }
    %scan3A_366 = arith.constant 64 : i32
    %add3A_367 = arith.constant 32 : i32
    %add3A_368 = arith.addi %multiple_of3A, %add3A_367 : i32
    %multiple_of3A_369 = tpu.assume_multiple %add3A_368, 2 : i32
    %dma_start3A_370 = arith.constant 0 : i32
    %dma_start3A_371 = arith.constant 0 : i32
    %dma_start3A_372 = tpu.memref_slice %arg3[%multiple_of3A_369, %dma_start3A_370, %dma_start3A_371] : memref<2048x32x512xf32, #tpu.memory_space<hbm>> -> memref<2x32x512xf32, #tpu.memory_space<hbm>>
    %dma_start3A_373 = arith.constant 0 : i32
    %dma_start3A_374 = arith.constant 0 : i32
    %dma_start3A_375 = tpu.memref_slice %arg3[%multiple_of3A_369, %dma_start3A_373, %dma_start3A_374] : memref<2048x32x512xf32, #tpu.memory_space<hbm>> -> memref<2x32x512xf32, #tpu.memory_space<hbm>>
    tpu.enqueue_dma source(%arg5 : memref<2x32x512xf32, #tpu.memory_space<vmem>>) target(%dma_start3A_375 : memref<2x32x512xf32, #tpu.memory_space<hbm>>) target_semaphore(%arg7 : memref<!tpu.dma_semaphore, #tpu.memory_space<semaphore_mem>>)
    %dma_wait3A_376 = arith.constant 0 : i32
    %dma_wait3A_377 = arith.constant 0 : i32
    %dma_wait3A_378 = tpu.memref_slice %arg3[%multiple_of3A, %dma_wait3A_376, %dma_wait3A_377] : memref<2048x32x512xf32, #tpu.memory_space<hbm>> -> memref<2x32x512xf32, #tpu.memory_space<hbm>>
    %dma_wait3A_379 = arith.constant 0 : i32
    %dma_wait3A_380 = arith.constant 0 : i32
    %dma_wait3A_381 = tpu.memref_slice %arg3[%multiple_of3A, %dma_wait3A_379, %dma_wait3A_380] : memref<2048x32x512xf32, #tpu.memory_space<hbm>> -> memref<2x32x512xf32, #tpu.memory_space<hbm>>
    tpu.wait_dma2 semaphore(%arg7 : memref<!tpu.dma_semaphore, #tpu.memory_space<semaphore_mem>>) src(%arg6 : memref<2x32x512xf32, #tpu.memory_space<vmem>>) dst(%dma_wait3A_381 : memref<2x32x512xf32, #tpu.memory_space<hbm>>)
    %scan3A_382 = arith.constant 0 : i32
    %scan3A_383 = arith.constant 0 : i32
    %scan3A_384 = arith.constant 64 : i32
    %scan3A_385 = arith.addi %scan3A_383, %scan3A_384 : i32
    %scan3A_386 = arith.constant 1 : i32
    scf.for %scan3A_703 = %scan3A_383 to %scan3A_385 step %scan3A_386  : i32 {
      %jit3A = arith.constant 32 : i32
      %div3A = arith.divsi %scan3A_703, %jit3A : i32
      %sign3A = arith.constant 0 : i32
      %sign3A_704 = arith.cmpi sgt, %scan3A_703, %sign3A : i32
      %sign3A_705 = arith.extui %sign3A_704 : i1 to i32
      %sign3A_706 = arith.constant 0 : i32
      %sign3A_707 = arith.cmpi slt, %scan3A_703, %sign3A_706 : i32
      %sign3A_708 = arith.extui %sign3A_707 : i1 to i32
      %sign3A_709 = arith.subi %sign3A_705, %sign3A_708 : i32
      %sign3A_710 = arith.constant 0 : i32
      %sign3A_711 = arith.cmpi sgt, %jit3A, %sign3A_710 : i32
      %sign3A_712 = arith.extui %sign3A_711 : i1 to i32
      %sign3A_713 = arith.constant 0 : i32
      %sign3A_714 = arith.cmpi slt, %jit3A, %sign3A_713 : i32
      %sign3A_715 = arith.extui %sign3A_714 : i1 to i32
      %sign3A_716 = arith.subi %sign3A_712, %sign3A_715 : i32
      %ne3A = arith.cmpi ne, %sign3A_709, %sign3A_716 : i32
      %rem3A = arith.remsi %scan3A_703, %jit3A : i32
      %ne3A_717 = arith.constant 0 : i32
      %ne3A_718 = arith.cmpi ne, %rem3A, %ne3A_717 : i32
      %and3A = arith.andi %ne3A, %ne3A_718 : i1
      %sub3A = arith.constant 1 : i32
      %sub3A_719 = arith.subi %div3A, %sub3A : i32
      %select_n3A = arith.select %and3A, %sub3A_719, %div3A : i32
      %jit3A_720 = arith.constant 32 : i32
      %eq3A = arith.constant 0 : i32
      %eq3A_721 = arith.cmpi eq, %jit3A_720, %eq3A : i32
      %jit3A_722 = arith.constant 1 : i32
      %select_n3A_723 = arith.select %eq3A_721, %jit3A_722, %jit3A_720 : i32
      %rem3A_724 = arith.remsi %scan3A_703, %select_n3A_723 : i32
      %ne3A_725 = arith.constant 0 : i32
      %ne3A_726 = arith.cmpi ne, %rem3A_724, %ne3A_725 : i32
      %lt3A = arith.constant 0 : i32
      %lt3A_727 = arith.cmpi slt, %rem3A_724, %lt3A : i32
      %lt3A_728 = arith.constant 0 : i32
      %lt3A_729 = arith.cmpi slt, %select_n3A_723, %lt3A_728 : i32
      %ne3A_730 = arith.xori %lt3A_727, %lt3A_729 : i1
      %and3A_731 = arith.andi %ne3A_730, %ne3A_726 : i1
      %add3A_732 = arith.addi %rem3A_724, %select_n3A_723 : i32
      %select_n3A_733 = arith.select %and3A_731, %add3A_732, %rem3A_724 : i32
      %mul3A_734 = arith.constant 16 : i32
      %mul3A_735 = arith.muli %select_n3A_733, %mul3A_734 : i32
      %add3A_736 = arith.constant 30 : i32
      %add3A_737 = arith.addi %add3A_736, %select_n3A : i32
      %get3A = arith.index_cast %add3A_737 : i32 to index
      %get3A_738 = arith.index_cast %mul3A_735 : i32 to index
      %get3A_739 = tpu.vector_load %arg4[%get3A, %get3A_738] {strides = array<i32>} : memref<64x512xi32, #tpu.memory_space<vmem>>, vector<16xi32>,
      %add3A_740 = arith.constant 34 : i32
      %add3A_741 = arith.addi %add3A_740, %select_n3A : i32
      %get3A_742 = arith.index_cast %add3A_741 : i32 to index
      %get3A_743 = arith.index_cast %mul3A_735 : i32 to index
      %get3A_744 = tpu.vector_load %arg4[%get3A_742, %get3A_743] {strides = array<i32>} : memref<64x512xi32, #tpu.memory_space<vmem>>, vector<16xi32>,
      %broadcast_in_dim3A_745 = vector.broadcast %select_n3A : i32 to vector<16xi32>
      %add3A_746 = vector.broadcast %mul3A_735 : i32 to vector<16xi32>
      %add3A_747 = arith.addi %iota3A, %add3A_746 : vector<16xi32>
      tpu.vector_store_idx %arg6[%broadcast_in_dim3A_745, %get3A_739, %add3A_747], %broadcast_in_dim3A_8 : memref<2x32x512xf32, #tpu.memory_space<vmem>>[vector<16xi32>, vector<16xi32>, vector<16xi32>], vector<16xf32>,
      tpu.vector_store_idx %arg6[%broadcast_in_dim3A_745, %get3A_744, %add3A_747], %broadcast_in_dim3A_10 : memref<2x32x512xf32, #tpu.memory_space<vmem>>[vector<16xi32>, vector<16xi32>, vector<16xi32>], vector<16xf32>,
    }
    %scan3A_387 = arith.constant 64 : i32
    %add3A_388 = arith.constant 34 : i32
    %add3A_389 = arith.addi %multiple_of3A, %add3A_388 : i32
    %multiple_of3A_390 = tpu.assume_multiple %add3A_389, 2 : i32
    %dma_start3A_391 = arith.constant 0 : i32
    %dma_start3A_392 = arith.constant 0 : i32
    %dma_start3A_393 = tpu.memref_slice %arg3[%multiple_of3A_390, %dma_start3A_391, %dma_start3A_392] : memref<2048x32x512xf32, #tpu.memory_space<hbm>> -> memref<2x32x512xf32, #tpu.memory_space<hbm>>
    %dma_start3A_394 = arith.constant 0 : i32
    %dma_start3A_395 = arith.constant 0 : i32
    %dma_start3A_396 = tpu.memref_slice %arg3[%multiple_of3A_390, %dma_start3A_394, %dma_start3A_395] : memref<2048x32x512xf32, #tpu.memory_space<hbm>> -> memref<2x32x512xf32, #tpu.memory_space<hbm>>
    tpu.enqueue_dma source(%arg6 : memref<2x32x512xf32, #tpu.memory_space<vmem>>) target(%dma_start3A_396 : memref<2x32x512xf32, #tpu.memory_space<hbm>>) target_semaphore(%arg7 : memref<!tpu.dma_semaphore, #tpu.memory_space<semaphore_mem>>)
    %dma_wait3A_397 = arith.constant 0 : i32
    %dma_wait3A_398 = arith.constant 0 : i32
    %dma_wait3A_399 = tpu.memref_slice %arg3[%multiple_of3A, %dma_wait3A_397, %dma_wait3A_398] : memref<2048x32x512xf32, #tpu.memory_space<hbm>> -> memref<2x32x512xf32, #tpu.memory_space<hbm>>
    %dma_wait3A_400 = arith.constant 0 : i32
    %dma_wait3A_401 = arith.constant 0 : i32
    %dma_wait3A_402 = tpu.memref_slice %arg3[%multiple_of3A, %dma_wait3A_400, %dma_wait3A_401] : memref<2048x32x512xf32, #tpu.memory_space<hbm>> -> memref<2x32x512xf32, #tpu.memory_space<hbm>>
    tpu.wait_dma2 semaphore(%arg7 : memref<!tpu.dma_semaphore, #tpu.memory_space<semaphore_mem>>) src(%arg5 : memref<2x32x512xf32, #tpu.memory_space<vmem>>) dst(%dma_wait3A_402 : memref<2x32x512xf32, #tpu.memory_space<hbm>>)
    %scan3A_403 = arith.constant 0 : i32
    %scan3A_404 = arith.constant 0 : i32
    %scan3A_405 = arith.constant 64 : i32
    %scan3A_406 = arith.addi %scan3A_404, %scan3A_405 : i32
    %scan3A_407 = arith.constant 1 : i32
    scf.for %scan3A_703 = %scan3A_404 to %scan3A_406 step %scan3A_407  : i32 {
      %jit3A = arith.constant 32 : i32
      %div3A = arith.divsi %scan3A_703, %jit3A : i32
      %sign3A = arith.constant 0 : i32
      %sign3A_704 = arith.cmpi sgt, %scan3A_703, %sign3A : i32
      %sign3A_705 = arith.extui %sign3A_704 : i1 to i32
      %sign3A_706 = arith.constant 0 : i32
      %sign3A_707 = arith.cmpi slt, %scan3A_703, %sign3A_706 : i32
      %sign3A_708 = arith.extui %sign3A_707 : i1 to i32
      %sign3A_709 = arith.subi %sign3A_705, %sign3A_708 : i32
      %sign3A_710 = arith.constant 0 : i32
      %sign3A_711 = arith.cmpi sgt, %jit3A, %sign3A_710 : i32
      %sign3A_712 = arith.extui %sign3A_711 : i1 to i32
      %sign3A_713 = arith.constant 0 : i32
      %sign3A_714 = arith.cmpi slt, %jit3A, %sign3A_713 : i32
      %sign3A_715 = arith.extui %sign3A_714 : i1 to i32
      %sign3A_716 = arith.subi %sign3A_712, %sign3A_715 : i32
      %ne3A = arith.cmpi ne, %sign3A_709, %sign3A_716 : i32
      %rem3A = arith.remsi %scan3A_703, %jit3A : i32
      %ne3A_717 = arith.constant 0 : i32
      %ne3A_718 = arith.cmpi ne, %rem3A, %ne3A_717 : i32
      %and3A = arith.andi %ne3A, %ne3A_718 : i1
      %sub3A = arith.constant 1 : i32
      %sub3A_719 = arith.subi %div3A, %sub3A : i32
      %select_n3A = arith.select %and3A, %sub3A_719, %div3A : i32
      %jit3A_720 = arith.constant 32 : i32
      %eq3A = arith.constant 0 : i32
      %eq3A_721 = arith.cmpi eq, %jit3A_720, %eq3A : i32
      %jit3A_722 = arith.constant 1 : i32
      %select_n3A_723 = arith.select %eq3A_721, %jit3A_722, %jit3A_720 : i32
      %rem3A_724 = arith.remsi %scan3A_703, %select_n3A_723 : i32
      %ne3A_725 = arith.constant 0 : i32
      %ne3A_726 = arith.cmpi ne, %rem3A_724, %ne3A_725 : i32
      %lt3A = arith.constant 0 : i32
      %lt3A_727 = arith.cmpi slt, %rem3A_724, %lt3A : i32
      %lt3A_728 = arith.constant 0 : i32
      %lt3A_729 = arith.cmpi slt, %select_n3A_723, %lt3A_728 : i32
      %ne3A_730 = arith.xori %lt3A_727, %lt3A_729 : i1
      %and3A_731 = arith.andi %ne3A_730, %ne3A_726 : i1
      %add3A_732 = arith.addi %rem3A_724, %select_n3A_723 : i32
      %select_n3A_733 = arith.select %and3A_731, %add3A_732, %rem3A_724 : i32
      %mul3A_734 = arith.constant 16 : i32
      %mul3A_735 = arith.muli %select_n3A_733, %mul3A_734 : i32
      %add3A_736 = arith.constant 32 : i32
      %add3A_737 = arith.addi %add3A_736, %select_n3A : i32
      %get3A = arith.index_cast %add3A_737 : i32 to index
      %get3A_738 = arith.index_cast %mul3A_735 : i32 to index
      %get3A_739 = tpu.vector_load %arg4[%get3A, %get3A_738] {strides = array<i32>} : memref<64x512xi32, #tpu.memory_space<vmem>>, vector<16xi32>,
      %add3A_740 = arith.constant 36 : i32
      %add3A_741 = arith.addi %add3A_740, %select_n3A : i32
      %get3A_742 = arith.index_cast %add3A_741 : i32 to index
      %get3A_743 = arith.index_cast %mul3A_735 : i32 to index
      %get3A_744 = tpu.vector_load %arg4[%get3A_742, %get3A_743] {strides = array<i32>} : memref<64x512xi32, #tpu.memory_space<vmem>>, vector<16xi32>,
      %broadcast_in_dim3A_745 = vector.broadcast %select_n3A : i32 to vector<16xi32>
      %add3A_746 = vector.broadcast %mul3A_735 : i32 to vector<16xi32>
      %add3A_747 = arith.addi %iota3A, %add3A_746 : vector<16xi32>
      tpu.vector_store_idx %arg5[%broadcast_in_dim3A_745, %get3A_739, %add3A_747], %broadcast_in_dim3A_8 : memref<2x32x512xf32, #tpu.memory_space<vmem>>[vector<16xi32>, vector<16xi32>, vector<16xi32>], vector<16xf32>,
      tpu.vector_store_idx %arg5[%broadcast_in_dim3A_745, %get3A_744, %add3A_747], %broadcast_in_dim3A_10 : memref<2x32x512xf32, #tpu.memory_space<vmem>>[vector<16xi32>, vector<16xi32>, vector<16xi32>], vector<16xf32>,
    }
    %scan3A_408 = arith.constant 64 : i32
    %add3A_409 = arith.constant 36 : i32
    %add3A_410 = arith.addi %multiple_of3A, %add3A_409 : i32
    %multiple_of3A_411 = tpu.assume_multiple %add3A_410, 2 : i32
    %dma_start3A_412 = arith.constant 0 : i32
    %dma_start3A_413 = arith.constant 0 : i32
    %dma_start3A_414 = tpu.memref_slice %arg3[%multiple_of3A_411, %dma_start3A_412, %dma_start3A_413] : memref<2048x32x512xf32, #tpu.memory_space<hbm>> -> memref<2x32x512xf32, #tpu.memory_space<hbm>>
    %dma_start3A_415 = arith.constant 0 : i32
    %dma_start3A_416 = arith.constant 0 : i32
    %dma_start3A_417 = tpu.memref_slice %arg3[%multiple_of3A_411, %dma_start3A_415, %dma_start3A_416] : memref<2048x32x512xf32, #tpu.memory_space<hbm>> -> memref<2x32x512xf32, #tpu.memory_space<hbm>>
    tpu.enqueue_dma source(%arg5 : memref<2x32x512xf32, #tpu.memory_space<vmem>>) target(%dma_start3A_417 : memref<2x32x512xf32, #tpu.memory_space<hbm>>) target_semaphore(%arg7 : memref<!tpu.dma_semaphore, #tpu.memory_space<semaphore_mem>>)
    %dma_wait3A_418 = arith.constant 0 : i32
    %dma_wait3A_419 = arith.constant 0 : i32
    %dma_wait3A_420 = tpu.memref_slice %arg3[%multiple_of3A, %dma_wait3A_418, %dma_wait3A_419] : memref<2048x32x512xf32, #tpu.memory_space<hbm>> -> memref<2x32x512xf32, #tpu.memory_space<hbm>>
    %dma_wait3A_421 = arith.constant 0 : i32
    %dma_wait3A_422 = arith.constant 0 : i32
    %dma_wait3A_423 = tpu.memref_slice %arg3[%multiple_of3A, %dma_wait3A_421, %dma_wait3A_422] : memref<2048x32x512xf32, #tpu.memory_space<hbm>> -> memref<2x32x512xf32, #tpu.memory_space<hbm>>
    tpu.wait_dma2 semaphore(%arg7 : memref<!tpu.dma_semaphore, #tpu.memory_space<semaphore_mem>>) src(%arg6 : memref<2x32x512xf32, #tpu.memory_space<vmem>>) dst(%dma_wait3A_423 : memref<2x32x512xf32, #tpu.memory_space<hbm>>)
    %scan3A_424 = arith.constant 0 : i32
    %scan3A_425 = arith.constant 0 : i32
    %scan3A_426 = arith.constant 64 : i32
    %scan3A_427 = arith.addi %scan3A_425, %scan3A_426 : i32
    %scan3A_428 = arith.constant 1 : i32
    scf.for %scan3A_703 = %scan3A_425 to %scan3A_427 step %scan3A_428  : i32 {
      %jit3A = arith.constant 32 : i32
      %div3A = arith.divsi %scan3A_703, %jit3A : i32
      %sign3A = arith.constant 0 : i32
      %sign3A_704 = arith.cmpi sgt, %scan3A_703, %sign3A : i32
      %sign3A_705 = arith.extui %sign3A_704 : i1 to i32
      %sign3A_706 = arith.constant 0 : i32
      %sign3A_707 = arith.cmpi slt, %scan3A_703, %sign3A_706 : i32
      %sign3A_708 = arith.extui %sign3A_707 : i1 to i32
      %sign3A_709 = arith.subi %sign3A_705, %sign3A_708 : i32
      %sign3A_710 = arith.constant 0 : i32
      %sign3A_711 = arith.cmpi sgt, %jit3A, %sign3A_710 : i32
      %sign3A_712 = arith.extui %sign3A_711 : i1 to i32
      %sign3A_713 = arith.constant 0 : i32
      %sign3A_714 = arith.cmpi slt, %jit3A, %sign3A_713 : i32
      %sign3A_715 = arith.extui %sign3A_714 : i1 to i32
      %sign3A_716 = arith.subi %sign3A_712, %sign3A_715 : i32
      %ne3A = arith.cmpi ne, %sign3A_709, %sign3A_716 : i32
      %rem3A = arith.remsi %scan3A_703, %jit3A : i32
      %ne3A_717 = arith.constant 0 : i32
      %ne3A_718 = arith.cmpi ne, %rem3A, %ne3A_717 : i32
      %and3A = arith.andi %ne3A, %ne3A_718 : i1
      %sub3A = arith.constant 1 : i32
      %sub3A_719 = arith.subi %div3A, %sub3A : i32
      %select_n3A = arith.select %and3A, %sub3A_719, %div3A : i32
      %jit3A_720 = arith.constant 32 : i32
      %eq3A = arith.constant 0 : i32
      %eq3A_721 = arith.cmpi eq, %jit3A_720, %eq3A : i32
      %jit3A_722 = arith.constant 1 : i32
      %select_n3A_723 = arith.select %eq3A_721, %jit3A_722, %jit3A_720 : i32
      %rem3A_724 = arith.remsi %scan3A_703, %select_n3A_723 : i32
      %ne3A_725 = arith.constant 0 : i32
      %ne3A_726 = arith.cmpi ne, %rem3A_724, %ne3A_725 : i32
      %lt3A = arith.constant 0 : i32
      %lt3A_727 = arith.cmpi slt, %rem3A_724, %lt3A : i32
      %lt3A_728 = arith.constant 0 : i32
      %lt3A_729 = arith.cmpi slt, %select_n3A_723, %lt3A_728 : i32
      %ne3A_730 = arith.xori %lt3A_727, %lt3A_729 : i1
      %and3A_731 = arith.andi %ne3A_730, %ne3A_726 : i1
      %add3A_732 = arith.addi %rem3A_724, %select_n3A_723 : i32
      %select_n3A_733 = arith.select %and3A_731, %add3A_732, %rem3A_724 : i32
      %mul3A_734 = arith.constant 16 : i32
      %mul3A_735 = arith.muli %select_n3A_733, %mul3A_734 : i32
      %add3A_736 = arith.constant 34 : i32
      %add3A_737 = arith.addi %add3A_736, %select_n3A : i32
      %get3A = arith.index_cast %add3A_737 : i32 to index
      %get3A_738 = arith.index_cast %mul3A_735 : i32 to index
      %get3A_739 = tpu.vector_load %arg4[%get3A, %get3A_738] {strides = array<i32>} : memref<64x512xi32, #tpu.memory_space<vmem>>, vector<16xi32>,
      %add3A_740 = arith.constant 38 : i32
      %add3A_741 = arith.addi %add3A_740, %select_n3A : i32
      %get3A_742 = arith.index_cast %add3A_741 : i32 to index
      %get3A_743 = arith.index_cast %mul3A_735 : i32 to index
      %get3A_744 = tpu.vector_load %arg4[%get3A_742, %get3A_743] {strides = array<i32>} : memref<64x512xi32, #tpu.memory_space<vmem>>, vector<16xi32>,
      %broadcast_in_dim3A_745 = vector.broadcast %select_n3A : i32 to vector<16xi32>
      %add3A_746 = vector.broadcast %mul3A_735 : i32 to vector<16xi32>
      %add3A_747 = arith.addi %iota3A, %add3A_746 : vector<16xi32>
      tpu.vector_store_idx %arg6[%broadcast_in_dim3A_745, %get3A_739, %add3A_747], %broadcast_in_dim3A_8 : memref<2x32x512xf32, #tpu.memory_space<vmem>>[vector<16xi32>, vector<16xi32>, vector<16xi32>], vector<16xf32>,
      tpu.vector_store_idx %arg6[%broadcast_in_dim3A_745, %get3A_744, %add3A_747], %broadcast_in_dim3A_10 : memref<2x32x512xf32, #tpu.memory_space<vmem>>[vector<16xi32>, vector<16xi32>, vector<16xi32>], vector<16xf32>,
    }
    %scan3A_429 = arith.constant 64 : i32
    %add3A_430 = arith.constant 38 : i32
    %add3A_431 = arith.addi %multiple_of3A, %add3A_430 : i32
    %multiple_of3A_432 = tpu.assume_multiple %add3A_431, 2 : i32
    %dma_start3A_433 = arith.constant 0 : i32
    %dma_start3A_434 = arith.constant 0 : i32
    %dma_start3A_435 = tpu.memref_slice %arg3[%multiple_of3A_432, %dma_start3A_433, %dma_start3A_434] : memref<2048x32x512xf32, #tpu.memory_space<hbm>> -> memref<2x32x512xf32, #tpu.memory_space<hbm>>
    %dma_start3A_436 = arith.constant 0 : i32
    %dma_start3A_437 = arith.constant 0 : i32
    %dma_start3A_438 = tpu.memref_slice %arg3[%multiple_of3A_432, %dma_start3A_436, %dma_start3A_437] : memref<2048x32x512xf32, #tpu.memory_space<hbm>> -> memref<2x32x512xf32, #tpu.memory_space<hbm>>
    tpu.enqueue_dma source(%arg6 : memref<2x32x512xf32, #tpu.memory_space<vmem>>) target(%dma_start3A_438 : memref<2x32x512xf32, #tpu.memory_space<hbm>>) target_semaphore(%arg7 : memref<!tpu.dma_semaphore, #tpu.memory_space<semaphore_mem>>)
    %dma_wait3A_439 = arith.constant 0 : i32
    %dma_wait3A_440 = arith.constant 0 : i32
    %dma_wait3A_441 = tpu.memref_slice %arg3[%multiple_of3A, %dma_wait3A_439, %dma_wait3A_440] : memref<2048x32x512xf32, #tpu.memory_space<hbm>> -> memref<2x32x512xf32, #tpu.memory_space<hbm>>
    %dma_wait3A_442 = arith.constant 0 : i32
    %dma_wait3A_443 = arith.constant 0 : i32
    %dma_wait3A_444 = tpu.memref_slice %arg3[%multiple_of3A, %dma_wait3A_442, %dma_wait3A_443] : memref<2048x32x512xf32, #tpu.memory_space<hbm>> -> memref<2x32x512xf32, #tpu.memory_space<hbm>>
    tpu.wait_dma2 semaphore(%arg7 : memref<!tpu.dma_semaphore, #tpu.memory_space<semaphore_mem>>) src(%arg5 : memref<2x32x512xf32, #tpu.memory_space<vmem>>) dst(%dma_wait3A_444 : memref<2x32x512xf32, #tpu.memory_space<hbm>>)
    %scan3A_445 = arith.constant 0 : i32
    %scan3A_446 = arith.constant 0 : i32
    %scan3A_447 = arith.constant 64 : i32
    %scan3A_448 = arith.addi %scan3A_446, %scan3A_447 : i32
    %scan3A_449 = arith.constant 1 : i32
    scf.for %scan3A_703 = %scan3A_446 to %scan3A_448 step %scan3A_449  : i32 {
      %jit3A = arith.constant 32 : i32
      %div3A = arith.divsi %scan3A_703, %jit3A : i32
      %sign3A = arith.constant 0 : i32
      %sign3A_704 = arith.cmpi sgt, %scan3A_703, %sign3A : i32
      %sign3A_705 = arith.extui %sign3A_704 : i1 to i32
      %sign3A_706 = arith.constant 0 : i32
      %sign3A_707 = arith.cmpi slt, %scan3A_703, %sign3A_706 : i32
      %sign3A_708 = arith.extui %sign3A_707 : i1 to i32
      %sign3A_709 = arith.subi %sign3A_705, %sign3A_708 : i32
      %sign3A_710 = arith.constant 0 : i32
      %sign3A_711 = arith.cmpi sgt, %jit3A, %sign3A_710 : i32
      %sign3A_712 = arith.extui %sign3A_711 : i1 to i32
      %sign3A_713 = arith.constant 0 : i32
      %sign3A_714 = arith.cmpi slt, %jit3A, %sign3A_713 : i32
      %sign3A_715 = arith.extui %sign3A_714 : i1 to i32
      %sign3A_716 = arith.subi %sign3A_712, %sign3A_715 : i32
      %ne3A = arith.cmpi ne, %sign3A_709, %sign3A_716 : i32
      %rem3A = arith.remsi %scan3A_703, %jit3A : i32
      %ne3A_717 = arith.constant 0 : i32
      %ne3A_718 = arith.cmpi ne, %rem3A, %ne3A_717 : i32
      %and3A = arith.andi %ne3A, %ne3A_718 : i1
      %sub3A = arith.constant 1 : i32
      %sub3A_719 = arith.subi %div3A, %sub3A : i32
      %select_n3A = arith.select %and3A, %sub3A_719, %div3A : i32
      %jit3A_720 = arith.constant 32 : i32
      %eq3A = arith.constant 0 : i32
      %eq3A_721 = arith.cmpi eq, %jit3A_720, %eq3A : i32
      %jit3A_722 = arith.constant 1 : i32
      %select_n3A_723 = arith.select %eq3A_721, %jit3A_722, %jit3A_720 : i32
      %rem3A_724 = arith.remsi %scan3A_703, %select_n3A_723 : i32
      %ne3A_725 = arith.constant 0 : i32
      %ne3A_726 = arith.cmpi ne, %rem3A_724, %ne3A_725 : i32
      %lt3A = arith.constant 0 : i32
      %lt3A_727 = arith.cmpi slt, %rem3A_724, %lt3A : i32
      %lt3A_728 = arith.constant 0 : i32
      %lt3A_729 = arith.cmpi slt, %select_n3A_723, %lt3A_728 : i32
      %ne3A_730 = arith.xori %lt3A_727, %lt3A_729 : i1
      %and3A_731 = arith.andi %ne3A_730, %ne3A_726 : i1
      %add3A_732 = arith.addi %rem3A_724, %select_n3A_723 : i32
      %select_n3A_733 = arith.select %and3A_731, %add3A_732, %rem3A_724 : i32
      %mul3A_734 = arith.constant 16 : i32
      %mul3A_735 = arith.muli %select_n3A_733, %mul3A_734 : i32
      %add3A_736 = arith.constant 36 : i32
      %add3A_737 = arith.addi %add3A_736, %select_n3A : i32
      %get3A = arith.index_cast %add3A_737 : i32 to index
      %get3A_738 = arith.index_cast %mul3A_735 : i32 to index
      %get3A_739 = tpu.vector_load %arg4[%get3A, %get3A_738] {strides = array<i32>} : memref<64x512xi32, #tpu.memory_space<vmem>>, vector<16xi32>,
      %add3A_740 = arith.constant 40 : i32
      %add3A_741 = arith.addi %add3A_740, %select_n3A : i32
      %get3A_742 = arith.index_cast %add3A_741 : i32 to index
      %get3A_743 = arith.index_cast %mul3A_735 : i32 to index
      %get3A_744 = tpu.vector_load %arg4[%get3A_742, %get3A_743] {strides = array<i32>} : memref<64x512xi32, #tpu.memory_space<vmem>>, vector<16xi32>,
      %broadcast_in_dim3A_745 = vector.broadcast %select_n3A : i32 to vector<16xi32>
      %add3A_746 = vector.broadcast %mul3A_735 : i32 to vector<16xi32>
      %add3A_747 = arith.addi %iota3A, %add3A_746 : vector<16xi32>
      tpu.vector_store_idx %arg5[%broadcast_in_dim3A_745, %get3A_739, %add3A_747], %broadcast_in_dim3A_8 : memref<2x32x512xf32, #tpu.memory_space<vmem>>[vector<16xi32>, vector<16xi32>, vector<16xi32>], vector<16xf32>,
      tpu.vector_store_idx %arg5[%broadcast_in_dim3A_745, %get3A_744, %add3A_747], %broadcast_in_dim3A_10 : memref<2x32x512xf32, #tpu.memory_space<vmem>>[vector<16xi32>, vector<16xi32>, vector<16xi32>], vector<16xf32>,
    }
    %scan3A_450 = arith.constant 64 : i32
    %add3A_451 = arith.constant 40 : i32
    %add3A_452 = arith.addi %multiple_of3A, %add3A_451 : i32
    %multiple_of3A_453 = tpu.assume_multiple %add3A_452, 2 : i32
    %dma_start3A_454 = arith.constant 0 : i32
    %dma_start3A_455 = arith.constant 0 : i32
    %dma_start3A_456 = tpu.memref_slice %arg3[%multiple_of3A_453, %dma_start3A_454, %dma_start3A_455] : memref<2048x32x512xf32, #tpu.memory_space<hbm>> -> memref<2x32x512xf32, #tpu.memory_space<hbm>>
    %dma_start3A_457 = arith.constant 0 : i32
    %dma_start3A_458 = arith.constant 0 : i32
    %dma_start3A_459 = tpu.memref_slice %arg3[%multiple_of3A_453, %dma_start3A_457, %dma_start3A_458] : memref<2048x32x512xf32, #tpu.memory_space<hbm>> -> memref<2x32x512xf32, #tpu.memory_space<hbm>>
    tpu.enqueue_dma source(%arg5 : memref<2x32x512xf32, #tpu.memory_space<vmem>>) target(%dma_start3A_459 : memref<2x32x512xf32, #tpu.memory_space<hbm>>) target_semaphore(%arg7 : memref<!tpu.dma_semaphore, #tpu.memory_space<semaphore_mem>>)
    %dma_wait3A_460 = arith.constant 0 : i32
    %dma_wait3A_461 = arith.constant 0 : i32
    %dma_wait3A_462 = tpu.memref_slice %arg3[%multiple_of3A, %dma_wait3A_460, %dma_wait3A_461] : memref<2048x32x512xf32, #tpu.memory_space<hbm>> -> memref<2x32x512xf32, #tpu.memory_space<hbm>>
    %dma_wait3A_463 = arith.constant 0 : i32
    %dma_wait3A_464 = arith.constant 0 : i32
    %dma_wait3A_465 = tpu.memref_slice %arg3[%multiple_of3A, %dma_wait3A_463, %dma_wait3A_464] : memref<2048x32x512xf32, #tpu.memory_space<hbm>> -> memref<2x32x512xf32, #tpu.memory_space<hbm>>
    tpu.wait_dma2 semaphore(%arg7 : memref<!tpu.dma_semaphore, #tpu.memory_space<semaphore_mem>>) src(%arg6 : memref<2x32x512xf32, #tpu.memory_space<vmem>>) dst(%dma_wait3A_465 : memref<2x32x512xf32, #tpu.memory_space<hbm>>)
    %scan3A_466 = arith.constant 0 : i32
    %scan3A_467 = arith.constant 0 : i32
    %scan3A_468 = arith.constant 64 : i32
    %scan3A_469 = arith.addi %scan3A_467, %scan3A_468 : i32
    %scan3A_470 = arith.constant 1 : i32
    scf.for %scan3A_703 = %scan3A_467 to %scan3A_469 step %scan3A_470  : i32 {
      %jit3A = arith.constant 32 : i32
      %div3A = arith.divsi %scan3A_703, %jit3A : i32
      %sign3A = arith.constant 0 : i32
      %sign3A_704 = arith.cmpi sgt, %scan3A_703, %sign3A : i32
      %sign3A_705 = arith.extui %sign3A_704 : i1 to i32
      %sign3A_706 = arith.constant 0 : i32
      %sign3A_707 = arith.cmpi slt, %scan3A_703, %sign3A_706 : i32
      %sign3A_708 = arith.extui %sign3A_707 : i1 to i32
      %sign3A_709 = arith.subi %sign3A_705, %sign3A_708 : i32
      %sign3A_710 = arith.constant 0 : i32
      %sign3A_711 = arith.cmpi sgt, %jit3A, %sign3A_710 : i32
      %sign3A_712 = arith.extui %sign3A_711 : i1 to i32
      %sign3A_713 = arith.constant 0 : i32
      %sign3A_714 = arith.cmpi slt, %jit3A, %sign3A_713 : i32
      %sign3A_715 = arith.extui %sign3A_714 : i1 to i32
      %sign3A_716 = arith.subi %sign3A_712, %sign3A_715 : i32
      %ne3A = arith.cmpi ne, %sign3A_709, %sign3A_716 : i32
      %rem3A = arith.remsi %scan3A_703, %jit3A : i32
      %ne3A_717 = arith.constant 0 : i32
      %ne3A_718 = arith.cmpi ne, %rem3A, %ne3A_717 : i32
      %and3A = arith.andi %ne3A, %ne3A_718 : i1
      %sub3A = arith.constant 1 : i32
      %sub3A_719 = arith.subi %div3A, %sub3A : i32
      %select_n3A = arith.select %and3A, %sub3A_719, %div3A : i32
      %jit3A_720 = arith.constant 32 : i32
      %eq3A = arith.constant 0 : i32
      %eq3A_721 = arith.cmpi eq, %jit3A_720, %eq3A : i32
      %jit3A_722 = arith.constant 1 : i32
      %select_n3A_723 = arith.select %eq3A_721, %jit3A_722, %jit3A_720 : i32
      %rem3A_724 = arith.remsi %scan3A_703, %select_n3A_723 : i32
      %ne3A_725 = arith.constant 0 : i32
      %ne3A_726 = arith.cmpi ne, %rem3A_724, %ne3A_725 : i32
      %lt3A = arith.constant 0 : i32
      %lt3A_727 = arith.cmpi slt, %rem3A_724, %lt3A : i32
      %lt3A_728 = arith.constant 0 : i32
      %lt3A_729 = arith.cmpi slt, %select_n3A_723, %lt3A_728 : i32
      %ne3A_730 = arith.xori %lt3A_727, %lt3A_729 : i1
      %and3A_731 = arith.andi %ne3A_730, %ne3A_726 : i1
      %add3A_732 = arith.addi %rem3A_724, %select_n3A_723 : i32
      %select_n3A_733 = arith.select %and3A_731, %add3A_732, %rem3A_724 : i32
      %mul3A_734 = arith.constant 16 : i32
      %mul3A_735 = arith.muli %select_n3A_733, %mul3A_734 : i32
      %add3A_736 = arith.constant 38 : i32
      %add3A_737 = arith.addi %add3A_736, %select_n3A : i32
      %get3A = arith.index_cast %add3A_737 : i32 to index
      %get3A_738 = arith.index_cast %mul3A_735 : i32 to index
      %get3A_739 = tpu.vector_load %arg4[%get3A, %get3A_738] {strides = array<i32>} : memref<64x512xi32, #tpu.memory_space<vmem>>, vector<16xi32>,
      %add3A_740 = arith.constant 42 : i32
      %add3A_741 = arith.addi %add3A_740, %select_n3A : i32
      %get3A_742 = arith.index_cast %add3A_741 : i32 to index
      %get3A_743 = arith.index_cast %mul3A_735 : i32 to index
      %get3A_744 = tpu.vector_load %arg4[%get3A_742, %get3A_743] {strides = array<i32>} : memref<64x512xi32, #tpu.memory_space<vmem>>, vector<16xi32>,
      %broadcast_in_dim3A_745 = vector.broadcast %select_n3A : i32 to vector<16xi32>
      %add3A_746 = vector.broadcast %mul3A_735 : i32 to vector<16xi32>
      %add3A_747 = arith.addi %iota3A, %add3A_746 : vector<16xi32>
      tpu.vector_store_idx %arg6[%broadcast_in_dim3A_745, %get3A_739, %add3A_747], %broadcast_in_dim3A_8 : memref<2x32x512xf32, #tpu.memory_space<vmem>>[vector<16xi32>, vector<16xi32>, vector<16xi32>], vector<16xf32>,
      tpu.vector_store_idx %arg6[%broadcast_in_dim3A_745, %get3A_744, %add3A_747], %broadcast_in_dim3A_10 : memref<2x32x512xf32, #tpu.memory_space<vmem>>[vector<16xi32>, vector<16xi32>, vector<16xi32>], vector<16xf32>,
    }
    %scan3A_471 = arith.constant 64 : i32
    %add3A_472 = arith.constant 42 : i32
    %add3A_473 = arith.addi %multiple_of3A, %add3A_472 : i32
    %multiple_of3A_474 = tpu.assume_multiple %add3A_473, 2 : i32
    %dma_start3A_475 = arith.constant 0 : i32
    %dma_start3A_476 = arith.constant 0 : i32
    %dma_start3A_477 = tpu.memref_slice %arg3[%multiple_of3A_474, %dma_start3A_475, %dma_start3A_476] : memref<2048x32x512xf32, #tpu.memory_space<hbm>> -> memref<2x32x512xf32, #tpu.memory_space<hbm>>
    %dma_start3A_478 = arith.constant 0 : i32
    %dma_start3A_479 = arith.constant 0 : i32
    %dma_start3A_480 = tpu.memref_slice %arg3[%multiple_of3A_474, %dma_start3A_478, %dma_start3A_479] : memref<2048x32x512xf32, #tpu.memory_space<hbm>> -> memref<2x32x512xf32, #tpu.memory_space<hbm>>
    tpu.enqueue_dma source(%arg6 : memref<2x32x512xf32, #tpu.memory_space<vmem>>) target(%dma_start3A_480 : memref<2x32x512xf32, #tpu.memory_space<hbm>>) target_semaphore(%arg7 : memref<!tpu.dma_semaphore, #tpu.memory_space<semaphore_mem>>)
    %dma_wait3A_481 = arith.constant 0 : i32
    %dma_wait3A_482 = arith.constant 0 : i32
    %dma_wait3A_483 = tpu.memref_slice %arg3[%multiple_of3A, %dma_wait3A_481, %dma_wait3A_482] : memref<2048x32x512xf32, #tpu.memory_space<hbm>> -> memref<2x32x512xf32, #tpu.memory_space<hbm>>
    %dma_wait3A_484 = arith.constant 0 : i32
    %dma_wait3A_485 = arith.constant 0 : i32
    %dma_wait3A_486 = tpu.memref_slice %arg3[%multiple_of3A, %dma_wait3A_484, %dma_wait3A_485] : memref<2048x32x512xf32, #tpu.memory_space<hbm>> -> memref<2x32x512xf32, #tpu.memory_space<hbm>>
    tpu.wait_dma2 semaphore(%arg7 : memref<!tpu.dma_semaphore, #tpu.memory_space<semaphore_mem>>) src(%arg5 : memref<2x32x512xf32, #tpu.memory_space<vmem>>) dst(%dma_wait3A_486 : memref<2x32x512xf32, #tpu.memory_space<hbm>>)
    %scan3A_487 = arith.constant 0 : i32
    %scan3A_488 = arith.constant 0 : i32
    %scan3A_489 = arith.constant 64 : i32
    %scan3A_490 = arith.addi %scan3A_488, %scan3A_489 : i32
    %scan3A_491 = arith.constant 1 : i32
    scf.for %scan3A_703 = %scan3A_488 to %scan3A_490 step %scan3A_491  : i32 {
      %jit3A = arith.constant 32 : i32
      %div3A = arith.divsi %scan3A_703, %jit3A : i32
      %sign3A = arith.constant 0 : i32
      %sign3A_704 = arith.cmpi sgt, %scan3A_703, %sign3A : i32
      %sign3A_705 = arith.extui %sign3A_704 : i1 to i32
      %sign3A_706 = arith.constant 0 : i32
      %sign3A_707 = arith.cmpi slt, %scan3A_703, %sign3A_706 : i32
      %sign3A_708 = arith.extui %sign3A_707 : i1 to i32
      %sign3A_709 = arith.subi %sign3A_705, %sign3A_708 : i32
      %sign3A_710 = arith.constant 0 : i32
      %sign3A_711 = arith.cmpi sgt, %jit3A, %sign3A_710 : i32
      %sign3A_712 = arith.extui %sign3A_711 : i1 to i32
      %sign3A_713 = arith.constant 0 : i32
      %sign3A_714 = arith.cmpi slt, %jit3A, %sign3A_713 : i32
      %sign3A_715 = arith.extui %sign3A_714 : i1 to i32
      %sign3A_716 = arith.subi %sign3A_712, %sign3A_715 : i32
      %ne3A = arith.cmpi ne, %sign3A_709, %sign3A_716 : i32
      %rem3A = arith.remsi %scan3A_703, %jit3A : i32
      %ne3A_717 = arith.constant 0 : i32
      %ne3A_718 = arith.cmpi ne, %rem3A, %ne3A_717 : i32
      %and3A = arith.andi %ne3A, %ne3A_718 : i1
      %sub3A = arith.constant 1 : i32
      %sub3A_719 = arith.subi %div3A, %sub3A : i32
      %select_n3A = arith.select %and3A, %sub3A_719, %div3A : i32
      %jit3A_720 = arith.constant 32 : i32
      %eq3A = arith.constant 0 : i32
      %eq3A_721 = arith.cmpi eq, %jit3A_720, %eq3A : i32
      %jit3A_722 = arith.constant 1 : i32
      %select_n3A_723 = arith.select %eq3A_721, %jit3A_722, %jit3A_720 : i32
      %rem3A_724 = arith.remsi %scan3A_703, %select_n3A_723 : i32
      %ne3A_725 = arith.constant 0 : i32
      %ne3A_726 = arith.cmpi ne, %rem3A_724, %ne3A_725 : i32
      %lt3A = arith.constant 0 : i32
      %lt3A_727 = arith.cmpi slt, %rem3A_724, %lt3A : i32
      %lt3A_728 = arith.constant 0 : i32
      %lt3A_729 = arith.cmpi slt, %select_n3A_723, %lt3A_728 : i32
      %ne3A_730 = arith.xori %lt3A_727, %lt3A_729 : i1
      %and3A_731 = arith.andi %ne3A_730, %ne3A_726 : i1
      %add3A_732 = arith.addi %rem3A_724, %select_n3A_723 : i32
      %select_n3A_733 = arith.select %and3A_731, %add3A_732, %rem3A_724 : i32
      %mul3A_734 = arith.constant 16 : i32
      %mul3A_735 = arith.muli %select_n3A_733, %mul3A_734 : i32
      %add3A_736 = arith.constant 40 : i32
      %add3A_737 = arith.addi %add3A_736, %select_n3A : i32
      %get3A = arith.index_cast %add3A_737 : i32 to index
      %get3A_738 = arith.index_cast %mul3A_735 : i32 to index
      %get3A_739 = tpu.vector_load %arg4[%get3A, %get3A_738] {strides = array<i32>} : memref<64x512xi32, #tpu.memory_space<vmem>>, vector<16xi32>,
      %add3A_740 = arith.constant 44 : i32
      %add3A_741 = arith.addi %add3A_740, %select_n3A : i32
      %get3A_742 = arith.index_cast %add3A_741 : i32 to index
      %get3A_743 = arith.index_cast %mul3A_735 : i32 to index
      %get3A_744 = tpu.vector_load %arg4[%get3A_742, %get3A_743] {strides = array<i32>} : memref<64x512xi32, #tpu.memory_space<vmem>>, vector<16xi32>,
      %broadcast_in_dim3A_745 = vector.broadcast %select_n3A : i32 to vector<16xi32>
      %add3A_746 = vector.broadcast %mul3A_735 : i32 to vector<16xi32>
      %add3A_747 = arith.addi %iota3A, %add3A_746 : vector<16xi32>
      tpu.vector_store_idx %arg5[%broadcast_in_dim3A_745, %get3A_739, %add3A_747], %broadcast_in_dim3A_8 : memref<2x32x512xf32, #tpu.memory_space<vmem>>[vector<16xi32>, vector<16xi32>, vector<16xi32>], vector<16xf32>,
      tpu.vector_store_idx %arg5[%broadcast_in_dim3A_745, %get3A_744, %add3A_747], %broadcast_in_dim3A_10 : memref<2x32x512xf32, #tpu.memory_space<vmem>>[vector<16xi32>, vector<16xi32>, vector<16xi32>], vector<16xf32>,
    }
    %scan3A_492 = arith.constant 64 : i32
    %add3A_493 = arith.constant 44 : i32
    %add3A_494 = arith.addi %multiple_of3A, %add3A_493 : i32
    %multiple_of3A_495 = tpu.assume_multiple %add3A_494, 2 : i32
    %dma_start3A_496 = arith.constant 0 : i32
    %dma_start3A_497 = arith.constant 0 : i32
    %dma_start3A_498 = tpu.memref_slice %arg3[%multiple_of3A_495, %dma_start3A_496, %dma_start3A_497] : memref<2048x32x512xf32, #tpu.memory_space<hbm>> -> memref<2x32x512xf32, #tpu.memory_space<hbm>>
    %dma_start3A_499 = arith.constant 0 : i32
    %dma_start3A_500 = arith.constant 0 : i32
    %dma_start3A_501 = tpu.memref_slice %arg3[%multiple_of3A_495, %dma_start3A_499, %dma_start3A_500] : memref<2048x32x512xf32, #tpu.memory_space<hbm>> -> memref<2x32x512xf32, #tpu.memory_space<hbm>>
    tpu.enqueue_dma source(%arg5 : memref<2x32x512xf32, #tpu.memory_space<vmem>>) target(%dma_start3A_501 : memref<2x32x512xf32, #tpu.memory_space<hbm>>) target_semaphore(%arg7 : memref<!tpu.dma_semaphore, #tpu.memory_space<semaphore_mem>>)
    %dma_wait3A_502 = arith.constant 0 : i32
    %dma_wait3A_503 = arith.constant 0 : i32
    %dma_wait3A_504 = tpu.memref_slice %arg3[%multiple_of3A, %dma_wait3A_502, %dma_wait3A_503] : memref<2048x32x512xf32, #tpu.memory_space<hbm>> -> memref<2x32x512xf32, #tpu.memory_space<hbm>>
    %dma_wait3A_505 = arith.constant 0 : i32
    %dma_wait3A_506 = arith.constant 0 : i32
    %dma_wait3A_507 = tpu.memref_slice %arg3[%multiple_of3A, %dma_wait3A_505, %dma_wait3A_506] : memref<2048x32x512xf32, #tpu.memory_space<hbm>> -> memref<2x32x512xf32, #tpu.memory_space<hbm>>
    tpu.wait_dma2 semaphore(%arg7 : memref<!tpu.dma_semaphore, #tpu.memory_space<semaphore_mem>>) src(%arg6 : memref<2x32x512xf32, #tpu.memory_space<vmem>>) dst(%dma_wait3A_507 : memref<2x32x512xf32, #tpu.memory_space<hbm>>)
    %scan3A_508 = arith.constant 0 : i32
    %scan3A_509 = arith.constant 0 : i32
    %scan3A_510 = arith.constant 64 : i32
    %scan3A_511 = arith.addi %scan3A_509, %scan3A_510 : i32
    %scan3A_512 = arith.constant 1 : i32
    scf.for %scan3A_703 = %scan3A_509 to %scan3A_511 step %scan3A_512  : i32 {
      %jit3A = arith.constant 32 : i32
      %div3A = arith.divsi %scan3A_703, %jit3A : i32
      %sign3A = arith.constant 0 : i32
      %sign3A_704 = arith.cmpi sgt, %scan3A_703, %sign3A : i32
      %sign3A_705 = arith.extui %sign3A_704 : i1 to i32
      %sign3A_706 = arith.constant 0 : i32
      %sign3A_707 = arith.cmpi slt, %scan3A_703, %sign3A_706 : i32
      %sign3A_708 = arith.extui %sign3A_707 : i1 to i32
      %sign3A_709 = arith.subi %sign3A_705, %sign3A_708 : i32
      %sign3A_710 = arith.constant 0 : i32
      %sign3A_711 = arith.cmpi sgt, %jit3A, %sign3A_710 : i32
      %sign3A_712 = arith.extui %sign3A_711 : i1 to i32
      %sign3A_713 = arith.constant 0 : i32
      %sign3A_714 = arith.cmpi slt, %jit3A, %sign3A_713 : i32
      %sign3A_715 = arith.extui %sign3A_714 : i1 to i32
      %sign3A_716 = arith.subi %sign3A_712, %sign3A_715 : i32
      %ne3A = arith.cmpi ne, %sign3A_709, %sign3A_716 : i32
      %rem3A = arith.remsi %scan3A_703, %jit3A : i32
      %ne3A_717 = arith.constant 0 : i32
      %ne3A_718 = arith.cmpi ne, %rem3A, %ne3A_717 : i32
      %and3A = arith.andi %ne3A, %ne3A_718 : i1
      %sub3A = arith.constant 1 : i32
      %sub3A_719 = arith.subi %div3A, %sub3A : i32
      %select_n3A = arith.select %and3A, %sub3A_719, %div3A : i32
      %jit3A_720 = arith.constant 32 : i32
      %eq3A = arith.constant 0 : i32
      %eq3A_721 = arith.cmpi eq, %jit3A_720, %eq3A : i32
      %jit3A_722 = arith.constant 1 : i32
      %select_n3A_723 = arith.select %eq3A_721, %jit3A_722, %jit3A_720 : i32
      %rem3A_724 = arith.remsi %scan3A_703, %select_n3A_723 : i32
      %ne3A_725 = arith.constant 0 : i32
      %ne3A_726 = arith.cmpi ne, %rem3A_724, %ne3A_725 : i32
      %lt3A = arith.constant 0 : i32
      %lt3A_727 = arith.cmpi slt, %rem3A_724, %lt3A : i32
      %lt3A_728 = arith.constant 0 : i32
      %lt3A_729 = arith.cmpi slt, %select_n3A_723, %lt3A_728 : i32
      %ne3A_730 = arith.xori %lt3A_727, %lt3A_729 : i1
      %and3A_731 = arith.andi %ne3A_730, %ne3A_726 : i1
      %add3A_732 = arith.addi %rem3A_724, %select_n3A_723 : i32
      %select_n3A_733 = arith.select %and3A_731, %add3A_732, %rem3A_724 : i32
      %mul3A_734 = arith.constant 16 : i32
      %mul3A_735 = arith.muli %select_n3A_733, %mul3A_734 : i32
      %add3A_736 = arith.constant 42 : i32
      %add3A_737 = arith.addi %add3A_736, %select_n3A : i32
      %get3A = arith.index_cast %add3A_737 : i32 to index
      %get3A_738 = arith.index_cast %mul3A_735 : i32 to index
      %get3A_739 = tpu.vector_load %arg4[%get3A, %get3A_738] {strides = array<i32>} : memref<64x512xi32, #tpu.memory_space<vmem>>, vector<16xi32>,
      %add3A_740 = arith.constant 46 : i32
      %add3A_741 = arith.addi %add3A_740, %select_n3A : i32
      %get3A_742 = arith.index_cast %add3A_741 : i32 to index
      %get3A_743 = arith.index_cast %mul3A_735 : i32 to index
      %get3A_744 = tpu.vector_load %arg4[%get3A_742, %get3A_743] {strides = array<i32>} : memref<64x512xi32, #tpu.memory_space<vmem>>, vector<16xi32>,
      %broadcast_in_dim3A_745 = vector.broadcast %select_n3A : i32 to vector<16xi32>
      %add3A_746 = vector.broadcast %mul3A_735 : i32 to vector<16xi32>
      %add3A_747 = arith.addi %iota3A, %add3A_746 : vector<16xi32>
      tpu.vector_store_idx %arg6[%broadcast_in_dim3A_745, %get3A_739, %add3A_747], %broadcast_in_dim3A_8 : memref<2x32x512xf32, #tpu.memory_space<vmem>>[vector<16xi32>, vector<16xi32>, vector<16xi32>], vector<16xf32>,
      tpu.vector_store_idx %arg6[%broadcast_in_dim3A_745, %get3A_744, %add3A_747], %broadcast_in_dim3A_10 : memref<2x32x512xf32, #tpu.memory_space<vmem>>[vector<16xi32>, vector<16xi32>, vector<16xi32>], vector<16xf32>,
    }
    %scan3A_513 = arith.constant 64 : i32
    %add3A_514 = arith.constant 46 : i32
    %add3A_515 = arith.addi %multiple_of3A, %add3A_514 : i32
    %multiple_of3A_516 = tpu.assume_multiple %add3A_515, 2 : i32
    %dma_start3A_517 = arith.constant 0 : i32
    %dma_start3A_518 = arith.constant 0 : i32
    %dma_start3A_519 = tpu.memref_slice %arg3[%multiple_of3A_516, %dma_start3A_517, %dma_start3A_518] : memref<2048x32x512xf32, #tpu.memory_space<hbm>> -> memref<2x32x512xf32, #tpu.memory_space<hbm>>
    %dma_start3A_520 = arith.constant 0 : i32
    %dma_start3A_521 = arith.constant 0 : i32
    %dma_start3A_522 = tpu.memref_slice %arg3[%multiple_of3A_516, %dma_start3A_520, %dma_start3A_521] : memref<2048x32x512xf32, #tpu.memory_space<hbm>> -> memref<2x32x512xf32, #tpu.memory_space<hbm>>
    tpu.enqueue_dma source(%arg6 : memref<2x32x512xf32, #tpu.memory_space<vmem>>) target(%dma_start3A_522 : memref<2x32x512xf32, #tpu.memory_space<hbm>>) target_semaphore(%arg7 : memref<!tpu.dma_semaphore, #tpu.memory_space<semaphore_mem>>)
    %dma_wait3A_523 = arith.constant 0 : i32
    %dma_wait3A_524 = arith.constant 0 : i32
    %dma_wait3A_525 = tpu.memref_slice %arg3[%multiple_of3A, %dma_wait3A_523, %dma_wait3A_524] : memref<2048x32x512xf32, #tpu.memory_space<hbm>> -> memref<2x32x512xf32, #tpu.memory_space<hbm>>
    %dma_wait3A_526 = arith.constant 0 : i32
    %dma_wait3A_527 = arith.constant 0 : i32
    %dma_wait3A_528 = tpu.memref_slice %arg3[%multiple_of3A, %dma_wait3A_526, %dma_wait3A_527] : memref<2048x32x512xf32, #tpu.memory_space<hbm>> -> memref<2x32x512xf32, #tpu.memory_space<hbm>>
    tpu.wait_dma2 semaphore(%arg7 : memref<!tpu.dma_semaphore, #tpu.memory_space<semaphore_mem>>) src(%arg5 : memref<2x32x512xf32, #tpu.memory_space<vmem>>) dst(%dma_wait3A_528 : memref<2x32x512xf32, #tpu.memory_space<hbm>>)
    %scan3A_529 = arith.constant 0 : i32
    %scan3A_530 = arith.constant 0 : i32
    %scan3A_531 = arith.constant 64 : i32
    %scan3A_532 = arith.addi %scan3A_530, %scan3A_531 : i32
    %scan3A_533 = arith.constant 1 : i32
    scf.for %scan3A_703 = %scan3A_530 to %scan3A_532 step %scan3A_533  : i32 {
      %jit3A = arith.constant 32 : i32
      %div3A = arith.divsi %scan3A_703, %jit3A : i32
      %sign3A = arith.constant 0 : i32
      %sign3A_704 = arith.cmpi sgt, %scan3A_703, %sign3A : i32
      %sign3A_705 = arith.extui %sign3A_704 : i1 to i32
      %sign3A_706 = arith.constant 0 : i32
      %sign3A_707 = arith.cmpi slt, %scan3A_703, %sign3A_706 : i32
      %sign3A_708 = arith.extui %sign3A_707 : i1 to i32
      %sign3A_709 = arith.subi %sign3A_705, %sign3A_708 : i32
      %sign3A_710 = arith.constant 0 : i32
      %sign3A_711 = arith.cmpi sgt, %jit3A, %sign3A_710 : i32
      %sign3A_712 = arith.extui %sign3A_711 : i1 to i32
      %sign3A_713 = arith.constant 0 : i32
      %sign3A_714 = arith.cmpi slt, %jit3A, %sign3A_713 : i32
      %sign3A_715 = arith.extui %sign3A_714 : i1 to i32
      %sign3A_716 = arith.subi %sign3A_712, %sign3A_715 : i32
      %ne3A = arith.cmpi ne, %sign3A_709, %sign3A_716 : i32
      %rem3A = arith.remsi %scan3A_703, %jit3A : i32
      %ne3A_717 = arith.constant 0 : i32
      %ne3A_718 = arith.cmpi ne, %rem3A, %ne3A_717 : i32
      %and3A = arith.andi %ne3A, %ne3A_718 : i1
      %sub3A = arith.constant 1 : i32
      %sub3A_719 = arith.subi %div3A, %sub3A : i32
      %select_n3A = arith.select %and3A, %sub3A_719, %div3A : i32
      %jit3A_720 = arith.constant 32 : i32
      %eq3A = arith.constant 0 : i32
      %eq3A_721 = arith.cmpi eq, %jit3A_720, %eq3A : i32
      %jit3A_722 = arith.constant 1 : i32
      %select_n3A_723 = arith.select %eq3A_721, %jit3A_722, %jit3A_720 : i32
      %rem3A_724 = arith.remsi %scan3A_703, %select_n3A_723 : i32
      %ne3A_725 = arith.constant 0 : i32
      %ne3A_726 = arith.cmpi ne, %rem3A_724, %ne3A_725 : i32
      %lt3A = arith.constant 0 : i32
      %lt3A_727 = arith.cmpi slt, %rem3A_724, %lt3A : i32
      %lt3A_728 = arith.constant 0 : i32
      %lt3A_729 = arith.cmpi slt, %select_n3A_723, %lt3A_728 : i32
      %ne3A_730 = arith.xori %lt3A_727, %lt3A_729 : i1
      %and3A_731 = arith.andi %ne3A_730, %ne3A_726 : i1
      %add3A_732 = arith.addi %rem3A_724, %select_n3A_723 : i32
      %select_n3A_733 = arith.select %and3A_731, %add3A_732, %rem3A_724 : i32
      %mul3A_734 = arith.constant 16 : i32
      %mul3A_735 = arith.muli %select_n3A_733, %mul3A_734 : i32
      %add3A_736 = arith.constant 44 : i32
      %add3A_737 = arith.addi %add3A_736, %select_n3A : i32
      %get3A = arith.index_cast %add3A_737 : i32 to index
      %get3A_738 = arith.index_cast %mul3A_735 : i32 to index
      %get3A_739 = tpu.vector_load %arg4[%get3A, %get3A_738] {strides = array<i32>} : memref<64x512xi32, #tpu.memory_space<vmem>>, vector<16xi32>,
      %add3A_740 = arith.constant 48 : i32
      %add3A_741 = arith.addi %add3A_740, %select_n3A : i32
      %get3A_742 = arith.index_cast %add3A_741 : i32 to index
      %get3A_743 = arith.index_cast %mul3A_735 : i32 to index
      %get3A_744 = tpu.vector_load %arg4[%get3A_742, %get3A_743] {strides = array<i32>} : memref<64x512xi32, #tpu.memory_space<vmem>>, vector<16xi32>,
      %broadcast_in_dim3A_745 = vector.broadcast %select_n3A : i32 to vector<16xi32>
      %add3A_746 = vector.broadcast %mul3A_735 : i32 to vector<16xi32>
      %add3A_747 = arith.addi %iota3A, %add3A_746 : vector<16xi32>
      tpu.vector_store_idx %arg5[%broadcast_in_dim3A_745, %get3A_739, %add3A_747], %broadcast_in_dim3A_8 : memref<2x32x512xf32, #tpu.memory_space<vmem>>[vector<16xi32>, vector<16xi32>, vector<16xi32>], vector<16xf32>,
      tpu.vector_store_idx %arg5[%broadcast_in_dim3A_745, %get3A_744, %add3A_747], %broadcast_in_dim3A_10 : memref<2x32x512xf32, #tpu.memory_space<vmem>>[vector<16xi32>, vector<16xi32>, vector<16xi32>], vector<16xf32>,
    }
    %scan3A_534 = arith.constant 64 : i32
    %add3A_535 = arith.constant 48 : i32
    %add3A_536 = arith.addi %multiple_of3A, %add3A_535 : i32
    %multiple_of3A_537 = tpu.assume_multiple %add3A_536, 2 : i32
    %dma_start3A_538 = arith.constant 0 : i32
    %dma_start3A_539 = arith.constant 0 : i32
    %dma_start3A_540 = tpu.memref_slice %arg3[%multiple_of3A_537, %dma_start3A_538, %dma_start3A_539] : memref<2048x32x512xf32, #tpu.memory_space<hbm>> -> memref<2x32x512xf32, #tpu.memory_space<hbm>>
    %dma_start3A_541 = arith.constant 0 : i32
    %dma_start3A_542 = arith.constant 0 : i32
    %dma_start3A_543 = tpu.memref_slice %arg3[%multiple_of3A_537, %dma_start3A_541, %dma_start3A_542] : memref<2048x32x512xf32, #tpu.memory_space<hbm>> -> memref<2x32x512xf32, #tpu.memory_space<hbm>>
    tpu.enqueue_dma source(%arg5 : memref<2x32x512xf32, #tpu.memory_space<vmem>>) target(%dma_start3A_543 : memref<2x32x512xf32, #tpu.memory_space<hbm>>) target_semaphore(%arg7 : memref<!tpu.dma_semaphore, #tpu.memory_space<semaphore_mem>>)
    %dma_wait3A_544 = arith.constant 0 : i32
    %dma_wait3A_545 = arith.constant 0 : i32
    %dma_wait3A_546 = tpu.memref_slice %arg3[%multiple_of3A, %dma_wait3A_544, %dma_wait3A_545] : memref<2048x32x512xf32, #tpu.memory_space<hbm>> -> memref<2x32x512xf32, #tpu.memory_space<hbm>>
    %dma_wait3A_547 = arith.constant 0 : i32
    %dma_wait3A_548 = arith.constant 0 : i32
    %dma_wait3A_549 = tpu.memref_slice %arg3[%multiple_of3A, %dma_wait3A_547, %dma_wait3A_548] : memref<2048x32x512xf32, #tpu.memory_space<hbm>> -> memref<2x32x512xf32, #tpu.memory_space<hbm>>
    tpu.wait_dma2 semaphore(%arg7 : memref<!tpu.dma_semaphore, #tpu.memory_space<semaphore_mem>>) src(%arg6 : memref<2x32x512xf32, #tpu.memory_space<vmem>>) dst(%dma_wait3A_549 : memref<2x32x512xf32, #tpu.memory_space<hbm>>)
    %scan3A_550 = arith.constant 0 : i32
    %scan3A_551 = arith.constant 0 : i32
    %scan3A_552 = arith.constant 64 : i32
    %scan3A_553 = arith.addi %scan3A_551, %scan3A_552 : i32
    %scan3A_554 = arith.constant 1 : i32
    scf.for %scan3A_703 = %scan3A_551 to %scan3A_553 step %scan3A_554  : i32 {
      %jit3A = arith.constant 32 : i32
      %div3A = arith.divsi %scan3A_703, %jit3A : i32
      %sign3A = arith.constant 0 : i32
      %sign3A_704 = arith.cmpi sgt, %scan3A_703, %sign3A : i32
      %sign3A_705 = arith.extui %sign3A_704 : i1 to i32
      %sign3A_706 = arith.constant 0 : i32
      %sign3A_707 = arith.cmpi slt, %scan3A_703, %sign3A_706 : i32
      %sign3A_708 = arith.extui %sign3A_707 : i1 to i32
      %sign3A_709 = arith.subi %sign3A_705, %sign3A_708 : i32
      %sign3A_710 = arith.constant 0 : i32
      %sign3A_711 = arith.cmpi sgt, %jit3A, %sign3A_710 : i32
      %sign3A_712 = arith.extui %sign3A_711 : i1 to i32
      %sign3A_713 = arith.constant 0 : i32
      %sign3A_714 = arith.cmpi slt, %jit3A, %sign3A_713 : i32
      %sign3A_715 = arith.extui %sign3A_714 : i1 to i32
      %sign3A_716 = arith.subi %sign3A_712, %sign3A_715 : i32
      %ne3A = arith.cmpi ne, %sign3A_709, %sign3A_716 : i32
      %rem3A = arith.remsi %scan3A_703, %jit3A : i32
      %ne3A_717 = arith.constant 0 : i32
      %ne3A_718 = arith.cmpi ne, %rem3A, %ne3A_717 : i32
      %and3A = arith.andi %ne3A, %ne3A_718 : i1
      %sub3A = arith.constant 1 : i32
      %sub3A_719 = arith.subi %div3A, %sub3A : i32
      %select_n3A = arith.select %and3A, %sub3A_719, %div3A : i32
      %jit3A_720 = arith.constant 32 : i32
      %eq3A = arith.constant 0 : i32
      %eq3A_721 = arith.cmpi eq, %jit3A_720, %eq3A : i32
      %jit3A_722 = arith.constant 1 : i32
      %select_n3A_723 = arith.select %eq3A_721, %jit3A_722, %jit3A_720 : i32
      %rem3A_724 = arith.remsi %scan3A_703, %select_n3A_723 : i32
      %ne3A_725 = arith.constant 0 : i32
      %ne3A_726 = arith.cmpi ne, %rem3A_724, %ne3A_725 : i32
      %lt3A = arith.constant 0 : i32
      %lt3A_727 = arith.cmpi slt, %rem3A_724, %lt3A : i32
      %lt3A_728 = arith.constant 0 : i32
      %lt3A_729 = arith.cmpi slt, %select_n3A_723, %lt3A_728 : i32
      %ne3A_730 = arith.xori %lt3A_727, %lt3A_729 : i1
      %and3A_731 = arith.andi %ne3A_730, %ne3A_726 : i1
      %add3A_732 = arith.addi %rem3A_724, %select_n3A_723 : i32
      %select_n3A_733 = arith.select %and3A_731, %add3A_732, %rem3A_724 : i32
      %mul3A_734 = arith.constant 16 : i32
      %mul3A_735 = arith.muli %select_n3A_733, %mul3A_734 : i32
      %add3A_736 = arith.constant 46 : i32
      %add3A_737 = arith.addi %add3A_736, %select_n3A : i32
      %get3A = arith.index_cast %add3A_737 : i32 to index
      %get3A_738 = arith.index_cast %mul3A_735 : i32 to index
      %get3A_739 = tpu.vector_load %arg4[%get3A, %get3A_738] {strides = array<i32>} : memref<64x512xi32, #tpu.memory_space<vmem>>, vector<16xi32>,
      %add3A_740 = arith.constant 50 : i32
      %add3A_741 = arith.addi %add3A_740, %select_n3A : i32
      %get3A_742 = arith.index_cast %add3A_741 : i32 to index
      %get3A_743 = arith.index_cast %mul3A_735 : i32 to index
      %get3A_744 = tpu.vector_load %arg4[%get3A_742, %get3A_743] {strides = array<i32>} : memref<64x512xi32, #tpu.memory_space<vmem>>, vector<16xi32>,
      %broadcast_in_dim3A_745 = vector.broadcast %select_n3A : i32 to vector<16xi32>
      %add3A_746 = vector.broadcast %mul3A_735 : i32 to vector<16xi32>
      %add3A_747 = arith.addi %iota3A, %add3A_746 : vector<16xi32>
      tpu.vector_store_idx %arg6[%broadcast_in_dim3A_745, %get3A_739, %add3A_747], %broadcast_in_dim3A_8 : memref<2x32x512xf32, #tpu.memory_space<vmem>>[vector<16xi32>, vector<16xi32>, vector<16xi32>], vector<16xf32>,
      tpu.vector_store_idx %arg6[%broadcast_in_dim3A_745, %get3A_744, %add3A_747], %broadcast_in_dim3A_10 : memref<2x32x512xf32, #tpu.memory_space<vmem>>[vector<16xi32>, vector<16xi32>, vector<16xi32>], vector<16xf32>,
    }
    %scan3A_555 = arith.constant 64 : i32
    %add3A_556 = arith.constant 50 : i32
    %add3A_557 = arith.addi %multiple_of3A, %add3A_556 : i32
    %multiple_of3A_558 = tpu.assume_multiple %add3A_557, 2 : i32
    %dma_start3A_559 = arith.constant 0 : i32
    %dma_start3A_560 = arith.constant 0 : i32
    %dma_start3A_561 = tpu.memref_slice %arg3[%multiple_of3A_558, %dma_start3A_559, %dma_start3A_560] : memref<2048x32x512xf32, #tpu.memory_space<hbm>> -> memref<2x32x512xf32, #tpu.memory_space<hbm>>
    %dma_start3A_562 = arith.constant 0 : i32
    %dma_start3A_563 = arith.constant 0 : i32
    %dma_start3A_564 = tpu.memref_slice %arg3[%multiple_of3A_558, %dma_start3A_562, %dma_start3A_563] : memref<2048x32x512xf32, #tpu.memory_space<hbm>> -> memref<2x32x512xf32, #tpu.memory_space<hbm>>
    tpu.enqueue_dma source(%arg6 : memref<2x32x512xf32, #tpu.memory_space<vmem>>) target(%dma_start3A_564 : memref<2x32x512xf32, #tpu.memory_space<hbm>>) target_semaphore(%arg7 : memref<!tpu.dma_semaphore, #tpu.memory_space<semaphore_mem>>)
    %dma_wait3A_565 = arith.constant 0 : i32
    %dma_wait3A_566 = arith.constant 0 : i32
    %dma_wait3A_567 = tpu.memref_slice %arg3[%multiple_of3A, %dma_wait3A_565, %dma_wait3A_566] : memref<2048x32x512xf32, #tpu.memory_space<hbm>> -> memref<2x32x512xf32, #tpu.memory_space<hbm>>
    %dma_wait3A_568 = arith.constant 0 : i32
    %dma_wait3A_569 = arith.constant 0 : i32
    %dma_wait3A_570 = tpu.memref_slice %arg3[%multiple_of3A, %dma_wait3A_568, %dma_wait3A_569] : memref<2048x32x512xf32, #tpu.memory_space<hbm>> -> memref<2x32x512xf32, #tpu.memory_space<hbm>>
    tpu.wait_dma2 semaphore(%arg7 : memref<!tpu.dma_semaphore, #tpu.memory_space<semaphore_mem>>) src(%arg5 : memref<2x32x512xf32, #tpu.memory_space<vmem>>) dst(%dma_wait3A_570 : memref<2x32x512xf32, #tpu.memory_space<hbm>>)
    %scan3A_571 = arith.constant 0 : i32
    %scan3A_572 = arith.constant 0 : i32
    %scan3A_573 = arith.constant 64 : i32
    %scan3A_574 = arith.addi %scan3A_572, %scan3A_573 : i32
    %scan3A_575 = arith.constant 1 : i32
    scf.for %scan3A_703 = %scan3A_572 to %scan3A_574 step %scan3A_575  : i32 {
      %jit3A = arith.constant 32 : i32
      %div3A = arith.divsi %scan3A_703, %jit3A : i32
      %sign3A = arith.constant 0 : i32
      %sign3A_704 = arith.cmpi sgt, %scan3A_703, %sign3A : i32
      %sign3A_705 = arith.extui %sign3A_704 : i1 to i32
      %sign3A_706 = arith.constant 0 : i32
      %sign3A_707 = arith.cmpi slt, %scan3A_703, %sign3A_706 : i32
      %sign3A_708 = arith.extui %sign3A_707 : i1 to i32
      %sign3A_709 = arith.subi %sign3A_705, %sign3A_708 : i32
      %sign3A_710 = arith.constant 0 : i32
      %sign3A_711 = arith.cmpi sgt, %jit3A, %sign3A_710 : i32
      %sign3A_712 = arith.extui %sign3A_711 : i1 to i32
      %sign3A_713 = arith.constant 0 : i32
      %sign3A_714 = arith.cmpi slt, %jit3A, %sign3A_713 : i32
      %sign3A_715 = arith.extui %sign3A_714 : i1 to i32
      %sign3A_716 = arith.subi %sign3A_712, %sign3A_715 : i32
      %ne3A = arith.cmpi ne, %sign3A_709, %sign3A_716 : i32
      %rem3A = arith.remsi %scan3A_703, %jit3A : i32
      %ne3A_717 = arith.constant 0 : i32
      %ne3A_718 = arith.cmpi ne, %rem3A, %ne3A_717 : i32
      %and3A = arith.andi %ne3A, %ne3A_718 : i1
      %sub3A = arith.constant 1 : i32
      %sub3A_719 = arith.subi %div3A, %sub3A : i32
      %select_n3A = arith.select %and3A, %sub3A_719, %div3A : i32
      %jit3A_720 = arith.constant 32 : i32
      %eq3A = arith.constant 0 : i32
      %eq3A_721 = arith.cmpi eq, %jit3A_720, %eq3A : i32
      %jit3A_722 = arith.constant 1 : i32
      %select_n3A_723 = arith.select %eq3A_721, %jit3A_722, %jit3A_720 : i32
      %rem3A_724 = arith.remsi %scan3A_703, %select_n3A_723 : i32
      %ne3A_725 = arith.constant 0 : i32
      %ne3A_726 = arith.cmpi ne, %rem3A_724, %ne3A_725 : i32
      %lt3A = arith.constant 0 : i32
      %lt3A_727 = arith.cmpi slt, %rem3A_724, %lt3A : i32
      %lt3A_728 = arith.constant 0 : i32
      %lt3A_729 = arith.cmpi slt, %select_n3A_723, %lt3A_728 : i32
      %ne3A_730 = arith.xori %lt3A_727, %lt3A_729 : i1
      %and3A_731 = arith.andi %ne3A_730, %ne3A_726 : i1
      %add3A_732 = arith.addi %rem3A_724, %select_n3A_723 : i32
      %select_n3A_733 = arith.select %and3A_731, %add3A_732, %rem3A_724 : i32
      %mul3A_734 = arith.constant 16 : i32
      %mul3A_735 = arith.muli %select_n3A_733, %mul3A_734 : i32
      %add3A_736 = arith.constant 48 : i32
      %add3A_737 = arith.addi %add3A_736, %select_n3A : i32
      %get3A = arith.index_cast %add3A_737 : i32 to index
      %get3A_738 = arith.index_cast %mul3A_735 : i32 to index
      %get3A_739 = tpu.vector_load %arg4[%get3A, %get3A_738] {strides = array<i32>} : memref<64x512xi32, #tpu.memory_space<vmem>>, vector<16xi32>,
      %add3A_740 = arith.constant 52 : i32
      %add3A_741 = arith.addi %add3A_740, %select_n3A : i32
      %get3A_742 = arith.index_cast %add3A_741 : i32 to index
      %get3A_743 = arith.index_cast %mul3A_735 : i32 to index
      %get3A_744 = tpu.vector_load %arg4[%get3A_742, %get3A_743] {strides = array<i32>} : memref<64x512xi32, #tpu.memory_space<vmem>>, vector<16xi32>,
      %broadcast_in_dim3A_745 = vector.broadcast %select_n3A : i32 to vector<16xi32>
      %add3A_746 = vector.broadcast %mul3A_735 : i32 to vector<16xi32>
      %add3A_747 = arith.addi %iota3A, %add3A_746 : vector<16xi32>
      tpu.vector_store_idx %arg5[%broadcast_in_dim3A_745, %get3A_739, %add3A_747], %broadcast_in_dim3A_8 : memref<2x32x512xf32, #tpu.memory_space<vmem>>[vector<16xi32>, vector<16xi32>, vector<16xi32>], vector<16xf32>,
      tpu.vector_store_idx %arg5[%broadcast_in_dim3A_745, %get3A_744, %add3A_747], %broadcast_in_dim3A_10 : memref<2x32x512xf32, #tpu.memory_space<vmem>>[vector<16xi32>, vector<16xi32>, vector<16xi32>], vector<16xf32>,
    }
    %scan3A_576 = arith.constant 64 : i32
    %add3A_577 = arith.constant 52 : i32
    %add3A_578 = arith.addi %multiple_of3A, %add3A_577 : i32
    %multiple_of3A_579 = tpu.assume_multiple %add3A_578, 2 : i32
    %dma_start3A_580 = arith.constant 0 : i32
    %dma_start3A_581 = arith.constant 0 : i32
    %dma_start3A_582 = tpu.memref_slice %arg3[%multiple_of3A_579, %dma_start3A_580, %dma_start3A_581] : memref<2048x32x512xf32, #tpu.memory_space<hbm>> -> memref<2x32x512xf32, #tpu.memory_space<hbm>>
    %dma_start3A_583 = arith.constant 0 : i32
    %dma_start3A_584 = arith.constant 0 : i32
    %dma_start3A_585 = tpu.memref_slice %arg3[%multiple_of3A_579, %dma_start3A_583, %dma_start3A_584] : memref<2048x32x512xf32, #tpu.memory_space<hbm>> -> memref<2x32x512xf32, #tpu.memory_space<hbm>>
    tpu.enqueue_dma source(%arg5 : memref<2x32x512xf32, #tpu.memory_space<vmem>>) target(%dma_start3A_585 : memref<2x32x512xf32, #tpu.memory_space<hbm>>) target_semaphore(%arg7 : memref<!tpu.dma_semaphore, #tpu.memory_space<semaphore_mem>>)
    %dma_wait3A_586 = arith.constant 0 : i32
    %dma_wait3A_587 = arith.constant 0 : i32
    %dma_wait3A_588 = tpu.memref_slice %arg3[%multiple_of3A, %dma_wait3A_586, %dma_wait3A_587] : memref<2048x32x512xf32, #tpu.memory_space<hbm>> -> memref<2x32x512xf32, #tpu.memory_space<hbm>>
    %dma_wait3A_589 = arith.constant 0 : i32
    %dma_wait3A_590 = arith.constant 0 : i32
    %dma_wait3A_591 = tpu.memref_slice %arg3[%multiple_of3A, %dma_wait3A_589, %dma_wait3A_590] : memref<2048x32x512xf32, #tpu.memory_space<hbm>> -> memref<2x32x512xf32, #tpu.memory_space<hbm>>
    tpu.wait_dma2 semaphore(%arg7 : memref<!tpu.dma_semaphore, #tpu.memory_space<semaphore_mem>>) src(%arg6 : memref<2x32x512xf32, #tpu.memory_space<vmem>>) dst(%dma_wait3A_591 : memref<2x32x512xf32, #tpu.memory_space<hbm>>)
    %scan3A_592 = arith.constant 0 : i32
    %scan3A_593 = arith.constant 0 : i32
    %scan3A_594 = arith.constant 64 : i32
    %scan3A_595 = arith.addi %scan3A_593, %scan3A_594 : i32
    %scan3A_596 = arith.constant 1 : i32
    scf.for %scan3A_703 = %scan3A_593 to %scan3A_595 step %scan3A_596  : i32 {
      %jit3A = arith.constant 32 : i32
      %div3A = arith.divsi %scan3A_703, %jit3A : i32
      %sign3A = arith.constant 0 : i32
      %sign3A_704 = arith.cmpi sgt, %scan3A_703, %sign3A : i32
      %sign3A_705 = arith.extui %sign3A_704 : i1 to i32
      %sign3A_706 = arith.constant 0 : i32
      %sign3A_707 = arith.cmpi slt, %scan3A_703, %sign3A_706 : i32
      %sign3A_708 = arith.extui %sign3A_707 : i1 to i32
      %sign3A_709 = arith.subi %sign3A_705, %sign3A_708 : i32
      %sign3A_710 = arith.constant 0 : i32
      %sign3A_711 = arith.cmpi sgt, %jit3A, %sign3A_710 : i32
      %sign3A_712 = arith.extui %sign3A_711 : i1 to i32
      %sign3A_713 = arith.constant 0 : i32
      %sign3A_714 = arith.cmpi slt, %jit3A, %sign3A_713 : i32
      %sign3A_715 = arith.extui %sign3A_714 : i1 to i32
      %sign3A_716 = arith.subi %sign3A_712, %sign3A_715 : i32
      %ne3A = arith.cmpi ne, %sign3A_709, %sign3A_716 : i32
      %rem3A = arith.remsi %scan3A_703, %jit3A : i32
      %ne3A_717 = arith.constant 0 : i32
      %ne3A_718 = arith.cmpi ne, %rem3A, %ne3A_717 : i32
      %and3A = arith.andi %ne3A, %ne3A_718 : i1
      %sub3A = arith.constant 1 : i32
      %sub3A_719 = arith.subi %div3A, %sub3A : i32
      %select_n3A = arith.select %and3A, %sub3A_719, %div3A : i32
      %jit3A_720 = arith.constant 32 : i32
      %eq3A = arith.constant 0 : i32
      %eq3A_721 = arith.cmpi eq, %jit3A_720, %eq3A : i32
      %jit3A_722 = arith.constant 1 : i32
      %select_n3A_723 = arith.select %eq3A_721, %jit3A_722, %jit3A_720 : i32
      %rem3A_724 = arith.remsi %scan3A_703, %select_n3A_723 : i32
      %ne3A_725 = arith.constant 0 : i32
      %ne3A_726 = arith.cmpi ne, %rem3A_724, %ne3A_725 : i32
      %lt3A = arith.constant 0 : i32
      %lt3A_727 = arith.cmpi slt, %rem3A_724, %lt3A : i32
      %lt3A_728 = arith.constant 0 : i32
      %lt3A_729 = arith.cmpi slt, %select_n3A_723, %lt3A_728 : i32
      %ne3A_730 = arith.xori %lt3A_727, %lt3A_729 : i1
      %and3A_731 = arith.andi %ne3A_730, %ne3A_726 : i1
      %add3A_732 = arith.addi %rem3A_724, %select_n3A_723 : i32
      %select_n3A_733 = arith.select %and3A_731, %add3A_732, %rem3A_724 : i32
      %mul3A_734 = arith.constant 16 : i32
      %mul3A_735 = arith.muli %select_n3A_733, %mul3A_734 : i32
      %add3A_736 = arith.constant 50 : i32
      %add3A_737 = arith.addi %add3A_736, %select_n3A : i32
      %get3A = arith.index_cast %add3A_737 : i32 to index
      %get3A_738 = arith.index_cast %mul3A_735 : i32 to index
      %get3A_739 = tpu.vector_load %arg4[%get3A, %get3A_738] {strides = array<i32>} : memref<64x512xi32, #tpu.memory_space<vmem>>, vector<16xi32>,
      %add3A_740 = arith.constant 54 : i32
      %add3A_741 = arith.addi %add3A_740, %select_n3A : i32
      %get3A_742 = arith.index_cast %add3A_741 : i32 to index
      %get3A_743 = arith.index_cast %mul3A_735 : i32 to index
      %get3A_744 = tpu.vector_load %arg4[%get3A_742, %get3A_743] {strides = array<i32>} : memref<64x512xi32, #tpu.memory_space<vmem>>, vector<16xi32>,
      %broadcast_in_dim3A_745 = vector.broadcast %select_n3A : i32 to vector<16xi32>
      %add3A_746 = vector.broadcast %mul3A_735 : i32 to vector<16xi32>
      %add3A_747 = arith.addi %iota3A, %add3A_746 : vector<16xi32>
      tpu.vector_store_idx %arg6[%broadcast_in_dim3A_745, %get3A_739, %add3A_747], %broadcast_in_dim3A_8 : memref<2x32x512xf32, #tpu.memory_space<vmem>>[vector<16xi32>, vector<16xi32>, vector<16xi32>], vector<16xf32>,
      tpu.vector_store_idx %arg6[%broadcast_in_dim3A_745, %get3A_744, %add3A_747], %broadcast_in_dim3A_10 : memref<2x32x512xf32, #tpu.memory_space<vmem>>[vector<16xi32>, vector<16xi32>, vector<16xi32>], vector<16xf32>,
    }
    %scan3A_597 = arith.constant 64 : i32
    %add3A_598 = arith.constant 54 : i32
    %add3A_599 = arith.addi %multiple_of3A, %add3A_598 : i32
    %multiple_of3A_600 = tpu.assume_multiple %add3A_599, 2 : i32
    %dma_start3A_601 = arith.constant 0 : i32
    %dma_start3A_602 = arith.constant 0 : i32
    %dma_start3A_603 = tpu.memref_slice %arg3[%multiple_of3A_600, %dma_start3A_601, %dma_start3A_602] : memref<2048x32x512xf32, #tpu.memory_space<hbm>> -> memref<2x32x512xf32, #tpu.memory_space<hbm>>
    %dma_start3A_604 = arith.constant 0 : i32
    %dma_start3A_605 = arith.constant 0 : i32
    %dma_start3A_606 = tpu.memref_slice %arg3[%multiple_of3A_600, %dma_start3A_604, %dma_start3A_605] : memref<2048x32x512xf32, #tpu.memory_space<hbm>> -> memref<2x32x512xf32, #tpu.memory_space<hbm>>
    tpu.enqueue_dma source(%arg6 : memref<2x32x512xf32, #tpu.memory_space<vmem>>) target(%dma_start3A_606 : memref<2x32x512xf32, #tpu.memory_space<hbm>>) target_semaphore(%arg7 : memref<!tpu.dma_semaphore, #tpu.memory_space<semaphore_mem>>)
    %dma_wait3A_607 = arith.constant 0 : i32
    %dma_wait3A_608 = arith.constant 0 : i32
    %dma_wait3A_609 = tpu.memref_slice %arg3[%multiple_of3A, %dma_wait3A_607, %dma_wait3A_608] : memref<2048x32x512xf32, #tpu.memory_space<hbm>> -> memref<2x32x512xf32, #tpu.memory_space<hbm>>
    %dma_wait3A_610 = arith.constant 0 : i32
    %dma_wait3A_611 = arith.constant 0 : i32
    %dma_wait3A_612 = tpu.memref_slice %arg3[%multiple_of3A, %dma_wait3A_610, %dma_wait3A_611] : memref<2048x32x512xf32, #tpu.memory_space<hbm>> -> memref<2x32x512xf32, #tpu.memory_space<hbm>>
    tpu.wait_dma2 semaphore(%arg7 : memref<!tpu.dma_semaphore, #tpu.memory_space<semaphore_mem>>) src(%arg5 : memref<2x32x512xf32, #tpu.memory_space<vmem>>) dst(%dma_wait3A_612 : memref<2x32x512xf32, #tpu.memory_space<hbm>>)
    %scan3A_613 = arith.constant 0 : i32
    %scan3A_614 = arith.constant 0 : i32
    %scan3A_615 = arith.constant 64 : i32
    %scan3A_616 = arith.addi %scan3A_614, %scan3A_615 : i32
    %scan3A_617 = arith.constant 1 : i32
    scf.for %scan3A_703 = %scan3A_614 to %scan3A_616 step %scan3A_617  : i32 {
      %jit3A = arith.constant 32 : i32
      %div3A = arith.divsi %scan3A_703, %jit3A : i32
      %sign3A = arith.constant 0 : i32
      %sign3A_704 = arith.cmpi sgt, %scan3A_703, %sign3A : i32
      %sign3A_705 = arith.extui %sign3A_704 : i1 to i32
      %sign3A_706 = arith.constant 0 : i32
      %sign3A_707 = arith.cmpi slt, %scan3A_703, %sign3A_706 : i32
      %sign3A_708 = arith.extui %sign3A_707 : i1 to i32
      %sign3A_709 = arith.subi %sign3A_705, %sign3A_708 : i32
      %sign3A_710 = arith.constant 0 : i32
      %sign3A_711 = arith.cmpi sgt, %jit3A, %sign3A_710 : i32
      %sign3A_712 = arith.extui %sign3A_711 : i1 to i32
      %sign3A_713 = arith.constant 0 : i32
      %sign3A_714 = arith.cmpi slt, %jit3A, %sign3A_713 : i32
      %sign3A_715 = arith.extui %sign3A_714 : i1 to i32
      %sign3A_716 = arith.subi %sign3A_712, %sign3A_715 : i32
      %ne3A = arith.cmpi ne, %sign3A_709, %sign3A_716 : i32
      %rem3A = arith.remsi %scan3A_703, %jit3A : i32
      %ne3A_717 = arith.constant 0 : i32
      %ne3A_718 = arith.cmpi ne, %rem3A, %ne3A_717 : i32
      %and3A = arith.andi %ne3A, %ne3A_718 : i1
      %sub3A = arith.constant 1 : i32
      %sub3A_719 = arith.subi %div3A, %sub3A : i32
      %select_n3A = arith.select %and3A, %sub3A_719, %div3A : i32
      %jit3A_720 = arith.constant 32 : i32
      %eq3A = arith.constant 0 : i32
      %eq3A_721 = arith.cmpi eq, %jit3A_720, %eq3A : i32
      %jit3A_722 = arith.constant 1 : i32
      %select_n3A_723 = arith.select %eq3A_721, %jit3A_722, %jit3A_720 : i32
      %rem3A_724 = arith.remsi %scan3A_703, %select_n3A_723 : i32
      %ne3A_725 = arith.constant 0 : i32
      %ne3A_726 = arith.cmpi ne, %rem3A_724, %ne3A_725 : i32
      %lt3A = arith.constant 0 : i32
      %lt3A_727 = arith.cmpi slt, %rem3A_724, %lt3A : i32
      %lt3A_728 = arith.constant 0 : i32
      %lt3A_729 = arith.cmpi slt, %select_n3A_723, %lt3A_728 : i32
      %ne3A_730 = arith.xori %lt3A_727, %lt3A_729 : i1
      %and3A_731 = arith.andi %ne3A_730, %ne3A_726 : i1
      %add3A_732 = arith.addi %rem3A_724, %select_n3A_723 : i32
      %select_n3A_733 = arith.select %and3A_731, %add3A_732, %rem3A_724 : i32
      %mul3A_734 = arith.constant 16 : i32
      %mul3A_735 = arith.muli %select_n3A_733, %mul3A_734 : i32
      %add3A_736 = arith.constant 52 : i32
      %add3A_737 = arith.addi %add3A_736, %select_n3A : i32
      %get3A = arith.index_cast %add3A_737 : i32 to index
      %get3A_738 = arith.index_cast %mul3A_735 : i32 to index
      %get3A_739 = tpu.vector_load %arg4[%get3A, %get3A_738] {strides = array<i32>} : memref<64x512xi32, #tpu.memory_space<vmem>>, vector<16xi32>,
      %add3A_740 = arith.constant 56 : i32
      %add3A_741 = arith.addi %add3A_740, %select_n3A : i32
      %get3A_742 = arith.index_cast %add3A_741 : i32 to index
      %get3A_743 = arith.index_cast %mul3A_735 : i32 to index
      %get3A_744 = tpu.vector_load %arg4[%get3A_742, %get3A_743] {strides = array<i32>} : memref<64x512xi32, #tpu.memory_space<vmem>>, vector<16xi32>,
      %broadcast_in_dim3A_745 = vector.broadcast %select_n3A : i32 to vector<16xi32>
      %add3A_746 = vector.broadcast %mul3A_735 : i32 to vector<16xi32>
      %add3A_747 = arith.addi %iota3A, %add3A_746 : vector<16xi32>
      tpu.vector_store_idx %arg5[%broadcast_in_dim3A_745, %get3A_739, %add3A_747], %broadcast_in_dim3A_8 : memref<2x32x512xf32, #tpu.memory_space<vmem>>[vector<16xi32>, vector<16xi32>, vector<16xi32>], vector<16xf32>,
      tpu.vector_store_idx %arg5[%broadcast_in_dim3A_745, %get3A_744, %add3A_747], %broadcast_in_dim3A_10 : memref<2x32x512xf32, #tpu.memory_space<vmem>>[vector<16xi32>, vector<16xi32>, vector<16xi32>], vector<16xf32>,
    }
    %scan3A_618 = arith.constant 64 : i32
    %add3A_619 = arith.constant 56 : i32
    %add3A_620 = arith.addi %multiple_of3A, %add3A_619 : i32
    %multiple_of3A_621 = tpu.assume_multiple %add3A_620, 2 : i32
    %dma_start3A_622 = arith.constant 0 : i32
    %dma_start3A_623 = arith.constant 0 : i32
    %dma_start3A_624 = tpu.memref_slice %arg3[%multiple_of3A_621, %dma_start3A_622, %dma_start3A_623] : memref<2048x32x512xf32, #tpu.memory_space<hbm>> -> memref<2x32x512xf32, #tpu.memory_space<hbm>>
    %dma_start3A_625 = arith.constant 0 : i32
    %dma_start3A_626 = arith.constant 0 : i32
    %dma_start3A_627 = tpu.memref_slice %arg3[%multiple_of3A_621, %dma_start3A_625, %dma_start3A_626] : memref<2048x32x512xf32, #tpu.memory_space<hbm>> -> memref<2x32x512xf32, #tpu.memory_space<hbm>>
    tpu.enqueue_dma source(%arg5 : memref<2x32x512xf32, #tpu.memory_space<vmem>>) target(%dma_start3A_627 : memref<2x32x512xf32, #tpu.memory_space<hbm>>) target_semaphore(%arg7 : memref<!tpu.dma_semaphore, #tpu.memory_space<semaphore_mem>>)
    %dma_wait3A_628 = arith.constant 0 : i32
    %dma_wait3A_629 = arith.constant 0 : i32
    %dma_wait3A_630 = tpu.memref_slice %arg3[%multiple_of3A, %dma_wait3A_628, %dma_wait3A_629] : memref<2048x32x512xf32, #tpu.memory_space<hbm>> -> memref<2x32x512xf32, #tpu.memory_space<hbm>>
    %dma_wait3A_631 = arith.constant 0 : i32
    %dma_wait3A_632 = arith.constant 0 : i32
    %dma_wait3A_633 = tpu.memref_slice %arg3[%multiple_of3A, %dma_wait3A_631, %dma_wait3A_632] : memref<2048x32x512xf32, #tpu.memory_space<hbm>> -> memref<2x32x512xf32, #tpu.memory_space<hbm>>
    tpu.wait_dma2 semaphore(%arg7 : memref<!tpu.dma_semaphore, #tpu.memory_space<semaphore_mem>>) src(%arg6 : memref<2x32x512xf32, #tpu.memory_space<vmem>>) dst(%dma_wait3A_633 : memref<2x32x512xf32, #tpu.memory_space<hbm>>)
    %scan3A_634 = arith.constant 0 : i32
    %scan3A_635 = arith.constant 0 : i32
    %scan3A_636 = arith.constant 64 : i32
    %scan3A_637 = arith.addi %scan3A_635, %scan3A_636 : i32
    %scan3A_638 = arith.constant 1 : i32
    scf.for %scan3A_703 = %scan3A_635 to %scan3A_637 step %scan3A_638  : i32 {
      %jit3A = arith.constant 32 : i32
      %div3A = arith.divsi %scan3A_703, %jit3A : i32
      %sign3A = arith.constant 0 : i32
      %sign3A_704 = arith.cmpi sgt, %scan3A_703, %sign3A : i32
      %sign3A_705 = arith.extui %sign3A_704 : i1 to i32
      %sign3A_706 = arith.constant 0 : i32
      %sign3A_707 = arith.cmpi slt, %scan3A_703, %sign3A_706 : i32
      %sign3A_708 = arith.extui %sign3A_707 : i1 to i32
      %sign3A_709 = arith.subi %sign3A_705, %sign3A_708 : i32
      %sign3A_710 = arith.constant 0 : i32
      %sign3A_711 = arith.cmpi sgt, %jit3A, %sign3A_710 : i32
      %sign3A_712 = arith.extui %sign3A_711 : i1 to i32
      %sign3A_713 = arith.constant 0 : i32
      %sign3A_714 = arith.cmpi slt, %jit3A, %sign3A_713 : i32
      %sign3A_715 = arith.extui %sign3A_714 : i1 to i32
      %sign3A_716 = arith.subi %sign3A_712, %sign3A_715 : i32
      %ne3A = arith.cmpi ne, %sign3A_709, %sign3A_716 : i32
      %rem3A = arith.remsi %scan3A_703, %jit3A : i32
      %ne3A_717 = arith.constant 0 : i32
      %ne3A_718 = arith.cmpi ne, %rem3A, %ne3A_717 : i32
      %and3A = arith.andi %ne3A, %ne3A_718 : i1
      %sub3A = arith.constant 1 : i32
      %sub3A_719 = arith.subi %div3A, %sub3A : i32
      %select_n3A = arith.select %and3A, %sub3A_719, %div3A : i32
      %jit3A_720 = arith.constant 32 : i32
      %eq3A = arith.constant 0 : i32
      %eq3A_721 = arith.cmpi eq, %jit3A_720, %eq3A : i32
      %jit3A_722 = arith.constant 1 : i32
      %select_n3A_723 = arith.select %eq3A_721, %jit3A_722, %jit3A_720 : i32
      %rem3A_724 = arith.remsi %scan3A_703, %select_n3A_723 : i32
      %ne3A_725 = arith.constant 0 : i32
      %ne3A_726 = arith.cmpi ne, %rem3A_724, %ne3A_725 : i32
      %lt3A = arith.constant 0 : i32
      %lt3A_727 = arith.cmpi slt, %rem3A_724, %lt3A : i32
      %lt3A_728 = arith.constant 0 : i32
      %lt3A_729 = arith.cmpi slt, %select_n3A_723, %lt3A_728 : i32
      %ne3A_730 = arith.xori %lt3A_727, %lt3A_729 : i1
      %and3A_731 = arith.andi %ne3A_730, %ne3A_726 : i1
      %add3A_732 = arith.addi %rem3A_724, %select_n3A_723 : i32
      %select_n3A_733 = arith.select %and3A_731, %add3A_732, %rem3A_724 : i32
      %mul3A_734 = arith.constant 16 : i32
      %mul3A_735 = arith.muli %select_n3A_733, %mul3A_734 : i32
      %add3A_736 = arith.constant 54 : i32
      %add3A_737 = arith.addi %add3A_736, %select_n3A : i32
      %get3A = arith.index_cast %add3A_737 : i32 to index
      %get3A_738 = arith.index_cast %mul3A_735 : i32 to index
      %get3A_739 = tpu.vector_load %arg4[%get3A, %get3A_738] {strides = array<i32>} : memref<64x512xi32, #tpu.memory_space<vmem>>, vector<16xi32>,
      %add3A_740 = arith.constant 58 : i32
      %add3A_741 = arith.addi %add3A_740, %select_n3A : i32
      %get3A_742 = arith.index_cast %add3A_741 : i32 to index
      %get3A_743 = arith.index_cast %mul3A_735 : i32 to index
      %get3A_744 = tpu.vector_load %arg4[%get3A_742, %get3A_743] {strides = array<i32>} : memref<64x512xi32, #tpu.memory_space<vmem>>, vector<16xi32>,
      %broadcast_in_dim3A_745 = vector.broadcast %select_n3A : i32 to vector<16xi32>
      %add3A_746 = vector.broadcast %mul3A_735 : i32 to vector<16xi32>
      %add3A_747 = arith.addi %iota3A, %add3A_746 : vector<16xi32>
      tpu.vector_store_idx %arg6[%broadcast_in_dim3A_745, %get3A_739, %add3A_747], %broadcast_in_dim3A_8 : memref<2x32x512xf32, #tpu.memory_space<vmem>>[vector<16xi32>, vector<16xi32>, vector<16xi32>], vector<16xf32>,
      tpu.vector_store_idx %arg6[%broadcast_in_dim3A_745, %get3A_744, %add3A_747], %broadcast_in_dim3A_10 : memref<2x32x512xf32, #tpu.memory_space<vmem>>[vector<16xi32>, vector<16xi32>, vector<16xi32>], vector<16xf32>,
    }
    %scan3A_639 = arith.constant 64 : i32
    %add3A_640 = arith.constant 58 : i32
    %add3A_641 = arith.addi %multiple_of3A, %add3A_640 : i32
    %multiple_of3A_642 = tpu.assume_multiple %add3A_641, 2 : i32
    %dma_start3A_643 = arith.constant 0 : i32
    %dma_start3A_644 = arith.constant 0 : i32
    %dma_start3A_645 = tpu.memref_slice %arg3[%multiple_of3A_642, %dma_start3A_643, %dma_start3A_644] : memref<2048x32x512xf32, #tpu.memory_space<hbm>> -> memref<2x32x512xf32, #tpu.memory_space<hbm>>
    %dma_start3A_646 = arith.constant 0 : i32
    %dma_start3A_647 = arith.constant 0 : i32
    %dma_start3A_648 = tpu.memref_slice %arg3[%multiple_of3A_642, %dma_start3A_646, %dma_start3A_647] : memref<2048x32x512xf32, #tpu.memory_space<hbm>> -> memref<2x32x512xf32, #tpu.memory_space<hbm>>
    tpu.enqueue_dma source(%arg6 : memref<2x32x512xf32, #tpu.memory_space<vmem>>) target(%dma_start3A_648 : memref<2x32x512xf32, #tpu.memory_space<hbm>>) target_semaphore(%arg7 : memref<!tpu.dma_semaphore, #tpu.memory_space<semaphore_mem>>)
    %dma_wait3A_649 = arith.constant 0 : i32
    %dma_wait3A_650 = arith.constant 0 : i32
    %dma_wait3A_651 = tpu.memref_slice %arg3[%multiple_of3A, %dma_wait3A_649, %dma_wait3A_650] : memref<2048x32x512xf32, #tpu.memory_space<hbm>> -> memref<2x32x512xf32, #tpu.memory_space<hbm>>
    %dma_wait3A_652 = arith.constant 0 : i32
    %dma_wait3A_653 = arith.constant 0 : i32
    %dma_wait3A_654 = tpu.memref_slice %arg3[%multiple_of3A, %dma_wait3A_652, %dma_wait3A_653] : memref<2048x32x512xf32, #tpu.memory_space<hbm>> -> memref<2x32x512xf32, #tpu.memory_space<hbm>>
    tpu.wait_dma2 semaphore(%arg7 : memref<!tpu.dma_semaphore, #tpu.memory_space<semaphore_mem>>) src(%arg5 : memref<2x32x512xf32, #tpu.memory_space<vmem>>) dst(%dma_wait3A_654 : memref<2x32x512xf32, #tpu.memory_space<hbm>>)
    %scan3A_655 = arith.constant 0 : i32
    %scan3A_656 = arith.constant 0 : i32
    %scan3A_657 = arith.constant 64 : i32
    %scan3A_658 = arith.addi %scan3A_656, %scan3A_657 : i32
    %scan3A_659 = arith.constant 1 : i32
    scf.for %scan3A_703 = %scan3A_656 to %scan3A_658 step %scan3A_659  : i32 {
      %jit3A = arith.constant 32 : i32
      %div3A = arith.divsi %scan3A_703, %jit3A : i32
      %sign3A = arith.constant 0 : i32
      %sign3A_704 = arith.cmpi sgt, %scan3A_703, %sign3A : i32
      %sign3A_705 = arith.extui %sign3A_704 : i1 to i32
      %sign3A_706 = arith.constant 0 : i32
      %sign3A_707 = arith.cmpi slt, %scan3A_703, %sign3A_706 : i32
      %sign3A_708 = arith.extui %sign3A_707 : i1 to i32
      %sign3A_709 = arith.subi %sign3A_705, %sign3A_708 : i32
      %sign3A_710 = arith.constant 0 : i32
      %sign3A_711 = arith.cmpi sgt, %jit3A, %sign3A_710 : i32
      %sign3A_712 = arith.extui %sign3A_711 : i1 to i32
      %sign3A_713 = arith.constant 0 : i32
      %sign3A_714 = arith.cmpi slt, %jit3A, %sign3A_713 : i32
      %sign3A_715 = arith.extui %sign3A_714 : i1 to i32
      %sign3A_716 = arith.subi %sign3A_712, %sign3A_715 : i32
      %ne3A = arith.cmpi ne, %sign3A_709, %sign3A_716 : i32
      %rem3A = arith.remsi %scan3A_703, %jit3A : i32
      %ne3A_717 = arith.constant 0 : i32
      %ne3A_718 = arith.cmpi ne, %rem3A, %ne3A_717 : i32
      %and3A = arith.andi %ne3A, %ne3A_718 : i1
      %sub3A = arith.constant 1 : i32
      %sub3A_719 = arith.subi %div3A, %sub3A : i32
      %select_n3A = arith.select %and3A, %sub3A_719, %div3A : i32
      %jit3A_720 = arith.constant 32 : i32
      %eq3A = arith.constant 0 : i32
      %eq3A_721 = arith.cmpi eq, %jit3A_720, %eq3A : i32
      %jit3A_722 = arith.constant 1 : i32
      %select_n3A_723 = arith.select %eq3A_721, %jit3A_722, %jit3A_720 : i32
      %rem3A_724 = arith.remsi %scan3A_703, %select_n3A_723 : i32
      %ne3A_725 = arith.constant 0 : i32
      %ne3A_726 = arith.cmpi ne, %rem3A_724, %ne3A_725 : i32
      %lt3A = arith.constant 0 : i32
      %lt3A_727 = arith.cmpi slt, %rem3A_724, %lt3A : i32
      %lt3A_728 = arith.constant 0 : i32
      %lt3A_729 = arith.cmpi slt, %select_n3A_723, %lt3A_728 : i32
      %ne3A_730 = arith.xori %lt3A_727, %lt3A_729 : i1
      %and3A_731 = arith.andi %ne3A_730, %ne3A_726 : i1
      %add3A_732 = arith.addi %rem3A_724, %select_n3A_723 : i32
      %select_n3A_733 = arith.select %and3A_731, %add3A_732, %rem3A_724 : i32
      %mul3A_734 = arith.constant 16 : i32
      %mul3A_735 = arith.muli %select_n3A_733, %mul3A_734 : i32
      %add3A_736 = arith.constant 56 : i32
      %add3A_737 = arith.addi %add3A_736, %select_n3A : i32
      %get3A = arith.index_cast %add3A_737 : i32 to index
      %get3A_738 = arith.index_cast %mul3A_735 : i32 to index
      %get3A_739 = tpu.vector_load %arg4[%get3A, %get3A_738] {strides = array<i32>} : memref<64x512xi32, #tpu.memory_space<vmem>>, vector<16xi32>,
      %add3A_740 = arith.constant 60 : i32
      %add3A_741 = arith.addi %add3A_740, %select_n3A : i32
      %get3A_742 = arith.index_cast %add3A_741 : i32 to index
      %get3A_743 = arith.index_cast %mul3A_735 : i32 to index
      %get3A_744 = tpu.vector_load %arg4[%get3A_742, %get3A_743] {strides = array<i32>} : memref<64x512xi32, #tpu.memory_space<vmem>>, vector<16xi32>,
      %broadcast_in_dim3A_745 = vector.broadcast %select_n3A : i32 to vector<16xi32>
      %add3A_746 = vector.broadcast %mul3A_735 : i32 to vector<16xi32>
      %add3A_747 = arith.addi %iota3A, %add3A_746 : vector<16xi32>
      tpu.vector_store_idx %arg5[%broadcast_in_dim3A_745, %get3A_739, %add3A_747], %broadcast_in_dim3A_8 : memref<2x32x512xf32, #tpu.memory_space<vmem>>[vector<16xi32>, vector<16xi32>, vector<16xi32>], vector<16xf32>,
      tpu.vector_store_idx %arg5[%broadcast_in_dim3A_745, %get3A_744, %add3A_747], %broadcast_in_dim3A_10 : memref<2x32x512xf32, #tpu.memory_space<vmem>>[vector<16xi32>, vector<16xi32>, vector<16xi32>], vector<16xf32>,
    }
    %scan3A_660 = arith.constant 64 : i32
    %add3A_661 = arith.constant 60 : i32
    %add3A_662 = arith.addi %multiple_of3A, %add3A_661 : i32
    %multiple_of3A_663 = tpu.assume_multiple %add3A_662, 2 : i32
    %dma_start3A_664 = arith.constant 0 : i32
    %dma_start3A_665 = arith.constant 0 : i32
    %dma_start3A_666 = tpu.memref_slice %arg3[%multiple_of3A_663, %dma_start3A_664, %dma_start3A_665] : memref<2048x32x512xf32, #tpu.memory_space<hbm>> -> memref<2x32x512xf32, #tpu.memory_space<hbm>>
    %dma_start3A_667 = arith.constant 0 : i32
    %dma_start3A_668 = arith.constant 0 : i32
    %dma_start3A_669 = tpu.memref_slice %arg3[%multiple_of3A_663, %dma_start3A_667, %dma_start3A_668] : memref<2048x32x512xf32, #tpu.memory_space<hbm>> -> memref<2x32x512xf32, #tpu.memory_space<hbm>>
    tpu.enqueue_dma source(%arg5 : memref<2x32x512xf32, #tpu.memory_space<vmem>>) target(%dma_start3A_669 : memref<2x32x512xf32, #tpu.memory_space<hbm>>) target_semaphore(%arg7 : memref<!tpu.dma_semaphore, #tpu.memory_space<semaphore_mem>>)
    %dma_wait3A_670 = arith.constant 0 : i32
    %dma_wait3A_671 = arith.constant 0 : i32
    %dma_wait3A_672 = tpu.memref_slice %arg3[%multiple_of3A, %dma_wait3A_670, %dma_wait3A_671] : memref<2048x32x512xf32, #tpu.memory_space<hbm>> -> memref<2x32x512xf32, #tpu.memory_space<hbm>>
    %dma_wait3A_673 = arith.constant 0 : i32
    %dma_wait3A_674 = arith.constant 0 : i32
    %dma_wait3A_675 = tpu.memref_slice %arg3[%multiple_of3A, %dma_wait3A_673, %dma_wait3A_674] : memref<2048x32x512xf32, #tpu.memory_space<hbm>> -> memref<2x32x512xf32, #tpu.memory_space<hbm>>
    tpu.wait_dma2 semaphore(%arg7 : memref<!tpu.dma_semaphore, #tpu.memory_space<semaphore_mem>>) src(%arg6 : memref<2x32x512xf32, #tpu.memory_space<vmem>>) dst(%dma_wait3A_675 : memref<2x32x512xf32, #tpu.memory_space<hbm>>)
    %scan3A_676 = arith.constant 0 : i32
    %scan3A_677 = arith.constant 0 : i32
    %scan3A_678 = arith.constant 64 : i32
    %scan3A_679 = arith.addi %scan3A_677, %scan3A_678 : i32
    %scan3A_680 = arith.constant 1 : i32
    scf.for %scan3A_703 = %scan3A_677 to %scan3A_679 step %scan3A_680  : i32 {
      %jit3A = arith.constant 32 : i32
      %div3A = arith.divsi %scan3A_703, %jit3A : i32
      %sign3A = arith.constant 0 : i32
      %sign3A_704 = arith.cmpi sgt, %scan3A_703, %sign3A : i32
      %sign3A_705 = arith.extui %sign3A_704 : i1 to i32
      %sign3A_706 = arith.constant 0 : i32
      %sign3A_707 = arith.cmpi slt, %scan3A_703, %sign3A_706 : i32
      %sign3A_708 = arith.extui %sign3A_707 : i1 to i32
      %sign3A_709 = arith.subi %sign3A_705, %sign3A_708 : i32
      %sign3A_710 = arith.constant 0 : i32
      %sign3A_711 = arith.cmpi sgt, %jit3A, %sign3A_710 : i32
      %sign3A_712 = arith.extui %sign3A_711 : i1 to i32
      %sign3A_713 = arith.constant 0 : i32
      %sign3A_714 = arith.cmpi slt, %jit3A, %sign3A_713 : i32
      %sign3A_715 = arith.extui %sign3A_714 : i1 to i32
      %sign3A_716 = arith.subi %sign3A_712, %sign3A_715 : i32
      %ne3A = arith.cmpi ne, %sign3A_709, %sign3A_716 : i32
      %rem3A = arith.remsi %scan3A_703, %jit3A : i32
      %ne3A_717 = arith.constant 0 : i32
      %ne3A_718 = arith.cmpi ne, %rem3A, %ne3A_717 : i32
      %and3A = arith.andi %ne3A, %ne3A_718 : i1
      %sub3A = arith.constant 1 : i32
      %sub3A_719 = arith.subi %div3A, %sub3A : i32
      %select_n3A = arith.select %and3A, %sub3A_719, %div3A : i32
      %jit3A_720 = arith.constant 32 : i32
      %eq3A = arith.constant 0 : i32
      %eq3A_721 = arith.cmpi eq, %jit3A_720, %eq3A : i32
      %jit3A_722 = arith.constant 1 : i32
      %select_n3A_723 = arith.select %eq3A_721, %jit3A_722, %jit3A_720 : i32
      %rem3A_724 = arith.remsi %scan3A_703, %select_n3A_723 : i32
      %ne3A_725 = arith.constant 0 : i32
      %ne3A_726 = arith.cmpi ne, %rem3A_724, %ne3A_725 : i32
      %lt3A = arith.constant 0 : i32
      %lt3A_727 = arith.cmpi slt, %rem3A_724, %lt3A : i32
      %lt3A_728 = arith.constant 0 : i32
      %lt3A_729 = arith.cmpi slt, %select_n3A_723, %lt3A_728 : i32
      %ne3A_730 = arith.xori %lt3A_727, %lt3A_729 : i1
      %and3A_731 = arith.andi %ne3A_730, %ne3A_726 : i1
      %add3A_732 = arith.addi %rem3A_724, %select_n3A_723 : i32
      %select_n3A_733 = arith.select %and3A_731, %add3A_732, %rem3A_724 : i32
      %mul3A_734 = arith.constant 16 : i32
      %mul3A_735 = arith.muli %select_n3A_733, %mul3A_734 : i32
      %add3A_736 = arith.constant 58 : i32
      %add3A_737 = arith.addi %add3A_736, %select_n3A : i32
      %get3A = arith.index_cast %add3A_737 : i32 to index
      %get3A_738 = arith.index_cast %mul3A_735 : i32 to index
      %get3A_739 = tpu.vector_load %arg4[%get3A, %get3A_738] {strides = array<i32>} : memref<64x512xi32, #tpu.memory_space<vmem>>, vector<16xi32>,
      %add3A_740 = arith.constant 62 : i32
      %add3A_741 = arith.addi %add3A_740, %select_n3A : i32
      %get3A_742 = arith.index_cast %add3A_741 : i32 to index
      %get3A_743 = arith.index_cast %mul3A_735 : i32 to index
      %get3A_744 = tpu.vector_load %arg4[%get3A_742, %get3A_743] {strides = array<i32>} : memref<64x512xi32, #tpu.memory_space<vmem>>, vector<16xi32>,
      %broadcast_in_dim3A_745 = vector.broadcast %select_n3A : i32 to vector<16xi32>
      %add3A_746 = vector.broadcast %mul3A_735 : i32 to vector<16xi32>
      %add3A_747 = arith.addi %iota3A, %add3A_746 : vector<16xi32>
      tpu.vector_store_idx %arg6[%broadcast_in_dim3A_745, %get3A_739, %add3A_747], %broadcast_in_dim3A_8 : memref<2x32x512xf32, #tpu.memory_space<vmem>>[vector<16xi32>, vector<16xi32>, vector<16xi32>], vector<16xf32>,
      tpu.vector_store_idx %arg6[%broadcast_in_dim3A_745, %get3A_744, %add3A_747], %broadcast_in_dim3A_10 : memref<2x32x512xf32, #tpu.memory_space<vmem>>[vector<16xi32>, vector<16xi32>, vector<16xi32>], vector<16xf32>,
    }
    %scan3A_681 = arith.constant 64 : i32
    %add3A_682 = arith.constant 62 : i32
    %add3A_683 = arith.addi %multiple_of3A, %add3A_682 : i32
    %multiple_of3A_684 = tpu.assume_multiple %add3A_683, 2 : i32
    %dma_start3A_685 = arith.constant 0 : i32
    %dma_start3A_686 = arith.constant 0 : i32
    %dma_start3A_687 = tpu.memref_slice %arg3[%multiple_of3A_684, %dma_start3A_685, %dma_start3A_686] : memref<2048x32x512xf32, #tpu.memory_space<hbm>> -> memref<2x32x512xf32, #tpu.memory_space<hbm>>
    %dma_start3A_688 = arith.constant 0 : i32
    %dma_start3A_689 = arith.constant 0 : i32
    %dma_start3A_690 = tpu.memref_slice %arg3[%multiple_of3A_684, %dma_start3A_688, %dma_start3A_689] : memref<2048x32x512xf32, #tpu.memory_space<hbm>> -> memref<2x32x512xf32, #tpu.memory_space<hbm>>
    tpu.enqueue_dma source(%arg6 : memref<2x32x512xf32, #tpu.memory_space<vmem>>) target(%dma_start3A_690 : memref<2x32x512xf32, #tpu.memory_space<hbm>>) target_semaphore(%arg7 : memref<!tpu.dma_semaphore, #tpu.memory_space<semaphore_mem>>)
    %dma_wait3A_691 = arith.constant 0 : i32
    %dma_wait3A_692 = arith.constant 0 : i32
    %dma_wait3A_693 = tpu.memref_slice %arg3[%multiple_of3A, %dma_wait3A_691, %dma_wait3A_692] : memref<2048x32x512xf32, #tpu.memory_space<hbm>> -> memref<2x32x512xf32, #tpu.memory_space<hbm>>
    %dma_wait3A_694 = arith.constant 0 : i32
    %dma_wait3A_695 = arith.constant 0 : i32
    %dma_wait3A_696 = tpu.memref_slice %arg3[%multiple_of3A, %dma_wait3A_694, %dma_wait3A_695] : memref<2048x32x512xf32, #tpu.memory_space<hbm>> -> memref<2x32x512xf32, #tpu.memory_space<hbm>>
    tpu.wait_dma2 semaphore(%arg7 : memref<!tpu.dma_semaphore, #tpu.memory_space<semaphore_mem>>) src(%arg5 : memref<2x32x512xf32, #tpu.memory_space<vmem>>) dst(%dma_wait3A_696 : memref<2x32x512xf32, #tpu.memory_space<hbm>>)
    %dma_wait3A_697 = arith.constant 0 : i32
    %dma_wait3A_698 = arith.constant 0 : i32
    %dma_wait3A_699 = tpu.memref_slice %arg3[%multiple_of3A, %dma_wait3A_697, %dma_wait3A_698] : memref<2048x32x512xf32, #tpu.memory_space<hbm>> -> memref<2x32x512xf32, #tpu.memory_space<hbm>>
    %dma_wait3A_700 = arith.constant 0 : i32
    %dma_wait3A_701 = arith.constant 0 : i32
    %dma_wait3A_702 = tpu.memref_slice %arg3[%multiple_of3A, %dma_wait3A_700, %dma_wait3A_701] : memref<2048x32x512xf32, #tpu.memory_space<hbm>> -> memref<2x32x512xf32, #tpu.memory_space<hbm>>
    tpu.wait_dma2 semaphore(%arg7 : memref<!tpu.dma_semaphore, #tpu.memory_space<semaphore_mem>>) src(%arg6 : memref<2x32x512xf32, #tpu.memory_space<vmem>>) dst(%dma_wait3A_702 : memref<2x32x512xf32, #tpu.memory_space<hbm>>)
    return
  }
}

module attributes {stable_mosaic.version = 14 : i64} {
  func.func @_binidx_body(%arg0: i32, %arg1: memref<1x512x8xf32, #tpu.memory_space<vmem>>, %arg2: memref<1x512x512xi32, #tpu.memory_space<vmem>>) attributes {dimension_semantics = [#tpu.dimension_semantics<arbitrary>], iteration_bounds = array<i64: 4>, scalar_prefetch = 0 : i64, scratch_operands = 0 : i64, tpu.core_type = #tpu.core_type<tc>, window_params = [{transform_indices = @transform_0, window_bounds = array<i64: 1, 512, 8>}, {transform_indices = @transform_1, window_bounds = array<i64: 1, 512, 512>}]} {
    %get3A = arith.constant 0 : index
    %get3A_0 = arith.constant 0 : index
    %get3A_1 = arith.constant 0 : index
    %get3A_2 = vector.load %arg1[%get3A, %get3A_0, %get3A_1] : memref<1x512x8xf32, #tpu.memory_space<vmem>>, vector<1x512x8xf32>
    %get3A_3 = vector.shape_cast %get3A_2 : vector<1x512x8xf32> to vector<512x8xf32>
    %transpose3A = tpu.transpose %get3A_3, [1, 0] : vector<512x8xf32> -> vector<8x512xf32>
    %slice3A = vector.extract_strided_slice %get3A_3 {offsets = [0, 0], sizes = [512, 1], strides = [1, 1]} : vector<512x8xf32> to vector<512x1xf32>
    %slice3A_4 = vector.extract_strided_slice %transpose3A {offsets = [0, 0], sizes = [1, 512], strides = [1, 1]} : vector<8x512xf32> to vector<1x512xf32>
    %sub3A = vector.broadcast %slice3A : vector<512x1xf32> to vector<512x512xf32>
    %sub3A_5 = vector.broadcast %slice3A_4 : vector<1x512xf32> to vector<512x512xf32>
    %sub3A_6 = arith.subf %sub3A, %sub3A_5 : vector<512x512xf32>
    %mul3A = arith.mulf %sub3A_6, %sub3A_6 : vector<512x512xf32>
    %slice3A_7 = vector.extract_strided_slice %get3A_3 {offsets = [0, 1], sizes = [512, 1], strides = [1, 1]} : vector<512x8xf32> to vector<512x1xf32>
    %slice3A_8 = vector.extract_strided_slice %transpose3A {offsets = [1, 0], sizes = [1, 512], strides = [1, 1]} : vector<8x512xf32> to vector<1x512xf32>
    %sub3A_9 = vector.broadcast %slice3A_7 : vector<512x1xf32> to vector<512x512xf32>
    %sub3A_10 = vector.broadcast %slice3A_8 : vector<1x512xf32> to vector<512x512xf32>
    %sub3A_11 = arith.subf %sub3A_9, %sub3A_10 : vector<512x512xf32>
    %mul3A_12 = arith.mulf %sub3A_11, %sub3A_11 : vector<512x512xf32>
    %add3A = arith.addf %mul3A, %mul3A_12 : vector<512x512xf32>
    %slice3A_13 = vector.extract_strided_slice %get3A_3 {offsets = [0, 2], sizes = [512, 1], strides = [1, 1]} : vector<512x8xf32> to vector<512x1xf32>
    %slice3A_14 = vector.extract_strided_slice %transpose3A {offsets = [2, 0], sizes = [1, 512], strides = [1, 1]} : vector<8x512xf32> to vector<1x512xf32>
    %sub3A_15 = vector.broadcast %slice3A_13 : vector<512x1xf32> to vector<512x512xf32>
    %sub3A_16 = vector.broadcast %slice3A_14 : vector<1x512xf32> to vector<512x512xf32>
    %sub3A_17 = arith.subf %sub3A_15, %sub3A_16 : vector<512x512xf32>
    %mul3A_18 = arith.mulf %sub3A_17, %sub3A_17 : vector<512x512xf32>
    %add3A_19 = arith.addf %add3A, %mul3A_18 : vector<512x512xf32>
    %sqrt3A = math.sqrt %add3A_19 : vector<512x512xf32>
    %mul3A_20 = arith.constant 1.500000e+00 : f32
    %mul3A_21 = vector.broadcast %mul3A_20 : f32 to vector<512x512xf32>
    %mul3A_22 = arith.mulf %sqrt3A, %mul3A_21 : vector<512x512xf32>
    %ceil3A = math.ceil %mul3A_22 : vector<512x512xf32>
    %jit3A = arith.constant 0.000000e+00 : f32
    %jit3A_23 = arith.constant 3.100000e+01 : f32
    %max3A = vector.broadcast %jit3A : f32 to vector<512x512xf32>
    %max3A_24 = arith.maximumf %max3A, %ceil3A : vector<512x512xf32>
    %min3A = vector.broadcast %jit3A_23 : f32 to vector<512x512xf32>
    %min3A_25 = arith.minimumf %min3A, %max3A_24 : vector<512x512xf32>
    %convert_element_type3A = arith.fptosi %min3A_25 : vector<512x512xf32> to vector<512x512xi32>
    %swap3A = arith.constant 0 : index
    %swap3A_26 = arith.constant 0 : index
    %swap3A_27 = arith.constant 0 : index
    %swap3A_28 = vector.load %arg2[%swap3A, %swap3A_26, %swap3A_27] : memref<1x512x512xi32, #tpu.memory_space<vmem>>, vector<1x512x512xi32>
    %swap3A_29 = vector.shape_cast %swap3A_28 : vector<1x512x512xi32> to vector<512x512xi32>
    %swap3A_30 = vector.shape_cast %convert_element_type3A : vector<512x512xi32> to vector<1x512x512xi32>
    tpu.vector_store %arg2[%swap3A, %swap3A_26, %swap3A_27], %swap3A_30 {strides = array<i32>} : memref<1x512x512xi32, #tpu.memory_space<vmem>>, vector<1x512x512xi32>,
    return
  }
  func.func @transform_0(%arg0: i32) -> (i32, i32, i32) {
    %c0_i32 = arith.constant 0 : i32
    %c0_i32_0 = arith.constant 0 : i32
    %c0_i32_1 = arith.constant 0 : i32
    return %arg0, %c0_i32, %c0_i32_0 : i32, i32, i32
  }
  func.func @transform_1(%arg0: i32) -> (i32, i32, i32) {
    %c0_i32 = arith.constant 0 : i32
    %c0_i32_0 = arith.constant 0 : i32
    %c0_i32_1 = arith.constant 0 : i32
    return %arg0, %c0_i32, %c0_i32_0 : i32, i32, i32
  }
}

</mosaic_0001>

<sc_bundles>
// kernel: kernel.4.cloned.1.call-start
scs
__scs_entry_jumppad:
0x0: {  	(pc) =	sbr.rel $0x88, $3  }
0x1: {  	(tag) =	ssettag $0x0;
	lr =	simm.s32 $0x1  }
0x2: {  	[smem:$0x3FA0] =	sst lr;
	_ =	strace $0xD0000000  }
0x3: {  	_ = 	snop  }
0x4: {  	_ = 	snop  }
0x5: {  	_ = 	snop  }
0x6: {  	_ = 	snop  }
0x7: {  	_ = 	snop  }
__scs_overlays_trampoline_lowered:
0x8: {  	[smem:$0x3FAF] =	sst s0  }
0x9: {  	[smem:$0x3FB0] =	sst s1  }
0xa: {  	[smem:$0x3FB1] =	sst s2  }
0xb: {  	[smem:$0x3FB2] =	sst s3  }
0xc: {  	[smem:$0x3FB3] =	sst s4  }
0xd: {  	[smem:$0x3FB4] =	sst s5  }
0xe: {  	[smem:$0x3FB5] =	sst s6  }
0xf: {  	[smem:$0x3FB6] =	sst s7  }
0x10: {  	[smem:$0x3FB7] =	sst s8  }
0x11: {  	[smem:$0x3FB8] =	sst s9;
	s0 =	simm.s32 @!p0 $0x0  }
0x12: {  	s1 =	sld [smem:$0x3F9E];
	s0 =	simm.s32 @p0 $0x1  }
0x13: {  	[smem:$0x3FB9] =	sst s0;
	s0 =	simm.s32 @!p1 $0x0  }
0x14: {  	s2 =	sld [smem:$0x3F9D];
	s0 =	simm.s32 @p1 $0x1  }
0x15: {  	[smem:$0x3FBA] =	sst s0;
	s0 =	simm.s32 @!p2 $0x0  }
0x16: {  	s3 =	sld [smem:$0x3FDB];
	s0 =	simm.s32 @p2 $0x1  }
0x17: {  	s4 =	simm.s32 $0x1BF5;
	[smem:$0x3FBC] =	sst s0  }
0x18: {  	s0 =	sld [smem:$0x3F9F];
	_ =	swait.ge [sflag:s4], $0x0  }
0x19: {  	s7 =	sld [smem:$0x3FA0]  }
0x1a: {  	s8 =	sadd.s32 $0xFFFFE003, lr  }
0x1b: {  	s9 =	sadd.s32 $0xFFFFFEF7, lr;
	s5 =	simm.s32 $0xFFFFFFFF;
	p2 =	slt.u32 s8, $0xFFFFF086  }
0x1c: {  	p1 =	slt.u32 s9, $0xF7A;
	s5 =	simm.s32 @!p2 $0x0  }
0x1d: {  	s5 =	simm.s32 @p1 $0x1;
	p0 =	seq.s32 s7, s2  }
0x1e: {  	s7 =	smul.u32 @!p0 $0xF7A, s2;
	p2 =	seq.s32 @!p0 s5, $0x0  }
0x1f: {  	s9 =	smul.u32 $0xF7A, s1;
	s8 =	simm.s32 @!p0 $0x1BF5;
	p2 =	por !p2, p0  }
0x20: {  	[sflag:s8] =	ssyncset.s32 @!p0 $0xFFFFF086;
	s6 =	sadd.s32 @!p0 s3, s7;
	s7 =	simm.s32 @!p0 $0x108  }
0x21: {  	s3 =	sadd.s32 s3, s9;
	s6 =	sadd.s32 @!p0 $0x88, s6;
	s7 =	simm.s32 @p2 $0x1082  }
0x22: {  	[simem:s7], [sflag:s8] =	dma.local @!p0 [hbm:s6], $0xF7A  }
0x23: {  	s9 =	sor.u32 $0xD0000000, s2;
	s6 =	simm.s32 $0x108;
	_ =	swait.ge @!p0 [sflag:s8], $0x0  }
0x24: {  	s3 =	sadd.s32 $0x88, s3;
	s6 =	simm.s32 @!p1 $0x1082;
	[sflag:s4] =	ssyncset.s32 $0xFFFFF086  }
0x25: {  	[simem:s6], [sflag:s4] =	dma.local [hbm:s3], $0xF7A  }
0x26: {  	[smem:$0x3FA0] =	sst s1;
	(tag) =	ssettag s2;
	_ =	strace s9  }
0x27: {  	s1 =	sld [smem:$0x3FB0]  }
0x28: {  	s2 =	sld [smem:$0x3FB1]  }
0x29: {  	s4 =	sld [smem:$0x3FB3]  }
0x2a: {  	p0 =	seq.s32 s5, $0x0;
	s5 =	sld [smem:$0x3FB4]  }
0x2b: {  	s6 =	sld [smem:$0x3FB5]  }
0x2c: {  	s7 =	sld [smem:$0x3FB6]  }
0x2d: {  	s3 =	simm.s32 $0x108;
	s8 =	sld [smem:$0x3FB7]  }
0x2e: {  	s3 =	simm.s32 @!p0 $0x1082;
	s9 =	sld [smem:$0x3FB8]  }
0x2f: {  	lr =	sadd.s32 s0, s3;
	s0 =	sld [smem:$0x3FAF]  }
0x30: {  	s3 =	sld [smem:$0x3FB2]  }
0x31: {  	[smem:$0x3FBB] =	sst s10  }
0x32: {  	s10 =	sld [smem:$0x3FB9];
	_ =	sdelay $0x3  }
0x33: {  	p0 =	seq.s32 s10, $0x1;
	s10 =	sld [smem:$0x3FBB];
	_ =	sdelay $0x3  }
0x34: {  	[smem:$0x3FBB] =	sst s10  }
0x35: {  	s10 =	sld [smem:$0x3FBA];
	_ =	sdelay $0x3  }
0x36: {  	p1 =	seq.s32 s10, $0x1;
	s10 =	sld [smem:$0x3FBB];
	_ =	sdelay $0x3  }
0x37: {  	[smem:$0x3FBB] =	sst s10  }
0x38: {  	s10 =	sld [smem:$0x3FBC]  }
0x39: {  	_ = 	snop;
	(pc) =	sbr.ind lr, $3  }
0x3a: {  	_ = 	snop  }
0x3b: {  	_ = 	snop  }
0x3c: {  	p2 =	seq.s32 s10, $0x1;
	s10 =	sld [smem:$0x3FBB]  }
0x3d: {  	_ =	shalt  }
0x3e: {  	_ =	shalt  }
0x3f: {  	_ =	shalt  }
0x40: {  	_ =	shalt  }
0x41: {  	_ =	shalt  }
0x42: {  	_ =	shalt  }
0x43: {  	_ =	shalt  }
0x44: {  	_ =	shalt  }
0x45: {  	_ =	shalt  }
0x46: {  	_ =	shalt  }
0x47: {  	_ =	shalt  }
0x48: {  	_ =	shalt  }
0x49: {  	_ =	shalt  }
0x4a: {  	_ =	shalt  }
0x4b: {  	_ =	shalt  }
0x4c: {  	_ =	shalt  }
0x4d: {  	_ =	shalt  }
0x4e: {  	_ =	shalt  }
0x4f: {  	_ =	shalt  }
0x50: {  	_ =	shalt  }
0x51: {  	_ =	shalt  }
0x52: {  	_ =	shalt  }
0x53: {  	_ =	shalt  }
0x54: {  	_ =	shalt  }
0x55: {  	_ =	shalt  }
0x56: {  	_ =	shalt  }
0x57: {  	_ =	shalt  }
0x58: {  	_ =	shalt  }
0x59: {  	_ =	shalt  }
0x5a: {  	_ =	shalt  }
0x5b: {  	_ =	shalt  }
0x5c: {  	_ =	shalt  }
0x5d: {  	_ =	shalt  }
0x5e: {  	_ =	shalt  }
0x5f: {  	_ =	shalt  }
0x60: {  	_ =	shalt  }
0x61: {  	_ =	shalt  }
0x62: {  	_ =	shalt  }
0x63: {  	_ =	shalt  }
0x64: {  	_ =	shalt  }
0x65: {  	_ =	shalt  }
0x66: {  	_ =	shalt  }
0x67: {  	_ =	shalt  }
0x68: {  	_ =	shalt  }
0x69: {  	_ =	shalt  }
0x6a: {  	_ =	shalt  }
0x6b: {  	_ =	shalt  }
0x6c: {  	_ =	shalt  }
0x6d: {  	_ =	shalt  }
0x6e: {  	_ =	shalt  }
0x6f: {  	_ =	shalt  }
0x70: {  	_ =	shalt  }
0x71: {  	_ =	shalt  }
0x72: {  	_ =	shalt  }
0x73: {  	_ =	shalt  }
0x74: {  	_ =	shalt  }
0x75: {  	_ =	shalt  }
0x76: {  	_ =	shalt  }
0x77: {  	_ =	shalt  }
0x78: {  	_ =	shalt  }
0x79: {  	_ =	shalt  }
0x7a: {  	_ =	shalt  }
0x7b: {  	_ =	shalt  }
0x7c: {  	_ =	shalt  }
0x7d: {  	_ =	shalt  }
0x7e: {  	_ =	shalt  }
0x7f: {  	_ =	shalt  }
0x80: {  	_ =	shalt  }
0x81: {  	_ =	shalt  }
0x82: {  	_ =	shalt  }
0x83: {  	_ =	shalt  }
0x84: {  	_ =	shalt  }
0x85: {  	_ =	shalt  }
0x86: {  	_ =	shalt  }
0x87: {  	_ =	shalt  }
.Lfunc_end0:
.L_simem_size_0:
called_computation_lowered:
.L_overlay_start_0:
0x88: {  	s2 =	sld [smem:$0x3FD9]  }
0x89: {  	s3 =	sld [smem:$0x3FFE];
	_ =	sdelay $0x1  }
0x8a: {  	s1 =	srdreg.scid  }
0x8b: {  	s0 =	sand.u32 $0x1, s1  }
0x8c: {  	s17 =	sshll.u32 s0, $0xA;
	s2 =	sadd.s32 s3, s2  }
0x8d: {  	s2 =	sadd.s32 s2, s17  }
0x8e: {  	[smem:$0x3FC7] =	sst s2  }
0x8f: {  	_ = 	snop  }
0x90: {  	s2 =	sld [smem:$0x3FD0];
	(tm) =	ssettm $0x1  }
0x91: {  	s18 =	sld [smem:$0x3FFB];
	_ =	sdelay $0x3  }
0x92: {  	_ =	strace s18  }
0x93: {  	s3 =	sld [smem:$0x3FFC];
	_ =	sdelay $0x3  }
0x94: {  	_ =	strace s3  }
0x95: {  	s3 =	sld [smem:$0x3FFD];
	_ =	sdelay $0x3  }
0x96: {  	_ =	strace s3  }
0x97: {  	_ =	strace $0x8FFFFFFF  }
0x98: {  	s19 =	sld [smem:$0x3FDB];
	_ =	sdelay $0x1  }
0x99: {  	s4 =	simm.s32 $_scs_section_size  }
0x9a: {  	s5 =	simm.s32 $_size__tile_overlayer_lowered;
	s6 =	simm.s32 $_tile_overlayer_lowered  }
0x9b: {  	s22 =	simm.s32 $0x1BFF;
	s21 =	sshll.u32 s6, $0x1;
	s3 =	sadd.s32 s4, s19  }
0x9c: {  	s7 =	simm.s32 $0x0;
	s20 =	sshll.u32 s5, $0x1;
	s5 =	sadd.s32 s21, s3  }
0x9d: {  	[timem:s7], [sflag:s22] =	dma.local [hbm:s5], s20  }
0x9e: {  	_ =	swait.ge [sflag:s22], s20  }
0x9f: {  	s4 =	ssub.s32 $0x0, s20;
	[sflag:s22] =	ssyncset.done $0x0  }
0xa0: {  	[sflag:s22] =	ssyncadd.s32 s4;
	_ =	sdelay $0x1  }
0xa1: {  	s23 =	simm.s32 $0x1B8B  }
0xa2: {  	_ =	swait.ge [sflag:s23], $0x1  }
0xa3: {  	[sflag:s23] =	ssyncset.done $0x0  }
0xa4: {  	s25 =	simm.s32 $0x1B8E;
	s24 =	sld [smem:$0x3FFE];
	[sflag:s23] =	ssyncadd.s32 $0xFFFFFFFF  }
0xa5: {  	s26 =	simm.s32 $execute0_lowered;
	[smem:$0x3FD2] =	sst s25  }
0xa6: {  	s5 =	sshll.u32 s26, $0x1;
	_ =	strace $0x80000046;
	[dreg:$0x1] =	wrdreg $0xFFFFFFFF  }
0xa7: {  	s28 =	simm.s32 $_size_execute0_lowered;
	s3 =	sadd.s32 s3, s5;
	[dreg:$0x0] =	wrdreg $0x0  }
0xa8: {  	s5 =	sshll.u32 s28, $0x1;
	[dreg:$0x2] =	wrdreg s3  }
0xa9: {  	[dreg:$0x3] =	wrdreg s5  }
0xaa: {  	[dreg:$0x4] =	wrdreg $0xC0  }
0xab: {  	_ =	task [dreg:s7], $0x5FFFF  }
0xac: {  	[dreg:$0x1] =	wrdreg $0xFFFFFFFF  }
0xad: {  	[dreg:$0x0] =	wrdreg $0x60  }
0xae: {  	[dreg:$0x2] =	wrdreg s24  }
0xaf: {  	[dreg:$0x3] =	wrdreg s2  }
0xb0: {  	[dreg:$0x4] =	wrdreg $0x9  }
0xb1: {  	_ =	task.clear_ibuf [dreg:s7], $0x5FFFF;
	_ =	strace $0x90000046  }
0xb2: {  	s29 =	simm.s32 $0x9;
	_ =	strace $0x80000048  }
0xb3: {  	_ =	swait.ge [sflag:s29], $0x1  }
0xb4: {  	[sflag:s29] =	ssyncadd.s32 $0xFFFFFFFF  }
0xb5: {  	_ =	strace $0x90000048  }
0xb6: {  	_ =	sfence  }
0xb7: {  	s30 =	sld [smem:$0x0];
	_ =	sdelay $0x2  }
0xb8: {  	s31 =	sshll.u32 s1, $0xD;
	s1 =	sshrl.u32 s1, $0x2  }
0xb9: {  	s3 =	sand.u32 $0x4000, s31;
	s1 =	sadd.s32 s1, s30  }
0xba: {  	s0 =	sor.u32 s3, s0;
	s1 =	sshll.u32 s1, $0x11  }
0xbb: {  	s0 =	sor.u32 s1, s0  }
0xbc: {  	s0 =	sadd.s32 $0x8F2B, s0  }
0xbd: {  	[sflag:s0] =	ssyncadd.remote.s32 $0x1  }
0xbe: {  	_ =	sfence.sel $0xFFFF  }
0xbf: {  	[dreg:$0x0] =	wrdreg $0xFFFFFFFF;
	(pc) =	sbr.abs _section_cstart, $3  }
0xc0: {  	[dreg:$0x1] =	wrdreg $0xFFFFFFFF  }
0xc1: {  	_ =	task.clear_ibuf [dreg:s7], $0x2FFFF;
	_ =	strace $0x9FFFFFFF  }
0xc2: {  	(tm) =	ssettm $0x7FFFFFFF  }
0xc3: {  	_ =	shalt  }
tec
execute0_lowered:
.L_overlay_start_1:
0x0: {  	(tag) =	ssettag $0x1  }
0x1: {  	s3 =	srdreg.scid;
	s4 =	stileid.u32  }
0x2: {  	s3 =	sand.u32 $0x1, s3;
	s4 =	sshll.u32 s4, $0x1  }
0x3: {  	s0 =	rddreg [dreg:$0x0];
	s4 =	sor.u32 s3, s4  }
0x4: {  	s1 =	rddreg [dreg:$0x1];
	s2 =	simm.s32 $0x0;
	s5 =	sshll.u32 s4, $0xC  }
0x5: {  	[smem:$0x7FF] =	sst s2;
	s4 =	sshll.u32 s4, $0x11;
	s0 =	sadd.s32 s5, s0  }
0x6: {  	s6 =	ssub.s32 $0x2, s3;
	s3 =	sadd.s32 s1, s4;
	s0 =	sadd.s32 $0x600, s0  }
0x7: {  	_ =	strace $0x80000047;
	s9 =	sadd.s32 $0x1000, s3;
	[dreg:$0x3] =	wrdreg s0  }
0x8: {  	s10 =	sadd.s32 $0x2000, s3;
	[dreg:$0x4] =	wrdreg s9  }
0x9: {  	s11 =	sadd.s32 $0x3000, s3;
	[dreg:$0x5] =	wrdreg s10  }
0xa: {  	s12 =	sadd.s32 $0x4000, s3;
	[dreg:$0x6] =	wrdreg s11  }
0xb: {  	s13 =	sadd.s32 $0x5000, s3;
	[dreg:$0x7] =	wrdreg s12  }
0xc: {  	s14 =	sadd.s32 $0x6000, s3;
	[dreg:$0x8] =	wrdreg s13  }
0xd: {  	s15 =	sadd.s32 $0x7000, s3;
	[dreg:$0x9] =	wrdreg s14  }
0xe: {  	s16 =	sadd.s32 $0x8000, s3;
	[dreg:$0xa] =	wrdreg s15  }
0xf: {  	s7 =	sshrl.u32 s6, $0x1;
	s17 =	sadd.s32 $0x9000, s3;
	[dreg:$0xb] =	wrdreg s16  }
0x10: {  	s8 =	ssub.s32 s6, s7;
	s18 =	sadd.s32 $0xA000, s3;
	[dreg:$0xc] =	wrdreg s17  }
0x11: {  	s19 =	sadd.s32 $0xB000, s3;
	s20 =	sadd.s32 $0xC000, s3;
	[dreg:$0xd] =	wrdreg s18  }
0x12: {  	s21 =	sadd.s32 $0xD000, s3;
	s22 =	sadd.s32 $0xE000, s3;
	[dreg:$0xe] =	wrdreg s19  }
0x13: {  	s23 =	sadd.s32 $0xF000, s3;
	s24 =	sadd.s32 $0x10000, s3;
	[dreg:$0xf] =	wrdreg s20  }
0x14: {  	s25 =	sadd.s32 $0x11000, s3;
	s26 =	sadd.s32 $0x12000, s3;
	[dreg:$0x10] =	wrdreg s21  }
0x15: {  	s28 =	sadd.s32 $0x16000, s3;
	s29 =	sadd.s32 $0x17000, s3;
	[dreg:$0x11] =	wrdreg s22  }
0x16: {  	s30 =	sadd.s32 $0x18000, s3;
	s31 =	sadd.s32 $0x19000, s3;
	[dreg:$0x12] =	wrdreg s23  }
0x17: {  	s1 =	sadd.s32 $0x1B000, s3;
	s4 =	sadd.s32 $0x1C000, s3;
	[dreg:$0x13] =	wrdreg s24  }
0x18: {  	s5 =	sadd.s32 $0x1D000, s3;
	s6 =	sadd.s32 $0x1E000, s3;
	[dreg:$0x14] =	wrdreg s25  }
0x19: {  	s7 =	sadd.s32 $0x1F000, s3;
	[dreg:$0x15] =	wrdreg s26;
	s23 =	sadd.s32 $0x13000, s3  }
0x1a: {  	s24 =	sadd.s32 $0x14000, s3;
	s25 =	smax.u32 s8, $0x1;
	s26 =	sadd.s32 $0x15000, s3  }
0x1b: {  	s0 =	sadd.s32 $0x1A000, s3;
	s8 =	simm.s32 $0x2;
	s9 =	simm.s32 $0x8000  }
0x1c: {  	v0 =	vimm.f32 $0.0e+00;
	v1 =	vlaneseq.u32;
	v2 =	vimm.f32 $1.000000000e+00;
	s10 =	simm.s32 $0x10000;
	s11 =	simm.s32 $0x1;
	s12 =	simm.s32 $0x0  }
.LBB2_1:
0x1d: {  	s13 =	rddreg [dreg:$0x3]  }
0x1e: {  	s21 =	simm.s32 $0x0;
	s14 =	sand.u32 $0x10000, s2;
	s15 =	sand.u32 $0xC00, s2  }
0x1f: {  	[tilespmem:s2], [sflag:$0x2] =	stream.linear.gather [hbm4b:s13+s2], $0x8000, $0x38;
	[tilespmem:$0x18000] =	vst v63  }
0x20: {  	s16 =	simm.s32 $0x0;
	s13 =	sand.u32 $0x3000, s21;
	s14 =	sshrl.u32 s14, $0x2  }
0x21: {  	s17 =	sand.u32 $0x70, s2;
	s22 =	sand.u32 $0x380, s16;
	s13 =	sor.u32 s13, s14  }
0x22: {  	s16 =	simm.s32 $0x0;
	s14 =	simm.s32 $0x0;
	s15 =	sor.u32 s15, s13  }
0x23: {  	s13 =	simm.s32 $0x1;
	s18 =	sor.u32 s22, s15;
	s15 =	simm.s32 $0x0  }
.LBB2_2:
0x24: {  	s19 =	sshll.u32 s13, $0x4;
	s17 =	sor.u32 s17, s18  }
0x25: {  	s14 =	sadd.s32 $0x40, s14;
	s18 =	smov.u32 s13;
	p0 =	sne.s32 s13, $0x7FF  }
.Ltmp0:
0x26: {  	s13 =	sadd.s32 $0x1, s13;
	s20 =	sand.u32 $0x10000, s14;
	[tilespmem:s17+$0x8000] =	vst v0;
	(pc) =	sbr.rel @p0 .LBB2_2-.Ltmp0, $4  }
0x27: {  	s15 =	sadd.s32 $0x80, s15;
	s17 =	sand.u32 $0x3000, s19;
	s19 =	sshrl.u32 s20, $0x2  }
0x28: {  	s18 =	sshll.u32 s18, $0x2;
	s20 =	sand.u32 $0xC00, s15;
	s17 =	sor.u32 s17, s19  }
0x29: {  	s16 =	sadd.s32 $0x10, s16;
	s18 =	sand.u32 $0x380, s18;
	s19 =	sor.u32 s20, s17  }
0x2a: {  	s17 =	sand.u32 $0x70, s16;
	s18 =	sor.u32 s18, s19  }
0x2b: {  	s13 =	sor.u32 s17, s18  }
0x2c: {  	s19 =	simm.s32 $0x0;
	s14 =	simm.s32 $0x0;
	[tilespmem:s13+$0x8000] =	vst v0  }
0x2d: {  	s15 =	sand.u32 $0xC00, s19;
	s14 =	sand.u32 $0x3FFFFF80, s14;
	_ =	swait.ge [sflag:s8], $0x8000  }
0x2e: {  	s16 =	sand.u32 $0x70, s19;
	s14 =	sadd.s32 s14, s15;
	[sflag:s8] =	ssyncset.done $0x0  }
0x2f: {  	s14 =	sor.u32 s16, s14;
	[sflag:s8] =	ssyncadd.s32 $0xFFFF8000  }
0x30: {  	v3 =	vld [tilespmem:s14+$0x0];
	_ =	sdelay $0x3  }
0x31: {  	s20 =	sand.u32 $0x1F0, s19  }
0x32: {  	s21 =	simm.s32 $0x0;
	v4 =	vmov s20;
	v5 =	vshll.u32 v3, $0x9  }
0x33: {  	s13 =	sand.u32 $0xFFFFC000, s21;
	v4 =	vshll.u32 v4, $0x3;
	v5 =	vand.u32 $0xFFFFF000, v5  }
0x34: {  	v4 =	vand.u32 $0xC00, v4;
	v3 =	vshll.u32 v3, $0x7;
	v5 =	vadd.s32 s13, v5  }
0x35: {  	v6 =	vor.u32 s20, v1;
	v3 =	vand.u32 $0x380, v3;
	v4 =	vor.u32 v4, v5  }
0x36: {  	v5 =	vand.u32 $0x7F, v6;
	v3 =	vor.u32 v3, v4  }
0x37: {  	v3 =	vor.u32 v5, v3;
	_ =	sdelay $0x1  }
0x38: {  	s22 =	simm.s32 $0x4;
	s15 =	simm.s32 $0x80  }
0x39: {  	s18 =	sand.u32 $0x3FFFFF80, s22;
	s17 =	sand.u32 $0xC00, s15  }
0x3a: {  	s16 =	simm.s32 $0x2;
	s14 =	simm.s32 $0x10;
	s13 =	simm.s32 $0x1  }
.LBB2_4:
0x3b: {  	p0 =	sne.s32 s16, $0x3F;
	s19 =	sand.u32 $0x70, s14;
	s17 =	sadd.s32 s18, s17;
	[tilespmem:v3+s9+$0x0] =	vst.idx.msk $0xffff, v0  }
0x3c: {  	s17 =	sor.u32 s19, s17;
	[tilespmem:v3+s9+$0x0] =	vst.idx.msk $0xffff, v2  }
0x3d: {  	v3 =	vld [tilespmem:s17+$0x0];
	_ =	sdelay $0x3  }
0x3e: {  	s17 =	sand.u32 $0x1F0, s14  }
0x3f: {  	s18 =	sshll.u32 s13, $0x9;
	s13 =	smov.u32 s16;
	v4 =	vmov s17;
	v5 =	vshll.u32 v3, $0x9  }
0x40: {  	s18 =	sand.u32 $0xFFFFC000, s18;
	v4 =	vshll.u32 v4, $0x3;
	v5 =	vand.u32 $0xFFFFF000, v5  }
0x41: {  	v4 =	vand.u32 $0xC00, v4;
	v3 =	vshll.u32 v3, $0x7;
	v5 =	vadd.s32 s18, v5  }
0x42: {  	v6 =	vor.u32 s17, v1;
	v3 =	vand.u32 $0x380, v3;
	v4 =	vor.u32 v4, v5  }
0x43: {  	v5 =	vand.u32 $0x7F, v6;
	v3 =	vor.u32 v3, v4  }
.Ltmp1:
0x44: {  	v3 =	vor.u32 v5, v3;
	(pc) =	sbr.rel @p0 .LBB2_4-.Ltmp1, $3  }
0x45: {  	_ =	sdelay $0x1  }
0x46: {  	s15 =	sadd.s32 $0x80, s15;
	s14 =	sadd.s32 $0x10, s14;
	s18 =	sshll.u32 s16, $0x2  }
0x47: {  	s17 =	sand.u32 $0xC00, s15;
	s16 =	sadd.s32 $0x1, s16;
	s18 =	sand.u32 $0x3FFFFF80, s18  }
0x48: {  	_ =	sdelay $0x3  }
0x49: {  	s15 =	sand.u32 $0x70, s14;
	s16 =	sadd.s32 s18, s17;
	[tilespmem:v3+s9+$0x0] =	vst.idx.msk $0xffff, v0  }
0x4a: {  	s15 =	sor.u32 s15, s16;
	[tilespmem:v3+s9+$0x0] =	vst.idx.msk $0xffff, v2  }
0x4b: {  	v3 =	vld [tilespmem:s15+$0x0];
	_ =	sdelay $0x3  }
0x4c: {  	s16 =	sand.u32 $0x1F0, s14  }
0x4d: {  	s13 =	sshll.u32 s13, $0x9;
	v4 =	vmov s16;
	v5 =	vshll.u32 v3, $0x9  }
0x4e: {  	s13 =	sand.u32 $0xFFFFC000, s13;
	v4 =	vshll.u32 v4, $0x3;
	v5 =	vand.u32 $0xFFFFF000, v5  }
0x4f: {  	v4 =	vand.u32 $0xC00, v4;
	v3 =	vshll.u32 v3, $0x7;
	v5 =	vadd.s32 s13, v5  }
0x50: {  	v6 =	vor.u32 s16, v1;
	v3 =	vand.u32 $0x380, v3;
	v4 =	vor.u32 v4, v5  }
0x51: {  	v63 =	vand.u32 $0x7F, v6;
	v3 =	vor.u32 v3, v4  }
0x52: {  	v3 =	vor.u32 v63, v3  }
0x53: {  	s13 =	simm.s32 $0x0  }
0x54: {  	s17 =	simm.s32 $0x0;
	s20 =	simm.s32 $0x0;
	s18 =	sand.u32 $0x10000, s13  }
0x55: {  	s19 =	sand.u32 $0x3000, s17;
	s21 =	sand.u32 $0x380, s20;
	s15 =	sshrl.u32 s18, $0x2  }
0x56: {  	s17 =	simm.s32 $0x0;
	s14 =	sand.u32 $0xC00, s13;
	s15 =	sor.u32 s19, s15  }
0x57: {  	s16 =	simm.s32 $0x0;
	s18 =	simm.s32 $0x0;
	s22 =	sor.u32 s14, s15;
	[tilespmem:v3+s9+$0x0] =	vst.idx.msk $0xffff, v0  }
0x58: {  	s19 =	sand.u32 $0x70, s13;
	s15 =	simm.s32 $0x1;
	s20 =	sor.u32 s21, s22;
	[tilespmem:v3+s9+$0x0] =	vst.idx.msk $0xffff, v2  }
0x59: {  	[hbm4b:s3+s13] =	stream.linear.scatter [tilespmem:s9], [sflag:$0x1], $0x8000, $0x38;
	[tilespmem:$0x18000] =	vst v63  }
.LBB2_6:
0x5a: {  	s21 =	sshll.u32 s15, $0x4;
	s19 =	sor.u32 s19, s20  }
0x5b: {  	s16 =	sadd.s32 $0x40, s16;
	s20 =	smov.u32 s15;
	p0 =	sne.s32 s15, $0x7FF  }
.Ltmp2:
0x5c: {  	s15 =	sadd.s32 $0x1, s15;
	s22 =	sand.u32 $0x10000, s16;
	[tilespmem:s19+$0x10000] =	vst v0;
	(pc) =	sbr.rel @p0 .LBB2_6-.Ltmp2, $4  }
0x5d: {  	s17 =	sadd.s32 $0x80, s17;
	s19 =	sand.u32 $0x3000, s21;
	s21 =	sshrl.u32 s22, $0x2  }
0x5e: {  	s20 =	sshll.u32 s20, $0x2;
	s22 =	sand.u32 $0xC00, s17;
	s19 =	sor.u32 s19, s21  }
0x5f: {  	s18 =	sadd.s32 $0x10, s18;
	s20 =	sand.u32 $0x380, s20;
	s21 =	sor.u32 s22, s19  }
0x60: {  	s19 =	sand.u32 $0x70, s18;
	s20 =	sor.u32 s20, s21  }
0x61: {  	s15 =	simm.s32 $0x0  }
0x62: {  	s15 =	sand.u32 $0x3FFFFF80, s15  }
0x63: {  	s16 =	sor.u32 s19, s20;
	s17 =	sand.u32 $0x70, s13;
	s14 =	sadd.s32 s14, s15  }
0x64: {  	[tilespmem:s16+$0x10000] =	vst v0;
	s14 =	sor.u32 s17, s14  }
0x65: {  	v3 =	vld [tilespmem:s14+$0x0]  }
0x66: {  	v4 =	vld [tilespmem:s14+$0x100]  }
0x67: {  	s20 =	sand.u32 $0x1F0, s13  }
0x68: {  	v5 =	vmov s20  }
0x69: {  	v6 =	vor.u32 s20, v1;
	v5 =	vshll.u32 v5, $0x3  }
0x6a: {  	s21 =	simm.s32 $0x0;
	v5 =	vand.u32 $0xC00, v5;
	v7 =	vshll.u32 v3, $0x9;
	v3 =	vshll.u32 v3, $0x7  }
0x6b: {  	s13 =	sand.u32 $0xFFFFC000, s21;
	v8 =	vshll.u32 v4, $0x9;
	v4 =	vshll.u32 v4, $0x7;
	v7 =	vand.u32 $0xFFFFF000, v7  }
0x6c: {  	v3 =	vand.u32 $0x380, v3;
	v8 =	vand.u32 $0xFFFFF000, v8;
	v7 =	vadd.s32 s13, v7  }
0x6d: {  	v4 =	vand.u32 $0x380, v4;
	v8 =	vadd.s32 s13, v8;
	v3 =	vor.u32 v3, v7  }
0x6e: {  	v6 =	vand.u32 $0x7F, v6;
	v4 =	vor.u32 v4, v8;
	v3 =	vor.u32 v5, v3  }
0x6f: {  	v5 =	vor.u32 v5, v4;
	v4 =	vor.u32 v6, v3  }
0x70: {  	v3 =	vor.u32 v6, v5  }
0x71: {  	s22 =	simm.s32 $0x4  }
0x72: {  	s18 =	sand.u32 $0x3FFFFF80, s22;
	s16 =	simm.s32 $0x2;
	s15 =	simm.s32 $0x80  }
0x73: {  	s17 =	sand.u32 $0xC00, s15;
	s14 =	simm.s32 $0x10;
	s13 =	simm.s32 $0x1  }
.LBB2_8:
0x74: {  	p0 =	sne.s32 s16, $0x3F;
	s19 =	sand.u32 $0x70, s14;
	s17 =	sadd.s32 s17, s18;
	[tilespmem:v4+s10+$0x0] =	vst.idx.msk $0xffff, v0  }
0x75: {  	s17 =	sor.u32 s19, s17;
	[tilespmem:v3+s10+$0x0] =	vst.idx.msk $0xffff, v2  }
0x76: {  	v3 =	vld [tilespmem:s17+$0x0]  }
0x77: {  	v4 =	vld [tilespmem:s17+$0x100]  }
0x78: {  	s17 =	sand.u32 $0x1F0, s14  }
0x79: {  	v5 =	vmov s17  }
0x7a: {  	v6 =	vor.u32 s17, v1;
	v5 =	vshll.u32 v5, $0x3  }
0x7b: {  	s17 =	sshll.u32 s13, $0x9;
	s13 =	smov.u32 s16;
	v5 =	vand.u32 $0xC00, v5;
	v7 =	vshll.u32 v3, $0x9;
	v3 =	vshll.u32 v3, $0x7  }
0x7c: {  	s17 =	sand.u32 $0xFFFFC000, s17;
	v7 =	vand.u32 $0xFFFFF000, v7;
	v3 =	vand.u32 $0x380, v3;
	v8 =	vshll.u32 v4, $0x9  }
0x7d: {  	v4 =	vshll.u32 v4, $0x7;
	v7 =	vadd.s32 s17, v7;
	v8 =	vand.u32 $0xFFFFF000, v8  }
0x7e: {  	v4 =	vand.u32 $0x380, v4;
	v3 =	vor.u32 v3, v7;
	v7 =	vadd.s32 s17, v8  }
0x7f: {  	v6 =	vand.u32 $0x7F, v6;
	v3 =	vor.u32 v5, v3;
	v7 =	vor.u32 v4, v7  }
.Ltmp3:
0x80: {  	v4 =	vor.u32 v6, v3;
	v3 =	vor.u32 v5, v7;
	(pc) =	sbr.rel @p0 .LBB2_8-.Ltmp3, $3  }
0x81: {  	v3 =	vor.u32 v6, v3;
	_ =	sdelay $0x1  }
0x82: {  	s18 =	sshll.u32 s16, $0x2;
	s15 =	sadd.s32 $0x80, s15;
	s14 =	sadd.s32 $0x10, s14  }
0x83: {  	s18 =	sand.u32 $0x3FFFFF80, s18;
	s16 =	sadd.s32 $0x1, s16;
	s17 =	sand.u32 $0xC00, s15  }
0x84: {  	_ =	sdelay $0x3  }
0x85: {  	s15 =	sand.u32 $0x70, s14;
	s16 =	sadd.s32 s17, s18;
	[tilespmem:v4+s10+$0x0] =	vst.idx.msk $0xffff, v0  }
0x86: {  	s15 =	sor.u32 s15, s16;
	[tilespmem:v3+s10+$0x0] =	vst.idx.msk $0xffff, v2  }
0x87: {  	v3 =	vld [tilespmem:s15+$0x0]  }
0x88: {  	v4 =	vld [tilespmem:s15+$0x100]  }
0x89: {  	s21 =	sand.u32 $0x1F0, s14  }
0x8a: {  	v5 =	vmov s21  }
0x8b: {  	v6 =	vor.u32 s21, v1;
	v5 =	vshll.u32 v5, $0x3  }
0x8c: {  	s13 =	sshll.u32 s13, $0x9;
	v5 =	vand.u32 $0xC00, v5;
	v7 =	vshll.u32 v3, $0x9;
	v3 =	vshll.u32 v3, $0x7  }
0x8d: {  	s13 =	sand.u32 $0xFFFFC000, s13;
	v8 =	vshll.u32 v4, $0x9;
	v4 =	vshll.u32 v4, $0x7;
	v7 =	vand.u32 $0xFFFFF000, v7  }
0x8e: {  	v3 =	vand.u32 $0x380, v3;
	v8 =	vand.u32 $0xFFFFF000, v8;
	v7 =	vadd.s32 s13, v7  }
0x8f: {  	v4 =	vand.u32 $0x380, v4;
	v3 =	vor.u32 v3, v7;
	v7 =	vadd.s32 s13, v8  }
0x90: {  	v6 =	vand.u32 $0x7F, v6;
	v3 =	vor.u32 v5, v3;
	v4 =	vor.u32 v4, v7  }
0x91: {  	v3 =	vor.u32 v6, v3;
	v4 =	vor.u32 v5, v4  }
0x92: {  	v4 =	vor.u32 v6, v4;
	_ =	sdelay $0x3  }
0x93: {  	[tilespmem:v3+s10+$0x0] =	vst.idx.msk $0xffff, v0  }
0x94: {  	s22 =	simm.s32 $0x0;
	s17 =	rddreg [dreg:$0x4];
	s18 =	simm.s32 $0x0;
	[tilespmem:v4+s10+$0x0] =	vst.idx.msk $0xffff, v2  }
0x95: {  	[hbm4b:s17+s22] =	stream.linear.scatter [tilespmem:s10], [sflag:$0x1], $0x8000, $0x38;
	[tilespmem:$0x18000] =	vst v63  }
0x96: {  	s19 =	sand.u32 $0xC00, s22;
	s14 =	sand.u32 $0x3FFFFF80, s18;
	_ =	swait.ge [sflag:s11], $0x8000  }
0x97: {  	s20 =	sand.u32 $0x70, s22;
	s14 =	sadd.s32 s19, s14;
	[sflag:s11] =	ssyncset.done $0x0  }
0x98: {  	s14 =	sor.u32 s20, s14;
	[sflag:s11] =	ssyncadd.s32 $0xFFFF8000  }
0x99: {  	v3 =	vld [tilespmem:s14+$0x0]  }
0x9a: {  	v4 =	vld [tilespmem:s14+$0x200]  }
0x9b: {  	s13 =	sand.u32 $0x1F0, s22  }
0x9c: {  	v5 =	vmov s13  }
0x9d: {  	v6 =	vor.u32 s13, v1;
	v5 =	vshll.u32 v5, $0x3  }
0x9e: {  	s21 =	simm.s32 $0x0;
	v5 =	vand.u32 $0xC00, v5;
	v7 =	vshll.u32 v3, $0x9;
	v3 =	vshll.u32 v3, $0x7  }
0x9f: {  	s13 =	sand.u32 $0xFFFFC000, s21;
	v63 =	vshll.u32 v4, $0x9;
	v4 =	vshll.u32 v4, $0x7;
	v7 =	vand.u32 $0xFFFFF000, v7  }
0xa0: {  	v3 =	vand.u32 $0x380, v3;
	v8 =	vand.u32 $0xFFFFF000, v63;
	v7 =	vadd.s32 s13, v7  }
0xa1: {  	v4 =	vand.u32 $0x380, v4;
	v8 =	vadd.s32 s13, v8;
	v3 =	vor.u32 v3, v7  }
0xa2: {  	v6 =	vand.u32 $0x7F, v6;
	v4 =	vor.u32 v4, v8;
	v3 =	vor.u32 v5, v3  }
0xa3: {  	v5 =	vor.u32 v5, v4;
	v4 =	vor.u32 v6, v3  }
0xa4: {  	v3 =	vor.u32 v6, v5  }
0xa5: {  	s15 =	simm.s32 $0x80  }
0xa6: {  	s16 =	simm.s32 $0x2;
	s22 =	simm.s32 $0x4;
	s17 =	sand.u32 $0xC00, s15  }
0xa7: {  	s18 =	sand.u32 $0x3FFFFF80, s22;
	s14 =	simm.s32 $0x10;
	s13 =	simm.s32 $0x1  }
.LBB2_10:
0xa8: {  	p0 =	sne.s32 s16, $0x3F;
	s19 =	sand.u32 $0x70, s14;
	s17 =	sadd.s32 s17, s18;
	[tilespmem:v4+s9+$0x0] =	vst.idx.msk $0xffff, v0  }
0xa9: {  	s17 =	sor.u32 s19, s17;
	[tilespmem:v3+s9+$0x0] =	vst.idx.msk $0xffff, v2  }
0xaa: {  	v3 =	vld [tilespmem:s17+$0x0]  }
0xab: {  	v4 =	vld [tilespmem:s17+$0x200]  }
0xac: {  	s17 =	sand.u32 $0x1F0, s14  }
0xad: {  	v5 =	vmov s17  }
0xae: {  	v6 =	vor.u32 s17, v1;
	v5 =	vshll.u32 v5, $0x3  }
0xaf: {  	s17 =	sshll.u32 s13, $0x9;
	s13 =	smov.u32 s16;
	v5 =	vand.u32 $0xC00, v5;
	v7 =	vshll.u32 v3, $0x9;
	v3 =	vshll.u32 v3, $0x7  }
0xb0: {  	s17 =	sand.u32 $0xFFFFC000, s17;
	v7 =	vand.u32 $0xFFFFF000, v7;
	v3 =	vand.u32 $0x380, v3;
	v8 =	vshll.u32 v4, $0x9  }
0xb1: {  	v4 =	vshll.u32 v4, $0x7;
	v7 =	vadd.s32 s17, v7;
	v8 =	vand.u32 $0xFFFFF000, v8  }
0xb2: {  	v4 =	vand.u32 $0x380, v4;
	v3 =	vor.u32 v3, v7;
	v7 =	vadd.s32 s17, v8  }
0xb3: {  	v6 =	vand.u32 $0x7F, v6;
	v3 =	vor.u32 v5, v3;
	v7 =	vor.u32 v4, v7  }
.Ltmp4:
0xb4: {  	v4 =	vor.u32 v6, v3;
	v3 =	vor.u32 v5, v7;
	(pc) =	sbr.rel @p0 .LBB2_10-.Ltmp4, $3  }
0xb5: {  	v3 =	vor.u32 v6, v3;
	_ =	sdelay $0x1  }
0xb6: {  	s18 =	sshll.u32 s16, $0x2;
	s15 =	sadd.s32 $0x80, s15;
	s14 =	sadd.s32 $0x10, s14  }
0xb7: {  	s18 =	sand.u32 $0x3FFFFF80, s18;
	s16 =	sadd.s32 $0x1, s16;
	s17 =	sand.u32 $0xC00, s15  }
0xb8: {  	_ =	sdelay $0x3  }
0xb9: {  	s15 =	sand.u32 $0x70, s14;
	s16 =	sadd.s32 s17, s18;
	[tilespmem:v4+s9+$0x0] =	vst.idx.msk $0xffff, v0  }
0xba: {  	s15 =	sor.u32 s15, s16;
	[tilespmem:v3+s9+$0x0] =	vst.idx.msk $0xffff, v2  }
0xbb: {  	v3 =	vld [tilespmem:s15+$0x0]  }
0xbc: {  	v4 =	vld [tilespmem:s15+$0x200]  }
0xbd: {  	s21 =	sand.u32 $0x1F0, s14  }
0xbe: {  	v5 =	vmov s21  }
0xbf: {  	v6 =	vor.u32 s21, v1;
	v5 =	vshll.u32 v5, $0x3  }
0xc0: {  	s13 =	sshll.u32 s13, $0x9;
	v5 =	vand.u32 $0xC00, v5;
	v7 =	vshll.u32 v3, $0x9;
	v3 =	vshll.u32 v3, $0x7  }
0xc1: {  	s13 =	sand.u32 $0xFFFFC000, s13;
	v8 =	vshll.u32 v4, $0x9;
	v4 =	vshll.u32 v4, $0x7;
	v7 =	vand.u32 $0xFFFFF000, v7  }
0xc2: {  	v3 =	vand.u32 $0x380, v3;
	v8 =	vand.u32 $0xFFFFF000, v8;
	v7 =	vadd.s32 s13, v7  }
0xc3: {  	v4 =	vand.u32 $0x380, v4;
	v3 =	vor.u32 v3, v7;
	v7 =	vadd.s32 s13, v8  }
0xc4: {  	v6 =	vand.u32 $0x7F, v6;
	v3 =	vor.u32 v5, v3;
	v4 =	vor.u32 v4, v7  }
0xc5: {  	v3 =	vor.u32 v6, v3;
	v4 =	vor.u32 v5, v4  }
0xc6: {  	v4 =	vor.u32 v6, v4;
	_ =	sdelay $0x3  }
0xc7: {  	[tilespmem:v3+s9+$0x0] =	vst.idx.msk $0xffff, v0  }
0xc8: {  	s22 =	simm.s32 $0x0;
	s17 =	rddreg [dreg:$0x5];
	s18 =	simm.s32 $0x0;
	[tilespmem:v4+s9+$0x0] =	vst.idx.msk $0xffff, v2  }
0xc9: {  	[hbm4b:s17+s22] =	stream.linear.scatter [tilespmem:s9], [sflag:$0x1], $0x8000, $0x38;
	[tilespmem:$0x18000] =	vst v63  }
0xca: {  	s19 =	sand.u32 $0xC00, s22;
	s14 =	sand.u32 $0x3FFFFF80, s18;
	_ =	swait.ge [sflag:s11], $0x8000  }
0xcb: {  	s20 =	sand.u32 $0x70, s22;
	s14 =	sadd.s32 s19, s14;
	[sflag:s11] =	ssyncset.done $0x0  }
0xcc: {  	s14 =	sor.u32 s20, s14;
	[sflag:s11] =	ssyncadd.s32 $0xFFFF8000  }
0xcd: {  	v3 =	vld [tilespmem:s14+$0x100]  }
0xce: {  	v4 =	vld [tilespmem:s14+$0x300]  }
0xcf: {  	s13 =	sand.u32 $0x1F0, s22  }
0xd0: {  	v5 =	vmov s13  }
0xd1: {  	v6 =	vor.u32 s13, v1;
	v5 =	vshll.u32 v5, $0x3  }
0xd2: {  	s21 =	simm.s32 $0x0;
	v5 =	vand.u32 $0xC00, v5;
	v7 =	vshll.u32 v3, $0x9;
	v3 =	vshll.u32 v3, $0x7  }
0xd3: {  	s13 =	sand.u32 $0xFFFFC000, s21;
	v63 =	vshll.u32 v4, $0x9;
	v4 =	vshll.u32 v4, $0x7;
	v7 =	vand.u32 $0xFFFFF000, v7  }
0xd4: {  	v3 =	vand.u32 $0x380, v3;
	v8 =	vand.u32 $0xFFFFF000, v63;
	v7 =	vadd.s32 s13, v7  }
0xd5: {  	v4 =	vand.u32 $0x380, v4;
	v8 =	vadd.s32 s13, v8;
	v3 =	vor.u32 v3, v7  }
0xd6: {  	v6 =	vand.u32 $0x7F, v6;
	v4 =	vor.u32 v4, v8;
	v3 =	vor.u32 v5, v3  }
0xd7: {  	v5 =	vor.u32 v5, v4;
	v4 =	vor.u32 v6, v3  }
0xd8: {  	v3 =	vor.u32 v6, v5  }
0xd9: {  	s15 =	simm.s32 $0x80  }
0xda: {  	s16 =	simm.s32 $0x2;
	s22 =	simm.s32 $0x4;
	s17 =	sand.u32 $0xC00, s15  }
0xdb: {  	s18 =	sand.u32 $0x3FFFFF80, s22;
	s14 =	simm.s32 $0x10;
	s13 =	simm.s32 $0x1  }
.LBB2_12:
0xdc: {  	p0 =	sne.s32 s16, $0x3F;
	s19 =	sand.u32 $0x70, s14;
	s17 =	sadd.s32 s17, s18;
	[tilespmem:v4+s10+$0x0] =	vst.idx.msk $0xffff, v0  }
0xdd: {  	s17 =	sor.u32 s19, s17;
	[tilespmem:v3+s10+$0x0] =	vst.idx.msk $0xffff, v2  }
0xde: {  	v3 =	vld [tilespmem:s17+$0x100]  }
0xdf: {  	v4 =	vld [tilespmem:s17+$0x300]  }
0xe0: {  	s17 =	sand.u32 $0x1F0, s14  }
0xe1: {  	v5 =	vmov s17  }
0xe2: {  	v6 =	vor.u32 s17, v1;
	v5 =	vshll.u32 v5, $0x3  }
0xe3: {  	s17 =	sshll.u32 s13, $0x9;
	s13 =	smov.u32 s16;
	v5 =	vand.u32 $0xC00, v5;
	v7 =	vshll.u32 v3, $0x9;
	v3 =	vshll.u32 v3, $0x7  }
0xe4: {  	s17 =	sand.u32 $0xFFFFC000, s17;
	v7 =	vand.u32 $0xFFFFF000, v7;
	v3 =	vand.u32 $0x380, v3;
	v8 =	vshll.u32 v4, $0x9  }
0xe5: {  	v4 =	vshll.u32 v4, $0x7;
	v7 =	vadd.s32 s17, v7;
	v8 =	vand.u32 $0xFFFFF000, v8  }
0xe6: {  	v4 =	vand.u32 $0x380, v4;
	v3 =	vor.u32 v3, v7;
	v7 =	vadd.s32 s17, v8  }
0xe7: {  	v6 =	vand.u32 $0x7F, v6;
	v3 =	vor.u32 v5, v3;
	v7 =	vor.u32 v4, v7  }
.Ltmp5:
0xe8: {  	v4 =	vor.u32 v6, v3;
	v3 =	vor.u32 v5, v7;
	(pc) =	sbr.rel @p0 .LBB2_12-.Ltmp5, $3  }
0xe9: {  	v3 =	vor.u32 v6, v3;
	_ =	sdelay $0x1  }
0xea: {  	s18 =	sshll.u32 s16, $0x2;
	s15 =	sadd.s32 $0x80, s15;
	s14 =	sadd.s32 $0x10, s14  }
0xeb: {  	s18 =	sand.u32 $0x3FFFFF80, s18;
	s16 =	sadd.s32 $0x1, s16;
	s17 =	sand.u32 $0xC00, s15  }
0xec: {  	_ =	sdelay $0x3  }
0xed: {  	s15 =	sand.u32 $0x70, s14;
	s16 =	sadd.s32 s17, s18;
	[tilespmem:v4+s10+$0x0] =	vst.idx.msk $0xffff, v0  }
0xee: {  	s15 =	sor.u32 s15, s16;
	[tilespmem:v3+s10+$0x0] =	vst.idx.msk $0xffff, v2  }
0xef: {  	v3 =	vld [tilespmem:s15+$0x100]  }
0xf0: {  	v4 =	vld [tilespmem:s15+$0x300]  }
0xf1: {  	s21 =	sand.u32 $0x1F0, s14  }
0xf2: {  	v5 =	vmov s21  }
0xf3: {  	v6 =	vor.u32 s21, v1;
	v5 =	vshll.u32 v5, $0x3  }
0xf4: {  	s13 =	sshll.u32 s13, $0x9;
	v5 =	vand.u32 $0xC00, v5;
	v7 =	vshll.u32 v3, $0x9;
	v3 =	vshll.u32 v3, $0x7  }
0xf5: {  	s13 =	sand.u32 $0xFFFFC000, s13;
	v8 =	vshll.u32 v4, $0x9;
	v4 =	vshll.u32 v4, $0x7;
	v7 =	vand.u32 $0xFFFFF000, v7  }
0xf6: {  	v3 =	vand.u32 $0x380, v3;
	v8 =	vand.u32 $0xFFFFF000, v8;
	v7 =	vadd.s32 s13, v7  }
0xf7: {  	v4 =	vand.u32 $0x380, v4;
	v3 =	vor.u32 v3, v7;
	v7 =	vadd.s32 s13, v8  }
0xf8: {  	v6 =	vand.u32 $0x7F, v6;
	v3 =	vor.u32 v5, v3;
	v4 =	vor.u32 v4, v7  }
0xf9: {  	v3 =	vor.u32 v6, v3;
	v4 =	vor.u32 v5, v4  }
0xfa: {  	v4 =	vor.u32 v6, v4;
	_ =	sdelay $0x3  }
0xfb: {  	[tilespmem:v3+s10+$0x0] =	vst.idx.msk $0xffff, v0  }
0xfc: {  	s22 =	simm.s32 $0x0;
	s17 =	rddreg [dreg:$0x6];
	s18 =	simm.s32 $0x0;
	[tilespmem:v4+s10+$0x0] =	vst.idx.msk $0xffff, v2  }
0xfd: {  	[hbm4b:s17+s22] =	stream.linear.scatter [tilespmem:s10], [sflag:$0x1], $0x8000, $0x38;
	[tilespmem:$0x18000] =	vst v63  }
0xfe: {  	s19 =	sand.u32 $0xC00, s22;
	s14 =	sand.u32 $0x3FFFFF80, s18;
	_ =	swait.ge [sflag:s11], $0x8000  }
0xff: {  	s20 =	sand.u32 $0x70, s22;
	s14 =	sadd.s32 s19, s14;
	[sflag:s11] =	ssyncset.done $0x0  }
0x100: {  	s14 =	sor.u32 s20, s14;
	[sflag:s11] =	ssyncadd.s32 $0xFFFF8000  }
0x101: {  	v3 =	vld [tilespmem:s14+$0x200]  }
0x102: {  	v4 =	vld [tilespmem:s14+$0x1000]  }
0x103: {  	s13 =	sand.u32 $0x1F0, s22  }
0x104: {  	v5 =	vmov s13  }
0x105: {  	v6 =	vor.u32 s13, v1;
	v5 =	vshll.u32 v5, $0x3  }
0x106: {  	s21 =	simm.s32 $0x0;
	v5 =	vand.u32 $0xC00, v5;
	v7 =	vshll.u32 v3, $0x9;
	v3 =	vshll.u32 v3, $0x7  }
0x107: {  	s13 =	sand.u32 $0xFFFFC000, s21;
	v63 =	vshll.u32 v4, $0x9;
	v4 =	vshll.u32 v4, $0x7;
	v7 =	vand.u32 $0xFFFFF000, v7  }
0x108: {  	v3 =	vand.u32 $0x380, v3;
	v8 =	vand.u32 $0xFFFFF000, v63;
	v7 =	vadd.s32 s13, v7  }
0x109: {  	v4 =	vand.u32 $0x380, v4;
	v8 =	vadd.s32 s13, v8;
	v3 =	vor.u32 v3, v7  }
0x10a: {  	v6 =	vand.u32 $0x7F, v6;
	v4 =	vor.u32 v4, v8;
	v3 =	vor.u32 v5, v3  }
0x10b: {  	v5 =	vor.u32 v5, v4;
	v4 =	vor.u32 v6, v3  }
0x10c: {  	v3 =	vor.u32 v6, v5  }
0x10d: {  	s15 =	simm.s32 $0x80  }
0x10e: {  	s16 =	simm.s32 $0x2;
	s22 =	simm.s32 $0x4;
	s17 =	sand.u32 $0xC00, s15  }
0x10f: {  	s18 =	sand.u32 $0x3FFFFF80, s22;
	s14 =	simm.s32 $0x10;
	s13 =	simm.s32 $0x1  }
.LBB2_14:
0x110: {  	p0 =	sne.s32 s16, $0x3F;
	s19 =	sand.u32 $0x70, s14;
	s17 =	sadd.s32 s17, s18;
	[tilespmem:v4+s9+$0x0] =	vst.idx.msk $0xffff, v0  }
0x111: {  	s17 =	sor.u32 s19, s17;
	[tilespmem:v3+s9+$0x0] =	vst.idx.msk $0xffff, v2  }
0x112: {  	v3 =	vld [tilespmem:s17+$0x200]  }
0x113: {  	v4 =	vld [tilespmem:s17+$0x1000]  }
0x114: {  	s17 =	sand.u32 $0x1F0, s14  }
0x115: {  	v5 =	vmov s17  }
0x116: {  	v6 =	vor.u32 s17, v1;
	v5 =	vshll.u32 v5, $0x3  }
0x117: {  	s17 =	sshll.u32 s13, $0x9;
	s13 =	smov.u32 s16;
	v5 =	vand.u32 $0xC00, v5;
	v7 =	vshll.u32 v3, $0x9;
	v3 =	vshll.u32 v3, $0x7  }
0x118: {  	s17 =	sand.u32 $0xFFFFC000, s17;
	v7 =	vand.u32 $0xFFFFF000, v7;
	v3 =	vand.u32 $0x380, v3;
	v8 =	vshll.u32 v4, $0x9  }
0x119: {  	v4 =	vshll.u32 v4, $0x7;
	v7 =	vadd.s32 s17, v7;
	v8 =	vand.u32 $0xFFFFF000, v8  }
0x11a: {  	v4 =	vand.u32 $0x380, v4;
	v3 =	vor.u32 v3, v7;
	v7 =	vadd.s32 s17, v8  }
0x11b: {  	v6 =	vand.u32 $0x7F, v6;
	v3 =	vor.u32 v5, v3;
	v7 =	vor.u32 v4, v7  }
.Ltmp6:
0x11c: {  	v4 =	vor.u32 v6, v3;
	v3 =	vor.u32 v5, v7;
	(pc) =	sbr.rel @p0 .LBB2_14-.Ltmp6, $3  }
0x11d: {  	v3 =	vor.u32 v6, v3;
	_ =	sdelay $0x1  }
0x11e: {  	s18 =	sshll.u32 s16, $0x2;
	s15 =	sadd.s32 $0x80, s15;
	s14 =	sadd.s32 $0x10, s14  }
0x11f: {  	s18 =	sand.u32 $0x3FFFFF80, s18;
	s16 =	sadd.s32 $0x1, s16;
	s17 =	sand.u32 $0xC00, s15  }
0x120: {  	_ =	sdelay $0x3  }
0x121: {  	s15 =	sand.u32 $0x70, s14;
	s16 =	sadd.s32 s17, s18;
	[tilespmem:v4+s9+$0x0] =	vst.idx.msk $0xffff, v0  }
0x122: {  	s15 =	sor.u32 s15, s16;
	[tilespmem:v3+s9+$0x0] =	vst.idx.msk $0xffff, v2  }
0x123: {  	v3 =	vld [tilespmem:s15+$0x200]  }
0x124: {  	v4 =	vld [tilespmem:s15+$0x1000]  }
0x125: {  	s21 =	sand.u32 $0x1F0, s14  }
0x126: {  	v5 =	vmov s21  }
0x127: {  	v6 =	vor.u32 s21, v1;
	v5 =	vshll.u32 v5, $0x3  }
0x128: {  	s13 =	sshll.u32 s13, $0x9;
	v5 =	vand.u32 $0xC00, v5;
	v7 =	vshll.u32 v3, $0x9;
	v3 =	vshll.u32 v3, $0x7  }
0x129: {  	s13 =	sand.u32 $0xFFFFC000, s13;
	v8 =	vshll.u32 v4, $0x9;
	v4 =	vshll.u32 v4, $0x7;
	v7 =	vand.u32 $0xFFFFF000, v7  }
0x12a: {  	v3 =	vand.u32 $0x380, v3;
	v8 =	vand.u32 $0xFFFFF000, v8;
	v7 =	vadd.s32 s13, v7  }
0x12b: {  	v4 =	vand.u32 $0x380, v4;
	v3 =	vor.u32 v3, v7;
	v7 =	vadd.s32 s13, v8  }
0x12c: {  	v6 =	vand.u32 $0x7F, v6;
	v3 =	vor.u32 v5, v3;
	v4 =	vor.u32 v4, v7  }
0x12d: {  	v3 =	vor.u32 v6, v3;
	v4 =	vor.u32 v5, v4  }
0x12e: {  	v4 =	vor.u32 v6, v4;
	_ =	sdelay $0x3  }
0x12f: {  	[tilespmem:v3+s9+$0x0] =	vst.idx.msk $0xffff, v0  }
0x130: {  	s22 =	simm.s32 $0x0;
	s17 =	rddreg [dreg:$0x7];
	s18 =	simm.s32 $0x0;
	[tilespmem:v4+s9+$0x0] =	vst.idx.msk $0xffff, v2  }
0x131: {  	[hbm4b:s17+s22] =	stream.linear.scatter [tilespmem:s9], [sflag:$0x1], $0x8000, $0x38;
	[tilespmem:$0x18000] =	vst v63  }
0x132: {  	s19 =	sand.u32 $0xC00, s22;
	s14 =	sand.u32 $0x3FFFFF80, s18;
	_ =	swait.ge [sflag:s11], $0x8000  }
0x133: {  	s20 =	sand.u32 $0x70, s22;
	s14 =	sadd.s32 s19, s14;
	[sflag:s11] =	ssyncset.done $0x0  }
0x134: {  	s14 =	sor.u32 s20, s14;
	[sflag:s11] =	ssyncadd.s32 $0xFFFF8000  }
0x135: {  	v3 =	vld [tilespmem:s14+$0x300]  }
0x136: {  	v4 =	vld [tilespmem:s14+$0x1100]  }
0x137: {  	s13 =	sand.u32 $0x1F0, s22  }
0x138: {  	v5 =	vmov s13  }
0x139: {  	v6 =	vor.u32 s13, v1;
	v5 =	vshll.u32 v5, $0x3  }
0x13a: {  	s21 =	simm.s32 $0x0;
	v5 =	vand.u32 $0xC00, v5;
	v7 =	vshll.u32 v3, $0x9;
	v3 =	vshll.u32 v3, $0x7  }
0x13b: {  	s13 =	sand.u32 $0xFFFFC000, s21;
	v63 =	vshll.u32 v4, $0x9;
	v4 =	vshll.u32 v4, $0x7;
	v7 =	vand.u32 $0xFFFFF000, v7  }
0x13c: {  	v3 =	vand.u32 $0x380, v3;
	v8 =	vand.u32 $0xFFFFF000, v63;
	v7 =	vadd.s32 s13, v7  }
0x13d: {  	v4 =	vand.u32 $0x380, v4;
	v8 =	vadd.s32 s13, v8;
	v3 =	vor.u32 v3, v7  }
0x13e: {  	v6 =	vand.u32 $0x7F, v6;
	v4 =	vor.u32 v4, v8;
	v3 =	vor.u32 v5, v3  }
0x13f: {  	v5 =	vor.u32 v5, v4;
	v4 =	vor.u32 v6, v3  }
0x140: {  	v3 =	vor.u32 v6, v5  }
0x141: {  	s15 =	simm.s32 $0x80  }
0x142: {  	s16 =	simm.s32 $0x2;
	s22 =	simm.s32 $0x4;
	s17 =	sand.u32 $0xC00, s15  }
0x143: {  	s18 =	sand.u32 $0x3FFFFF80, s22;
	s14 =	simm.s32 $0x10;
	s13 =	simm.s32 $0x1  }
.LBB2_16:
0x144: {  	p0 =	sne.s32 s16, $0x3F;
	s19 =	sand.u32 $0x70, s14;
	s17 =	sadd.s32 s17, s18;
	[tilespmem:v4+s10+$0x0] =	vst.idx.msk $0xffff, v0  }
0x145: {  	s17 =	sor.u32 s19, s17;
	[tilespmem:v3+s10+$0x0] =	vst.idx.msk $0xffff, v2  }
0x146: {  	v3 =	vld [tilespmem:s17+$0x300]  }
0x147: {  	v4 =	vld [tilespmem:s17+$0x1100]  }
0x148: {  	s17 =	sand.u32 $0x1F0, s14  }
0x149: {  	v5 =	vmov s17  }
0x14a: {  	v6 =	vor.u32 s17, v1;
	v5 =	vshll.u32 v5, $0x3  }
0x14b: {  	s17 =	sshll.u32 s13, $0x9;
	s13 =	smov.u32 s16;
	v5 =	vand.u32 $0xC00, v5;
	v7 =	vshll.u32 v3, $0x9;
	v3 =	vshll.u32 v3, $0x7  }
0x14c: {  	s17 =	sand.u32 $0xFFFFC000, s17;
	v7 =	vand.u32 $0xFFFFF000, v7;
	v3 =	vand.u32 $0x380, v3;
	v8 =	vshll.u32 v4, $0x9  }
0x14d: {  	v4 =	vshll.u32 v4, $0x7;
	v7 =	vadd.s32 s17, v7;
	v8 =	vand.u32 $0xFFFFF000, v8  }
0x14e: {  	v4 =	vand.u32 $0x380, v4;
	v3 =	vor.u32 v3, v7;
	v7 =	vadd.s32 s17, v8  }
0x14f: {  	v6 =	vand.u32 $0x7F, v6;
	v3 =	vor.u32 v5, v3;
	v7 =	vor.u32 v4, v7  }
.Ltmp7:
0x150: {  	v4 =	vor.u32 v6, v3;
	v3 =	vor.u32 v5, v7;
	(pc) =	sbr.rel @p0 .LBB2_16-.Ltmp7, $3  }
0x151: {  	v3 =	vor.u32 v6, v3;
	_ =	sdelay $0x1  }
0x152: {  	s18 =	sshll.u32 s16, $0x2;
	s15 =	sadd.s32 $0x80, s15;
	s14 =	sadd.s32 $0x10, s14  }
0x153: {  	s18 =	sand.u32 $0x3FFFFF80, s18;
	s16 =	sadd.s32 $0x1, s16;
	s17 =	sand.u32 $0xC00, s15  }
0x154: {  	_ =	sdelay $0x3  }
0x155: {  	s15 =	sand.u32 $0x70, s14;
	s16 =	sadd.s32 s17, s18;
	[tilespmem:v4+s10+$0x0] =	vst.idx.msk $0xffff, v0  }
0x156: {  	s15 =	sor.u32 s15, s16;
	[tilespmem:v3+s10+$0x0] =	vst.idx.msk $0xffff, v2  }
0x157: {  	v3 =	vld [tilespmem:s15+$0x300]  }
0x158: {  	v4 =	vld [tilespmem:s15+$0x1100]  }
0x159: {  	s21 =	sand.u32 $0x1F0, s14  }
0x15a: {  	v5 =	vmov s21  }
0x15b: {  	v6 =	vor.u32 s21, v1;
	v5 =	vshll.u32 v5, $0x3  }
0x15c: {  	s13 =	sshll.u32 s13, $0x9;
	v5 =	vand.u32 $0xC00, v5;
	v7 =	vshll.u32 v3, $0x9;
	v3 =	vshll.u32 v3, $0x7  }
0x15d: {  	s13 =	sand.u32 $0xFFFFC000, s13;
	v8 =	vshll.u32 v4, $0x9;
	v4 =	vshll.u32 v4, $0x7;
	v7 =	vand.u32 $0xFFFFF000, v7  }
0x15e: {  	v3 =	vand.u32 $0x380, v3;
	v8 =	vand.u32 $0xFFFFF000, v8;
	v7 =	vadd.s32 s13, v7  }
0x15f: {  	v4 =	vand.u32 $0x380, v4;
	v3 =	vor.u32 v3, v7;
	v7 =	vadd.s32 s13, v8  }
0x160: {  	v6 =	vand.u32 $0x7F, v6;
	v3 =	vor.u32 v5, v3;
	v4 =	vor.u32 v4, v7  }
0x161: {  	v3 =	vor.u32 v6, v3;
	v4 =	vor.u32 v5, v4  }
0x162: {  	v4 =	vor.u32 v6, v4;
	_ =	sdelay $0x3  }
0x163: {  	[tilespmem:v3+s10+$0x0] =	vst.idx.msk $0xffff, v0  }
0x164: {  	s22 =	simm.s32 $0x0;
	s17 =	rddreg [dreg:$0x8];
	s18 =	simm.s32 $0x0;
	[tilespmem:v4+s10+$0x0] =	vst.idx.msk $0xffff, v2  }
0x165: {  	[hbm4b:s17+s22] =	stream.linear.scatter [tilespmem:s10], [sflag:$0x1], $0x8000, $0x38;
	[tilespmem:$0x18000] =	vst v63  }
0x166: {  	s19 =	sand.u32 $0xC00, s22;
	s14 =	sand.u32 $0x3FFFFF80, s18;
	_ =	swait.ge [sflag:s11], $0x8000  }
0x167: {  	s20 =	sand.u32 $0x70, s22;
	s14 =	sadd.s32 s19, s14;
	[sflag:s11] =	ssyncset.done $0x0  }
0x168: {  	s14 =	sor.u32 s20, s14;
	[sflag:s11] =	ssyncadd.s32 $0xFFFF8000  }
0x169: {  	v3 =	vld [tilespmem:s14+$0x1000]  }
0x16a: {  	v4 =	vld [tilespmem:s14+$0x1200]  }
0x16b: {  	s13 =	sand.u32 $0x1F0, s22  }
0x16c: {  	v5 =	vmov s13  }
0x16d: {  	v6 =	vor.u32 s13, v1;
	v5 =	vshll.u32 v5, $0x3  }
0x16e: {  	s21 =	simm.s32 $0x0;
	v5 =	vand.u32 $0xC00, v5;
	v7 =	vshll.u32 v3, $0x9;
	v3 =	vshll.u32 v3, $0x7  }
0x16f: {  	s13 =	sand.u32 $0xFFFFC000, s21;
	v63 =	vshll.u32 v4, $0x9;
	v4 =	vshll.u32 v4, $0x7;
	v7 =	vand.u32 $0xFFFFF000, v7  }
0x170: {  	v3 =	vand.u32 $0x380, v3;
	v8 =	vand.u32 $0xFFFFF000, v63;
	v7 =	vadd.s32 s13, v7  }
0x171: {  	v4 =	vand.u32 $0x380, v4;
	v8 =	vadd.s32 s13, v8;
	v3 =	vor.u32 v3, v7  }
0x172: {  	v6 =	vand.u32 $0x7F, v6;
	v4 =	vor.u32 v4, v8;
	v3 =	vor.u32 v5, v3  }
0x173: {  	v5 =	vor.u32 v5, v4;
	v4 =	vor.u32 v6, v3  }
0x174: {  	v3 =	vor.u32 v6, v5  }
0x175: {  	s15 =	simm.s32 $0x80  }
0x176: {  	s16 =	simm.s32 $0x2;
	s22 =	simm.s32 $0x4;
	s17 =	sand.u32 $0xC00, s15  }
0x177: {  	s18 =	sand.u32 $0x3FFFFF80, s22;
	s14 =	simm.s32 $0x10;
	s13 =	simm.s32 $0x1  }
.LBB2_18:
0x178: {  	p0 =	sne.s32 s16, $0x3F;
	s19 =	sand.u32 $0x70, s14;
	s17 =	sadd.s32 s17, s18;
	[tilespmem:v4+s9+$0x0] =	vst.idx.msk $0xffff, v0  }
0x179: {  	s17 =	sor.u32 s19, s17;
	[tilespmem:v3+s9+$0x0] =	vst.idx.msk $0xffff, v2  }
0x17a: {  	v3 =	vld [tilespmem:s17+$0x1000]  }
0x17b: {  	v4 =	vld [tilespmem:s17+$0x1200]  }
0x17c: {  	s17 =	sand.u32 $0x1F0, s14  }
0x17d: {  	v5 =	vmov s17  }
0x17e: {  	v6 =	vor.u32 s17, v1;
	v5 =	vshll.u32 v5, $0x3  }
0x17f: {  	s17 =	sshll.u32 s13, $0x9;
	s13 =	smov.u32 s16;
	v5 =	vand.u32 $0xC00, v5;
	v7 =	vshll.u32 v3, $0x9;
	v3 =	vshll.u32 v3, $0x7  }
0x180: {  	s17 =	sand.u32 $0xFFFFC000, s17;
	v7 =	vand.u32 $0xFFFFF000, v7;
	v3 =	vand.u32 $0x380, v3;
	v8 =	vshll.u32 v4, $0x9  }
0x181: {  	v4 =	vshll.u32 v4, $0x7;
	v7 =	vadd.s32 s17, v7;
	v8 =	vand.u32 $0xFFFFF000, v8  }
0x182: {  	v4 =	vand.u32 $0x380, v4;
	v3 =	vor.u32 v3, v7;
	v7 =	vadd.s32 s17, v8  }
0x183: {  	v6 =	vand.u32 $0x7F, v6;
	v3 =	vor.u32 v5, v3;
	v7 =	vor.u32 v4, v7  }
.Ltmp8:
0x184: {  	v4 =	vor.u32 v6, v3;
	v3 =	vor.u32 v5, v7;
	(pc) =	sbr.rel @p0 .LBB2_18-.Ltmp8, $3  }
0x185: {  	v3 =	vor.u32 v6, v3;
	_ =	sdelay $0x1  }
0x186: {  	s18 =	sshll.u32 s16, $0x2;
	s15 =	sadd.s32 $0x80, s15;
	s14 =	sadd.s32 $0x10, s14  }
0x187: {  	s18 =	sand.u32 $0x3FFFFF80, s18;
	s16 =	sadd.s32 $0x1, s16;
	s17 =	sand.u32 $0xC00, s15  }
0x188: {  	_ =	sdelay $0x3  }
0x189: {  	s15 =	sand.u32 $0x70, s14;
	s16 =	sadd.s32 s17, s18;
	[tilespmem:v4+s9+$0x0] =	vst.idx.msk $0xffff, v0  }
0x18a: {  	s15 =	sor.u32 s15, s16;
	[tilespmem:v3+s9+$0x0] =	vst.idx.msk $0xffff, v2  }
0x18b: {  	v3 =	vld [tilespmem:s15+$0x1000]  }
0x18c: {  	v4 =	vld [tilespmem:s15+$0x1200]  }
0x18d: {  	s21 =	sand.u32 $0x1F0, s14  }
0x18e: {  	v5 =	vmov s21  }
0x18f: {  	v6 =	vor.u32 s21, v1;
	v5 =	vshll.u32 v5, $0x3  }
0x190: {  	s13 =	sshll.u32 s13, $0x9;
	v5 =	vand.u32 $0xC00, v5;
	v7 =	vshll.u32 v3, $0x9;
	v3 =	vshll.u32 v3, $0x7  }
0x191: {  	s13 =	sand.u32 $0xFFFFC000, s13;
	v8 =	vshll.u32 v4, $0x9;
	v4 =	vshll.u32 v4, $0x7;
	v7 =	vand.u32 $0xFFFFF000, v7  }
0x192: {  	v3 =	vand.u32 $0x380, v3;
	v8 =	vand.u32 $0xFFFFF000, v8;
	v7 =	vadd.s32 s13, v7  }
0x193: {  	v4 =	vand.u32 $0x380, v4;
	v3 =	vor.u32 v3, v7;
	v7 =	vadd.s32 s13, v8  }
0x194: {  	v6 =	vand.u32 $0x7F, v6;
	v3 =	vor.u32 v5, v3;
	v4 =	vor.u32 v4, v7  }
0x195: {  	v3 =	vor.u32 v6, v3;
	v4 =	vor.u32 v5, v4  }
0x196: {  	v4 =	vor.u32 v6, v4;
	_ =	sdelay $0x3  }
0x197: {  	[tilespmem:v3+s9+$0x0] =	vst.idx.msk $0xffff, v0  }
0x198: {  	s22 =	simm.s32 $0x0;
	s17 =	rddreg [dreg:$0x9];
	s18 =	simm.s32 $0x0;
	[tilespmem:v4+s9+$0x0] =	vst.idx.msk $0xffff, v2  }
0x199: {  	[hbm4b:s17+s22] =	stream.linear.scatter [tilespmem:s9], [sflag:$0x1], $0x8000, $0x38;
	[tilespmem:$0x18000] =	vst v63  }
0x19a: {  	s19 =	sand.u32 $0xC00, s22;
	s14 =	sand.u32 $0x3FFFFF80, s18;
	_ =	swait.ge [sflag:s11], $0x8000  }
0x19b: {  	s20 =	sand.u32 $0x70, s22;
	s14 =	sadd.s32 s19, s14;
	[sflag:s11] =	ssyncset.done $0x0  }
0x19c: {  	s14 =	sor.u32 s20, s14;
	[sflag:s11] =	ssyncadd.s32 $0xFFFF8000  }
0x19d: {  	v3 =	vld [tilespmem:s14+$0x1100]  }
0x19e: {  	v4 =	vld [tilespmem:s14+$0x1300]  }
0x19f: {  	s13 =	sand.u32 $0x1F0, s22  }
0x1a0: {  	v5 =	vmov s13  }
0x1a1: {  	v6 =	vor.u32 s13, v1;
	v5 =	vshll.u32 v5, $0x3  }
0x1a2: {  	s21 =	simm.s32 $0x0;
	v5 =	vand.u32 $0xC00, v5;
	v7 =	vshll.u32 v3, $0x9;
	v3 =	vshll.u32 v3, $0x7  }
0x1a3: {  	s13 =	sand.u32 $0xFFFFC000, s21;
	v63 =	vshll.u32 v4, $0x9;
	v4 =	vshll.u32 v4, $0x7;
	v7 =	vand.u32 $0xFFFFF000, v7  }
0x1a4: {  	v3 =	vand.u32 $0x380, v3;
	v8 =	vand.u32 $0xFFFFF000, v63;
	v7 =	vadd.s32 s13, v7  }
0x1a5: {  	v4 =	vand.u32 $0x380, v4;
	v8 =	vadd.s32 s13, v8;
	v3 =	vor.u32 v3, v7  }
0x1a6: {  	v6 =	vand.u32 $0x7F, v6;
	v4 =	vor.u32 v4, v8;
	v3 =	vor.u32 v5, v3  }
0x1a7: {  	v5 =	vor.u32 v5, v4;
	v4 =	vor.u32 v6, v3  }
0x1a8: {  	v3 =	vor.u32 v6, v5  }
0x1a9: {  	s15 =	simm.s32 $0x80  }
0x1aa: {  	s16 =	simm.s32 $0x2;
	s22 =	simm.s32 $0x4;
	s17 =	sand.u32 $0xC00, s15  }
0x1ab: {  	s18 =	sand.u32 $0x3FFFFF80, s22;
	s14 =	simm.s32 $0x10;
	s13 =	simm.s32 $0x1  }
.LBB2_20:
0x1ac: {  	p0 =	sne.s32 s16, $0x3F;
	s19 =	sand.u32 $0x70, s14;
	s17 =	sadd.s32 s17, s18;
	[tilespmem:v4+s10+$0x0] =	vst.idx.msk $0xffff, v0  }
0x1ad: {  	s17 =	sor.u32 s19, s17;
	[tilespmem:v3+s10+$0x0] =	vst.idx.msk $0xffff, v2  }
0x1ae: {  	v3 =	vld [tilespmem:s17+$0x1100]  }
0x1af: {  	v4 =	vld [tilespmem:s17+$0x1300]  }
0x1b0: {  	s17 =	sand.u32 $0x1F0, s14  }
0x1b1: {  	v5 =	vmov s17  }
0x1b2: {  	v6 =	vor.u32 s17, v1;
	v5 =	vshll.u32 v5, $0x3  }
0x1b3: {  	s17 =	sshll.u32 s13, $0x9;
	s13 =	smov.u32 s16;
	v5 =	vand.u32 $0xC00, v5;
	v7 =	vshll.u32 v3, $0x9;
	v3 =	vshll.u32 v3, $0x7  }
0x1b4: {  	s17 =	sand.u32 $0xFFFFC000, s17;
	v7 =	vand.u32 $0xFFFFF000, v7;
	v3 =	vand.u32 $0x380, v3;
	v8 =	vshll.u32 v4, $0x9  }
0x1b5: {  	v4 =	vshll.u32 v4, $0x7;
	v7 =	vadd.s32 s17, v7;
	v8 =	vand.u32 $0xFFFFF000, v8  }
0x1b6: {  	v4 =	vand.u32 $0x380, v4;
	v3 =	vor.u32 v3, v7;
	v7 =	vadd.s32 s17, v8  }
0x1b7: {  	v6 =	vand.u32 $0x7F, v6;
	v3 =	vor.u32 v5, v3;
	v7 =	vor.u32 v4, v7  }
.Ltmp9:
0x1b8: {  	v4 =	vor.u32 v6, v3;
	v3 =	vor.u32 v5, v7;
	(pc) =	sbr.rel @p0 .LBB2_20-.Ltmp9, $3  }
0x1b9: {  	v3 =	vor.u32 v6, v3;
	_ =	sdelay $0x1  }
0x1ba: {  	s18 =	sshll.u32 s16, $0x2;
	s15 =	sadd.s32 $0x80, s15;
	s14 =	sadd.s32 $0x10, s14  }
0x1bb: {  	s18 =	sand.u32 $0x3FFFFF80, s18;
	s16 =	sadd.s32 $0x1, s16;
	s17 =	sand.u32 $0xC00, s15  }
0x1bc: {  	_ =	sdelay $0x3  }
0x1bd: {  	s15 =	sand.u32 $0x70, s14;
	s16 =	sadd.s32 s17, s18;
	[tilespmem:v4+s10+$0x0] =	vst.idx.msk $0xffff, v0  }
0x1be: {  	s15 =	sor.u32 s15, s16;
	[tilespmem:v3+s10+$0x0] =	vst.idx.msk $0xffff, v2  }
0x1bf: {  	v3 =	vld [tilespmem:s15+$0x1100]  }
0x1c0: {  	v4 =	vld [tilespmem:s15+$0x1300]  }
0x1c1: {  	s21 =	sand.u32 $0x1F0, s14  }
0x1c2: {  	v5 =	vmov s21  }
0x1c3: {  	v6 =	vor.u32 s21, v1;
	v5 =	vshll.u32 v5, $0x3  }
0x1c4: {  	s13 =	sshll.u32 s13, $0x9;
	v5 =	vand.u32 $0xC00, v5;
	v7 =	vshll.u32 v3, $0x9;
	v3 =	vshll.u32 v3, $0x7  }
0x1c5: {  	s13 =	sand.u32 $0xFFFFC000, s13;
	v8 =	vshll.u32 v4, $0x9;
	v4 =	vshll.u32 v4, $0x7;
	v7 =	vand.u32 $0xFFFFF000, v7  }
0x1c6: {  	v3 =	vand.u32 $0x380, v3;
	v8 =	vand.u32 $0xFFFFF000, v8;
	v7 =	vadd.s32 s13, v7  }
0x1c7: {  	v4 =	vand.u32 $0x380, v4;
	v3 =	vor.u32 v3, v7;
	v7 =	vadd.s32 s13, v8  }
0x1c8: {  	v6 =	vand.u32 $0x7F, v6;
	v3 =	vor.u32 v5, v3;
	v4 =	vor.u32 v4, v7  }
0x1c9: {  	v3 =	vor.u32 v6, v3;
	v4 =	vor.u32 v5, v4  }
0x1ca: {  	v4 =	vor.u32 v6, v4;
	_ =	sdelay $0x3  }
0x1cb: {  	[tilespmem:v3+s10+$0x0] =	vst.idx.msk $0xffff, v0  }
0x1cc: {  	s22 =	simm.s32 $0x0;
	s17 =	rddreg [dreg:$0xa];
	s18 =	simm.s32 $0x0;
	[tilespmem:v4+s10+$0x0] =	vst.idx.msk $0xffff, v2  }
0x1cd: {  	[hbm4b:s17+s22] =	stream.linear.scatter [tilespmem:s10], [sflag:$0x1], $0x8000, $0x38;
	[tilespmem:$0x18000] =	vst v63  }
0x1ce: {  	s19 =	sand.u32 $0xC00, s22;
	s14 =	sand.u32 $0x3FFFFF80, s18;
	_ =	swait.ge [sflag:s11], $0x8000  }
0x1cf: {  	s20 =	sand.u32 $0x70, s22;
	s14 =	sadd.s32 s19, s14;
	[sflag:s11] =	ssyncset.done $0x0  }
0x1d0: {  	s14 =	sor.u32 s20, s14;
	[sflag:s11] =	ssyncadd.s32 $0xFFFF8000  }
0x1d1: {  	v3 =	vld [tilespmem:s14+$0x1200]  }
0x1d2: {  	v4 =	vld [tilespmem:s14+$0x2000]  }
0x1d3: {  	s13 =	sand.u32 $0x1F0, s22  }
0x1d4: {  	v5 =	vmov s13  }
0x1d5: {  	v6 =	vor.u32 s13, v1;
	v5 =	vshll.u32 v5, $0x3  }
0x1d6: {  	s21 =	simm.s32 $0x0;
	v5 =	vand.u32 $0xC00, v5;
	v7 =	vshll.u32 v3, $0x9;
	v3 =	vshll.u32 v3, $0x7  }
0x1d7: {  	s13 =	sand.u32 $0xFFFFC000, s21;
	v63 =	vshll.u32 v4, $0x9;
	v4 =	vshll.u32 v4, $0x7;
	v7 =	vand.u32 $0xFFFFF000, v7  }
0x1d8: {  	v3 =	vand.u32 $0x380, v3;
	v8 =	vand.u32 $0xFFFFF000, v63;
	v7 =	vadd.s32 s13, v7  }
0x1d9: {  	v4 =	vand.u32 $0x380, v4;
	v8 =	vadd.s32 s13, v8;
	v3 =	vor.u32 v3, v7  }
0x1da: {  	v6 =	vand.u32 $0x7F, v6;
	v4 =	vor.u32 v4, v8;
	v3 =	vor.u32 v5, v3  }
0x1db: {  	v5 =	vor.u32 v5, v4;
	v4 =	vor.u32 v6, v3  }
0x1dc: {  	v3 =	vor.u32 v6, v5  }
0x1dd: {  	s15 =	simm.s32 $0x80  }
0x1de: {  	s16 =	simm.s32 $0x2;
	s22 =	simm.s32 $0x4;
	s17 =	sand.u32 $0xC00, s15  }
0x1df: {  	s18 =	sand.u32 $0x3FFFFF80, s22;
	s14 =	simm.s32 $0x10;
	s13 =	simm.s32 $0x1  }
.LBB2_22:
0x1e0: {  	p0 =	sne.s32 s16, $0x3F;
	s19 =	sand.u32 $0x70, s14;
	s17 =	sadd.s32 s17, s18;
	[tilespmem:v4+s9+$0x0] =	vst.idx.msk $0xffff, v0  }
0x1e1: {  	s17 =	sor.u32 s19, s17;
	[tilespmem:v3+s9+$0x0] =	vst.idx.msk $0xffff, v2  }
0x1e2: {  	v3 =	vld [tilespmem:s17+$0x1200]  }
0x1e3: {  	v4 =	vld [tilespmem:s17+$0x2000]  }
0x1e4: {  	s17 =	sand.u32 $0x1F0, s14  }
0x1e5: {  	v5 =	vmov s17  }
0x1e6: {  	v6 =	vor.u32 s17, v1;
	v5 =	vshll.u32 v5, $0x3  }
0x1e7: {  	s17 =	sshll.u32 s13, $0x9;
	s13 =	smov.u32 s16;
	v5 =	vand.u32 $0xC00, v5;
	v7 =	vshll.u32 v3, $0x9;
	v3 =	vshll.u32 v3, $0x7  }
0x1e8: {  	s17 =	sand.u32 $0xFFFFC000, s17;
	v7 =	vand.u32 $0xFFFFF000, v7;
	v3 =	vand.u32 $0x380, v3;
	v8 =	vshll.u32 v4, $0x9  }
0x1e9: {  	v4 =	vshll.u32 v4, $0x7;
	v7 =	vadd.s32 s17, v7;
	v8 =	vand.u32 $0xFFFFF000, v8  }
0x1ea: {  	v4 =	vand.u32 $0x380, v4;
	v3 =	vor.u32 v3, v7;
	v7 =	vadd.s32 s17, v8  }
0x1eb: {  	v6 =	vand.u32 $0x7F, v6;
	v3 =	vor.u32 v5, v3;
	v7 =	vor.u32 v4, v7  }
.Ltmp10:
0x1ec: {  	v4 =	vor.u32 v6, v3;
	v3 =	vor.u32 v5, v7;
	(pc) =	sbr.rel @p0 .LBB2_22-.Ltmp10, $3  }
0x1ed: {  	v3 =	vor.u32 v6, v3;
	_ =	sdelay $0x1  }
0x1ee: {  	s18 =	sshll.u32 s16, $0x2;
	s15 =	sadd.s32 $0x80, s15;
	s14 =	sadd.s32 $0x10, s14  }
0x1ef: {  	s18 =	sand.u32 $0x3FFFFF80, s18;
	s16 =	sadd.s32 $0x1, s16;
	s17 =	sand.u32 $0xC00, s15  }
0x1f0: {  	_ =	sdelay $0x3  }
0x1f1: {  	s15 =	sand.u32 $0x70, s14;
	s16 =	sadd.s32 s17, s18;
	[tilespmem:v4+s9+$0x0] =	vst.idx.msk $0xffff, v0  }
0x1f2: {  	s15 =	sor.u32 s15, s16;
	[tilespmem:v3+s9+$0x0] =	vst.idx.msk $0xffff, v2  }
0x1f3: {  	v3 =	vld [tilespmem:s15+$0x1200]  }
0x1f4: {  	v4 =	vld [tilespmem:s15+$0x2000]  }
0x1f5: {  	s21 =	sand.u32 $0x1F0, s14  }
0x1f6: {  	v5 =	vmov s21  }
0x1f7: {  	v6 =	vor.u32 s21, v1;
	v5 =	vshll.u32 v5, $0x3  }
0x1f8: {  	s13 =	sshll.u32 s13, $0x9;
	v5 =	vand.u32 $0xC00, v5;
	v7 =	vshll.u32 v3, $0x9;
	v3 =	vshll.u32 v3, $0x7  }
0x1f9: {  	s13 =	sand.u32 $0xFFFFC000, s13;
	v8 =	vshll.u32 v4, $0x9;
	v4 =	vshll.u32 v4, $0x7;
	v7 =	vand.u32 $0xFFFFF000, v7  }
0x1fa: {  	v3 =	vand.u32 $0x380, v3;
	v8 =	vand.u32 $0xFFFFF000, v8;
	v7 =	vadd.s32 s13, v7  }
0x1fb: {  	v4 =	vand.u32 $0x380, v4;
	v3 =	vor.u32 v3, v7;
	v7 =	vadd.s32 s13, v8  }
0x1fc: {  	v6 =	vand.u32 $0x7F, v6;
	v3 =	vor.u32 v5, v3;
	v4 =	vor.u32 v4, v7  }
0x1fd: {  	v3 =	vor.u32 v6, v3;
	v4 =	vor.u32 v5, v4  }
0x1fe: {  	v4 =	vor.u32 v6, v4;
	_ =	sdelay $0x3  }
0x1ff: {  	[tilespmem:v3+s9+$0x0] =	vst.idx.msk $0xffff, v0  }
0x200: {  	s22 =	simm.s32 $0x0;
	s17 =	rddreg [dreg:$0xb];
	s18 =	simm.s32 $0x0;
	[tilespmem:v4+s9+$0x0] =	vst.idx.msk $0xffff, v2  }
0x201: {  	[hbm4b:s17+s22] =	stream.linear.scatter [tilespmem:s9], [sflag:$0x1], $0x8000, $0x38;
	[tilespmem:$0x18000] =	vst v63  }
0x202: {  	s19 =	sand.u32 $0xC00, s22;
	s14 =	sand.u32 $0x3FFFFF80, s18;
	_ =	swait.ge [sflag:s11], $0x8000  }
0x203: {  	s20 =	sand.u32 $0x70, s22;
	s14 =	sadd.s32 s19, s14;
	[sflag:s11] =	ssyncset.done $0x0  }
0x204: {  	s14 =	sor.u32 s20, s14;
	[sflag:s11] =	ssyncadd.s32 $0xFFFF8000  }
0x205: {  	v3 =	vld [tilespmem:s14+$0x1300]  }
0x206: {  	v4 =	vld [tilespmem:s14+$0x2100]  }
0x207: {  	s13 =	sand.u32 $0x1F0, s22  }
0x208: {  	v5 =	vmov s13  }
0x209: {  	v6 =	vor.u32 s13, v1;
	v5 =	vshll.u32 v5, $0x3  }
0x20a: {  	s21 =	simm.s32 $0x0;
	v5 =	vand.u32 $0xC00, v5;
	v7 =	vshll.u32 v3, $0x9;
	v3 =	vshll.u32 v3, $0x7  }
0x20b: {  	s13 =	sand.u32 $0xFFFFC000, s21;
	v63 =	vshll.u32 v4, $0x9;
	v4 =	vshll.u32 v4, $0x7;
	v7 =	vand.u32 $0xFFFFF000, v7  }
0x20c: {  	v3 =	vand.u32 $0x380, v3;
	v8 =	vand.u32 $0xFFFFF000, v63;
	v7 =	vadd.s32 s13, v7  }
0x20d: {  	v4 =	vand.u32 $0x380, v4;
	v8 =	vadd.s32 s13, v8;
	v3 =	vor.u32 v3, v7  }
0x20e: {  	v6 =	vand.u32 $0x7F, v6;
	v4 =	vor.u32 v4, v8;
	v3 =	vor.u32 v5, v3  }
0x20f: {  	v5 =	vor.u32 v5, v4;
	v4 =	vor.u32 v6, v3  }
0x210: {  	v3 =	vor.u32 v6, v5  }
0x211: {  	s15 =	simm.s32 $0x80  }
0x212: {  	s16 =	simm.s32 $0x2;
	s22 =	simm.s32 $0x4;
	s17 =	sand.u32 $0xC00, s15  }
0x213: {  	s18 =	sand.u32 $0x3FFFFF80, s22;
	s14 =	simm.s32 $0x10;
	s13 =	simm.s32 $0x1  }
.LBB2_24:
0x214: {  	p0 =	sne.s32 s16, $0x3F;
	s19 =	sand.u32 $0x70, s14;
	s17 =	sadd.s32 s17, s18;
	[tilespmem:v4+s10+$0x0] =	vst.idx.msk $0xffff, v0  }
0x215: {  	s17 =	sor.u32 s19, s17;
	[tilespmem:v3+s10+$0x0] =	vst.idx.msk $0xffff, v2  }
0x216: {  	v3 =	vld [tilespmem:s17+$0x1300]  }
0x217: {  	v4 =	vld [tilespmem:s17+$0x2100]  }
0x218: {  	s17 =	sand.u32 $0x1F0, s14  }
0x219: {  	v5 =	vmov s17  }
0x21a: {  	v6 =	vor.u32 s17, v1;
	v5 =	vshll.u32 v5, $0x3  }
0x21b: {  	s17 =	sshll.u32 s13, $0x9;
	s13 =	smov.u32 s16;
	v5 =	vand.u32 $0xC00, v5;
	v7 =	vshll.u32 v3, $0x9;
	v3 =	vshll.u32 v3, $0x7  }
0x21c: {  	s17 =	sand.u32 $0xFFFFC000, s17;
	v7 =	vand.u32 $0xFFFFF000, v7;
	v3 =	vand.u32 $0x380, v3;
	v8 =	vshll.u32 v4, $0x9  }
0x21d: {  	v4 =	vshll.u32 v4, $0x7;
	v7 =	vadd.s32 s17, v7;
	v8 =	vand.u32 $0xFFFFF000, v8  }
0x21e: {  	v4 =	vand.u32 $0x380, v4;
	v3 =	vor.u32 v3, v7;
	v7 =	vadd.s32 s17, v8  }
0x21f: {  	v6 =	vand.u32 $0x7F, v6;
	v3 =	vor.u32 v5, v3;
	v7 =	vor.u32 v4, v7  }
.Ltmp11:
0x220: {  	v4 =	vor.u32 v6, v3;
	v3 =	vor.u32 v5, v7;
	(pc) =	sbr.rel @p0 .LBB2_24-.Ltmp11, $3  }
0x221: {  	v3 =	vor.u32 v6, v3;
	_ =	sdelay $0x1  }
0x222: {  	s18 =	sshll.u32 s16, $0x2;
	s15 =	sadd.s32 $0x80, s15;
	s14 =	sadd.s32 $0x10, s14  }
0x223: {  	s18 =	sand.u32 $0x3FFFFF80, s18;
	s16 =	sadd.s32 $0x1, s16;
	s17 =	sand.u32 $0xC00, s15  }
0x224: {  	_ =	sdelay $0x3  }
0x225: {  	s15 =	sand.u32 $0x70, s14;
	s16 =	sadd.s32 s17, s18;
	[tilespmem:v4+s10+$0x0] =	vst.idx.msk $0xffff, v0  }
0x226: {  	s15 =	sor.u32 s15, s16;
	[tilespmem:v3+s10+$0x0] =	vst.idx.msk $0xffff, v2  }
0x227: {  	v3 =	vld [tilespmem:s15+$0x1300]  }
0x228: {  	v4 =	vld [tilespmem:s15+$0x2100]  }
0x229: {  	s21 =	sand.u32 $0x1F0, s14  }
0x22a: {  	v5 =	vmov s21  }
0x22b: {  	v6 =	vor.u32 s21, v1;
	v5 =	vshll.u32 v5, $0x3  }
0x22c: {  	s13 =	sshll.u32 s13, $0x9;
	v5 =	vand.u32 $0xC00, v5;
	v7 =	vshll.u32 v3, $0x9;
	v3 =	vshll.u32 v3, $0x7  }
0x22d: {  	s13 =	sand.u32 $0xFFFFC000, s13;
	v8 =	vshll.u32 v4, $0x9;
	v4 =	vshll.u32 v4, $0x7;
	v7 =	vand.u32 $0xFFFFF000, v7  }
0x22e: {  	v3 =	vand.u32 $0x380, v3;
	v8 =	vand.u32 $0xFFFFF000, v8;
	v7 =	vadd.s32 s13, v7  }
0x22f: {  	v4 =	vand.u32 $0x380, v4;
	v3 =	vor.u32 v3, v7;
	v7 =	vadd.s32 s13, v8  }
0x230: {  	v6 =	vand.u32 $0x7F, v6;
	v3 =	vor.u32 v5, v3;
	v4 =	vor.u32 v4, v7  }
0x231: {  	v3 =	vor.u32 v6, v3;
	v4 =	vor.u32 v5, v4  }
0x232: {  	v4 =	vor.u32 v6, v4;
	_ =	sdelay $0x3  }
0x233: {  	[tilespmem:v3+s10+$0x0] =	vst.idx.msk $0xffff, v0  }
0x234: {  	s22 =	simm.s32 $0x0;
	s17 =	rddreg [dreg:$0xc];
	s18 =	simm.s32 $0x0;
	[tilespmem:v4+s10+$0x0] =	vst.idx.msk $0xffff, v2  }
0x235: {  	[hbm4b:s17+s22] =	stream.linear.scatter [tilespmem:s10], [sflag:$0x1], $0x8000, $0x38;
	[tilespmem:$0x18000] =	vst v63  }
0x236: {  	s19 =	sand.u32 $0xC00, s22;
	s14 =	sand.u32 $0x3FFFFF80, s18;
	_ =	swait.ge [sflag:s11], $0x8000  }
0x237: {  	s20 =	sand.u32 $0x70, s22;
	s14 =	sadd.s32 s19, s14;
	[sflag:s11] =	ssyncset.done $0x0  }
0x238: {  	s14 =	sor.u32 s20, s14;
	[sflag:s11] =	ssyncadd.s32 $0xFFFF8000  }
0x239: {  	v3 =	vld [tilespmem:s14+$0x2000]  }
0x23a: {  	v4 =	vld [tilespmem:s14+$0x2200]  }
0x23b: {  	s13 =	sand.u32 $0x1F0, s22  }
0x23c: {  	v5 =	vmov s13  }
0x23d: {  	v6 =	vor.u32 s13, v1;
	v5 =	vshll.u32 v5, $0x3  }
0x23e: {  	s21 =	simm.s32 $0x0;
	v5 =	vand.u32 $0xC00, v5;
	v7 =	vshll.u32 v3, $0x9;
	v3 =	vshll.u32 v3, $0x7  }
0x23f: {  	s13 =	sand.u32 $0xFFFFC000, s21;
	v63 =	vshll.u32 v4, $0x9;
	v4 =	vshll.u32 v4, $0x7;
	v7 =	vand.u32 $0xFFFFF000, v7  }
0x240: {  	v3 =	vand.u32 $0x380, v3;
	v8 =	vand.u32 $0xFFFFF000, v63;
	v7 =	vadd.s32 s13, v7  }
0x241: {  	v4 =	vand.u32 $0x380, v4;
	v8 =	vadd.s32 s13, v8;
	v3 =	vor.u32 v3, v7  }
0x242: {  	v6 =	vand.u32 $0x7F, v6;
	v4 =	vor.u32 v4, v8;
	v3 =	vor.u32 v5, v3  }
0x243: {  	v5 =	vor.u32 v5, v4;
	v4 =	vor.u32 v6, v3  }
0x244: {  	v3 =	vor.u32 v6, v5  }
0x245: {  	s15 =	simm.s32 $0x80  }
0x246: {  	s16 =	simm.s32 $0x2;
	s22 =	simm.s32 $0x4;
	s17 =	sand.u32 $0xC00, s15  }
0x247: {  	s18 =	sand.u32 $0x3FFFFF80, s22;
	s14 =	simm.s32 $0x10;
	s13 =	simm.s32 $0x1  }
.LBB2_26:
0x248: {  	p0 =	sne.s32 s16, $0x3F;
	s19 =	sand.u32 $0x70, s14;
	s17 =	sadd.s32 s17, s18;
	[tilespmem:v4+s9+$0x0] =	vst.idx.msk $0xffff, v0  }
0x249: {  	s17 =	sor.u32 s19, s17;
	[tilespmem:v3+s9+$0x0] =	vst.idx.msk $0xffff, v2  }
0x24a: {  	v3 =	vld [tilespmem:s17+$0x2000]  }
0x24b: {  	v4 =	vld [tilespmem:s17+$0x2200]  }
0x24c: {  	s17 =	sand.u32 $0x1F0, s14  }
0x24d: {  	v5 =	vmov s17  }
0x24e: {  	v6 =	vor.u32 s17, v1;
	v5 =	vshll.u32 v5, $0x3  }
0x24f: {  	s17 =	sshll.u32 s13, $0x9;
	s13 =	smov.u32 s16;
	v5 =	vand.u32 $0xC00, v5;
	v7 =	vshll.u32 v3, $0x9;
	v3 =	vshll.u32 v3, $0x7  }
0x250: {  	s17 =	sand.u32 $0xFFFFC000, s17;
	v7 =	vand.u32 $0xFFFFF000, v7;
	v3 =	vand.u32 $0x380, v3;
	v8 =	vshll.u32 v4, $0x9  }
0x251: {  	v4 =	vshll.u32 v4, $0x7;
	v7 =	vadd.s32 s17, v7;
	v8 =	vand.u32 $0xFFFFF000, v8  }
0x252: {  	v4 =	vand.u32 $0x380, v4;
	v3 =	vor.u32 v3, v7;
	v7 =	vadd.s32 s17, v8  }
0x253: {  	v6 =	vand.u32 $0x7F, v6;
	v3 =	vor.u32 v5, v3;
	v7 =	vor.u32 v4, v7  }
.Ltmp12:
0x254: {  	v4 =	vor.u32 v6, v3;
	v3 =	vor.u32 v5, v7;
	(pc) =	sbr.rel @p0 .LBB2_26-.Ltmp12, $3  }
0x255: {  	v3 =	vor.u32 v6, v3;
	_ =	sdelay $0x1  }
0x256: {  	s18 =	sshll.u32 s16, $0x2;
	s15 =	sadd.s32 $0x80, s15;
	s14 =	sadd.s32 $0x10, s14  }
0x257: {  	s18 =	sand.u32 $0x3FFFFF80, s18;
	s16 =	sadd.s32 $0x1, s16;
	s17 =	sand.u32 $0xC00, s15  }
0x258: {  	_ =	sdelay $0x3  }
0x259: {  	s15 =	sand.u32 $0x70, s14;
	s16 =	sadd.s32 s17, s18;
	[tilespmem:v4+s9+$0x0] =	vst.idx.msk $0xffff, v0  }
0x25a: {  	s15 =	sor.u32 s15, s16;
	[tilespmem:v3+s9+$0x0] =	vst.idx.msk $0xffff, v2  }
0x25b: {  	v3 =	vld [tilespmem:s15+$0x2000]  }
0x25c: {  	v4 =	vld [tilespmem:s15+$0x2200]  }
0x25d: {  	s21 =	sand.u32 $0x1F0, s14  }
0x25e: {  	v5 =	vmov s21  }
0x25f: {  	v6 =	vor.u32 s21, v1;
	v5 =	vshll.u32 v5, $0x3  }
0x260: {  	s13 =	sshll.u32 s13, $0x9;
	v5 =	vand.u32 $0xC00, v5;
	v7 =	vshll.u32 v3, $0x9;
	v3 =	vshll.u32 v3, $0x7  }
0x261: {  	s13 =	sand.u32 $0xFFFFC000, s13;
	v8 =	vshll.u32 v4, $0x9;
	v4 =	vshll.u32 v4, $0x7;
	v7 =	vand.u32 $0xFFFFF000, v7  }
0x262: {  	v3 =	vand.u32 $0x380, v3;
	v8 =	vand.u32 $0xFFFFF000, v8;
	v7 =	vadd.s32 s13, v7  }
0x263: {  	v4 =	vand.u32 $0x380, v4;
	v3 =	vor.u32 v3, v7;
	v7 =	vadd.s32 s13, v8  }
0x264: {  	v6 =	vand.u32 $0x7F, v6;
	v3 =	vor.u32 v5, v3;
	v4 =	vor.u32 v4, v7  }
0x265: {  	v3 =	vor.u32 v6, v3;
	v4 =	vor.u32 v5, v4  }
0x266: {  	v4 =	vor.u32 v6, v4;
	_ =	sdelay $0x3  }
0x267: {  	[tilespmem:v3+s9+$0x0] =	vst.idx.msk $0xffff, v0  }
0x268: {  	s22 =	simm.s32 $0x0;
	s17 =	rddreg [dreg:$0xd];
	s18 =	simm.s32 $0x0;
	[tilespmem:v4+s9+$0x0] =	vst.idx.msk $0xffff, v2  }
0x269: {  	[hbm4b:s17+s22] =	stream.linear.scatter [tilespmem:s9], [sflag:$0x1], $0x8000, $0x38;
	[tilespmem:$0x18000] =	vst v63  }
0x26a: {  	s19 =	sand.u32 $0xC00, s22;
	s14 =	sand.u32 $0x3FFFFF80, s18;
	_ =	swait.ge [sflag:s11], $0x8000  }
0x26b: {  	s20 =	sand.u32 $0x70, s22;
	s14 =	sadd.s32 s19, s14;
	[sflag:s11] =	ssyncset.done $0x0  }
0x26c: {  	s14 =	sor.u32 s20, s14;
	[sflag:s11] =	ssyncadd.s32 $0xFFFF8000  }
0x26d: {  	v3 =	vld [tilespmem:s14+$0x2100]  }
0x26e: {  	v4 =	vld [tilespmem:s14+$0x2300]  }
0x26f: {  	s13 =	sand.u32 $0x1F0, s22  }
0x270: {  	v5 =	vmov s13  }
0x271: {  	v6 =	vor.u32 s13, v1;
	v5 =	vshll.u32 v5, $0x3  }
0x272: {  	s21 =	simm.s32 $0x0;
	v5 =	vand.u32 $0xC00, v5;
	v7 =	vshll.u32 v3, $0x9;
	v3 =	vshll.u32 v3, $0x7  }
0x273: {  	s13 =	sand.u32 $0xFFFFC000, s21;
	v63 =	vshll.u32 v4, $0x9;
	v4 =	vshll.u32 v4, $0x7;
	v7 =	vand.u32 $0xFFFFF000, v7  }
0x274: {  	v3 =	vand.u32 $0x380, v3;
	v8 =	vand.u32 $0xFFFFF000, v63;
	v7 =	vadd.s32 s13, v7  }
0x275: {  	v4 =	vand.u32 $0x380, v4;
	v8 =	vadd.s32 s13, v8;
	v3 =	vor.u32 v3, v7  }
0x276: {  	v6 =	vand.u32 $0x7F, v6;
	v4 =	vor.u32 v4, v8;
	v3 =	vor.u32 v5, v3  }
0x277: {  	v5 =	vor.u32 v5, v4;
	v4 =	vor.u32 v6, v3  }
0x278: {  	v3 =	vor.u32 v6, v5  }
0x279: {  	s15 =	simm.s32 $0x80  }
0x27a: {  	s16 =	simm.s32 $0x2;
	s22 =	simm.s32 $0x4;
	s17 =	sand.u32 $0xC00, s15  }
0x27b: {  	s18 =	sand.u32 $0x3FFFFF80, s22;
	s14 =	simm.s32 $0x10;
	s13 =	simm.s32 $0x1  }
.LBB2_28:
0x27c: {  	p0 =	sne.s32 s16, $0x3F;
	s19 =	sand.u32 $0x70, s14;
	s17 =	sadd.s32 s17, s18;
	[tilespmem:v4+s10+$0x0] =	vst.idx.msk $0xffff, v0  }
0x27d: {  	s17 =	sor.u32 s19, s17;
	[tilespmem:v3+s10+$0x0] =	vst.idx.msk $0xffff, v2  }
0x27e: {  	v3 =	vld [tilespmem:s17+$0x2100]  }
0x27f: {  	v4 =	vld [tilespmem:s17+$0x2300]  }
0x280: {  	s17 =	sand.u32 $0x1F0, s14  }
0x281: {  	v5 =	vmov s17  }
0x282: {  	v6 =	vor.u32 s17, v1;
	v5 =	vshll.u32 v5, $0x3  }
0x283: {  	s17 =	sshll.u32 s13, $0x9;
	s13 =	smov.u32 s16;
	v5 =	vand.u32 $0xC00, v5;
	v7 =	vshll.u32 v3, $0x9;
	v3 =	vshll.u32 v3, $0x7  }
0x284: {  	s17 =	sand.u32 $0xFFFFC000, s17;
	v7 =	vand.u32 $0xFFFFF000, v7;
	v3 =	vand.u32 $0x380, v3;
	v8 =	vshll.u32 v4, $0x9  }
0x285: {  	v4 =	vshll.u32 v4, $0x7;
	v7 =	vadd.s32 s17, v7;
	v8 =	vand.u32 $0xFFFFF000, v8  }
0x286: {  	v4 =	vand.u32 $0x380, v4;
	v3 =	vor.u32 v3, v7;
	v7 =	vadd.s32 s17, v8  }
0x287: {  	v6 =	vand.u32 $0x7F, v6;
	v3 =	vor.u32 v5, v3;
	v7 =	vor.u32 v4, v7  }
.Ltmp13:
0x288: {  	v4 =	vor.u32 v6, v3;
	v3 =	vor.u32 v5, v7;
	(pc) =	sbr.rel @p0 .LBB2_28-.Ltmp13, $3  }
0x289: {  	v3 =	vor.u32 v6, v3;
	_ =	sdelay $0x1  }
0x28a: {  	s18 =	sshll.u32 s16, $0x2;
	s15 =	sadd.s32 $0x80, s15;
	s14 =	sadd.s32 $0x10, s14  }
0x28b: {  	s18 =	sand.u32 $0x3FFFFF80, s18;
	s16 =	sadd.s32 $0x1, s16;
	s17 =	sand.u32 $0xC00, s15  }
0x28c: {  	_ =	sdelay $0x3  }
0x28d: {  	s15 =	sand.u32 $0x70, s14;
	s16 =	sadd.s32 s17, s18;
	[tilespmem:v4+s10+$0x0] =	vst.idx.msk $0xffff, v0  }
0x28e: {  	s15 =	sor.u32 s15, s16;
	[tilespmem:v3+s10+$0x0] =	vst.idx.msk $0xffff, v2  }
0x28f: {  	v3 =	vld [tilespmem:s15+$0x2100]  }
0x290: {  	v4 =	vld [tilespmem:s15+$0x2300]  }
0x291: {  	s21 =	sand.u32 $0x1F0, s14  }
0x292: {  	v5 =	vmov s21  }
0x293: {  	v6 =	vor.u32 s21, v1;
	v5 =	vshll.u32 v5, $0x3  }
0x294: {  	s13 =	sshll.u32 s13, $0x9;
	v5 =	vand.u32 $0xC00, v5;
	v7 =	vshll.u32 v3, $0x9;
	v3 =	vshll.u32 v3, $0x7  }
0x295: {  	s13 =	sand.u32 $0xFFFFC000, s13;
	v8 =	vshll.u32 v4, $0x9;
	v4 =	vshll.u32 v4, $0x7;
	v7 =	vand.u32 $0xFFFFF000, v7  }
0x296: {  	v3 =	vand.u32 $0x380, v3;
	v8 =	vand.u32 $0xFFFFF000, v8;
	v7 =	vadd.s32 s13, v7  }
0x297: {  	v4 =	vand.u32 $0x380, v4;
	v3 =	vor.u32 v3, v7;
	v7 =	vadd.s32 s13, v8  }
0x298: {  	v6 =	vand.u32 $0x7F, v6;
	v3 =	vor.u32 v5, v3;
	v4 =	vor.u32 v4, v7  }
0x299: {  	v3 =	vor.u32 v6, v3;
	v4 =	vor.u32 v5, v4  }
0x29a: {  	v4 =	vor.u32 v6, v4;
	_ =	sdelay $0x3  }
0x29b: {  	[tilespmem:v3+s10+$0x0] =	vst.idx.msk $0xffff, v0  }
0x29c: {  	s22 =	simm.s32 $0x0;
	s17 =	rddreg [dreg:$0xe];
	s18 =	simm.s32 $0x0;
	[tilespmem:v4+s10+$0x0] =	vst.idx.msk $0xffff, v2  }
0x29d: {  	[hbm4b:s17+s22] =	stream.linear.scatter [tilespmem:s10], [sflag:$0x1], $0x8000, $0x38;
	[tilespmem:$0x18000] =	vst v63  }
0x29e: {  	s19 =	sand.u32 $0xC00, s22;
	s14 =	sand.u32 $0x3FFFFF80, s18;
	_ =	swait.ge [sflag:s11], $0x8000  }
0x29f: {  	s20 =	sand.u32 $0x70, s22;
	s14 =	sadd.s32 s19, s14;
	[sflag:s11] =	ssyncset.done $0x0  }
0x2a0: {  	s14 =	sor.u32 s20, s14;
	[sflag:s11] =	ssyncadd.s32 $0xFFFF8000  }
0x2a1: {  	v3 =	vld [tilespmem:s14+$0x2200]  }
0x2a2: {  	v4 =	vld [tilespmem:s14+$0x3000]  }
0x2a3: {  	s13 =	sand.u32 $0x1F0, s22  }
0x2a4: {  	v5 =	vmov s13  }
0x2a5: {  	v6 =	vor.u32 s13, v1;
	v5 =	vshll.u32 v5, $0x3  }
0x2a6: {  	s21 =	simm.s32 $0x0;
	v5 =	vand.u32 $0xC00, v5;
	v7 =	vshll.u32 v3, $0x9;
	v3 =	vshll.u32 v3, $0x7  }
0x2a7: {  	s13 =	sand.u32 $0xFFFFC000, s21;
	v63 =	vshll.u32 v4, $0x9;
	v4 =	vshll.u32 v4, $0x7;
	v7 =	vand.u32 $0xFFFFF000, v7  }
0x2a8: {  	v3 =	vand.u32 $0x380, v3;
	v8 =	vand.u32 $0xFFFFF000, v63;
	v7 =	vadd.s32 s13, v7  }
0x2a9: {  	v4 =	vand.u32 $0x380, v4;
	v8 =	vadd.s32 s13, v8;
	v3 =	vor.u32 v3, v7  }
0x2aa: {  	v6 =	vand.u32 $0x7F, v6;
	v4 =	vor.u32 v4, v8;
	v3 =	vor.u32 v5, v3  }
0x2ab: {  	v5 =	vor.u32 v5, v4;
	v4 =	vor.u32 v6, v3  }
0x2ac: {  	v3 =	vor.u32 v6, v5  }
0x2ad: {  	s15 =	simm.s32 $0x80  }
0x2ae: {  	s16 =	simm.s32 $0x2;
	s22 =	simm.s32 $0x4;
	s17 =	sand.u32 $0xC00, s15  }
0x2af: {  	s18 =	sand.u32 $0x3FFFFF80, s22;
	s14 =	simm.s32 $0x10;
	s13 =	simm.s32 $0x1  }
.LBB2_30:
0x2b0: {  	p0 =	sne.s32 s16, $0x3F;
	s19 =	sand.u32 $0x70, s14;
	s17 =	sadd.s32 s17, s18;
	[tilespmem:v4+s9+$0x0] =	vst.idx.msk $0xffff, v0  }
0x2b1: {  	s17 =	sor.u32 s19, s17;
	[tilespmem:v3+s9+$0x0] =	vst.idx.msk $0xffff, v2  }
0x2b2: {  	v3 =	vld [tilespmem:s17+$0x2200]  }
0x2b3: {  	v4 =	vld [tilespmem:s17+$0x3000]  }
0x2b4: {  	s17 =	sand.u32 $0x1F0, s14  }
0x2b5: {  	v5 =	vmov s17  }
0x2b6: {  	v6 =	vor.u32 s17, v1;
	v5 =	vshll.u32 v5, $0x3  }
0x2b7: {  	s17 =	sshll.u32 s13, $0x9;
	s13 =	smov.u32 s16;
	v5 =	vand.u32 $0xC00, v5;
	v7 =	vshll.u32 v3, $0x9;
	v3 =	vshll.u32 v3, $0x7  }
0x2b8: {  	s17 =	sand.u32 $0xFFFFC000, s17;
	v7 =	vand.u32 $0xFFFFF000, v7;
	v3 =	vand.u32 $0x380, v3;
	v8 =	vshll.u32 v4, $0x9  }
0x2b9: {  	v4 =	vshll.u32 v4, $0x7;
	v7 =	vadd.s32 s17, v7;
	v8 =	vand.u32 $0xFFFFF000, v8  }
0x2ba: {  	v4 =	vand.u32 $0x380, v4;
	v3 =	vor.u32 v3, v7;
	v7 =	vadd.s32 s17, v8  }
0x2bb: {  	v6 =	vand.u32 $0x7F, v6;
	v3 =	vor.u32 v5, v3;
	v7 =	vor.u32 v4, v7  }
.Ltmp14:
0x2bc: {  	v4 =	vor.u32 v6, v3;
	v3 =	vor.u32 v5, v7;
	(pc) =	sbr.rel @p0 .LBB2_30-.Ltmp14, $3  }
0x2bd: {  	v3 =	vor.u32 v6, v3;
	_ =	sdelay $0x1  }
0x2be: {  	s18 =	sshll.u32 s16, $0x2;
	s15 =	sadd.s32 $0x80, s15;
	s14 =	sadd.s32 $0x10, s14  }
0x2bf: {  	s18 =	sand.u32 $0x3FFFFF80, s18;
	s16 =	sadd.s32 $0x1, s16;
	s17 =	sand.u32 $0xC00, s15  }
0x2c0: {  	_ =	sdelay $0x3  }
0x2c1: {  	s15 =	sand.u32 $0x70, s14;
	s16 =	sadd.s32 s17, s18;
	[tilespmem:v4+s9+$0x0] =	vst.idx.msk $0xffff, v0  }
0x2c2: {  	s15 =	sor.u32 s15, s16;
	[tilespmem:v3+s9+$0x0] =	vst.idx.msk $0xffff, v2  }
0x2c3: {  	v3 =	vld [tilespmem:s15+$0x2200]  }
0x2c4: {  	v4 =	vld [tilespmem:s15+$0x3000]  }
0x2c5: {  	s21 =	sand.u32 $0x1F0, s14  }
0x2c6: {  	v5 =	vmov s21  }
0x2c7: {  	v6 =	vor.u32 s21, v1;
	v5 =	vshll.u32 v5, $0x3  }
0x2c8: {  	s13 =	sshll.u32 s13, $0x9;
	v5 =	vand.u32 $0xC00, v5;
	v7 =	vshll.u32 v3, $0x9;
	v3 =	vshll.u32 v3, $0x7  }
0x2c9: {  	s13 =	sand.u32 $0xFFFFC000, s13;
	v8 =	vshll.u32 v4, $0x9;
	v4 =	vshll.u32 v4, $0x7;
	v7 =	vand.u32 $0xFFFFF000, v7  }
0x2ca: {  	v3 =	vand.u32 $0x380, v3;
	v8 =	vand.u32 $0xFFFFF000, v8;
	v7 =	vadd.s32 s13, v7  }
0x2cb: {  	v4 =	vand.u32 $0x380, v4;
	v3 =	vor.u32 v3, v7;
	v7 =	vadd.s32 s13, v8  }
0x2cc: {  	v6 =	vand.u32 $0x7F, v6;
	v3 =	vor.u32 v5, v3;
	v4 =	vor.u32 v4, v7  }
0x2cd: {  	v3 =	vor.u32 v6, v3;
	v4 =	vor.u32 v5, v4  }
0x2ce: {  	v4 =	vor.u32 v6, v4;
	_ =	sdelay $0x3  }
0x2cf: {  	[tilespmem:v3+s9+$0x0] =	vst.idx.msk $0xffff, v0  }
0x2d0: {  	s22 =	simm.s32 $0x0;
	s17 =	rddreg [dreg:$0xf];
	s18 =	simm.s32 $0x0;
	[tilespmem:v4+s9+$0x0] =	vst.idx.msk $0xffff, v2  }
0x2d1: {  	[hbm4b:s17+s22] =	stream.linear.scatter [tilespmem:s9], [sflag:$0x1], $0x8000, $0x38;
	[tilespmem:$0x18000] =	vst v63  }
0x2d2: {  	s19 =	sand.u32 $0xC00, s22;
	s14 =	sand.u32 $0x3FFFFF80, s18;
	_ =	swait.ge [sflag:s11], $0x8000  }
0x2d3: {  	s20 =	sand.u32 $0x70, s22;
	s14 =	sadd.s32 s19, s14;
	[sflag:s11] =	ssyncset.done $0x0  }
0x2d4: {  	s14 =	sor.u32 s20, s14;
	[sflag:s11] =	ssyncadd.s32 $0xFFFF8000  }
0x2d5: {  	v3 =	vld [tilespmem:s14+$0x2300]  }
0x2d6: {  	v4 =	vld [tilespmem:s14+$0x3100]  }
0x2d7: {  	s13 =	sand.u32 $0x1F0, s22  }
0x2d8: {  	v5 =	vmov s13  }
0x2d9: {  	v6 =	vor.u32 s13, v1;
	v5 =	vshll.u32 v5, $0x3  }
0x2da: {  	s21 =	simm.s32 $0x0;
	v5 =	vand.u32 $0xC00, v5;
	v7 =	vshll.u32 v3, $0x9;
	v3 =	vshll.u32 v3, $0x7  }
0x2db: {  	s13 =	sand.u32 $0xFFFFC000, s21;
	v63 =	vshll.u32 v4, $0x9;
	v4 =	vshll.u32 v4, $0x7;
	v7 =	vand.u32 $0xFFFFF000, v7  }
0x2dc: {  	v3 =	vand.u32 $0x380, v3;
	v8 =	vand.u32 $0xFFFFF000, v63;
	v7 =	vadd.s32 s13, v7  }
0x2dd: {  	v4 =	vand.u32 $0x380, v4;
	v8 =	vadd.s32 s13, v8;
	v3 =	vor.u32 v3, v7  }
0x2de: {  	v6 =	vand.u32 $0x7F, v6;
	v4 =	vor.u32 v4, v8;
	v3 =	vor.u32 v5, v3  }
0x2df: {  	v5 =	vor.u32 v5, v4;
	v4 =	vor.u32 v6, v3  }
0x2e0: {  	v3 =	vor.u32 v6, v5  }
0x2e1: {  	s15 =	simm.s32 $0x80  }
0x2e2: {  	s16 =	simm.s32 $0x2;
	s22 =	simm.s32 $0x4;
	s17 =	sand.u32 $0xC00, s15  }
0x2e3: {  	s18 =	sand.u32 $0x3FFFFF80, s22;
	s14 =	simm.s32 $0x10;
	s13 =	simm.s32 $0x1  }
.LBB2_32:
0x2e4: {  	p0 =	sne.s32 s16, $0x3F;
	s19 =	sand.u32 $0x70, s14;
	s17 =	sadd.s32 s17, s18;
	[tilespmem:v4+s10+$0x0] =	vst.idx.msk $0xffff, v0  }
0x2e5: {  	s17 =	sor.u32 s19, s17;
	[tilespmem:v3+s10+$0x0] =	vst.idx.msk $0xffff, v2  }
0x2e6: {  	v3 =	vld [tilespmem:s17+$0x2300]  }
0x2e7: {  	v4 =	vld [tilespmem:s17+$0x3100]  }
0x2e8: {  	s17 =	sand.u32 $0x1F0, s14  }
0x2e9: {  	v5 =	vmov s17  }
0x2ea: {  	v6 =	vor.u32 s17, v1;
	v5 =	vshll.u32 v5, $0x3  }
0x2eb: {  	s17 =	sshll.u32 s13, $0x9;
	s13 =	smov.u32 s16;
	v5 =	vand.u32 $0xC00, v5;
	v7 =	vshll.u32 v3, $0x9;
	v3 =	vshll.u32 v3, $0x7  }
0x2ec: {  	s17 =	sand.u32 $0xFFFFC000, s17;
	v7 =	vand.u32 $0xFFFFF000, v7;
	v3 =	vand.u32 $0x380, v3;
	v8 =	vshll.u32 v4, $0x9  }
0x2ed: {  	v4 =	vshll.u32 v4, $0x7;
	v7 =	vadd.s32 s17, v7;
	v8 =	vand.u32 $0xFFFFF000, v8  }
0x2ee: {  	v4 =	vand.u32 $0x380, v4;
	v3 =	vor.u32 v3, v7;
	v7 =	vadd.s32 s17, v8  }
0x2ef: {  	v6 =	vand.u32 $0x7F, v6;
	v3 =	vor.u32 v5, v3;
	v7 =	vor.u32 v4, v7  }
.Ltmp15:
0x2f0: {  	v4 =	vor.u32 v6, v3;
	v3 =	vor.u32 v5, v7;
	(pc) =	sbr.rel @p0 .LBB2_32-.Ltmp15, $3  }
0x2f1: {  	v3 =	vor.u32 v6, v3;
	_ =	sdelay $0x1  }
0x2f2: {  	s18 =	sshll.u32 s16, $0x2;
	s15 =	sadd.s32 $0x80, s15;
	s14 =	sadd.s32 $0x10, s14  }
0x2f3: {  	s18 =	sand.u32 $0x3FFFFF80, s18;
	s16 =	sadd.s32 $0x1, s16;
	s17 =	sand.u32 $0xC00, s15  }
0x2f4: {  	_ =	sdelay $0x3  }
0x2f5: {  	s15 =	sand.u32 $0x70, s14;
	s16 =	sadd.s32 s17, s18;
	[tilespmem:v4+s10+$0x0] =	vst.idx.msk $0xffff, v0  }
0x2f6: {  	s15 =	sor.u32 s15, s16;
	[tilespmem:v3+s10+$0x0] =	vst.idx.msk $0xffff, v2  }
0x2f7: {  	v3 =	vld [tilespmem:s15+$0x2300]  }
0x2f8: {  	v4 =	vld [tilespmem:s15+$0x3100]  }
0x2f9: {  	s21 =	sand.u32 $0x1F0, s14  }
0x2fa: {  	v5 =	vmov s21  }
0x2fb: {  	v6 =	vor.u32 s21, v1;
	v5 =	vshll.u32 v5, $0x3  }
0x2fc: {  	s13 =	sshll.u32 s13, $0x9;
	v5 =	vand.u32 $0xC00, v5;
	v7 =	vshll.u32 v3, $0x9;
	v3 =	vshll.u32 v3, $0x7  }
0x2fd: {  	s13 =	sand.u32 $0xFFFFC000, s13;
	v8 =	vshll.u32 v4, $0x9;
	v4 =	vshll.u32 v4, $0x7;
	v7 =	vand.u32 $0xFFFFF000, v7  }
0x2fe: {  	v3 =	vand.u32 $0x380, v3;
	v8 =	vand.u32 $0xFFFFF000, v8;
	v7 =	vadd.s32 s13, v7  }
0x2ff: {  	v4 =	vand.u32 $0x380, v4;
	v3 =	vor.u32 v3, v7;
	v7 =	vadd.s32 s13, v8  }
0x300: {  	v6 =	vand.u32 $0x7F, v6;
	v3 =	vor.u32 v5, v3;
	v4 =	vor.u32 v4, v7  }
0x301: {  	v3 =	vor.u32 v6, v3;
	v4 =	vor.u32 v5, v4  }
0x302: {  	v4 =	vor.u32 v6, v4;
	_ =	sdelay $0x3  }
0x303: {  	[tilespmem:v3+s10+$0x0] =	vst.idx.msk $0xffff, v0  }
0x304: {  	s22 =	simm.s32 $0x0;
	s17 =	rddreg [dreg:$0x10];
	s18 =	simm.s32 $0x0;
	[tilespmem:v4+s10+$0x0] =	vst.idx.msk $0xffff, v2  }
0x305: {  	[hbm4b:s17+s22] =	stream.linear.scatter [tilespmem:s10], [sflag:$0x1], $0x8000, $0x38;
	[tilespmem:$0x18000] =	vst v63  }
0x306: {  	s19 =	sand.u32 $0xC00, s22;
	s14 =	sand.u32 $0x3FFFFF80, s18;
	_ =	swait.ge [sflag:s11], $0x8000  }
0x307: {  	s20 =	sand.u32 $0x70, s22;
	s14 =	sadd.s32 s19, s14;
	[sflag:s11] =	ssyncset.done $0x0  }
0x308: {  	s14 =	sor.u32 s20, s14;
	[sflag:s11] =	ssyncadd.s32 $0xFFFF8000  }
0x309: {  	v3 =	vld [tilespmem:s14+$0x3000]  }
0x30a: {  	v4 =	vld [tilespmem:s14+$0x3200]  }
0x30b: {  	s13 =	sand.u32 $0x1F0, s22  }
0x30c: {  	v5 =	vmov s13  }
0x30d: {  	v6 =	vor.u32 s13, v1;
	v5 =	vshll.u32 v5, $0x3  }
0x30e: {  	s21 =	simm.s32 $0x0;
	v5 =	vand.u32 $0xC00, v5;
	v7 =	vshll.u32 v3, $0x9;
	v3 =	vshll.u32 v3, $0x7  }
0x30f: {  	s13 =	sand.u32 $0xFFFFC000, s21;
	v63 =	vshll.u32 v4, $0x9;
	v4 =	vshll.u32 v4, $0x7;
	v7 =	vand.u32 $0xFFFFF000, v7  }
0x310: {  	v3 =	vand.u32 $0x380, v3;
	v8 =	vand.u32 $0xFFFFF000, v63;
	v7 =	vadd.s32 s13, v7  }
0x311: {  	v4 =	vand.u32 $0x380, v4;
	v8 =	vadd.s32 s13, v8;
	v3 =	vor.u32 v3, v7  }
0x312: {  	v6 =	vand.u32 $0x7F, v6;
	v4 =	vor.u32 v4, v8;
	v3 =	vor.u32 v5, v3  }
0x313: {  	v5 =	vor.u32 v5, v4;
	v4 =	vor.u32 v6, v3  }
0x314: {  	v3 =	vor.u32 v6, v5  }
0x315: {  	s15 =	simm.s32 $0x80  }
0x316: {  	s16 =	simm.s32 $0x2;
	s22 =	simm.s32 $0x4;
	s17 =	sand.u32 $0xC00, s15  }
0x317: {  	s18 =	sand.u32 $0x3FFFFF80, s22;
	s14 =	simm.s32 $0x10;
	s13 =	simm.s32 $0x1  }
.LBB2_34:
0x318: {  	p0 =	sne.s32 s16, $0x3F;
	s19 =	sand.u32 $0x70, s14;
	s17 =	sadd.s32 s17, s18;
	[tilespmem:v4+s9+$0x0] =	vst.idx.msk $0xffff, v0  }
0x319: {  	s17 =	sor.u32 s19, s17;
	[tilespmem:v3+s9+$0x0] =	vst.idx.msk $0xffff, v2  }
0x31a: {  	v3 =	vld [tilespmem:s17+$0x3000]  }
0x31b: {  	v4 =	vld [tilespmem:s17+$0x3200]  }
0x31c: {  	s17 =	sand.u32 $0x1F0, s14  }
0x31d: {  	v5 =	vmov s17  }
0x31e: {  	v6 =	vor.u32 s17, v1;
	v5 =	vshll.u32 v5, $0x3  }
0x31f: {  	s17 =	sshll.u32 s13, $0x9;
	s13 =	smov.u32 s16;
	v5 =	vand.u32 $0xC00, v5;
	v7 =	vshll.u32 v3, $0x9;
	v3 =	vshll.u32 v3, $0x7  }
0x320: {  	s17 =	sand.u32 $0xFFFFC000, s17;
	v7 =	vand.u32 $0xFFFFF000, v7;
	v3 =	vand.u32 $0x380, v3;
	v8 =	vshll.u32 v4, $0x9  }
0x321: {  	v4 =	vshll.u32 v4, $0x7;
	v7 =	vadd.s32 s17, v7;
	v8 =	vand.u32 $0xFFFFF000, v8  }
0x322: {  	v4 =	vand.u32 $0x380, v4;
	v3 =	vor.u32 v3, v7;
	v7 =	vadd.s32 s17, v8  }
0x323: {  	v6 =	vand.u32 $0x7F, v6;
	v3 =	vor.u32 v5, v3;
	v7 =	vor.u32 v4, v7  }
.Ltmp16:
0x324: {  	v4 =	vor.u32 v6, v3;
	v3 =	vor.u32 v5, v7;
	(pc) =	sbr.rel @p0 .LBB2_34-.Ltmp16, $3  }
0x325: {  	v3 =	vor.u32 v6, v3;
	_ =	sdelay $0x1  }
0x326: {  	s18 =	sshll.u32 s16, $0x2;
	s15 =	sadd.s32 $0x80, s15;
	s14 =	sadd.s32 $0x10, s14  }
0x327: {  	s18 =	sand.u32 $0x3FFFFF80, s18;
	s16 =	sadd.s32 $0x1, s16;
	s17 =	sand.u32 $0xC00, s15  }
0x328: {  	_ =	sdelay $0x3  }
0x329: {  	s15 =	sand.u32 $0x70, s14;
	s16 =	sadd.s32 s17, s18;
	[tilespmem:v4+s9+$0x0] =	vst.idx.msk $0xffff, v0  }
0x32a: {  	s15 =	sor.u32 s15, s16;
	[tilespmem:v3+s9+$0x0] =	vst.idx.msk $0xffff, v2  }
0x32b: {  	v3 =	vld [tilespmem:s15+$0x3000]  }
0x32c: {  	v4 =	vld [tilespmem:s15+$0x3200]  }
0x32d: {  	s21 =	sand.u32 $0x1F0, s14  }
0x32e: {  	v5 =	vmov s21  }
0x32f: {  	v6 =	vor.u32 s21, v1;
	v5 =	vshll.u32 v5, $0x3  }
0x330: {  	s13 =	sshll.u32 s13, $0x9;
	v5 =	vand.u32 $0xC00, v5;
	v7 =	vshll.u32 v3, $0x9;
	v3 =	vshll.u32 v3, $0x7  }
0x331: {  	s13 =	sand.u32 $0xFFFFC000, s13;
	v8 =	vshll.u32 v4, $0x9;
	v4 =	vshll.u32 v4, $0x7;
	v7 =	vand.u32 $0xFFFFF000, v7  }
0x332: {  	v3 =	vand.u32 $0x380, v3;
	v8 =	vand.u32 $0xFFFFF000, v8;
	v7 =	vadd.s32 s13, v7  }
0x333: {  	v4 =	vand.u32 $0x380, v4;
	v3 =	vor.u32 v3, v7;
	v7 =	vadd.s32 s13, v8  }
0x334: {  	v6 =	vand.u32 $0x7F, v6;
	v3 =	vor.u32 v5, v3;
	v4 =	vor.u32 v4, v7  }
0x335: {  	v3 =	vor.u32 v6, v3;
	v4 =	vor.u32 v5, v4  }
0x336: {  	v4 =	vor.u32 v6, v4;
	_ =	sdelay $0x3  }
0x337: {  	[tilespmem:v3+s9+$0x0] =	vst.idx.msk $0xffff, v0  }
0x338: {  	s22 =	simm.s32 $0x0;
	s17 =	rddreg [dreg:$0x11];
	s18 =	simm.s32 $0x0;
	[tilespmem:v4+s9+$0x0] =	vst.idx.msk $0xffff, v2  }
0x339: {  	[hbm4b:s17+s22] =	stream.linear.scatter [tilespmem:s9], [sflag:$0x1], $0x8000, $0x38;
	[tilespmem:$0x18000] =	vst v63  }
0x33a: {  	s19 =	sand.u32 $0xC00, s22;
	s14 =	sand.u32 $0x3FFFFF80, s18;
	_ =	swait.ge [sflag:s11], $0x8000  }
0x33b: {  	s20 =	sand.u32 $0x70, s22;
	s14 =	sadd.s32 s19, s14;
	[sflag:s11] =	ssyncset.done $0x0  }
0x33c: {  	s14 =	sor.u32 s20, s14;
	[sflag:s11] =	ssyncadd.s32 $0xFFFF8000  }
0x33d: {  	v3 =	vld [tilespmem:s14+$0x3100]  }
0x33e: {  	v4 =	vld [tilespmem:s14+$0x3300]  }
0x33f: {  	s13 =	sand.u32 $0x1F0, s22  }
0x340: {  	v5 =	vmov s13  }
0x341: {  	v6 =	vor.u32 s13, v1;
	v5 =	vshll.u32 v5, $0x3  }
0x342: {  	s21 =	simm.s32 $0x0;
	v5 =	vand.u32 $0xC00, v5;
	v7 =	vshll.u32 v3, $0x9;
	v3 =	vshll.u32 v3, $0x7  }
0x343: {  	s13 =	sand.u32 $0xFFFFC000, s21;
	v63 =	vshll.u32 v4, $0x9;
	v4 =	vshll.u32 v4, $0x7;
	v7 =	vand.u32 $0xFFFFF000, v7  }
0x344: {  	v3 =	vand.u32 $0x380, v3;
	v8 =	vand.u32 $0xFFFFF000, v63;
	v7 =	vadd.s32 s13, v7  }
0x345: {  	v4 =	vand.u32 $0x380, v4;
	v8 =	vadd.s32 s13, v8;
	v3 =	vor.u32 v3, v7  }
0x346: {  	v6 =	vand.u32 $0x7F, v6;
	v4 =	vor.u32 v4, v8;
	v3 =	vor.u32 v5, v3  }
0x347: {  	v5 =	vor.u32 v5, v4;
	v4 =	vor.u32 v6, v3  }
0x348: {  	v3 =	vor.u32 v6, v5  }
0x349: {  	s15 =	simm.s32 $0x80  }
0x34a: {  	s16 =	simm.s32 $0x2;
	s22 =	simm.s32 $0x4;
	s17 =	sand.u32 $0xC00, s15  }
0x34b: {  	s18 =	sand.u32 $0x3FFFFF80, s22;
	s14 =	simm.s32 $0x10;
	s13 =	simm.s32 $0x1  }
.LBB2_36:
0x34c: {  	p0 =	sne.s32 s16, $0x3F;
	s19 =	sand.u32 $0x70, s14;
	s17 =	sadd.s32 s17, s18;
	[tilespmem:v4+s10+$0x0] =	vst.idx.msk $0xffff, v0  }
0x34d: {  	s17 =	sor.u32 s19, s17;
	[tilespmem:v3+s10+$0x0] =	vst.idx.msk $0xffff, v2  }
0x34e: {  	v3 =	vld [tilespmem:s17+$0x3100]  }
0x34f: {  	v4 =	vld [tilespmem:s17+$0x3300]  }
0x350: {  	s17 =	sand.u32 $0x1F0, s14  }
0x351: {  	v5 =	vmov s17  }
0x352: {  	v6 =	vor.u32 s17, v1;
	v5 =	vshll.u32 v5, $0x3  }
0x353: {  	s17 =	sshll.u32 s13, $0x9;
	s13 =	smov.u32 s16;
	v5 =	vand.u32 $0xC00, v5;
	v7 =	vshll.u32 v3, $0x9;
	v3 =	vshll.u32 v3, $0x7  }
0x354: {  	s17 =	sand.u32 $0xFFFFC000, s17;
	v7 =	vand.u32 $0xFFFFF000, v7;
	v3 =	vand.u32 $0x380, v3;
	v8 =	vshll.u32 v4, $0x9  }
0x355: {  	v4 =	vshll.u32 v4, $0x7;
	v7 =	vadd.s32 s17, v7;
	v8 =	vand.u32 $0xFFFFF000, v8  }
0x356: {  	v4 =	vand.u32 $0x380, v4;
	v3 =	vor.u32 v3, v7;
	v7 =	vadd.s32 s17, v8  }
0x357: {  	v6 =	vand.u32 $0x7F, v6;
	v3 =	vor.u32 v5, v3;
	v7 =	vor.u32 v4, v7  }
.Ltmp17:
0x358: {  	v4 =	vor.u32 v6, v3;
	v3 =	vor.u32 v5, v7;
	(pc) =	sbr.rel @p0 .LBB2_36-.Ltmp17, $3  }
0x359: {  	v3 =	vor.u32 v6, v3;
	_ =	sdelay $0x1  }
0x35a: {  	s18 =	sshll.u32 s16, $0x2;
	s15 =	sadd.s32 $0x80, s15;
	s14 =	sadd.s32 $0x10, s14  }
0x35b: {  	s18 =	sand.u32 $0x3FFFFF80, s18;
	s16 =	sadd.s32 $0x1, s16;
	s17 =	sand.u32 $0xC00, s15  }
0x35c: {  	_ =	sdelay $0x3  }
0x35d: {  	s15 =	sand.u32 $0x70, s14;
	s16 =	sadd.s32 s17, s18;
	[tilespmem:v4+s10+$0x0] =	vst.idx.msk $0xffff, v0  }
0x35e: {  	s15 =	sor.u32 s15, s16;
	[tilespmem:v3+s10+$0x0] =	vst.idx.msk $0xffff, v2  }
0x35f: {  	v3 =	vld [tilespmem:s15+$0x3100]  }
0x360: {  	v4 =	vld [tilespmem:s15+$0x3300]  }
0x361: {  	s21 =	sand.u32 $0x1F0, s14  }
0x362: {  	v5 =	vmov s21  }
0x363: {  	v6 =	vor.u32 s21, v1;
	v5 =	vshll.u32 v5, $0x3  }
0x364: {  	s13 =	sshll.u32 s13, $0x9;
	v5 =	vand.u32 $0xC00, v5;
	v7 =	vshll.u32 v3, $0x9;
	v3 =	vshll.u32 v3, $0x7  }
0x365: {  	s13 =	sand.u32 $0xFFFFC000, s13;
	v8 =	vshll.u32 v4, $0x9;
	v4 =	vshll.u32 v4, $0x7;
	v7 =	vand.u32 $0xFFFFF000, v7  }
0x366: {  	v3 =	vand.u32 $0x380, v3;
	v8 =	vand.u32 $0xFFFFF000, v8;
	v7 =	vadd.s32 s13, v7  }
0x367: {  	v4 =	vand.u32 $0x380, v4;
	v3 =	vor.u32 v3, v7;
	v7 =	vadd.s32 s13, v8  }
0x368: {  	v6 =	vand.u32 $0x7F, v6;
	v3 =	vor.u32 v5, v3;
	v4 =	vor.u32 v4, v7  }
0x369: {  	v3 =	vor.u32 v6, v3;
	v4 =	vor.u32 v5, v4  }
0x36a: {  	v4 =	vor.u32 v6, v4;
	_ =	sdelay $0x3  }
0x36b: {  	[tilespmem:v3+s10+$0x0] =	vst.idx.msk $0xffff, v0  }
0x36c: {  	s22 =	simm.s32 $0x0;
	s17 =	rddreg [dreg:$0x12];
	s18 =	simm.s32 $0x0;
	[tilespmem:v4+s10+$0x0] =	vst.idx.msk $0xffff, v2  }
0x36d: {  	[hbm4b:s17+s22] =	stream.linear.scatter [tilespmem:s10], [sflag:$0x1], $0x8000, $0x38;
	[tilespmem:$0x18000] =	vst v63  }
0x36e: {  	s19 =	sand.u32 $0xC00, s22;
	s14 =	sand.u32 $0x3FFFFF80, s18;
	_ =	swait.ge [sflag:s11], $0x8000  }
0x36f: {  	s20 =	sand.u32 $0x70, s22;
	s14 =	sadd.s32 s19, s14;
	[sflag:s11] =	ssyncset.done $0x0  }
0x370: {  	s14 =	sor.u32 s20, s14;
	[sflag:s11] =	ssyncadd.s32 $0xFFFF8000  }
0x371: {  	v3 =	vld [tilespmem:s14+$0x3200]  }
0x372: {  	v4 =	vld [tilespmem:s14+$0x4000]  }
0x373: {  	s13 =	sand.u32 $0x1F0, s22  }
0x374: {  	v5 =	vmov s13  }
0x375: {  	v6 =	vor.u32 s13, v1;
	v5 =	vshll.u32 v5, $0x3  }
0x376: {  	s21 =	simm.s32 $0x0;
	v5 =	vand.u32 $0xC00, v5;
	v7 =	vshll.u32 v3, $0x9;
	v3 =	vshll.u32 v3, $0x7  }
0x377: {  	s13 =	sand.u32 $0xFFFFC000, s21;
	v63 =	vshll.u32 v4, $0x9;
	v4 =	vshll.u32 v4, $0x7;
	v7 =	vand.u32 $0xFFFFF000, v7  }
0x378: {  	v3 =	vand.u32 $0x380, v3;
	v8 =	vand.u32 $0xFFFFF000, v63;
	v7 =	vadd.s32 s13, v7  }
0x379: {  	v4 =	vand.u32 $0x380, v4;
	v8 =	vadd.s32 s13, v8;
	v3 =	vor.u32 v3, v7  }
0x37a: {  	v6 =	vand.u32 $0x7F, v6;
	v4 =	vor.u32 v4, v8;
	v3 =	vor.u32 v5, v3  }
0x37b: {  	v5 =	vor.u32 v5, v4;
	v4 =	vor.u32 v6, v3  }
0x37c: {  	v3 =	vor.u32 v6, v5  }
0x37d: {  	s15 =	simm.s32 $0x80  }
0x37e: {  	s16 =	simm.s32 $0x2;
	s22 =	simm.s32 $0x4;
	s17 =	sand.u32 $0xC00, s15  }
0x37f: {  	s18 =	sand.u32 $0x3FFFFF80, s22;
	s14 =	simm.s32 $0x10;
	s13 =	simm.s32 $0x1  }
.LBB2_38:
0x380: {  	p0 =	sne.s32 s16, $0x3F;
	s19 =	sand.u32 $0x70, s14;
	s17 =	sadd.s32 s17, s18;
	[tilespmem:v4+s9+$0x0] =	vst.idx.msk $0xffff, v0  }
0x381: {  	s17 =	sor.u32 s19, s17;
	[tilespmem:v3+s9+$0x0] =	vst.idx.msk $0xffff, v2  }
0x382: {  	v3 =	vld [tilespmem:s17+$0x3200]  }
0x383: {  	v4 =	vld [tilespmem:s17+$0x4000]  }
0x384: {  	s17 =	sand.u32 $0x1F0, s14  }
0x385: {  	v5 =	vmov s17  }
0x386: {  	v6 =	vor.u32 s17, v1;
	v5 =	vshll.u32 v5, $0x3  }
0x387: {  	s17 =	sshll.u32 s13, $0x9;
	s13 =	smov.u32 s16;
	v5 =	vand.u32 $0xC00, v5;
	v7 =	vshll.u32 v3, $0x9;
	v3 =	vshll.u32 v3, $0x7  }
0x388: {  	s17 =	sand.u32 $0xFFFFC000, s17;
	v7 =	vand.u32 $0xFFFFF000, v7;
	v3 =	vand.u32 $0x380, v3;
	v8 =	vshll.u32 v4, $0x9  }
0x389: {  	v4 =	vshll.u32 v4, $0x7;
	v7 =	vadd.s32 s17, v7;
	v8 =	vand.u32 $0xFFFFF000, v8  }
0x38a: {  	v4 =	vand.u32 $0x380, v4;
	v3 =	vor.u32 v3, v7;
	v7 =	vadd.s32 s17, v8  }
0x38b: {  	v6 =	vand.u32 $0x7F, v6;
	v3 =	vor.u32 v5, v3;
	v7 =	vor.u32 v4, v7  }
.Ltmp18:
0x38c: {  	v4 =	vor.u32 v6, v3;
	v3 =	vor.u32 v5, v7;
	(pc) =	sbr.rel @p0 .LBB2_38-.Ltmp18, $3  }
0x38d: {  	v3 =	vor.u32 v6, v3;
	_ =	sdelay $0x1  }
0x38e: {  	s18 =	sshll.u32 s16, $0x2;
	s15 =	sadd.s32 $0x80, s15;
	s14 =	sadd.s32 $0x10, s14  }
0x38f: {  	s18 =	sand.u32 $0x3FFFFF80, s18;
	s16 =	sadd.s32 $0x1, s16;
	s17 =	sand.u32 $0xC00, s15  }
0x390: {  	_ =	sdelay $0x3  }
0x391: {  	s15 =	sand.u32 $0x70, s14;
	s16 =	sadd.s32 s17, s18;
	[tilespmem:v4+s9+$0x0] =	vst.idx.msk $0xffff, v0  }
0x392: {  	s15 =	sor.u32 s15, s16;
	[tilespmem:v3+s9+$0x0] =	vst.idx.msk $0xffff, v2  }
0x393: {  	v3 =	vld [tilespmem:s15+$0x3200]  }
0x394: {  	v4 =	vld [tilespmem:s15+$0x4000]  }
0x395: {  	s21 =	sand.u32 $0x1F0, s14  }
0x396: {  	v5 =	vmov s21  }
0x397: {  	v6 =	vor.u32 s21, v1;
	v5 =	vshll.u32 v5, $0x3  }
0x398: {  	s13 =	sshll.u32 s13, $0x9;
	v5 =	vand.u32 $0xC00, v5;
	v7 =	vshll.u32 v3, $0x9;
	v3 =	vshll.u32 v3, $0x7  }
0x399: {  	s13 =	sand.u32 $0xFFFFC000, s13;
	v8 =	vshll.u32 v4, $0x9;
	v4 =	vshll.u32 v4, $0x7;
	v7 =	vand.u32 $0xFFFFF000, v7  }
0x39a: {  	v3 =	vand.u32 $0x380, v3;
	v8 =	vand.u32 $0xFFFFF000, v8;
	v7 =	vadd.s32 s13, v7  }
0x39b: {  	v4 =	vand.u32 $0x380, v4;
	v3 =	vor.u32 v3, v7;
	v7 =	vadd.s32 s13, v8  }
0x39c: {  	v6 =	vand.u32 $0x7F, v6;
	v3 =	vor.u32 v5, v3;
	v4 =	vor.u32 v4, v7  }
0x39d: {  	v3 =	vor.u32 v6, v3;
	v4 =	vor.u32 v5, v4  }
0x39e: {  	v4 =	vor.u32 v6, v4;
	_ =	sdelay $0x3  }
0x39f: {  	[tilespmem:v3+s9+$0x0] =	vst.idx.msk $0xffff, v0  }
0x3a0: {  	s22 =	simm.s32 $0x0;
	s17 =	rddreg [dreg:$0x13];
	s18 =	simm.s32 $0x0;
	[tilespmem:v4+s9+$0x0] =	vst.idx.msk $0xffff, v2  }
0x3a1: {  	[hbm4b:s17+s22] =	stream.linear.scatter [tilespmem:s9], [sflag:$0x1], $0x8000, $0x38;
	[tilespmem:$0x18000] =	vst v63  }
0x3a2: {  	s19 =	sand.u32 $0xC00, s22;
	s14 =	sand.u32 $0x3FFFFF80, s18;
	_ =	swait.ge [sflag:s11], $0x8000  }
0x3a3: {  	s20 =	sand.u32 $0x70, s22;
	s14 =	sadd.s32 s19, s14;
	[sflag:s11] =	ssyncset.done $0x0  }
0x3a4: {  	s14 =	sor.u32 s20, s14;
	[sflag:s11] =	ssyncadd.s32 $0xFFFF8000  }
0x3a5: {  	v3 =	vld [tilespmem:s14+$0x3300]  }
0x3a6: {  	v4 =	vld [tilespmem:s14+$0x4100]  }
0x3a7: {  	s13 =	sand.u32 $0x1F0, s22  }
0x3a8: {  	v5 =	vmov s13  }
0x3a9: {  	v6 =	vor.u32 s13, v1;
	v5 =	vshll.u32 v5, $0x3  }
0x3aa: {  	s21 =	simm.s32 $0x0;
	v5 =	vand.u32 $0xC00, v5;
	v7 =	vshll.u32 v3, $0x9;
	v3 =	vshll.u32 v3, $0x7  }
0x3ab: {  	s13 =	sand.u32 $0xFFFFC000, s21;
	v63 =	vshll.u32 v4, $0x9;
	v4 =	vshll.u32 v4, $0x7;
	v7 =	vand.u32 $0xFFFFF000, v7  }
0x3ac: {  	v3 =	vand.u32 $0x380, v3;
	v8 =	vand.u32 $0xFFFFF000, v63;
	v7 =	vadd.s32 s13, v7  }
0x3ad: {  	v4 =	vand.u32 $0x380, v4;
	v8 =	vadd.s32 s13, v8;
	v3 =	vor.u32 v3, v7  }
0x3ae: {  	v6 =	vand.u32 $0x7F, v6;
	v4 =	vor.u32 v4, v8;
	v3 =	vor.u32 v5, v3  }
0x3af: {  	v5 =	vor.u32 v5, v4;
	v4 =	vor.u32 v6, v3  }
0x3b0: {  	v3 =	vor.u32 v6, v5  }
0x3b1: {  	s15 =	simm.s32 $0x80  }
0x3b2: {  	s16 =	simm.s32 $0x2;
	s22 =	simm.s32 $0x4;
	s17 =	sand.u32 $0xC00, s15  }
0x3b3: {  	s18 =	sand.u32 $0x3FFFFF80, s22;
	s14 =	simm.s32 $0x10;
	s13 =	simm.s32 $0x1  }
.LBB2_40:
0x3b4: {  	p0 =	sne.s32 s16, $0x3F;
	s19 =	sand.u32 $0x70, s14;
	s17 =	sadd.s32 s17, s18;
	[tilespmem:v4+s10+$0x0] =	vst.idx.msk $0xffff, v0  }
0x3b5: {  	s17 =	sor.u32 s19, s17;
	[tilespmem:v3+s10+$0x0] =	vst.idx.msk $0xffff, v2  }
0x3b6: {  	v3 =	vld [tilespmem:s17+$0x3300]  }
0x3b7: {  	v4 =	vld [tilespmem:s17+$0x4100]  }
0x3b8: {  	s17 =	sand.u32 $0x1F0, s14  }
0x3b9: {  	v5 =	vmov s17  }
0x3ba: {  	v6 =	vor.u32 s17, v1;
	v5 =	vshll.u32 v5, $0x3  }
0x3bb: {  	s17 =	sshll.u32 s13, $0x9;
	s13 =	smov.u32 s16;
	v5 =	vand.u32 $0xC00, v5;
	v7 =	vshll.u32 v3, $0x9;
	v3 =	vshll.u32 v3, $0x7  }
0x3bc: {  	s17 =	sand.u32 $0xFFFFC000, s17;
	v7 =	vand.u32 $0xFFFFF000, v7;
	v3 =	vand.u32 $0x380, v3;
	v8 =	vshll.u32 v4, $0x9  }
0x3bd: {  	v4 =	vshll.u32 v4, $0x7;
	v7 =	vadd.s32 s17, v7;
	v8 =	vand.u32 $0xFFFFF000, v8  }
0x3be: {  	v4 =	vand.u32 $0x380, v4;
	v3 =	vor.u32 v3, v7;
	v7 =	vadd.s32 s17, v8  }
0x3bf: {  	v6 =	vand.u32 $0x7F, v6;
	v3 =	vor.u32 v5, v3;
	v7 =	vor.u32 v4, v7  }
.Ltmp19:
0x3c0: {  	v4 =	vor.u32 v6, v3;
	v3 =	vor.u32 v5, v7;
	(pc) =	sbr.rel @p0 .LBB2_40-.Ltmp19, $3  }
0x3c1: {  	v3 =	vor.u32 v6, v3;
	_ =	sdelay $0x1  }
0x3c2: {  	s18 =	sshll.u32 s16, $0x2;
	s15 =	sadd.s32 $0x80, s15;
	s14 =	sadd.s32 $0x10, s14  }
0x3c3: {  	s18 =	sand.u32 $0x3FFFFF80, s18;
	s16 =	sadd.s32 $0x1, s16;
	s17 =	sand.u32 $0xC00, s15  }
0x3c4: {  	_ =	sdelay $0x3  }
0x3c5: {  	s15 =	sand.u32 $0x70, s14;
	s16 =	sadd.s32 s17, s18;
	[tilespmem:v4+s10+$0x0] =	vst.idx.msk $0xffff, v0  }
0x3c6: {  	s15 =	sor.u32 s15, s16;
	[tilespmem:v3+s10+$0x0] =	vst.idx.msk $0xffff, v2  }
0x3c7: {  	v3 =	vld [tilespmem:s15+$0x3300]  }
0x3c8: {  	v4 =	vld [tilespmem:s15+$0x4100]  }
0x3c9: {  	s21 =	sand.u32 $0x1F0, s14  }
0x3ca: {  	v5 =	vmov s21  }
0x3cb: {  	v6 =	vor.u32 s21, v1;
	v5 =	vshll.u32 v5, $0x3  }
0x3cc: {  	s13 =	sshll.u32 s13, $0x9;
	v5 =	vand.u32 $0xC00, v5;
	v7 =	vshll.u32 v3, $0x9;
	v3 =	vshll.u32 v3, $0x7  }
0x3cd: {  	s13 =	sand.u32 $0xFFFFC000, s13;
	v8 =	vshll.u32 v4, $0x9;
	v4 =	vshll.u32 v4, $0x7;
	v7 =	vand.u32 $0xFFFFF000, v7  }
0x3ce: {  	v3 =	vand.u32 $0x380, v3;
	v8 =	vand.u32 $0xFFFFF000, v8;
	v7 =	vadd.s32 s13, v7  }
0x3cf: {  	v4 =	vand.u32 $0x380, v4;
	v3 =	vor.u32 v3, v7;
	v7 =	vadd.s32 s13, v8  }
0x3d0: {  	v6 =	vand.u32 $0x7F, v6;
	v3 =	vor.u32 v5, v3;
	v4 =	vor.u32 v4, v7  }
0x3d1: {  	v3 =	vor.u32 v6, v3;
	v4 =	vor.u32 v5, v4  }
0x3d2: {  	v4 =	vor.u32 v6, v4;
	_ =	sdelay $0x3  }
0x3d3: {  	[tilespmem:v3+s10+$0x0] =	vst.idx.msk $0xffff, v0  }
0x3d4: {  	s22 =	simm.s32 $0x0;
	s17 =	rddreg [dreg:$0x14];
	s18 =	simm.s32 $0x0;
	[tilespmem:v4+s10+$0x0] =	vst.idx.msk $0xffff, v2  }
0x3d5: {  	[hbm4b:s17+s22] =	stream.linear.scatter [tilespmem:s10], [sflag:$0x1], $0x8000, $0x38;
	[tilespmem:$0x18000] =	vst v63  }
0x3d6: {  	s19 =	sand.u32 $0xC00, s22;
	s14 =	sand.u32 $0x3FFFFF80, s18;
	_ =	swait.ge [sflag:s11], $0x8000  }
0x3d7: {  	s20 =	sand.u32 $0x70, s22;
	s14 =	sadd.s32 s19, s14;
	[sflag:s11] =	ssyncset.done $0x0  }
0x3d8: {  	s14 =	sor.u32 s20, s14;
	[sflag:s11] =	ssyncadd.s32 $0xFFFF8000  }
0x3d9: {  	v3 =	vld [tilespmem:s14+$0x4000]  }
0x3da: {  	v4 =	vld [tilespmem:s14+$0x4200]  }
0x3db: {  	s13 =	sand.u32 $0x1F0, s22  }
0x3dc: {  	v5 =	vmov s13  }
0x3dd: {  	v6 =	vor.u32 s13, v1;
	v5 =	vshll.u32 v5, $0x3  }
0x3de: {  	s21 =	simm.s32 $0x0;
	v5 =	vand.u32 $0xC00, v5;
	v7 =	vshll.u32 v3, $0x9;
	v3 =	vshll.u32 v3, $0x7  }
0x3df: {  	s13 =	sand.u32 $0xFFFFC000, s21;
	v63 =	vshll.u32 v4, $0x9;
	v4 =	vshll.u32 v4, $0x7;
	v7 =	vand.u32 $0xFFFFF000, v7  }
0x3e0: {  	v3 =	vand.u32 $0x380, v3;
	v8 =	vand.u32 $0xFFFFF000, v63;
	v7 =	vadd.s32 s13, v7  }
0x3e1: {  	v4 =	vand.u32 $0x380, v4;
	v8 =	vadd.s32 s13, v8;
	v3 =	vor.u32 v3, v7  }
0x3e2: {  	v6 =	vand.u32 $0x7F, v6;
	v4 =	vor.u32 v4, v8;
	v3 =	vor.u32 v5, v3  }
0x3e3: {  	v5 =	vor.u32 v5, v4;
	v4 =	vor.u32 v6, v3  }
0x3e4: {  	v3 =	vor.u32 v6, v5  }
0x3e5: {  	s15 =	simm.s32 $0x80  }
0x3e6: {  	s16 =	simm.s32 $0x2;
	s22 =	simm.s32 $0x4;
	s17 =	sand.u32 $0xC00, s15  }
0x3e7: {  	s18 =	sand.u32 $0x3FFFFF80, s22;
	s14 =	simm.s32 $0x10;
	s13 =	simm.s32 $0x1  }
.LBB2_42:
0x3e8: {  	p0 =	sne.s32 s16, $0x3F;
	s19 =	sand.u32 $0x70, s14;
	s17 =	sadd.s32 s17, s18;
	[tilespmem:v4+s9+$0x0] =	vst.idx.msk $0xffff, v0  }
0x3e9: {  	s17 =	sor.u32 s19, s17;
	[tilespmem:v3+s9+$0x0] =	vst.idx.msk $0xffff, v2  }
0x3ea: {  	v3 =	vld [tilespmem:s17+$0x4000]  }
0x3eb: {  	v4 =	vld [tilespmem:s17+$0x4200]  }
0x3ec: {  	s17 =	sand.u32 $0x1F0, s14  }
0x3ed: {  	v5 =	vmov s17  }
0x3ee: {  	v6 =	vor.u32 s17, v1;
	v5 =	vshll.u32 v5, $0x3  }
0x3ef: {  	s17 =	sshll.u32 s13, $0x9;
	s13 =	smov.u32 s16;
	v5 =	vand.u32 $0xC00, v5;
	v7 =	vshll.u32 v3, $0x9;
	v3 =	vshll.u32 v3, $0x7  }
0x3f0: {  	s17 =	sand.u32 $0xFFFFC000, s17;
	v7 =	vand.u32 $0xFFFFF000, v7;
	v3 =	vand.u32 $0x380, v3;
	v8 =	vshll.u32 v4, $0x9  }
0x3f1: {  	v4 =	vshll.u32 v4, $0x7;
	v7 =	vadd.s32 s17, v7;
	v8 =	vand.u32 $0xFFFFF000, v8  }
0x3f2: {  	v4 =	vand.u32 $0x380, v4;
	v3 =	vor.u32 v3, v7;
	v7 =	vadd.s32 s17, v8  }
0x3f3: {  	v6 =	vand.u32 $0x7F, v6;
	v3 =	vor.u32 v5, v3;
	v7 =	vor.u32 v4, v7  }
.Ltmp20:
0x3f4: {  	v4 =	vor.u32 v6, v3;
	v3 =	vor.u32 v5, v7;
	(pc) =	sbr.rel @p0 .LBB2_42-.Ltmp20, $3  }
0x3f5: {  	v3 =	vor.u32 v6, v3;
	_ =	sdelay $0x1  }
0x3f6: {  	s18 =	sshll.u32 s16, $0x2;
	s15 =	sadd.s32 $0x80, s15;
	s14 =	sadd.s32 $0x10, s14  }
0x3f7: {  	s18 =	sand.u32 $0x3FFFFF80, s18;
	s16 =	sadd.s32 $0x1, s16;
	s17 =	sand.u32 $0xC00, s15  }
0x3f8: {  	_ =	sdelay $0x3  }
0x3f9: {  	s15 =	sand.u32 $0x70, s14;
	s16 =	sadd.s32 s17, s18;
	[tilespmem:v4+s9+$0x0] =	vst.idx.msk $0xffff, v0  }
0x3fa: {  	s15 =	sor.u32 s15, s16;
	[tilespmem:v3+s9+$0x0] =	vst.idx.msk $0xffff, v2  }
0x3fb: {  	v3 =	vld [tilespmem:s15+$0x4000]  }
0x3fc: {  	v4 =	vld [tilespmem:s15+$0x4200]  }
0x3fd: {  	s21 =	sand.u32 $0x1F0, s14  }
0x3fe: {  	v5 =	vmov s21  }
0x3ff: {  	v6 =	vor.u32 s21, v1;
	v5 =	vshll.u32 v5, $0x3  }
0x400: {  	s13 =	sshll.u32 s13, $0x9;
	v5 =	vand.u32 $0xC00, v5;
	v7 =	vshll.u32 v3, $0x9;
	v3 =	vshll.u32 v3, $0x7  }
0x401: {  	s13 =	sand.u32 $0xFFFFC000, s13;
	v8 =	vshll.u32 v4, $0x9;
	v4 =	vshll.u32 v4, $0x7;
	v7 =	vand.u32 $0xFFFFF000, v7  }
0x402: {  	v3 =	vand.u32 $0x380, v3;
	v8 =	vand.u32 $0xFFFFF000, v8;
	v7 =	vadd.s32 s13, v7  }
0x403: {  	v4 =	vand.u32 $0x380, v4;
	v3 =	vor.u32 v3, v7;
	v7 =	vadd.s32 s13, v8  }
0x404: {  	v6 =	vand.u32 $0x7F, v6;
	v3 =	vor.u32 v5, v3;
	v4 =	vor.u32 v4, v7  }
0x405: {  	v3 =	vor.u32 v6, v3;
	v4 =	vor.u32 v5, v4  }
0x406: {  	v4 =	vor.u32 v6, v4;
	_ =	sdelay $0x3  }
0x407: {  	[tilespmem:v3+s9+$0x0] =	vst.idx.msk $0xffff, v0  }
0x408: {  	s22 =	simm.s32 $0x0;
	s17 =	rddreg [dreg:$0x15];
	s18 =	simm.s32 $0x0;
	[tilespmem:v4+s9+$0x0] =	vst.idx.msk $0xffff, v2  }
0x409: {  	[hbm4b:s17+s22] =	stream.linear.scatter [tilespmem:s9], [sflag:$0x1], $0x8000, $0x38;
	[tilespmem:$0x18000] =	vst v63  }
0x40a: {  	s19 =	sand.u32 $0xC00, s22;
	s14 =	sand.u32 $0x3FFFFF80, s18;
	_ =	swait.ge [sflag:s11], $0x8000  }
0x40b: {  	s20 =	sand.u32 $0x70, s22;
	s14 =	sadd.s32 s19, s14;
	[sflag:s11] =	ssyncset.done $0x0  }
0x40c: {  	s14 =	sor.u32 s20, s14;
	[sflag:s11] =	ssyncadd.s32 $0xFFFF8000  }
0x40d: {  	v3 =	vld [tilespmem:s14+$0x4100]  }
0x40e: {  	v4 =	vld [tilespmem:s14+$0x4300]  }
0x40f: {  	s13 =	sand.u32 $0x1F0, s22  }
0x410: {  	v5 =	vmov s13  }
0x411: {  	v6 =	vor.u32 s13, v1;
	v5 =	vshll.u32 v5, $0x3  }
0x412: {  	s21 =	simm.s32 $0x0;
	v5 =	vand.u32 $0xC00, v5;
	v7 =	vshll.u32 v3, $0x9;
	v3 =	vshll.u32 v3, $0x7  }
0x413: {  	s13 =	sand.u32 $0xFFFFC000, s21;
	v63 =	vshll.u32 v4, $0x9;
	v4 =	vshll.u32 v4, $0x7;
	v7 =	vand.u32 $0xFFFFF000, v7  }
0x414: {  	v3 =	vand.u32 $0x380, v3;
	v8 =	vand.u32 $0xFFFFF000, v63;
	v7 =	vadd.s32 s13, v7  }
0x415: {  	v4 =	vand.u32 $0x380, v4;
	v8 =	vadd.s32 s13, v8;
	v3 =	vor.u32 v3, v7  }
0x416: {  	v6 =	vand.u32 $0x7F, v6;
	v4 =	vor.u32 v4, v8;
	v3 =	vor.u32 v5, v3  }
0x417: {  	v5 =	vor.u32 v5, v4;
	v4 =	vor.u32 v6, v3  }
0x418: {  	v3 =	vor.u32 v6, v5  }
0x419: {  	s15 =	simm.s32 $0x80  }
0x41a: {  	s16 =	simm.s32 $0x2;
	s22 =	simm.s32 $0x4;
	s17 =	sand.u32 $0xC00, s15  }
0x41b: {  	s18 =	sand.u32 $0x3FFFFF80, s22;
	s14 =	simm.s32 $0x10;
	s13 =	simm.s32 $0x1  }
.LBB2_44:
0x41c: {  	p0 =	sne.s32 s16, $0x3F;
	s19 =	sand.u32 $0x70, s14;
	s17 =	sadd.s32 s17, s18;
	[tilespmem:v4+s10+$0x0] =	vst.idx.msk $0xffff, v0  }
0x41d: {  	s17 =	sor.u32 s19, s17;
	[tilespmem:v3+s10+$0x0] =	vst.idx.msk $0xffff, v2  }
0x41e: {  	v3 =	vld [tilespmem:s17+$0x4100]  }
0x41f: {  	v4 =	vld [tilespmem:s17+$0x4300]  }
0x420: {  	s17 =	sand.u32 $0x1F0, s14  }
0x421: {  	v5 =	vmov s17  }
0x422: {  	v6 =	vor.u32 s17, v1;
	v5 =	vshll.u32 v5, $0x3  }
0x423: {  	s17 =	sshll.u32 s13, $0x9;
	s13 =	smov.u32 s16;
	v5 =	vand.u32 $0xC00, v5;
	v7 =	vshll.u32 v3, $0x9;
	v3 =	vshll.u32 v3, $0x7  }
0x424: {  	s17 =	sand.u32 $0xFFFFC000, s17;
	v7 =	vand.u32 $0xFFFFF000, v7;
	v3 =	vand.u32 $0x380, v3;
	v8 =	vshll.u32 v4, $0x9  }
0x425: {  	v4 =	vshll.u32 v4, $0x7;
	v7 =	vadd.s32 s17, v7;
	v8 =	vand.u32 $0xFFFFF000, v8  }
0x426: {  	v4 =	vand.u32 $0x380, v4;
	v3 =	vor.u32 v3, v7;
	v7 =	vadd.s32 s17, v8  }
0x427: {  	v6 =	vand.u32 $0x7F, v6;
	v3 =	vor.u32 v5, v3;
	v7 =	vor.u32 v4, v7  }
.Ltmp21:
0x428: {  	v4 =	vor.u32 v6, v3;
	v3 =	vor.u32 v5, v7;
	(pc) =	sbr.rel @p0 .LBB2_44-.Ltmp21, $3  }
0x429: {  	v3 =	vor.u32 v6, v3;
	_ =	sdelay $0x1  }
0x42a: {  	s18 =	sshll.u32 s16, $0x2;
	s15 =	sadd.s32 $0x80, s15;
	s14 =	sadd.s32 $0x10, s14  }
0x42b: {  	s18 =	sand.u32 $0x3FFFFF80, s18;
	s16 =	sadd.s32 $0x1, s16;
	s17 =	sand.u32 $0xC00, s15  }
0x42c: {  	_ =	sdelay $0x3  }
0x42d: {  	s15 =	sand.u32 $0x70, s14;
	s16 =	sadd.s32 s17, s18;
	[tilespmem:v4+s10+$0x0] =	vst.idx.msk $0xffff, v0  }
0x42e: {  	s15 =	sor.u32 s15, s16;
	[tilespmem:v3+s10+$0x0] =	vst.idx.msk $0xffff, v2  }
0x42f: {  	v3 =	vld [tilespmem:s15+$0x4100]  }
0x430: {  	v4 =	vld [tilespmem:s15+$0x4300]  }
0x431: {  	s16 =	sand.u32 $0x1F0, s14  }
0x432: {  	v5 =	vmov s16  }
0x433: {  	v6 =	vor.u32 s16, v1;
	v5 =	vshll.u32 v5, $0x3  }
0x434: {  	s13 =	sshll.u32 s13, $0x9;
	v5 =	vand.u32 $0xC00, v5;
	v7 =	vshll.u32 v3, $0x9;
	v3 =	vshll.u32 v3, $0x7  }
0x435: {  	s13 =	sand.u32 $0xFFFFC000, s13;
	v8 =	vshll.u32 v4, $0x9;
	v4 =	vshll.u32 v4, $0x7;
	v7 =	vand.u32 $0xFFFFF000, v7  }
0x436: {  	v3 =	vand.u32 $0x380, v3;
	v8 =	vand.u32 $0xFFFFF000, v8;
	v7 =	vadd.s32 s13, v7  }
0x437: {  	v4 =	vand.u32 $0x380, v4;
	v3 =	vor.u32 v3, v7;
	v7 =	vadd.s32 s13, v8  }
0x438: {  	v6 =	vand.u32 $0x7F, v6;
	v3 =	vor.u32 v5, v3;
	v4 =	vor.u32 v4, v7  }
0x439: {  	v3 =	vor.u32 v6, v3;
	v4 =	vor.u32 v5, v4  }
0x43a: {  	v4 =	vor.u32 v6, v4;
	_ =	sdelay $0x3  }
0x43b: {  	[tilespmem:v3+s10+$0x0] =	vst.idx.msk $0xffff, v0  }
0x43c: {  	s17 =	simm.s32 $0x0;
	s18 =	simm.s32 $0x0;
	[tilespmem:v4+s10+$0x0] =	vst.idx.msk $0xffff, v2  }
0x43d: {  	[hbm4b:s23+s17] =	stream.linear.scatter [tilespmem:s10], [sflag:$0x1], $0x8000, $0x38;
	[tilespmem:$0x18000] =	vst v63  }
0x43e: {  	s19 =	sand.u32 $0xC00, s17;
	s14 =	sand.u32 $0x3FFFFF80, s18;
	_ =	swait.ge [sflag:s11], $0x8000  }
0x43f: {  	s20 =	sand.u32 $0x70, s17;
	s14 =	sadd.s32 s19, s14;
	[sflag:s11] =	ssyncset.done $0x0  }
0x440: {  	s14 =	sor.u32 s20, s14;
	[sflag:s11] =	ssyncadd.s32 $0xFFFF8000  }
0x441: {  	v3 =	vld [tilespmem:s14+$0x4200]  }
0x442: {  	v4 =	vld [tilespmem:s14+$0x5000]  }
0x443: {  	s13 =	sand.u32 $0x1F0, s17  }
0x444: {  	v5 =	vmov s13  }
0x445: {  	v6 =	vor.u32 s13, v1;
	v5 =	vshll.u32 v5, $0x3  }
0x446: {  	s21 =	simm.s32 $0x0;
	v5 =	vand.u32 $0xC00, v5;
	v7 =	vshll.u32 v3, $0x9;
	v3 =	vshll.u32 v3, $0x7  }
0x447: {  	s13 =	sand.u32 $0xFFFFC000, s21;
	v63 =	vshll.u32 v4, $0x9;
	v4 =	vshll.u32 v4, $0x7;
	v7 =	vand.u32 $0xFFFFF000, v7  }
0x448: {  	v3 =	vand.u32 $0x380, v3;
	v8 =	vand.u32 $0xFFFFF000, v63;
	v7 =	vadd.s32 s13, v7  }
0x449: {  	v4 =	vand.u32 $0x380, v4;
	v8 =	vadd.s32 s13, v8;
	v3 =	vor.u32 v3, v7  }
0x44a: {  	v6 =	vand.u32 $0x7F, v6;
	v4 =	vor.u32 v4, v8;
	v3 =	vor.u32 v5, v3  }
0x44b: {  	v5 =	vor.u32 v5, v4;
	v4 =	vor.u32 v6, v3  }
0x44c: {  	v3 =	vor.u32 v6, v5  }
0x44d: {  	s22 =	simm.s32 $0x4  }
0x44e: {  	s18 =	sand.u32 $0x3FFFFF80, s22;
	s15 =	simm.s32 $0x80;
	s16 =	simm.s32 $0x2  }
0x44f: {  	s17 =	sand.u32 $0xC00, s15;
	s14 =	simm.s32 $0x10;
	s13 =	simm.s32 $0x1  }
.LBB2_46:
0x450: {  	p0 =	sne.s32 s16, $0x3F;
	s19 =	sand.u32 $0x70, s14;
	s17 =	sadd.s32 s17, s18;
	[tilespmem:v4+s9+$0x0] =	vst.idx.msk $0xffff, v0  }
0x451: {  	s17 =	sor.u32 s19, s17;
	[tilespmem:v3+s9+$0x0] =	vst.idx.msk $0xffff, v2  }
0x452: {  	v3 =	vld [tilespmem:s17+$0x4200]  }
0x453: {  	v4 =	vld [tilespmem:s17+$0x5000]  }
0x454: {  	s17 =	sand.u32 $0x1F0, s14  }
0x455: {  	v5 =	vmov s17  }
0x456: {  	v6 =	vor.u32 s17, v1;
	v5 =	vshll.u32 v5, $0x3  }
0x457: {  	s17 =	sshll.u32 s13, $0x9;
	s13 =	smov.u32 s16;
	v5 =	vand.u32 $0xC00, v5;
	v7 =	vshll.u32 v3, $0x9;
	v3 =	vshll.u32 v3, $0x7  }
0x458: {  	s17 =	sand.u32 $0xFFFFC000, s17;
	v7 =	vand.u32 $0xFFFFF000, v7;
	v3 =	vand.u32 $0x380, v3;
	v8 =	vshll.u32 v4, $0x9  }
0x459: {  	v4 =	vshll.u32 v4, $0x7;
	v7 =	vadd.s32 s17, v7;
	v8 =	vand.u32 $0xFFFFF000, v8  }
0x45a: {  	v4 =	vand.u32 $0x380, v4;
	v3 =	vor.u32 v3, v7;
	v7 =	vadd.s32 s17, v8  }
0x45b: {  	v6 =	vand.u32 $0x7F, v6;
	v3 =	vor.u32 v5, v3;
	v7 =	vor.u32 v4, v7  }
.Ltmp22:
0x45c: {  	v4 =	vor.u32 v6, v3;
	v3 =	vor.u32 v5, v7;
	(pc) =	sbr.rel @p0 .LBB2_46-.Ltmp22, $3  }
0x45d: {  	v3 =	vor.u32 v6, v3;
	_ =	sdelay $0x1  }
0x45e: {  	s18 =	sshll.u32 s16, $0x2;
	s15 =	sadd.s32 $0x80, s15;
	s14 =	sadd.s32 $0x10, s14  }
0x45f: {  	s18 =	sand.u32 $0x3FFFFF80, s18;
	s16 =	sadd.s32 $0x1, s16;
	s17 =	sand.u32 $0xC00, s15  }
0x460: {  	_ =	sdelay $0x3  }
0x461: {  	s15 =	sand.u32 $0x70, s14;
	s16 =	sadd.s32 s17, s18;
	[tilespmem:v4+s9+$0x0] =	vst.idx.msk $0xffff, v0  }
0x462: {  	s15 =	sor.u32 s15, s16;
	[tilespmem:v3+s9+$0x0] =	vst.idx.msk $0xffff, v2  }
0x463: {  	v3 =	vld [tilespmem:s15+$0x4200]  }
0x464: {  	v4 =	vld [tilespmem:s15+$0x5000]  }
0x465: {  	s16 =	sand.u32 $0x1F0, s14  }
0x466: {  	v5 =	vmov s16  }
0x467: {  	v6 =	vor.u32 s16, v1;
	v5 =	vshll.u32 v5, $0x3  }
0x468: {  	s13 =	sshll.u32 s13, $0x9;
	v5 =	vand.u32 $0xC00, v5;
	v7 =	vshll.u32 v3, $0x9;
	v3 =	vshll.u32 v3, $0x7  }
0x469: {  	s13 =	sand.u32 $0xFFFFC000, s13;
	v8 =	vshll.u32 v4, $0x9;
	v4 =	vshll.u32 v4, $0x7;
	v7 =	vand.u32 $0xFFFFF000, v7  }
0x46a: {  	v3 =	vand.u32 $0x380, v3;
	v8 =	vand.u32 $0xFFFFF000, v8;
	v7 =	vadd.s32 s13, v7  }
0x46b: {  	v4 =	vand.u32 $0x380, v4;
	v3 =	vor.u32 v3, v7;
	v7 =	vadd.s32 s13, v8  }
0x46c: {  	v6 =	vand.u32 $0x7F, v6;
	v3 =	vor.u32 v5, v3;
	v4 =	vor.u32 v4, v7  }
0x46d: {  	v3 =	vor.u32 v6, v3;
	v4 =	vor.u32 v5, v4  }
0x46e: {  	v4 =	vor.u32 v6, v4;
	_ =	sdelay $0x3  }
0x46f: {  	[tilespmem:v3+s9+$0x0] =	vst.idx.msk $0xffff, v0  }
0x470: {  	s17 =	simm.s32 $0x0;
	s18 =	simm.s32 $0x0;
	[tilespmem:v4+s9+$0x0] =	vst.idx.msk $0xffff, v2  }
0x471: {  	[hbm4b:s24+s17] =	stream.linear.scatter [tilespmem:s9], [sflag:$0x1], $0x8000, $0x38;
	[tilespmem:$0x18000] =	vst v63  }
0x472: {  	s19 =	sand.u32 $0xC00, s17;
	s14 =	sand.u32 $0x3FFFFF80, s18;
	_ =	swait.ge [sflag:s11], $0x8000  }
0x473: {  	s20 =	sand.u32 $0x70, s17;
	s14 =	sadd.s32 s19, s14;
	[sflag:s11] =	ssyncset.done $0x0  }
0x474: {  	s14 =	sor.u32 s20, s14;
	[sflag:s11] =	ssyncadd.s32 $0xFFFF8000  }
0x475: {  	v3 =	vld [tilespmem:s14+$0x4300]  }
0x476: {  	v4 =	vld [tilespmem:s14+$0x5100]  }
0x477: {  	s13 =	sand.u32 $0x1F0, s17  }
0x478: {  	v5 =	vmov s13  }
0x479: {  	v6 =	vor.u32 s13, v1;
	v5 =	vshll.u32 v5, $0x3  }
0x47a: {  	s21 =	simm.s32 $0x0;
	v5 =	vand.u32 $0xC00, v5;
	v7 =	vshll.u32 v3, $0x9;
	v3 =	vshll.u32 v3, $0x7  }
0x47b: {  	s13 =	sand.u32 $0xFFFFC000, s21;
	v63 =	vshll.u32 v4, $0x9;
	v4 =	vshll.u32 v4, $0x7;
	v7 =	vand.u32 $0xFFFFF000, v7  }
0x47c: {  	v3 =	vand.u32 $0x380, v3;
	v8 =	vand.u32 $0xFFFFF000, v63;
	v7 =	vadd.s32 s13, v7  }
0x47d: {  	v4 =	vand.u32 $0x380, v4;
	v8 =	vadd.s32 s13, v8;
	v3 =	vor.u32 v3, v7  }
0x47e: {  	v6 =	vand.u32 $0x7F, v6;
	v4 =	vor.u32 v4, v8;
	v3 =	vor.u32 v5, v3  }
0x47f: {  	v5 =	vor.u32 v5, v4;
	v4 =	vor.u32 v6, v3  }
0x480: {  	v3 =	vor.u32 v6, v5  }
0x481: {  	s22 =	simm.s32 $0x4  }
0x482: {  	s18 =	sand.u32 $0x3FFFFF80, s22;
	s15 =	simm.s32 $0x80;
	s16 =	simm.s32 $0x2  }
0x483: {  	s17 =	sand.u32 $0xC00, s15;
	s14 =	simm.s32 $0x10;
	s13 =	simm.s32 $0x1  }
.LBB2_48:
0x484: {  	p0 =	sne.s32 s16, $0x3F;
	s19 =	sand.u32 $0x70, s14;
	s17 =	sadd.s32 s17, s18;
	[tilespmem:v4+s10+$0x0] =	vst.idx.msk $0xffff, v0  }
0x485: {  	s17 =	sor.u32 s19, s17;
	[tilespmem:v3+s10+$0x0] =	vst.idx.msk $0xffff, v2  }
0x486: {  	v3 =	vld [tilespmem:s17+$0x4300]  }
0x487: {  	v4 =	vld [tilespmem:s17+$0x5100]  }
0x488: {  	s17 =	sand.u32 $0x1F0, s14  }
0x489: {  	v5 =	vmov s17  }
0x48a: {  	v6 =	vor.u32 s17, v1;
	v5 =	vshll.u32 v5, $0x3  }
0x48b: {  	s17 =	sshll.u32 s13, $0x9;
	s13 =	smov.u32 s16;
	v5 =	vand.u32 $0xC00, v5;
	v7 =	vshll.u32 v3, $0x9;
	v3 =	vshll.u32 v3, $0x7  }
0x48c: {  	s17 =	sand.u32 $0xFFFFC000, s17;
	v7 =	vand.u32 $0xFFFFF000, v7;
	v3 =	vand.u32 $0x380, v3;
	v8 =	vshll.u32 v4, $0x9  }
0x48d: {  	v4 =	vshll.u32 v4, $0x7;
	v7 =	vadd.s32 s17, v7;
	v8 =	vand.u32 $0xFFFFF000, v8  }
0x48e: {  	v4 =	vand.u32 $0x380, v4;
	v3 =	vor.u32 v3, v7;
	v7 =	vadd.s32 s17, v8  }
0x48f: {  	v6 =	vand.u32 $0x7F, v6;
	v3 =	vor.u32 v5, v3;
	v7 =	vor.u32 v4, v7  }
.Ltmp23:
0x490: {  	v4 =	vor.u32 v6, v3;
	v3 =	vor.u32 v5, v7;
	(pc) =	sbr.rel @p0 .LBB2_48-.Ltmp23, $3  }
0x491: {  	v3 =	vor.u32 v6, v3;
	_ =	sdelay $0x1  }
0x492: {  	s18 =	sshll.u32 s16, $0x2;
	s15 =	sadd.s32 $0x80, s15;
	s14 =	sadd.s32 $0x10, s14  }
0x493: {  	s18 =	sand.u32 $0x3FFFFF80, s18;
	s16 =	sadd.s32 $0x1, s16;
	s17 =	sand.u32 $0xC00, s15  }
0x494: {  	_ =	sdelay $0x3  }
0x495: {  	s15 =	sand.u32 $0x70, s14;
	s16 =	sadd.s32 s17, s18;
	[tilespmem:v4+s10+$0x0] =	vst.idx.msk $0xffff, v0  }
0x496: {  	s15 =	sor.u32 s15, s16;
	[tilespmem:v3+s10+$0x0] =	vst.idx.msk $0xffff, v2  }
0x497: {  	v3 =	vld [tilespmem:s15+$0x4300]  }
0x498: {  	v4 =	vld [tilespmem:s15+$0x5100]  }
0x499: {  	s16 =	sand.u32 $0x1F0, s14  }
0x49a: {  	v5 =	vmov s16  }
0x49b: {  	v6 =	vor.u32 s16, v1;
	v5 =	vshll.u32 v5, $0x3  }
0x49c: {  	s13 =	sshll.u32 s13, $0x9;
	v5 =	vand.u32 $0xC00, v5;
	v7 =	vshll.u32 v3, $0x9;
	v3 =	vshll.u32 v3, $0x7  }
0x49d: {  	s13 =	sand.u32 $0xFFFFC000, s13;
	v8 =	vshll.u32 v4, $0x9;
	v4 =	vshll.u32 v4, $0x7;
	v7 =	vand.u32 $0xFFFFF000, v7  }
0x49e: {  	v3 =	vand.u32 $0x380, v3;
	v8 =	vand.u32 $0xFFFFF000, v8;
	v7 =	vadd.s32 s13, v7  }
0x49f: {  	v4 =	vand.u32 $0x380, v4;
	v3 =	vor.u32 v3, v7;
	v7 =	vadd.s32 s13, v8  }
0x4a0: {  	v6 =	vand.u32 $0x7F, v6;
	v3 =	vor.u32 v5, v3;
	v4 =	vor.u32 v4, v7  }
0x4a1: {  	v3 =	vor.u32 v6, v3;
	v4 =	vor.u32 v5, v4  }
0x4a2: {  	v4 =	vor.u32 v6, v4;
	_ =	sdelay $0x3  }
0x4a3: {  	[tilespmem:v3+s10+$0x0] =	vst.idx.msk $0xffff, v0  }
0x4a4: {  	s17 =	simm.s32 $0x0;
	s18 =	simm.s32 $0x0;
	[tilespmem:v4+s10+$0x0] =	vst.idx.msk $0xffff, v2  }
0x4a5: {  	[hbm4b:s26+s17] =	stream.linear.scatter [tilespmem:s10], [sflag:$0x1], $0x8000, $0x38;
	[tilespmem:$0x18000] =	vst v63  }
0x4a6: {  	s19 =	sand.u32 $0xC00, s17;
	s14 =	sand.u32 $0x3FFFFF80, s18;
	_ =	swait.ge [sflag:s11], $0x8000  }
0x4a7: {  	s20 =	sand.u32 $0x70, s17;
	s14 =	sadd.s32 s19, s14;
	[sflag:s11] =	ssyncset.done $0x0  }
0x4a8: {  	s14 =	sor.u32 s20, s14;
	[sflag:s11] =	ssyncadd.s32 $0xFFFF8000  }
0x4a9: {  	v3 =	vld [tilespmem:s14+$0x5000]  }
0x4aa: {  	v4 =	vld [tilespmem:s14+$0x5200]  }
0x4ab: {  	s13 =	sand.u32 $0x1F0, s17  }
0x4ac: {  	v5 =	vmov s13  }
0x4ad: {  	v6 =	vor.u32 s13, v1;
	v5 =	vshll.u32 v5, $0x3  }
0x4ae: {  	s21 =	simm.s32 $0x0;
	v5 =	vand.u32 $0xC00, v5;
	v7 =	vshll.u32 v3, $0x9;
	v3 =	vshll.u32 v3, $0x7  }
0x4af: {  	s13 =	sand.u32 $0xFFFFC000, s21;
	v63 =	vshll.u32 v4, $0x9;
	v4 =	vshll.u32 v4, $0x7;
	v7 =	vand.u32 $0xFFFFF000, v7  }
0x4b0: {  	v3 =	vand.u32 $0x380, v3;
	v8 =	vand.u32 $0xFFFFF000, v63;
	v7 =	vadd.s32 s13, v7  }
0x4b1: {  	v4 =	vand.u32 $0x380, v4;
	v8 =	vadd.s32 s13, v8;
	v3 =	vor.u32 v3, v7  }
0x4b2: {  	v6 =	vand.u32 $0x7F, v6;
	v4 =	vor.u32 v4, v8;
	v3 =	vor.u32 v5, v3  }
0x4b3: {  	v5 =	vor.u32 v5, v4;
	v4 =	vor.u32 v6, v3  }
0x4b4: {  	v3 =	vor.u32 v6, v5  }
0x4b5: {  	s22 =	simm.s32 $0x4  }
0x4b6: {  	s18 =	sand.u32 $0x3FFFFF80, s22;
	s15 =	simm.s32 $0x80;
	s16 =	simm.s32 $0x2  }
0x4b7: {  	s17 =	sand.u32 $0xC00, s15;
	s14 =	simm.s32 $0x10;
	s13 =	simm.s32 $0x1  }
.LBB2_50:
0x4b8: {  	p0 =	sne.s32 s16, $0x3F;
	s19 =	sand.u32 $0x70, s14;
	s17 =	sadd.s32 s17, s18;
	[tilespmem:v4+s9+$0x0] =	vst.idx.msk $0xffff, v0  }
0x4b9: {  	s17 =	sor.u32 s19, s17;
	[tilespmem:v3+s9+$0x0] =	vst.idx.msk $0xffff, v2  }
0x4ba: {  	v3 =	vld [tilespmem:s17+$0x5000]  }
0x4bb: {  	v4 =	vld [tilespmem:s17+$0x5200]  }
0x4bc: {  	s17 =	sand.u32 $0x1F0, s14  }
0x4bd: {  	v5 =	vmov s17  }
0x4be: {  	v6 =	vor.u32 s17, v1;
	v5 =	vshll.u32 v5, $0x3  }
0x4bf: {  	s17 =	sshll.u32 s13, $0x9;
	s13 =	smov.u32 s16;
	v5 =	vand.u32 $0xC00, v5;
	v7 =	vshll.u32 v3, $0x9;
	v3 =	vshll.u32 v3, $0x7  }
0x4c0: {  	s17 =	sand.u32 $0xFFFFC000, s17;
	v7 =	vand.u32 $0xFFFFF000, v7;
	v3 =	vand.u32 $0x380, v3;
	v8 =	vshll.u32 v4, $0x9  }
0x4c1: {  	v4 =	vshll.u32 v4, $0x7;
	v7 =	vadd.s32 s17, v7;
	v8 =	vand.u32 $0xFFFFF000, v8  }
0x4c2: {  	v4 =	vand.u32 $0x380, v4;
	v3 =	vor.u32 v3, v7;
	v7 =	vadd.s32 s17, v8  }
0x4c3: {  	v6 =	vand.u32 $0x7F, v6;
	v3 =	vor.u32 v5, v3;
	v7 =	vor.u32 v4, v7  }
.Ltmp24:
0x4c4: {  	v4 =	vor.u32 v6, v3;
	v3 =	vor.u32 v5, v7;
	(pc) =	sbr.rel @p0 .LBB2_50-.Ltmp24, $3  }
0x4c5: {  	v3 =	vor.u32 v6, v3;
	_ =	sdelay $0x1  }
0x4c6: {  	s18 =	sshll.u32 s16, $0x2;
	s15 =	sadd.s32 $0x80, s15;
	s14 =	sadd.s32 $0x10, s14  }
0x4c7: {  	s18 =	sand.u32 $0x3FFFFF80, s18;
	s16 =	sadd.s32 $0x1, s16;
	s17 =	sand.u32 $0xC00, s15  }
0x4c8: {  	_ =	sdelay $0x3  }
0x4c9: {  	s15 =	sand.u32 $0x70, s14;
	s16 =	sadd.s32 s17, s18;
	[tilespmem:v4+s9+$0x0] =	vst.idx.msk $0xffff, v0  }
0x4ca: {  	s15 =	sor.u32 s15, s16;
	[tilespmem:v3+s9+$0x0] =	vst.idx.msk $0xffff, v2  }
0x4cb: {  	v3 =	vld [tilespmem:s15+$0x5000]  }
0x4cc: {  	v4 =	vld [tilespmem:s15+$0x5200]  }
0x4cd: {  	s16 =	sand.u32 $0x1F0, s14  }
0x4ce: {  	v5 =	vmov s16  }
0x4cf: {  	v6 =	vor.u32 s16, v1;
	v5 =	vshll.u32 v5, $0x3  }
0x4d0: {  	s13 =	sshll.u32 s13, $0x9;
	v5 =	vand.u32 $0xC00, v5;
	v7 =	vshll.u32 v3, $0x9;
	v3 =	vshll.u32 v3, $0x7  }
0x4d1: {  	s13 =	sand.u32 $0xFFFFC000, s13;
	v8 =	vshll.u32 v4, $0x9;
	v4 =	vshll.u32 v4, $0x7;
	v7 =	vand.u32 $0xFFFFF000, v7  }
0x4d2: {  	v3 =	vand.u32 $0x380, v3;
	v8 =	vand.u32 $0xFFFFF000, v8;
	v7 =	vadd.s32 s13, v7  }
0x4d3: {  	v4 =	vand.u32 $0x380, v4;
	v3 =	vor.u32 v3, v7;
	v7 =	vadd.s32 s13, v8  }
0x4d4: {  	v6 =	vand.u32 $0x7F, v6;
	v3 =	vor.u32 v5, v3;
	v4 =	vor.u32 v4, v7  }
0x4d5: {  	v3 =	vor.u32 v6, v3;
	v4 =	vor.u32 v5, v4  }
0x4d6: {  	v4 =	vor.u32 v6, v4;
	_ =	sdelay $0x3  }
0x4d7: {  	[tilespmem:v3+s9+$0x0] =	vst.idx.msk $0xffff, v0  }
0x4d8: {  	s17 =	simm.s32 $0x0;
	s18 =	simm.s32 $0x0;
	[tilespmem:v4+s9+$0x0] =	vst.idx.msk $0xffff, v2  }
0x4d9: {  	[hbm4b:s28+s17] =	stream.linear.scatter [tilespmem:s9], [sflag:$0x1], $0x8000, $0x38;
	[tilespmem:$0x18000] =	vst v63  }
0x4da: {  	s19 =	sand.u32 $0xC00, s17;
	s14 =	sand.u32 $0x3FFFFF80, s18;
	_ =	swait.ge [sflag:s11], $0x8000  }
0x4db: {  	s20 =	sand.u32 $0x70, s17;
	s14 =	sadd.s32 s19, s14;
	[sflag:s11] =	ssyncset.done $0x0  }
0x4dc: {  	s14 =	sor.u32 s20, s14;
	[sflag:s11] =	ssyncadd.s32 $0xFFFF8000  }
0x4dd: {  	v3 =	vld [tilespmem:s14+$0x5100]  }
0x4de: {  	v4 =	vld [tilespmem:s14+$0x5300]  }
0x4df: {  	s13 =	sand.u32 $0x1F0, s17  }
0x4e0: {  	v5 =	vmov s13  }
0x4e1: {  	v6 =	vor.u32 s13, v1;
	v5 =	vshll.u32 v5, $0x3  }
0x4e2: {  	s21 =	simm.s32 $0x0;
	v5 =	vand.u32 $0xC00, v5;
	v7 =	vshll.u32 v3, $0x9;
	v3 =	vshll.u32 v3, $0x7  }
0x4e3: {  	s13 =	sand.u32 $0xFFFFC000, s21;
	v63 =	vshll.u32 v4, $0x9;
	v4 =	vshll.u32 v4, $0x7;
	v7 =	vand.u32 $0xFFFFF000, v7  }
0x4e4: {  	v3 =	vand.u32 $0x380, v3;
	v8 =	vand.u32 $0xFFFFF000, v63;
	v7 =	vadd.s32 s13, v7  }
0x4e5: {  	v4 =	vand.u32 $0x380, v4;
	v8 =	vadd.s32 s13, v8;
	v3 =	vor.u32 v3, v7  }
0x4e6: {  	v6 =	vand.u32 $0x7F, v6;
	v4 =	vor.u32 v4, v8;
	v3 =	vor.u32 v5, v3  }
0x4e7: {  	v5 =	vor.u32 v5, v4;
	v4 =	vor.u32 v6, v3  }
0x4e8: {  	v3 =	vor.u32 v6, v5  }
0x4e9: {  	s22 =	simm.s32 $0x4  }
0x4ea: {  	s18 =	sand.u32 $0x3FFFFF80, s22;
	s15 =	simm.s32 $0x80;
	s16 =	simm.s32 $0x2  }
0x4eb: {  	s17 =	sand.u32 $0xC00, s15;
	s14 =	simm.s32 $0x10;
	s13 =	simm.s32 $0x1  }
.LBB2_52:
0x4ec: {  	p0 =	sne.s32 s16, $0x3F;
	s19 =	sand.u32 $0x70, s14;
	s17 =	sadd.s32 s17, s18;
	[tilespmem:v4+s10+$0x0] =	vst.idx.msk $0xffff, v0  }
0x4ed: {  	s17 =	sor.u32 s19, s17;
	[tilespmem:v3+s10+$0x0] =	vst.idx.msk $0xffff, v2  }
0x4ee: {  	v3 =	vld [tilespmem:s17+$0x5100]  }
0x4ef: {  	v4 =	vld [tilespmem:s17+$0x5300]  }
0x4f0: {  	s17 =	sand.u32 $0x1F0, s14  }
0x4f1: {  	v5 =	vmov s17  }
0x4f2: {  	v6 =	vor.u32 s17, v1;
	v5 =	vshll.u32 v5, $0x3  }
0x4f3: {  	s17 =	sshll.u32 s13, $0x9;
	s13 =	smov.u32 s16;
	v5 =	vand.u32 $0xC00, v5;
	v7 =	vshll.u32 v3, $0x9;
	v3 =	vshll.u32 v3, $0x7  }
0x4f4: {  	s17 =	sand.u32 $0xFFFFC000, s17;
	v7 =	vand.u32 $0xFFFFF000, v7;
	v3 =	vand.u32 $0x380, v3;
	v8 =	vshll.u32 v4, $0x9  }
0x4f5: {  	v4 =	vshll.u32 v4, $0x7;
	v7 =	vadd.s32 s17, v7;
	v8 =	vand.u32 $0xFFFFF000, v8  }
0x4f6: {  	v4 =	vand.u32 $0x380, v4;
	v3 =	vor.u32 v3, v7;
	v7 =	vadd.s32 s17, v8  }
0x4f7: {  	v6 =	vand.u32 $0x7F, v6;
	v3 =	vor.u32 v5, v3;
	v7 =	vor.u32 v4, v7  }
.Ltmp25:
0x4f8: {  	v4 =	vor.u32 v6, v3;
	v3 =	vor.u32 v5, v7;
	(pc) =	sbr.rel @p0 .LBB2_52-.Ltmp25, $3  }
0x4f9: {  	v3 =	vor.u32 v6, v3;
	_ =	sdelay $0x1  }
0x4fa: {  	s18 =	sshll.u32 s16, $0x2;
	s15 =	sadd.s32 $0x80, s15;
	s14 =	sadd.s32 $0x10, s14  }
0x4fb: {  	s18 =	sand.u32 $0x3FFFFF80, s18;
	s16 =	sadd.s32 $0x1, s16;
	s17 =	sand.u32 $0xC00, s15  }
0x4fc: {  	_ =	sdelay $0x3  }
0x4fd: {  	s15 =	sand.u32 $0x70, s14;
	s16 =	sadd.s32 s17, s18;
	[tilespmem:v4+s10+$0x0] =	vst.idx.msk $0xffff, v0  }
0x4fe: {  	s15 =	sor.u32 s15, s16;
	[tilespmem:v3+s10+$0x0] =	vst.idx.msk $0xffff, v2  }
0x4ff: {  	v3 =	vld [tilespmem:s15+$0x5100]  }
0x500: {  	v4 =	vld [tilespmem:s15+$0x5300]  }
0x501: {  	s16 =	sand.u32 $0x1F0, s14  }
0x502: {  	v5 =	vmov s16  }
0x503: {  	v6 =	vor.u32 s16, v1;
	v5 =	vshll.u32 v5, $0x3  }
0x504: {  	s13 =	sshll.u32 s13, $0x9;
	v5 =	vand.u32 $0xC00, v5;
	v7 =	vshll.u32 v3, $0x9;
	v3 =	vshll.u32 v3, $0x7  }
0x505: {  	s13 =	sand.u32 $0xFFFFC000, s13;
	v8 =	vshll.u32 v4, $0x9;
	v4 =	vshll.u32 v4, $0x7;
	v7 =	vand.u32 $0xFFFFF000, v7  }
0x506: {  	v3 =	vand.u32 $0x380, v3;
	v8 =	vand.u32 $0xFFFFF000, v8;
	v7 =	vadd.s32 s13, v7  }
0x507: {  	v4 =	vand.u32 $0x380, v4;
	v3 =	vor.u32 v3, v7;
	v7 =	vadd.s32 s13, v8  }
0x508: {  	v6 =	vand.u32 $0x7F, v6;
	v3 =	vor.u32 v5, v3;
	v4 =	vor.u32 v4, v7  }
0x509: {  	v3 =	vor.u32 v6, v3;
	v4 =	vor.u32 v5, v4  }
0x50a: {  	v4 =	vor.u32 v6, v4;
	_ =	sdelay $0x3  }
0x50b: {  	[tilespmem:v3+s10+$0x0] =	vst.idx.msk $0xffff, v0  }
0x50c: {  	s17 =	simm.s32 $0x0;
	s18 =	simm.s32 $0x0;
	[tilespmem:v4+s10+$0x0] =	vst.idx.msk $0xffff, v2  }
0x50d: {  	[hbm4b:s29+s17] =	stream.linear.scatter [tilespmem:s10], [sflag:$0x1], $0x8000, $0x38;
	[tilespmem:$0x18000] =	vst v63  }
0x50e: {  	s19 =	sand.u32 $0xC00, s17;
	s14 =	sand.u32 $0x3FFFFF80, s18;
	_ =	swait.ge [sflag:s11], $0x8000  }
0x50f: {  	s20 =	sand.u32 $0x70, s17;
	s14 =	sadd.s32 s19, s14;
	[sflag:s11] =	ssyncset.done $0x0  }
0x510: {  	s14 =	sor.u32 s20, s14;
	[sflag:s11] =	ssyncadd.s32 $0xFFFF8000  }
0x511: {  	v3 =	vld [tilespmem:s14+$0x5200]  }
0x512: {  	v4 =	vld [tilespmem:s14+$0x6000]  }
0x513: {  	s13 =	sand.u32 $0x1F0, s17  }
0x514: {  	v5 =	vmov s13  }
0x515: {  	v6 =	vor.u32 s13, v1;
	v5 =	vshll.u32 v5, $0x3  }
0x516: {  	s21 =	simm.s32 $0x0;
	v5 =	vand.u32 $0xC00, v5;
	v7 =	vshll.u32 v3, $0x9;
	v3 =	vshll.u32 v3, $0x7  }
0x517: {  	s13 =	sand.u32 $0xFFFFC000, s21;
	v63 =	vshll.u32 v4, $0x9;
	v4 =	vshll.u32 v4, $0x7;
	v7 =	vand.u32 $0xFFFFF000, v7  }
0x518: {  	v3 =	vand.u32 $0x380, v3;
	v8 =	vand.u32 $0xFFFFF000, v63;
	v7 =	vadd.s32 s13, v7  }
0x519: {  	v4 =	vand.u32 $0x380, v4;
	v8 =	vadd.s32 s13, v8;
	v3 =	vor.u32 v3, v7  }
0x51a: {  	v6 =	vand.u32 $0x7F, v6;
	v4 =	vor.u32 v4, v8;
	v3 =	vor.u32 v5, v3  }
0x51b: {  	v5 =	vor.u32 v5, v4;
	v4 =	vor.u32 v6, v3  }
0x51c: {  	v3 =	vor.u32 v6, v5  }
0x51d: {  	s22 =	simm.s32 $0x4  }
0x51e: {  	s18 =	sand.u32 $0x3FFFFF80, s22;
	s15 =	simm.s32 $0x80;
	s16 =	simm.s32 $0x2  }
0x51f: {  	s17 =	sand.u32 $0xC00, s15;
	s14 =	simm.s32 $0x10;
	s13 =	simm.s32 $0x1  }
.LBB2_54:
0x520: {  	p0 =	sne.s32 s16, $0x3F;
	s19 =	sand.u32 $0x70, s14;
	s17 =	sadd.s32 s17, s18;
	[tilespmem:v4+s9+$0x0] =	vst.idx.msk $0xffff, v0  }
0x521: {  	s17 =	sor.u32 s19, s17;
	[tilespmem:v3+s9+$0x0] =	vst.idx.msk $0xffff, v2  }
0x522: {  	v3 =	vld [tilespmem:s17+$0x5200]  }
0x523: {  	v4 =	vld [tilespmem:s17+$0x6000]  }
0x524: {  	s17 =	sand.u32 $0x1F0, s14  }
0x525: {  	v5 =	vmov s17  }
0x526: {  	v6 =	vor.u32 s17, v1;
	v5 =	vshll.u32 v5, $0x3  }
0x527: {  	s17 =	sshll.u32 s13, $0x9;
	s13 =	smov.u32 s16;
	v5 =	vand.u32 $0xC00, v5;
	v7 =	vshll.u32 v3, $0x9;
	v3 =	vshll.u32 v3, $0x7  }
0x528: {  	s17 =	sand.u32 $0xFFFFC000, s17;
	v7 =	vand.u32 $0xFFFFF000, v7;
	v3 =	vand.u32 $0x380, v3;
	v8 =	vshll.u32 v4, $0x9  }
0x529: {  	v4 =	vshll.u32 v4, $0x7;
	v7 =	vadd.s32 s17, v7;
	v8 =	vand.u32 $0xFFFFF000, v8  }
0x52a: {  	v4 =	vand.u32 $0x380, v4;
	v3 =	vor.u32 v3, v7;
	v7 =	vadd.s32 s17, v8  }
0x52b: {  	v6 =	vand.u32 $0x7F, v6;
	v3 =	vor.u32 v5, v3;
	v7 =	vor.u32 v4, v7  }
.Ltmp26:
0x52c: {  	v4 =	vor.u32 v6, v3;
	v3 =	vor.u32 v5, v7;
	(pc) =	sbr.rel @p0 .LBB2_54-.Ltmp26, $3  }
0x52d: {  	v3 =	vor.u32 v6, v3;
	_ =	sdelay $0x1  }
0x52e: {  	s18 =	sshll.u32 s16, $0x2;
	s15 =	sadd.s32 $0x80, s15;
	s14 =	sadd.s32 $0x10, s14  }
0x52f: {  	s18 =	sand.u32 $0x3FFFFF80, s18;
	s16 =	sadd.s32 $0x1, s16;
	s17 =	sand.u32 $0xC00, s15  }
0x530: {  	_ =	sdelay $0x3  }
0x531: {  	s15 =	sand.u32 $0x70, s14;
	s16 =	sadd.s32 s17, s18;
	[tilespmem:v4+s9+$0x0] =	vst.idx.msk $0xffff, v0  }
0x532: {  	s15 =	sor.u32 s15, s16;
	[tilespmem:v3+s9+$0x0] =	vst.idx.msk $0xffff, v2  }
0x533: {  	v3 =	vld [tilespmem:s15+$0x5200]  }
0x534: {  	v4 =	vld [tilespmem:s15+$0x6000]  }
0x535: {  	s16 =	sand.u32 $0x1F0, s14  }
0x536: {  	v5 =	vmov s16  }
0x537: {  	v6 =	vor.u32 s16, v1;
	v5 =	vshll.u32 v5, $0x3  }
0x538: {  	s13 =	sshll.u32 s13, $0x9;
	v5 =	vand.u32 $0xC00, v5;
	v7 =	vshll.u32 v3, $0x9;
	v3 =	vshll.u32 v3, $0x7  }
0x539: {  	s13 =	sand.u32 $0xFFFFC000, s13;
	v8 =	vshll.u32 v4, $0x9;
	v4 =	vshll.u32 v4, $0x7;
	v7 =	vand.u32 $0xFFFFF000, v7  }
0x53a: {  	v3 =	vand.u32 $0x380, v3;
	v8 =	vand.u32 $0xFFFFF000, v8;
	v7 =	vadd.s32 s13, v7  }
0x53b: {  	v4 =	vand.u32 $0x380, v4;
	v3 =	vor.u32 v3, v7;
	v7 =	vadd.s32 s13, v8  }
0x53c: {  	v6 =	vand.u32 $0x7F, v6;
	v3 =	vor.u32 v5, v3;
	v4 =	vor.u32 v4, v7  }
0x53d: {  	v3 =	vor.u32 v6, v3;
	v4 =	vor.u32 v5, v4  }
0x53e: {  	v4 =	vor.u32 v6, v4;
	_ =	sdelay $0x3  }
0x53f: {  	[tilespmem:v3+s9+$0x0] =	vst.idx.msk $0xffff, v0  }
0x540: {  	s17 =	simm.s32 $0x0;
	s18 =	simm.s32 $0x0;
	[tilespmem:v4+s9+$0x0] =	vst.idx.msk $0xffff, v2  }
0x541: {  	[hbm4b:s30+s17] =	stream.linear.scatter [tilespmem:s9], [sflag:$0x1], $0x8000, $0x38;
	[tilespmem:$0x18000] =	vst v63  }
0x542: {  	s19 =	sand.u32 $0xC00, s17;
	s14 =	sand.u32 $0x3FFFFF80, s18;
	_ =	swait.ge [sflag:s11], $0x8000  }
0x543: {  	s20 =	sand.u32 $0x70, s17;
	s14 =	sadd.s32 s19, s14;
	[sflag:s11] =	ssyncset.done $0x0  }
0x544: {  	s14 =	sor.u32 s20, s14;
	[sflag:s11] =	ssyncadd.s32 $0xFFFF8000  }
0x545: {  	v3 =	vld [tilespmem:s14+$0x5300]  }
0x546: {  	v4 =	vld [tilespmem:s14+$0x6100]  }
0x547: {  	s13 =	sand.u32 $0x1F0, s17  }
0x548: {  	v5 =	vmov s13  }
0x549: {  	v6 =	vor.u32 s13, v1;
	v5 =	vshll.u32 v5, $0x3  }
0x54a: {  	s21 =	simm.s32 $0x0;
	v5 =	vand.u32 $0xC00, v5;
	v7 =	vshll.u32 v3, $0x9;
	v3 =	vshll.u32 v3, $0x7  }
0x54b: {  	s13 =	sand.u32 $0xFFFFC000, s21;
	v63 =	vshll.u32 v4, $0x9;
	v4 =	vshll.u32 v4, $0x7;
	v7 =	vand.u32 $0xFFFFF000, v7  }
0x54c: {  	v3 =	vand.u32 $0x380, v3;
	v8 =	vand.u32 $0xFFFFF000, v63;
	v7 =	vadd.s32 s13, v7  }
0x54d: {  	v4 =	vand.u32 $0x380, v4;
	v8 =	vadd.s32 s13, v8;
	v3 =	vor.u32 v3, v7  }
0x54e: {  	v6 =	vand.u32 $0x7F, v6;
	v4 =	vor.u32 v4, v8;
	v3 =	vor.u32 v5, v3  }
0x54f: {  	v5 =	vor.u32 v5, v4;
	v4 =	vor.u32 v6, v3  }
0x550: {  	v3 =	vor.u32 v6, v5  }
0x551: {  	s22 =	simm.s32 $0x4  }
0x552: {  	s18 =	sand.u32 $0x3FFFFF80, s22;
	s15 =	simm.s32 $0x80;
	s16 =	simm.s32 $0x2  }
0x553: {  	s17 =	sand.u32 $0xC00, s15;
	s14 =	simm.s32 $0x10;
	s13 =	simm.s32 $0x1  }
.LBB2_56:
0x554: {  	p0 =	sne.s32 s16, $0x3F;
	s19 =	sand.u32 $0x70, s14;
	s17 =	sadd.s32 s17, s18;
	[tilespmem:v4+s10+$0x0] =	vst.idx.msk $0xffff, v0  }
0x555: {  	s17 =	sor.u32 s19, s17;
	[tilespmem:v3+s10+$0x0] =	vst.idx.msk $0xffff, v2  }
0x556: {  	v3 =	vld [tilespmem:s17+$0x5300]  }
0x557: {  	v4 =	vld [tilespmem:s17+$0x6100]  }
0x558: {  	s17 =	sand.u32 $0x1F0, s14  }
0x559: {  	v5 =	vmov s17  }
0x55a: {  	v6 =	vor.u32 s17, v1;
	v5 =	vshll.u32 v5, $0x3  }
0x55b: {  	s17 =	sshll.u32 s13, $0x9;
	s13 =	smov.u32 s16;
	v5 =	vand.u32 $0xC00, v5;
	v7 =	vshll.u32 v3, $0x9;
	v3 =	vshll.u32 v3, $0x7  }
0x55c: {  	s17 =	sand.u32 $0xFFFFC000, s17;
	v7 =	vand.u32 $0xFFFFF000, v7;
	v3 =	vand.u32 $0x380, v3;
	v8 =	vshll.u32 v4, $0x9  }
0x55d: {  	v4 =	vshll.u32 v4, $0x7;
	v7 =	vadd.s32 s17, v7;
	v8 =	vand.u32 $0xFFFFF000, v8  }
0x55e: {  	v4 =	vand.u32 $0x380, v4;
	v3 =	vor.u32 v3, v7;
	v7 =	vadd.s32 s17, v8  }
0x55f: {  	v6 =	vand.u32 $0x7F, v6;
	v3 =	vor.u32 v5, v3;
	v7 =	vor.u32 v4, v7  }
.Ltmp27:
0x560: {  	v4 =	vor.u32 v6, v3;
	v3 =	vor.u32 v5, v7;
	(pc) =	sbr.rel @p0 .LBB2_56-.Ltmp27, $3  }
0x561: {  	v3 =	vor.u32 v6, v3;
	_ =	sdelay $0x1  }
0x562: {  	s18 =	sshll.u32 s16, $0x2;
	s15 =	sadd.s32 $0x80, s15;
	s14 =	sadd.s32 $0x10, s14  }
0x563: {  	s18 =	sand.u32 $0x3FFFFF80, s18;
	s16 =	sadd.s32 $0x1, s16;
	s17 =	sand.u32 $0xC00, s15  }
0x564: {  	_ =	sdelay $0x3  }
0x565: {  	s15 =	sand.u32 $0x70, s14;
	s16 =	sadd.s32 s17, s18;
	[tilespmem:v4+s10+$0x0] =	vst.idx.msk $0xffff, v0  }
0x566: {  	s15 =	sor.u32 s15, s16;
	[tilespmem:v3+s10+$0x0] =	vst.idx.msk $0xffff, v2  }
0x567: {  	v3 =	vld [tilespmem:s15+$0x5300]  }
0x568: {  	v4 =	vld [tilespmem:s15+$0x6100]  }
0x569: {  	s16 =	sand.u32 $0x1F0, s14  }
0x56a: {  	v5 =	vmov s16  }
0x56b: {  	v6 =	vor.u32 s16, v1;
	v5 =	vshll.u32 v5, $0x3  }
0x56c: {  	s13 =	sshll.u32 s13, $0x9;
	v5 =	vand.u32 $0xC00, v5;
	v7 =	vshll.u32 v3, $0x9;
	v3 =	vshll.u32 v3, $0x7  }
0x56d: {  	s13 =	sand.u32 $0xFFFFC000, s13;
	v8 =	vshll.u32 v4, $0x9;
	v4 =	vshll.u32 v4, $0x7;
	v7 =	vand.u32 $0xFFFFF000, v7  }
0x56e: {  	v3 =	vand.u32 $0x380, v3;
	v8 =	vand.u32 $0xFFFFF000, v8;
	v7 =	vadd.s32 s13, v7  }
0x56f: {  	v4 =	vand.u32 $0x380, v4;
	v3 =	vor.u32 v3, v7;
	v7 =	vadd.s32 s13, v8  }
0x570: {  	v6 =	vand.u32 $0x7F, v6;
	v3 =	vor.u32 v5, v3;
	v4 =	vor.u32 v4, v7  }
0x571: {  	v3 =	vor.u32 v6, v3;
	v4 =	vor.u32 v5, v4  }
0x572: {  	v4 =	vor.u32 v6, v4;
	_ =	sdelay $0x3  }
0x573: {  	[tilespmem:v3+s10+$0x0] =	vst.idx.msk $0xffff, v0  }
0x574: {  	s17 =	simm.s32 $0x0;
	s18 =	simm.s32 $0x0;
	[tilespmem:v4+s10+$0x0] =	vst.idx.msk $0xffff, v2  }
0x575: {  	[hbm4b:s31+s17] =	stream.linear.scatter [tilespmem:s10], [sflag:$0x1], $0x8000, $0x38;
	[tilespmem:$0x18000] =	vst v63  }
0x576: {  	s19 =	sand.u32 $0xC00, s17;
	s14 =	sand.u32 $0x3FFFFF80, s18;
	_ =	swait.ge [sflag:s11], $0x8000  }
0x577: {  	s20 =	sand.u32 $0x70, s17;
	s14 =	sadd.s32 s19, s14;
	[sflag:s11] =	ssyncset.done $0x0  }
0x578: {  	s14 =	sor.u32 s20, s14;
	[sflag:s11] =	ssyncadd.s32 $0xFFFF8000  }
0x579: {  	v3 =	vld [tilespmem:s14+$0x6000]  }
0x57a: {  	v4 =	vld [tilespmem:s14+$0x6200]  }
0x57b: {  	s13 =	sand.u32 $0x1F0, s17  }
0x57c: {  	v5 =	vmov s13  }
0x57d: {  	v6 =	vor.u32 s13, v1;
	v5 =	vshll.u32 v5, $0x3  }
0x57e: {  	s21 =	simm.s32 $0x0;
	v5 =	vand.u32 $0xC00, v5;
	v7 =	vshll.u32 v3, $0x9;
	v3 =	vshll.u32 v3, $0x7  }
0x57f: {  	s13 =	sand.u32 $0xFFFFC000, s21;
	v63 =	vshll.u32 v4, $0x9;
	v4 =	vshll.u32 v4, $0x7;
	v7 =	vand.u32 $0xFFFFF000, v7  }
0x580: {  	v3 =	vand.u32 $0x380, v3;
	v8 =	vand.u32 $0xFFFFF000, v63;
	v7 =	vadd.s32 s13, v7  }
0x581: {  	v4 =	vand.u32 $0x380, v4;
	v8 =	vadd.s32 s13, v8;
	v3 =	vor.u32 v3, v7  }
0x582: {  	v6 =	vand.u32 $0x7F, v6;
	v4 =	vor.u32 v4, v8;
	v3 =	vor.u32 v5, v3  }
0x583: {  	v5 =	vor.u32 v5, v4;
	v4 =	vor.u32 v6, v3  }
0x584: {  	v3 =	vor.u32 v6, v5  }
0x585: {  	s22 =	simm.s32 $0x4  }
0x586: {  	s18 =	sand.u32 $0x3FFFFF80, s22;
	s15 =	simm.s32 $0x80;
	s16 =	simm.s32 $0x2  }
0x587: {  	s17 =	sand.u32 $0xC00, s15;
	s14 =	simm.s32 $0x10;
	s13 =	simm.s32 $0x1  }
.LBB2_58:
0x588: {  	p0 =	sne.s32 s16, $0x3F;
	s19 =	sand.u32 $0x70, s14;
	s17 =	sadd.s32 s17, s18;
	[tilespmem:v4+s9+$0x0] =	vst.idx.msk $0xffff, v0  }
0x589: {  	s17 =	sor.u32 s19, s17;
	[tilespmem:v3+s9+$0x0] =	vst.idx.msk $0xffff, v2  }
0x58a: {  	v3 =	vld [tilespmem:s17+$0x6000]  }
0x58b: {  	v4 =	vld [tilespmem:s17+$0x6200]  }
0x58c: {  	s17 =	sand.u32 $0x1F0, s14  }
0x58d: {  	v5 =	vmov s17  }
0x58e: {  	v6 =	vor.u32 s17, v1;
	v5 =	vshll.u32 v5, $0x3  }
0x58f: {  	s17 =	sshll.u32 s13, $0x9;
	s13 =	smov.u32 s16;
	v5 =	vand.u32 $0xC00, v5;
	v7 =	vshll.u32 v3, $0x9;
	v3 =	vshll.u32 v3, $0x7  }
0x590: {  	s17 =	sand.u32 $0xFFFFC000, s17;
	v7 =	vand.u32 $0xFFFFF000, v7;
	v3 =	vand.u32 $0x380, v3;
	v8 =	vshll.u32 v4, $0x9  }
0x591: {  	v4 =	vshll.u32 v4, $0x7;
	v7 =	vadd.s32 s17, v7;
	v8 =	vand.u32 $0xFFFFF000, v8  }
0x592: {  	v4 =	vand.u32 $0x380, v4;
	v3 =	vor.u32 v3, v7;
	v7 =	vadd.s32 s17, v8  }
0x593: {  	v6 =	vand.u32 $0x7F, v6;
	v3 =	vor.u32 v5, v3;
	v7 =	vor.u32 v4, v7  }
.Ltmp28:
0x594: {  	v4 =	vor.u32 v6, v3;
	v3 =	vor.u32 v5, v7;
	(pc) =	sbr.rel @p0 .LBB2_58-.Ltmp28, $3  }
0x595: {  	v3 =	vor.u32 v6, v3;
	_ =	sdelay $0x1  }
0x596: {  	s18 =	sshll.u32 s16, $0x2;
	s15 =	sadd.s32 $0x80, s15;
	s14 =	sadd.s32 $0x10, s14  }
0x597: {  	s18 =	sand.u32 $0x3FFFFF80, s18;
	s16 =	sadd.s32 $0x1, s16;
	s17 =	sand.u32 $0xC00, s15  }
0x598: {  	_ =	sdelay $0x3  }
0x599: {  	s15 =	sand.u32 $0x70, s14;
	s16 =	sadd.s32 s17, s18;
	[tilespmem:v4+s9+$0x0] =	vst.idx.msk $0xffff, v0  }
0x59a: {  	s15 =	sor.u32 s15, s16;
	[tilespmem:v3+s9+$0x0] =	vst.idx.msk $0xffff, v2  }
0x59b: {  	v3 =	vld [tilespmem:s15+$0x6000]  }
0x59c: {  	v4 =	vld [tilespmem:s15+$0x6200]  }
0x59d: {  	s16 =	sand.u32 $0x1F0, s14  }
0x59e: {  	v5 =	vmov s16  }
0x59f: {  	v6 =	vor.u32 s16, v1;
	v5 =	vshll.u32 v5, $0x3  }
0x5a0: {  	s13 =	sshll.u32 s13, $0x9;
	v5 =	vand.u32 $0xC00, v5;
	v7 =	vshll.u32 v3, $0x9;
	v3 =	vshll.u32 v3, $0x7  }
0x5a1: {  	s13 =	sand.u32 $0xFFFFC000, s13;
	v8 =	vshll.u32 v4, $0x9;
	v4 =	vshll.u32 v4, $0x7;
	v7 =	vand.u32 $0xFFFFF000, v7  }
0x5a2: {  	v3 =	vand.u32 $0x380, v3;
	v8 =	vand.u32 $0xFFFFF000, v8;
	v7 =	vadd.s32 s13, v7  }
0x5a3: {  	v4 =	vand.u32 $0x380, v4;
	v3 =	vor.u32 v3, v7;
	v7 =	vadd.s32 s13, v8  }
0x5a4: {  	v6 =	vand.u32 $0x7F, v6;
	v3 =	vor.u32 v5, v3;
	v4 =	vor.u32 v4, v7  }
0x5a5: {  	v3 =	vor.u32 v6, v3;
	v4 =	vor.u32 v5, v4  }
0x5a6: {  	v4 =	vor.u32 v6, v4;
	_ =	sdelay $0x3  }
0x5a7: {  	[tilespmem:v3+s9+$0x0] =	vst.idx.msk $0xffff, v0  }
0x5a8: {  	s17 =	simm.s32 $0x0;
	s18 =	simm.s32 $0x0;
	[tilespmem:v4+s9+$0x0] =	vst.idx.msk $0xffff, v2  }
0x5a9: {  	[hbm4b:s0+s17] =	stream.linear.scatter [tilespmem:s9], [sflag:$0x1], $0x8000, $0x38;
	[tilespmem:$0x18000] =	vst v63  }
0x5aa: {  	s19 =	sand.u32 $0xC00, s17;
	s14 =	sand.u32 $0x3FFFFF80, s18;
	_ =	swait.ge [sflag:s11], $0x8000  }
0x5ab: {  	s20 =	sand.u32 $0x70, s17;
	s14 =	sadd.s32 s19, s14;
	[sflag:s11] =	ssyncset.done $0x0  }
0x5ac: {  	s14 =	sor.u32 s20, s14;
	[sflag:s11] =	ssyncadd.s32 $0xFFFF8000  }
0x5ad: {  	v3 =	vld [tilespmem:s14+$0x6100]  }
0x5ae: {  	v4 =	vld [tilespmem:s14+$0x6300]  }
0x5af: {  	s13 =	sand.u32 $0x1F0, s17  }
0x5b0: {  	v5 =	vmov s13  }
0x5b1: {  	v6 =	vor.u32 s13, v1;
	v5 =	vshll.u32 v5, $0x3  }
0x5b2: {  	s21 =	simm.s32 $0x0;
	v5 =	vand.u32 $0xC00, v5;
	v7 =	vshll.u32 v3, $0x9;
	v3 =	vshll.u32 v3, $0x7  }
0x5b3: {  	s13 =	sand.u32 $0xFFFFC000, s21;
	v63 =	vshll.u32 v4, $0x9;
	v4 =	vshll.u32 v4, $0x7;
	v7 =	vand.u32 $0xFFFFF000, v7  }
0x5b4: {  	v3 =	vand.u32 $0x380, v3;
	v8 =	vand.u32 $0xFFFFF000, v63;
	v7 =	vadd.s32 s13, v7  }
0x5b5: {  	v4 =	vand.u32 $0x380, v4;
	v8 =	vadd.s32 s13, v8;
	v3 =	vor.u32 v3, v7  }
0x5b6: {  	v6 =	vand.u32 $0x7F, v6;
	v4 =	vor.u32 v4, v8;
	v3 =	vor.u32 v5, v3  }
0x5b7: {  	v5 =	vor.u32 v5, v4;
	v4 =	vor.u32 v6, v3  }
0x5b8: {  	v3 =	vor.u32 v6, v5  }
0x5b9: {  	s22 =	simm.s32 $0x4  }
0x5ba: {  	s18 =	sand.u32 $0x3FFFFF80, s22;
	s15 =	simm.s32 $0x80;
	s16 =	simm.s32 $0x2  }
0x5bb: {  	s17 =	sand.u32 $0xC00, s15;
	s14 =	simm.s32 $0x10;
	s13 =	simm.s32 $0x1  }
.LBB2_60:
0x5bc: {  	p0 =	sne.s32 s16, $0x3F;
	s19 =	sand.u32 $0x70, s14;
	s17 =	sadd.s32 s17, s18;
	[tilespmem:v4+s10+$0x0] =	vst.idx.msk $0xffff, v0  }
0x5bd: {  	s17 =	sor.u32 s19, s17;
	[tilespmem:v3+s10+$0x0] =	vst.idx.msk $0xffff, v2  }
0x5be: {  	v3 =	vld [tilespmem:s17+$0x6100]  }
0x5bf: {  	v4 =	vld [tilespmem:s17+$0x6300]  }
0x5c0: {  	s17 =	sand.u32 $0x1F0, s14  }
0x5c1: {  	v5 =	vmov s17  }
0x5c2: {  	v6 =	vor.u32 s17, v1;
	v5 =	vshll.u32 v5, $0x3  }
0x5c3: {  	s17 =	sshll.u32 s13, $0x9;
	s13 =	smov.u32 s16;
	v5 =	vand.u32 $0xC00, v5;
	v7 =	vshll.u32 v3, $0x9;
	v3 =	vshll.u32 v3, $0x7  }
0x5c4: {  	s17 =	sand.u32 $0xFFFFC000, s17;
	v7 =	vand.u32 $0xFFFFF000, v7;
	v3 =	vand.u32 $0x380, v3;
	v8 =	vshll.u32 v4, $0x9  }
0x5c5: {  	v4 =	vshll.u32 v4, $0x7;
	v7 =	vadd.s32 s17, v7;
	v8 =	vand.u32 $0xFFFFF000, v8  }
0x5c6: {  	v4 =	vand.u32 $0x380, v4;
	v3 =	vor.u32 v3, v7;
	v7 =	vadd.s32 s17, v8  }
0x5c7: {  	v6 =	vand.u32 $0x7F, v6;
	v3 =	vor.u32 v5, v3;
	v7 =	vor.u32 v4, v7  }
.Ltmp29:
0x5c8: {  	v4 =	vor.u32 v6, v3;
	v3 =	vor.u32 v5, v7;
	(pc) =	sbr.rel @p0 .LBB2_60-.Ltmp29, $3  }
0x5c9: {  	v3 =	vor.u32 v6, v3;
	_ =	sdelay $0x1  }
0x5ca: {  	s18 =	sshll.u32 s16, $0x2;
	s15 =	sadd.s32 $0x80, s15;
	s14 =	sadd.s32 $0x10, s14  }
0x5cb: {  	s18 =	sand.u32 $0x3FFFFF80, s18;
	s16 =	sadd.s32 $0x1, s16;
	s17 =	sand.u32 $0xC00, s15  }
0x5cc: {  	_ =	sdelay $0x3  }
0x5cd: {  	s15 =	sand.u32 $0x70, s14;
	s16 =	sadd.s32 s17, s18;
	[tilespmem:v4+s10+$0x0] =	vst.idx.msk $0xffff, v0  }
0x5ce: {  	s15 =	sor.u32 s15, s16;
	[tilespmem:v3+s10+$0x0] =	vst.idx.msk $0xffff, v2  }
0x5cf: {  	v3 =	vld [tilespmem:s15+$0x6100]  }
0x5d0: {  	v4 =	vld [tilespmem:s15+$0x6300]  }
0x5d1: {  	s16 =	sand.u32 $0x1F0, s14  }
0x5d2: {  	v5 =	vmov s16  }
0x5d3: {  	v6 =	vor.u32 s16, v1;
	v5 =	vshll.u32 v5, $0x3  }
0x5d4: {  	s13 =	sshll.u32 s13, $0x9;
	v5 =	vand.u32 $0xC00, v5;
	v7 =	vshll.u32 v3, $0x9;
	v3 =	vshll.u32 v3, $0x7  }
0x5d5: {  	s13 =	sand.u32 $0xFFFFC000, s13;
	v8 =	vshll.u32 v4, $0x9;
	v4 =	vshll.u32 v4, $0x7;
	v7 =	vand.u32 $0xFFFFF000, v7  }
0x5d6: {  	v3 =	vand.u32 $0x380, v3;
	v8 =	vand.u32 $0xFFFFF000, v8;
	v7 =	vadd.s32 s13, v7  }
0x5d7: {  	v4 =	vand.u32 $0x380, v4;
	v3 =	vor.u32 v3, v7;
	v7 =	vadd.s32 s13, v8  }
0x5d8: {  	v6 =	vand.u32 $0x7F, v6;
	v3 =	vor.u32 v5, v3;
	v4 =	vor.u32 v4, v7  }
0x5d9: {  	v3 =	vor.u32 v6, v3;
	v4 =	vor.u32 v5, v4  }
0x5da: {  	v4 =	vor.u32 v6, v4;
	_ =	sdelay $0x3  }
0x5db: {  	[tilespmem:v3+s10+$0x0] =	vst.idx.msk $0xffff, v0  }
0x5dc: {  	s17 =	simm.s32 $0x0;
	s18 =	simm.s32 $0x0;
	[tilespmem:v4+s10+$0x0] =	vst.idx.msk $0xffff, v2  }
0x5dd: {  	[hbm4b:s1+s17] =	stream.linear.scatter [tilespmem:s10], [sflag:$0x1], $0x8000, $0x38;
	[tilespmem:$0x18000] =	vst v63  }
0x5de: {  	s19 =	sand.u32 $0xC00, s17;
	s14 =	sand.u32 $0x3FFFFF80, s18;
	_ =	swait.ge [sflag:s11], $0x8000  }
0x5df: {  	s20 =	sand.u32 $0x70, s17;
	s14 =	sadd.s32 s19, s14;
	[sflag:s11] =	ssyncset.done $0x0  }
0x5e0: {  	s14 =	sor.u32 s20, s14;
	[sflag:s11] =	ssyncadd.s32 $0xFFFF8000  }
0x5e1: {  	v3 =	vld [tilespmem:s14+$0x6200]  }
0x5e2: {  	v4 =	vld [tilespmem:s14+$0x7000]  }
0x5e3: {  	s13 =	sand.u32 $0x1F0, s17  }
0x5e4: {  	v5 =	vmov s13  }
0x5e5: {  	v6 =	vor.u32 s13, v1;
	v5 =	vshll.u32 v5, $0x3  }
0x5e6: {  	s21 =	simm.s32 $0x0;
	v5 =	vand.u32 $0xC00, v5;
	v7 =	vshll.u32 v3, $0x9;
	v3 =	vshll.u32 v3, $0x7  }
0x5e7: {  	s13 =	sand.u32 $0xFFFFC000, s21;
	v63 =	vshll.u32 v4, $0x9;
	v4 =	vshll.u32 v4, $0x7;
	v7 =	vand.u32 $0xFFFFF000, v7  }
0x5e8: {  	v3 =	vand.u32 $0x380, v3;
	v8 =	vand.u32 $0xFFFFF000, v63;
	v7 =	vadd.s32 s13, v7  }
0x5e9: {  	v4 =	vand.u32 $0x380, v4;
	v8 =	vadd.s32 s13, v8;
	v3 =	vor.u32 v3, v7  }
0x5ea: {  	v6 =	vand.u32 $0x7F, v6;
	v4 =	vor.u32 v4, v8;
	v3 =	vor.u32 v5, v3  }
0x5eb: {  	v5 =	vor.u32 v5, v4;
	v4 =	vor.u32 v6, v3  }
0x5ec: {  	v3 =	vor.u32 v6, v5  }
0x5ed: {  	s22 =	simm.s32 $0x4  }
0x5ee: {  	s18 =	sand.u32 $0x3FFFFF80, s22;
	s15 =	simm.s32 $0x80;
	s16 =	simm.s32 $0x2  }
0x5ef: {  	s17 =	sand.u32 $0xC00, s15;
	s14 =	simm.s32 $0x10;
	s13 =	simm.s32 $0x1  }
.LBB2_62:
0x5f0: {  	p0 =	sne.s32 s16, $0x3F;
	s19 =	sand.u32 $0x70, s14;
	s17 =	sadd.s32 s17, s18;
	[tilespmem:v4+s9+$0x0] =	vst.idx.msk $0xffff, v0  }
0x5f1: {  	s17 =	sor.u32 s19, s17;
	[tilespmem:v3+s9+$0x0] =	vst.idx.msk $0xffff, v2  }
0x5f2: {  	v3 =	vld [tilespmem:s17+$0x6200]  }
0x5f3: {  	v4 =	vld [tilespmem:s17+$0x7000]  }
0x5f4: {  	s17 =	sand.u32 $0x1F0, s14  }
0x5f5: {  	v5 =	vmov s17  }
0x5f6: {  	v6 =	vor.u32 s17, v1;
	v5 =	vshll.u32 v5, $0x3  }
0x5f7: {  	s17 =	sshll.u32 s13, $0x9;
	s13 =	smov.u32 s16;
	v5 =	vand.u32 $0xC00, v5;
	v7 =	vshll.u32 v3, $0x9;
	v3 =	vshll.u32 v3, $0x7  }
0x5f8: {  	s17 =	sand.u32 $0xFFFFC000, s17;
	v7 =	vand.u32 $0xFFFFF000, v7;
	v3 =	vand.u32 $0x380, v3;
	v8 =	vshll.u32 v4, $0x9  }
0x5f9: {  	v4 =	vshll.u32 v4, $0x7;
	v7 =	vadd.s32 s17, v7;
	v8 =	vand.u32 $0xFFFFF000, v8  }
0x5fa: {  	v4 =	vand.u32 $0x380, v4;
	v3 =	vor.u32 v3, v7;
	v7 =	vadd.s32 s17, v8  }
0x5fb: {  	v6 =	vand.u32 $0x7F, v6;
	v3 =	vor.u32 v5, v3;
	v7 =	vor.u32 v4, v7  }
.Ltmp30:
0x5fc: {  	v4 =	vor.u32 v6, v3;
	v3 =	vor.u32 v5, v7;
	(pc) =	sbr.rel @p0 .LBB2_62-.Ltmp30, $3  }
0x5fd: {  	v3 =	vor.u32 v6, v3;
	_ =	sdelay $0x1  }
0x5fe: {  	s18 =	sshll.u32 s16, $0x2;
	s15 =	sadd.s32 $0x80, s15;
	s14 =	sadd.s32 $0x10, s14  }
0x5ff: {  	s18 =	sand.u32 $0x3FFFFF80, s18;
	s16 =	sadd.s32 $0x1, s16;
	s17 =	sand.u32 $0xC00, s15  }
0x600: {  	_ =	sdelay $0x3  }
0x601: {  	s15 =	sand.u32 $0x70, s14;
	s16 =	sadd.s32 s17, s18;
	[tilespmem:v4+s9+$0x0] =	vst.idx.msk $0xffff, v0  }
0x602: {  	s15 =	sor.u32 s15, s16;
	[tilespmem:v3+s9+$0x0] =	vst.idx.msk $0xffff, v2  }
0x603: {  	v3 =	vld [tilespmem:s15+$0x6200]  }
0x604: {  	v4 =	vld [tilespmem:s15+$0x7000]  }
0x605: {  	s16 =	sand.u32 $0x1F0, s14  }
0x606: {  	v5 =	vmov s16  }
0x607: {  	v6 =	vor.u32 s16, v1;
	v5 =	vshll.u32 v5, $0x3  }
0x608: {  	s13 =	sshll.u32 s13, $0x9;
	v5 =	vand.u32 $0xC00, v5;
	v7 =	vshll.u32 v3, $0x9;
	v3 =	vshll.u32 v3, $0x7  }
0x609: {  	s13 =	sand.u32 $0xFFFFC000, s13;
	v8 =	vshll.u32 v4, $0x9;
	v4 =	vshll.u32 v4, $0x7;
	v7 =	vand.u32 $0xFFFFF000, v7  }
0x60a: {  	v3 =	vand.u32 $0x380, v3;
	v8 =	vand.u32 $0xFFFFF000, v8;
	v7 =	vadd.s32 s13, v7  }
0x60b: {  	v4 =	vand.u32 $0x380, v4;
	v3 =	vor.u32 v3, v7;
	v7 =	vadd.s32 s13, v8  }
0x60c: {  	v6 =	vand.u32 $0x7F, v6;
	v3 =	vor.u32 v5, v3;
	v4 =	vor.u32 v4, v7  }
0x60d: {  	v3 =	vor.u32 v6, v3;
	v4 =	vor.u32 v5, v4  }
0x60e: {  	v4 =	vor.u32 v6, v4;
	_ =	sdelay $0x3  }
0x60f: {  	[tilespmem:v3+s9+$0x0] =	vst.idx.msk $0xffff, v0  }
0x610: {  	s17 =	simm.s32 $0x0;
	s18 =	simm.s32 $0x0;
	[tilespmem:v4+s9+$0x0] =	vst.idx.msk $0xffff, v2  }
0x611: {  	[hbm4b:s4+s17] =	stream.linear.scatter [tilespmem:s9], [sflag:$0x1], $0x8000, $0x38;
	[tilespmem:$0x18000] =	vst v63  }
0x612: {  	s19 =	sand.u32 $0xC00, s17;
	s14 =	sand.u32 $0x3FFFFF80, s18;
	_ =	swait.ge [sflag:s11], $0x8000  }
0x613: {  	s20 =	sand.u32 $0x70, s17;
	s14 =	sadd.s32 s19, s14;
	[sflag:s11] =	ssyncset.done $0x0  }
0x614: {  	s14 =	sor.u32 s20, s14;
	[sflag:s11] =	ssyncadd.s32 $0xFFFF8000  }
0x615: {  	v3 =	vld [tilespmem:s14+$0x6300]  }
0x616: {  	v4 =	vld [tilespmem:s14+$0x7100]  }
0x617: {  	s13 =	sand.u32 $0x1F0, s17  }
0x618: {  	v5 =	vmov s13  }
0x619: {  	v6 =	vor.u32 s13, v1;
	v5 =	vshll.u32 v5, $0x3  }
0x61a: {  	s21 =	simm.s32 $0x0;
	v5 =	vand.u32 $0xC00, v5;
	v7 =	vshll.u32 v3, $0x9;
	v3 =	vshll.u32 v3, $0x7  }
0x61b: {  	s13 =	sand.u32 $0xFFFFC000, s21;
	v63 =	vshll.u32 v4, $0x9;
	v4 =	vshll.u32 v4, $0x7;
	v7 =	vand.u32 $0xFFFFF000, v7  }
0x61c: {  	v3 =	vand.u32 $0x380, v3;
	v8 =	vand.u32 $0xFFFFF000, v63;
	v7 =	vadd.s32 s13, v7  }
0x61d: {  	v4 =	vand.u32 $0x380, v4;
	v8 =	vadd.s32 s13, v8;
	v3 =	vor.u32 v3, v7  }
0x61e: {  	v6 =	vand.u32 $0x7F, v6;
	v4 =	vor.u32 v4, v8;
	v3 =	vor.u32 v5, v3  }
0x61f: {  	v5 =	vor.u32 v5, v4;
	v4 =	vor.u32 v6, v3  }
0x620: {  	v3 =	vor.u32 v6, v5  }
0x621: {  	s22 =	simm.s32 $0x4  }
0x622: {  	s18 =	sand.u32 $0x3FFFFF80, s22;
	s15 =	simm.s32 $0x80;
	s16 =	simm.s32 $0x2  }
0x623: {  	s17 =	sand.u32 $0xC00, s15;
	s14 =	simm.s32 $0x10;
	s13 =	simm.s32 $0x1  }
.LBB2_64:
0x624: {  	p0 =	sne.s32 s16, $0x3F;
	s19 =	sand.u32 $0x70, s14;
	s17 =	sadd.s32 s17, s18;
	[tilespmem:v4+s10+$0x0] =	vst.idx.msk $0xffff, v0  }
0x625: {  	s17 =	sor.u32 s19, s17;
	[tilespmem:v3+s10+$0x0] =	vst.idx.msk $0xffff, v2  }
0x626: {  	v3 =	vld [tilespmem:s17+$0x6300]  }
0x627: {  	v4 =	vld [tilespmem:s17+$0x7100]  }
0x628: {  	s17 =	sand.u32 $0x1F0, s14  }
0x629: {  	v5 =	vmov s17  }
0x62a: {  	v6 =	vor.u32 s17, v1;
	v5 =	vshll.u32 v5, $0x3  }
0x62b: {  	s17 =	sshll.u32 s13, $0x9;
	s13 =	smov.u32 s16;
	v5 =	vand.u32 $0xC00, v5;
	v7 =	vshll.u32 v3, $0x9;
	v3 =	vshll.u32 v3, $0x7  }
0x62c: {  	s17 =	sand.u32 $0xFFFFC000, s17;
	v7 =	vand.u32 $0xFFFFF000, v7;
	v3 =	vand.u32 $0x380, v3;
	v8 =	vshll.u32 v4, $0x9  }
0x62d: {  	v4 =	vshll.u32 v4, $0x7;
	v7 =	vadd.s32 s17, v7;
	v8 =	vand.u32 $0xFFFFF000, v8  }
0x62e: {  	v4 =	vand.u32 $0x380, v4;
	v3 =	vor.u32 v3, v7;
	v7 =	vadd.s32 s17, v8  }
0x62f: {  	v6 =	vand.u32 $0x7F, v6;
	v3 =	vor.u32 v5, v3;
	v7 =	vor.u32 v4, v7  }
.Ltmp31:
0x630: {  	v4 =	vor.u32 v6, v3;
	v3 =	vor.u32 v5, v7;
	(pc) =	sbr.rel @p0 .LBB2_64-.Ltmp31, $3  }
0x631: {  	v3 =	vor.u32 v6, v3;
	_ =	sdelay $0x1  }
0x632: {  	s18 =	sshll.u32 s16, $0x2;
	s15 =	sadd.s32 $0x80, s15;
	s14 =	sadd.s32 $0x10, s14  }
0x633: {  	s18 =	sand.u32 $0x3FFFFF80, s18;
	s16 =	sadd.s32 $0x1, s16;
	s17 =	sand.u32 $0xC00, s15  }
0x634: {  	_ =	sdelay $0x3  }
0x635: {  	s15 =	sand.u32 $0x70, s14;
	s16 =	sadd.s32 s17, s18;
	[tilespmem:v4+s10+$0x0] =	vst.idx.msk $0xffff, v0  }
0x636: {  	s15 =	sor.u32 s15, s16;
	[tilespmem:v3+s10+$0x0] =	vst.idx.msk $0xffff, v2  }
0x637: {  	v3 =	vld [tilespmem:s15+$0x6300]  }
0x638: {  	v4 =	vld [tilespmem:s15+$0x7100]  }
0x639: {  	s16 =	sand.u32 $0x1F0, s14  }
0x63a: {  	v5 =	vmov s16  }
0x63b: {  	v6 =	vor.u32 s16, v1;
	v5 =	vshll.u32 v5, $0x3  }
0x63c: {  	s13 =	sshll.u32 s13, $0x9;
	v5 =	vand.u32 $0xC00, v5;
	v7 =	vshll.u32 v3, $0x9;
	v3 =	vshll.u32 v3, $0x7  }
0x63d: {  	s13 =	sand.u32 $0xFFFFC000, s13;
	v8 =	vshll.u32 v4, $0x9;
	v4 =	vshll.u32 v4, $0x7;
	v7 =	vand.u32 $0xFFFFF000, v7  }
0x63e: {  	v3 =	vand.u32 $0x380, v3;
	v8 =	vand.u32 $0xFFFFF000, v8;
	v7 =	vadd.s32 s13, v7  }
0x63f: {  	v4 =	vand.u32 $0x380, v4;
	v3 =	vor.u32 v3, v7;
	v7 =	vadd.s32 s13, v8  }
0x640: {  	v6 =	vand.u32 $0x7F, v6;
	v3 =	vor.u32 v5, v3;
	v4 =	vor.u32 v4, v7  }
0x641: {  	v3 =	vor.u32 v6, v3;
	v4 =	vor.u32 v5, v4  }
0x642: {  	v4 =	vor.u32 v6, v4;
	_ =	sdelay $0x3  }
0x643: {  	[tilespmem:v3+s10+$0x0] =	vst.idx.msk $0xffff, v0  }
0x644: {  	s17 =	simm.s32 $0x0;
	s18 =	simm.s32 $0x0;
	[tilespmem:v4+s10+$0x0] =	vst.idx.msk $0xffff, v2  }
0x645: {  	[hbm4b:s5+s17] =	stream.linear.scatter [tilespmem:s10], [sflag:$0x1], $0x8000, $0x38;
	[tilespmem:$0x18000] =	vst v63  }
0x646: {  	s19 =	sand.u32 $0xC00, s17;
	s14 =	sand.u32 $0x3FFFFF80, s18;
	_ =	swait.ge [sflag:s11], $0x8000  }
0x647: {  	s20 =	sand.u32 $0x70, s17;
	s14 =	sadd.s32 s19, s14;
	[sflag:s11] =	ssyncset.done $0x0  }
0x648: {  	s14 =	sor.u32 s20, s14;
	[sflag:s11] =	ssyncadd.s32 $0xFFFF8000  }
0x649: {  	v3 =	vld [tilespmem:s14+$0x7000]  }
0x64a: {  	v4 =	vld [tilespmem:s14+$0x7200]  }
0x64b: {  	s13 =	sand.u32 $0x1F0, s17  }
0x64c: {  	v5 =	vmov s13  }
0x64d: {  	v6 =	vor.u32 s13, v1;
	v5 =	vshll.u32 v5, $0x3  }
0x64e: {  	s21 =	simm.s32 $0x0;
	v5 =	vand.u32 $0xC00, v5;
	v7 =	vshll.u32 v3, $0x9;
	v3 =	vshll.u32 v3, $0x7  }
0x64f: {  	s13 =	sand.u32 $0xFFFFC000, s21;
	v63 =	vshll.u32 v4, $0x9;
	v4 =	vshll.u32 v4, $0x7;
	v7 =	vand.u32 $0xFFFFF000, v7  }
0x650: {  	v3 =	vand.u32 $0x380, v3;
	v8 =	vand.u32 $0xFFFFF000, v63;
	v7 =	vadd.s32 s13, v7  }
0x651: {  	v4 =	vand.u32 $0x380, v4;
	v8 =	vadd.s32 s13, v8;
	v3 =	vor.u32 v3, v7  }
0x652: {  	v6 =	vand.u32 $0x7F, v6;
	v4 =	vor.u32 v4, v8;
	v3 =	vor.u32 v5, v3  }
0x653: {  	v5 =	vor.u32 v5, v4;
	v4 =	vor.u32 v6, v3  }
0x654: {  	v3 =	vor.u32 v6, v5  }
0x655: {  	s22 =	simm.s32 $0x4  }
0x656: {  	s18 =	sand.u32 $0x3FFFFF80, s22;
	s15 =	simm.s32 $0x80;
	s16 =	simm.s32 $0x2  }
0x657: {  	s17 =	sand.u32 $0xC00, s15;
	s14 =	simm.s32 $0x10;
	s13 =	simm.s32 $0x1  }
.LBB2_66:
0x658: {  	p0 =	sne.s32 s16, $0x3F;
	s19 =	sand.u32 $0x70, s14;
	s17 =	sadd.s32 s17, s18;
	[tilespmem:v4+s9+$0x0] =	vst.idx.msk $0xffff, v0  }
0x659: {  	s17 =	sor.u32 s19, s17;
	[tilespmem:v3+s9+$0x0] =	vst.idx.msk $0xffff, v2  }
0x65a: {  	v3 =	vld [tilespmem:s17+$0x7000]  }
0x65b: {  	v4 =	vld [tilespmem:s17+$0x7200]  }
0x65c: {  	s17 =	sand.u32 $0x1F0, s14  }
0x65d: {  	v5 =	vmov s17  }
0x65e: {  	v6 =	vor.u32 s17, v1;
	v5 =	vshll.u32 v5, $0x3  }
0x65f: {  	s17 =	sshll.u32 s13, $0x9;
	s13 =	smov.u32 s16;
	v5 =	vand.u32 $0xC00, v5;
	v7 =	vshll.u32 v3, $0x9;
	v3 =	vshll.u32 v3, $0x7  }
0x660: {  	s17 =	sand.u32 $0xFFFFC000, s17;
	v7 =	vand.u32 $0xFFFFF000, v7;
	v3 =	vand.u32 $0x380, v3;
	v8 =	vshll.u32 v4, $0x9  }
0x661: {  	v4 =	vshll.u32 v4, $0x7;
	v7 =	vadd.s32 s17, v7;
	v8 =	vand.u32 $0xFFFFF000, v8  }
0x662: {  	v4 =	vand.u32 $0x380, v4;
	v3 =	vor.u32 v3, v7;
	v7 =	vadd.s32 s17, v8  }
0x663: {  	v6 =	vand.u32 $0x7F, v6;
	v3 =	vor.u32 v5, v3;
	v7 =	vor.u32 v4, v7  }
.Ltmp32:
0x664: {  	v4 =	vor.u32 v6, v3;
	v3 =	vor.u32 v5, v7;
	(pc) =	sbr.rel @p0 .LBB2_66-.Ltmp32, $3  }
0x665: {  	v3 =	vor.u32 v6, v3;
	_ =	sdelay $0x1  }
0x666: {  	s18 =	sshll.u32 s16, $0x2;
	s15 =	sadd.s32 $0x80, s15;
	s14 =	sadd.s32 $0x10, s14  }
0x667: {  	s18 =	sand.u32 $0x3FFFFF80, s18;
	s16 =	sadd.s32 $0x1, s16;
	s17 =	sand.u32 $0xC00, s15  }
0x668: {  	_ =	sdelay $0x3  }
0x669: {  	s15 =	sand.u32 $0x70, s14;
	s16 =	sadd.s32 s17, s18;
	[tilespmem:v4+s9+$0x0] =	vst.idx.msk $0xffff, v0  }
0x66a: {  	s15 =	sor.u32 s15, s16;
	[tilespmem:v3+s9+$0x0] =	vst.idx.msk $0xffff, v2  }
0x66b: {  	v3 =	vld [tilespmem:s15+$0x7000]  }
0x66c: {  	v4 =	vld [tilespmem:s15+$0x7200]  }
0x66d: {  	s16 =	sand.u32 $0x1F0, s14  }
0x66e: {  	v5 =	vmov s16  }
0x66f: {  	v6 =	vor.u32 s16, v1;
	v5 =	vshll.u32 v5, $0x3  }
0x670: {  	s13 =	sshll.u32 s13, $0x9;
	v5 =	vand.u32 $0xC00, v5;
	v7 =	vshll.u32 v3, $0x9;
	v3 =	vshll.u32 v3, $0x7  }
0x671: {  	s13 =	sand.u32 $0xFFFFC000, s13;
	v8 =	vshll.u32 v4, $0x9;
	v4 =	vshll.u32 v4, $0x7;
	v7 =	vand.u32 $0xFFFFF000, v7  }
0x672: {  	v3 =	vand.u32 $0x380, v3;
	v8 =	vand.u32 $0xFFFFF000, v8;
	v7 =	vadd.s32 s13, v7  }
0x673: {  	v4 =	vand.u32 $0x380, v4;
	v3 =	vor.u32 v3, v7;
	v7 =	vadd.s32 s13, v8  }
0x674: {  	v6 =	vand.u32 $0x7F, v6;
	v3 =	vor.u32 v5, v3;
	v4 =	vor.u32 v4, v7  }
0x675: {  	v3 =	vor.u32 v6, v3;
	v4 =	vor.u32 v5, v4  }
0x676: {  	v4 =	vor.u32 v6, v4;
	_ =	sdelay $0x3  }
0x677: {  	[tilespmem:v3+s9+$0x0] =	vst.idx.msk $0xffff, v0  }
0x678: {  	s17 =	simm.s32 $0x0;
	s18 =	simm.s32 $0x0;
	[tilespmem:v4+s9+$0x0] =	vst.idx.msk $0xffff, v2  }
0x679: {  	[hbm4b:s6+s17] =	stream.linear.scatter [tilespmem:s9], [sflag:$0x1], $0x8000, $0x38;
	[tilespmem:$0x18000] =	vst v63  }
0x67a: {  	s19 =	sand.u32 $0xC00, s17;
	s14 =	sand.u32 $0x3FFFFF80, s18;
	_ =	swait.ge [sflag:s11], $0x8000  }
0x67b: {  	s20 =	sand.u32 $0x70, s17;
	s14 =	sadd.s32 s19, s14;
	[sflag:s11] =	ssyncset.done $0x0  }
0x67c: {  	s14 =	sor.u32 s20, s14;
	[sflag:s11] =	ssyncadd.s32 $0xFFFF8000  }
0x67d: {  	v3 =	vld [tilespmem:s14+$0x7100]  }
0x67e: {  	v4 =	vld [tilespmem:s14+$0x7300]  }
0x67f: {  	s13 =	sand.u32 $0x1F0, s17  }
0x680: {  	v5 =	vmov s13  }
0x681: {  	v6 =	vor.u32 s13, v1;
	v5 =	vshll.u32 v5, $0x3  }
0x682: {  	s21 =	simm.s32 $0x0;
	v5 =	vand.u32 $0xC00, v5;
	v7 =	vshll.u32 v3, $0x9;
	v3 =	vshll.u32 v3, $0x7  }
0x683: {  	s13 =	sand.u32 $0xFFFFC000, s21;
	v63 =	vshll.u32 v4, $0x9;
	v4 =	vshll.u32 v4, $0x7;
	v7 =	vand.u32 $0xFFFFF000, v7  }
0x684: {  	v3 =	vand.u32 $0x380, v3;
	v8 =	vand.u32 $0xFFFFF000, v63;
	v7 =	vadd.s32 s13, v7  }
0x685: {  	v4 =	vand.u32 $0x380, v4;
	v8 =	vadd.s32 s13, v8;
	v3 =	vor.u32 v3, v7  }
0x686: {  	v6 =	vand.u32 $0x7F, v6;
	v4 =	vor.u32 v4, v8;
	v3 =	vor.u32 v5, v3  }
0x687: {  	v5 =	vor.u32 v5, v4;
	v4 =	vor.u32 v6, v3  }
0x688: {  	v3 =	vor.u32 v6, v5  }
0x689: {  	s22 =	simm.s32 $0x4  }
0x68a: {  	s18 =	sand.u32 $0x3FFFFF80, s22;
	s15 =	simm.s32 $0x80;
	s16 =	simm.s32 $0x2  }
0x68b: {  	s17 =	sand.u32 $0xC00, s15;
	s14 =	simm.s32 $0x10;
	s13 =	simm.s32 $0x1  }
.LBB2_68:
0x68c: {  	p0 =	sne.s32 s16, $0x3F;
	s19 =	sand.u32 $0x70, s14;
	s17 =	sadd.s32 s17, s18;
	[tilespmem:v4+s10+$0x0] =	vst.idx.msk $0xffff, v0  }
0x68d: {  	s17 =	sor.u32 s19, s17;
	[tilespmem:v3+s10+$0x0] =	vst.idx.msk $0xffff, v2  }
0x68e: {  	v3 =	vld [tilespmem:s17+$0x7100]  }
0x68f: {  	v4 =	vld [tilespmem:s17+$0x7300]  }
0x690: {  	s17 =	sand.u32 $0x1F0, s14  }
0x691: {  	v5 =	vmov s17  }
0x692: {  	v6 =	vor.u32 s17, v1;
	v5 =	vshll.u32 v5, $0x3  }
0x693: {  	s17 =	sshll.u32 s13, $0x9;
	s13 =	smov.u32 s16;
	v5 =	vand.u32 $0xC00, v5;
	v7 =	vshll.u32 v3, $0x9;
	v3 =	vshll.u32 v3, $0x7  }
0x694: {  	s17 =	sand.u32 $0xFFFFC000, s17;
	v7 =	vand.u32 $0xFFFFF000, v7;
	v3 =	vand.u32 $0x380, v3;
	v8 =	vshll.u32 v4, $0x9  }
0x695: {  	v4 =	vshll.u32 v4, $0x7;
	v7 =	vadd.s32 s17, v7;
	v8 =	vand.u32 $0xFFFFF000, v8  }
0x696: {  	v4 =	vand.u32 $0x380, v4;
	v3 =	vor.u32 v3, v7;
	v7 =	vadd.s32 s17, v8  }
0x697: {  	v6 =	vand.u32 $0x7F, v6;
	v3 =	vor.u32 v5, v3;
	v7 =	vor.u32 v4, v7  }
.Ltmp33:
0x698: {  	v4 =	vor.u32 v6, v3;
	v3 =	vor.u32 v5, v7;
	(pc) =	sbr.rel @p0 .LBB2_68-.Ltmp33, $3  }
0x699: {  	v3 =	vor.u32 v6, v3;
	_ =	sdelay $0x1  }
0x69a: {  	s18 =	sshll.u32 s16, $0x2;
	s15 =	sadd.s32 $0x80, s15;
	s14 =	sadd.s32 $0x10, s14  }
0x69b: {  	s18 =	sand.u32 $0x3FFFFF80, s18;
	s16 =	sadd.s32 $0x1, s16;
	s17 =	sand.u32 $0xC00, s15  }
0x69c: {  	_ =	sdelay $0x3  }
0x69d: {  	s15 =	sand.u32 $0x70, s14;
	s16 =	sadd.s32 s17, s18;
	[tilespmem:v4+s10+$0x0] =	vst.idx.msk $0xffff, v0  }
0x69e: {  	s15 =	sor.u32 s15, s16;
	[tilespmem:v3+s10+$0x0] =	vst.idx.msk $0xffff, v2  }
0x69f: {  	v3 =	vld [tilespmem:s15+$0x7100]  }
0x6a0: {  	v4 =	vld [tilespmem:s15+$0x7300]  }
0x6a1: {  	s22 =	sand.u32 $0x1F0, s14  }
0x6a2: {  	v5 =	vmov s22  }
0x6a3: {  	v6 =	vor.u32 s22, v1;
	v5 =	vshll.u32 v5, $0x3  }
0x6a4: {  	s13 =	sshll.u32 s13, $0x9;
	v5 =	vand.u32 $0xC00, v5;
	v7 =	vshll.u32 v3, $0x9;
	v3 =	vshll.u32 v3, $0x7  }
0x6a5: {  	s13 =	sand.u32 $0xFFFFC000, s13;
	v8 =	vshll.u32 v4, $0x9;
	v4 =	vshll.u32 v4, $0x7;
	v7 =	vand.u32 $0xFFFFF000, v7  }
0x6a6: {  	v3 =	vand.u32 $0x380, v3;
	v8 =	vand.u32 $0xFFFFF000, v8;
	v7 =	vadd.s32 s13, v7  }
0x6a7: {  	v4 =	vand.u32 $0x380, v4;
	v63 =	vadd.s32 s13, v8;
	v3 =	vor.u32 v3, v7  }
0x6a8: {  	v6 =	vand.u32 $0x7F, v6;
	v4 =	vor.u32 v4, v63;
	v3 =	vor.u32 v5, v3  }
0x6a9: {  	v4 =	vor.u32 v5, v4;
	v3 =	vor.u32 v6, v3  }
0x6aa: {  	v4 =	vor.u32 v6, v4;
	_ =	sdelay $0x3  }
0x6ab: {  	[tilespmem:v3+s10+$0x0] =	vst.idx.msk $0xffff, v0  }
0x6ac: {  	s12 =	sadd.s32 $0x1, s12;
	[tilespmem:v4+s10+$0x0] =	vst.idx.msk $0xffff, v2  }
0x6ad: {  	[hbm4b:s7+s2] =	stream.linear.scatter [tilespmem:s10], [sflag:$0x1], $0x8000, $0x38;
	[tilespmem:$0x18000] =	vst v63  }
0x6ae: {  	p0 =	sne.s32 s12, s25;
	_ =	swait.ge [sflag:s11], $0x8000  }
.Ltmp34:
0x6af: {  	[sflag:s11] =	ssyncset.done $0x0;
	(pc) =	sbr.rel @p0 .LBB2_1-.Ltmp34, $4  }
0x6b0: {  	[sflag:s11] =	ssyncadd.s32 $0xFFFF8000  }
0x6b1: {  	_ =	swait.ge [sflag:s11], $0x8000  }
0x6b2: {  	[sflag:s11] =	ssyncset.done $0x0  }
0x6b3: {  	[sflag:s11] =	ssyncadd.s32 $0xFFFF8000  }
0x6b4: {  	_ =	sfence.sel $0x180000  }
0x6b5: {  	[bflag:$0x0] =	sbarrier.arrive $0xFFFF  }
0x6b6: {  	_ =	strace $0x90000047  }
0x6b7: {  	s0 =	stileid.u32;
	[bflag:$0x2] =	sbarrier.arrive $0xFFFF  }
0x6b8: {  	p0 =	sne.s32 s0, $0x0;
	s0 =	rddreg [dreg:$0x2]  }
0x6b9: {  	s0 =	sadd.s32 @!p0 $0x100000, s0  }
0x6ba: {  	[sflag:s0] =	ssyncadd.tile.s32 @!p0 $0x1;
	_ =	shalt  }
.Lfunc_end2:
_tile_overlayer_lowered:
.L_overlay_start_2:
0x6bb: {  	(tag) =	ssettag $0x2  }
0x6bc: {  	s0 =	rddreg [dreg:$0x0];
	s2 =	stileid.u32  }
0x6bd: {  	s1 =	rddreg [dreg:$0x1];
	p0 =	sne.s32 s2, $0x0  }
0x6be: {  	s3 =	rddreg [dreg:$0x2];
	[bflag:$0x3] =	sbarrier.arrive $0xFFFF;
	s2 =	simm.s32 @!p0 $0x1C03  }
0x6bf: {  	[timem:s3], [sflag:s2] =	dma.local @!p0 [hbm:s0], s1  }
0x6c0: {  	s0 =	simm.s32 @!p0 $0x3  }
0x6c1: {  	_ =	swait.ge @!p0 [sflag:s0], s1  }
0x6c2: {  	s1 =	ssub.s32 @!p0 $0x0, s1;
	[sflag:s0] =	ssyncset.done @!p0 $0x0  }
0x6c3: {  	[sflag:s0] =	ssyncadd.s32 @!p0 s1  }
0x6c4: {  	[bflag:$0x3] =	sbarrier.arrive $0xFFFF  }
0x6c5: {  	_ =	shalt  }

</sc_bundles>
